<compile_context>
chip_gen: v7x
topology: tpu7x:2x2x1
jax: 0.10.2.dev20260603
libtpu: 0.0.44.dev20260713+nightly
codegen_flags: <defaults>
</compile_context>

<pallas_src>
import functools

import jax
import jax.numpy as jnp
from jax import lax
from jax.experimental import pallas as pl
from jax.experimental.pallas import tpu as pltpu
from jax.experimental.pallas import tpu_sc as plsc

_E = 8
_NG = 4
_TK = 2
_RSF = 2.5
_BM = 256
_BT = 512

_NEG_INF = float("-inf")



def _router_body(lg_ref, b_ref, comb_ref):
    logits = lg_ref[...]
    s = jax.nn.sigmoid(logits)
    sc = s + b_ref[...]

    bt = logits.shape[0]
    gs = jnp.concatenate(
        [sc[:, 2 * g:2 * g + 1] + sc[:, 2 * g + 1:2 * g + 2]
         for g in range(_NG)], axis=1)

    i4 = lax.broadcasted_iota(jnp.int32, (bt, _NG), 1)
    m1 = jnp.max(gs, axis=1, keepdims=True)
    g1 = jnp.min(jnp.where(gs == m1, i4, _NG), axis=1, keepdims=True)
    gs2 = jnp.where(i4 == g1, _NEG_INF, gs)
    m2 = jnp.max(gs2, axis=1, keepdims=True)
    g2 = jnp.min(jnp.where(gs2 == m2, i4, _NG), axis=1, keepdims=True)
    gmask = ((i4 == g1) | (i4 == g2)).astype(jnp.float32)
    smask = jnp.concatenate(
        [gmask[:, e // 2:e // 2 + 1] for e in range(_E)], axis=1)

    sfc = jnp.where(smask > 0, sc, 0.0)
    i8 = lax.broadcasted_iota(jnp.int32, (bt, _E), 1)
    e_m1 = jnp.max(sfc, axis=1, keepdims=True)
    e1 = jnp.min(jnp.where(sfc == e_m1, i8, _E), axis=1, keepdims=True)
    sfc2 = jnp.where(i8 == e1, _NEG_INF, sfc)
    e_m2 = jnp.max(sfc2, axis=1, keepdims=True)
    e2 = jnp.min(jnp.where(sfc2 == e_m2, i8, _E), axis=1, keepdims=True)

    sel1 = (i8 == e1)
    sel2 = (i8 == e2)
    w1 = jnp.sum(jnp.where(sel1, s, 0.0), axis=1, keepdims=True)
    w2 = jnp.sum(jnp.where(sel2, s, 0.0), axis=1, keepdims=True)
    scale = _RSF / (w1 + w2 + 1e-20)
    comb_ref[...] = (jnp.where(sel1, w1, 0.0) + jnp.where(sel2, w2, 0.0)) * scale


def _router(logits, bias):
    t = logits.shape[0]
    return pl.pallas_call(
        _router_body,
        grid=(t // _BT,),
        in_specs=[
            pl.BlockSpec((_BT, _E), lambda i: (i, 0)),
            pl.BlockSpec((1, _E), lambda i: (0, 0)),
        ],
        out_specs=pl.BlockSpec((_BT, _E), lambda i: (i, 0)),
        out_shape=jax.ShapeDtypeStruct((t, _E), jnp.float32),
    )(logits, bias.reshape(1, _E))



def _dispatch_indices(comb, t):
    mask = comb > 0.0
    mi = mask.astype(jnp.int32)
    cnt = jnp.sum(mi, axis=0)
    rank = jnp.cumsum(mi, axis=0) - mi
    padded = ((cnt + _BM - 1) // _BM) * _BM
    base = jnp.concatenate([jnp.zeros((1,), jnp.int32),
                            jnp.cumsum(padded)[:-1].astype(jnp.int32)])
    pt = _TK * t + _E * _BM
    pos = base[None, :] + rank
    posm = jnp.where(mask, pos, pt)
    tok = jnp.broadcast_to(jnp.arange(t, dtype=jnp.int32)[:, None], (t, _E))
    tok_for_pos = (jnp.arange(pt + 1, dtype=jnp.int32) % t).at[
        posm.reshape(-1)].set(tok.reshape(-1))[:pt]
    w_for_pos = jnp.zeros((pt + 1,), jnp.float32).at[posm.reshape(-1)].set(
        comb.reshape(-1))[:pt]
    bstart = base // _BM
    blk = jnp.arange(pt // _BM, dtype=jnp.int32)
    nbe = jnp.sum((blk[:, None] >= bstart[None, :]).astype(jnp.int32),
                  axis=1) - 1
    e1 = jnp.argmax(mi, axis=1)
    e2 = (_E - 1) - jnp.argmax(mi[:, ::-1], axis=1)
    ar = jnp.arange(t)
    pa = pos[ar, e1].astype(jnp.int32)
    pb = pos[ar, e2].astype(jnp.int32)
    return tok_for_pos, w_for_pos, nbe, pa, pb, pt



def _dispatch(x, tok_for_pos, pt):
    t, h = x.shape
    info = plsc.get_sparse_core_info()
    nw = info.num_cores * info.num_subcores
    rows_per_w = pt // nw
    ch = 16
    nbuf = 4
    n_ch = rows_per_w // ch
    mesh = plsc.VectorSubcoreMesh(core_axis_name="c", subcore_axis_name="s")

    @functools.partial(
        pl.kernel, mesh=mesh,
        out_type=jax.ShapeDtypeStruct((pt, h), jnp.float32),
        scratch_types=[
            pltpu.VMEM((nbuf, ch), jnp.int32),
            [pltpu.VMEM((ch, h), jnp.float32) for _ in range(nbuf)],
            [pltpu.SemaphoreType.DMA for _ in range(nbuf)],
        ],
    )
    def k(x_hbm, tok_hbm, out_hbm, idx_v, rows, sems):
        wid = lax.axis_index("s") * info.num_cores + lax.axis_index("c")
        base = wid * rows_per_w
        d = [None] * nbuf

        def start(c, b):
            pltpu.sync_copy(tok_hbm.at[pl.ds(base + c * ch, ch)], idx_v.at[b])
            d[b] = pltpu.async_copy(x_hbm.at[idx_v.at[b]], rows[b], sems[b])

        for b in range(nbuf - 1):
            start(b, b)
        for c in range(n_ch):
            b = c % nbuf
            if c + nbuf - 1 < n_ch:
                start(c + nbuf - 1, (c + nbuf - 1) % nbuf)
            d[b].wait()
            pltpu.sync_copy(rows[b], out_hbm.at[pl.ds(base + c * ch, ch)])

    return k(x, tok_for_pos)



def _gmm_body(nbe_ref, xd_ref, wg_ref, wu_ref, wd_ref, w_ref, ye_ref):
    xb = xd_ref[...].astype(jnp.bfloat16)
    wg = wg_ref[0].astype(jnp.bfloat16)
    wu = wu_ref[0].astype(jnp.bfloat16)
    g = lax.dot_general(xb, wg, (((1,), (1,)), ((), ())),
                        preferred_element_type=jnp.float32)
    u = lax.dot_general(xb, wu, (((1,), (1,)), ((), ())),
                        preferred_element_type=jnp.float32)
    a = (g * jax.nn.sigmoid(g) * u).astype(jnp.bfloat16)
    y = lax.dot_general(a, wd_ref[0].astype(jnp.bfloat16),
                        (((1,), (1,)), ((), ())),
                        preferred_element_type=jnp.float32)
    ye_ref[...] = y * w_ref[...]


def _gmm(xd, Wg, Wu, Wd, w_for_pos, nbe, pt):
    h = xd.shape[1]
    i_dim = Wg.shape[1]
    nblk = pt // _BM
    grid_spec = pltpu.PrefetchScalarGridSpec(
        num_scalar_prefetch=1,
        grid=(nblk,),
        in_specs=[
            pl.BlockSpec((_BM, h), lambda i, nbe: (i, 0)),
            pl.BlockSpec((1, i_dim, h), lambda i, nbe: (nbe[i], 0, 0)),
            pl.BlockSpec((1, i_dim, h), lambda i, nbe: (nbe[i], 0, 0)),
            pl.BlockSpec((1, h, i_dim), lambda i, nbe: (nbe[i], 0, 0)),
            pl.BlockSpec((_BM, 1), lambda i, nbe: (i, 0)),
        ],
        out_specs=pl.BlockSpec((_BM, h), lambda i, nbe: (i, 0)),
    )
    return pl.pallas_call(
        _gmm_body,
        grid_spec=grid_spec,
        out_shape=jax.ShapeDtypeStruct((pt, h), jnp.float32),
        compiler_params=pltpu.CompilerParams(
            dimension_semantics=("arbitrary",)),
    )(nbe, xd, Wg, Wu, Wd, w_for_pos.reshape(pt, 1))



def _shared_body(x_ref, sg_ref, su_ref, sd_ref, ya_ref, yb_ref, y_ref):
    xb = x_ref[...].astype(jnp.bfloat16)
    g = lax.dot_general(xb, sg_ref[...].astype(jnp.bfloat16),
                        (((1,), (1,)), ((), ())),
                        preferred_element_type=jnp.float32)
    u = lax.dot_general(xb, su_ref[...].astype(jnp.bfloat16),
                        (((1,), (1,)), ((), ())),
                        preferred_element_type=jnp.float32)
    a = (g * jax.nn.sigmoid(g) * u).astype(jnp.bfloat16)
    sh = lax.dot_general(a, sd_ref[...].astype(jnp.bfloat16),
                         (((1,), (1,)), ((), ())),
                         preferred_element_type=jnp.float32)
    y_ref[...] = sh + ya_ref[...] + yb_ref[...]


def _shared_combine(x, Sg, Su, Sd, ya, yb):
    t, h = x.shape
    i_dim = Sg.shape[0]
    return pl.pallas_call(
        _shared_body,
        grid=(t // _BT,),
        in_specs=[
            pl.BlockSpec((_BT, h), lambda i: (i, 0)),
            pl.BlockSpec((i_dim, h), lambda i: (0, 0)),
            pl.BlockSpec((i_dim, h), lambda i: (0, 0)),
            pl.BlockSpec((h, i_dim), lambda i: (0, 0)),
            pl.BlockSpec((_BT, h), lambda i: (i, 0)),
            pl.BlockSpec((_BT, h), lambda i: (i, 0)),
        ],
        out_specs=pl.BlockSpec((_BT, h), lambda i: (i, 0)),
        out_shape=jax.ShapeDtypeStruct((t, h), jnp.float32),
    )(x, Sg, Su, Sd, ya, yb)



def _combine_gather(ye, pa, pb, t):
    h = ye.shape[1]
    info = plsc.get_sparse_core_info()
    nw = info.num_cores * info.num_subcores
    rows_per_w = t // nw
    ch = 16
    n_ch = rows_per_w // ch
    mesh = plsc.VectorSubcoreMesh(core_axis_name="c", subcore_axis_name="s")

    @functools.partial(
        pl.kernel, mesh=mesh,
        out_type=(jax.ShapeDtypeStruct((t, h), jnp.float32),
                  jax.ShapeDtypeStruct((t, h), jnp.float32)),
        scratch_types=[
            pltpu.VMEM((2, ch), jnp.int32),
            pltpu.VMEM((2, ch), jnp.int32),
            pltpu.VMEM((ch, h), jnp.float32),
            pltpu.VMEM((ch, h), jnp.float32),
            pltpu.VMEM((ch, h), jnp.float32),
            pltpu.VMEM((ch, h), jnp.float32),
            pltpu.SemaphoreType.DMA,
            pltpu.SemaphoreType.DMA,
            pltpu.SemaphoreType.DMA,
            pltpu.SemaphoreType.DMA,
        ],
    )
    def k(ye_hbm, pa_hbm, pb_hbm, ya_hbm, yb_hbm,
          ia_v, ib_v, ra0, ra1, rb0, rb1, sa0, sa1, sb0, sb1):
        wid = lax.axis_index("s") * info.num_cores + lax.axis_index("c")
        base = wid * rows_per_w
        ra = (ra0, ra1)
        rb = (rb0, rb1)
        sem_a = (sa0, sa1)
        sem_b = (sb0, sb1)
        d_a = [None, None]
        d_b = [None, None]

        def start(c, b):
            off = base + c * ch
            pltpu.sync_copy(pa_hbm.at[pl.ds(off, ch)], ia_v.at[b])
            pltpu.sync_copy(pb_hbm.at[pl.ds(off, ch)], ib_v.at[b])
            d_a[b] = pltpu.async_copy(ye_hbm.at[ia_v.at[b]], ra[b], sem_a[b])
            d_b[b] = pltpu.async_copy(ye_hbm.at[ib_v.at[b]], rb[b], sem_b[b])

        start(0, 0)
        for c in range(n_ch):
            b = c % 2
            if c + 1 < n_ch:
                start(c + 1, 1 - b)
            d_a[b].wait()
            d_b[b].wait()
            off = base + c * ch
            pltpu.sync_copy(ra[b], ya_hbm.at[pl.ds(off, ch)])
            pltpu.sync_copy(rb[b], yb_hbm.at[pl.ds(off, ch)])

    return k(ye, pa, pb)



def kernel(hidden_states, gate_w, bias, Wg, Wu, Wd, Sg, Su, Sd):
    orig_shape = hidden_states.shape
    x = hidden_states.reshape(-1, orig_shape[-1])
    t = x.shape[0]
    logits = x.astype(jnp.float32) @ gate_w.astype(jnp.float32).T
    comb = _router(logits, bias)
    tok_for_pos, w_for_pos, nbe, pa, pb, pt = _dispatch_indices(comb, t)
    xd = _dispatch(x, tok_for_pos, pt)
    ye = _gmm(xd, Wg, Wu, Wd, w_for_pos, nbe, pt)
    ya, yb = _combine_gather(ye, pa, pb, t)
    out = _shared_combine(x, Sg, Su, Sd, ya, yb)
    return out.reshape(orig_shape)

# --- scband reference (transcript-rebuilt; emitter-appended) ---
"""Pipeline reference for scband-di-t-20693152432794 (READ-ONLY COPY).

The authoritative reference and input builder live on the scoring server;
editing this copy changes nothing except your own understanding.
"""

import jax, jax.numpy as jnp
import numpy as np

E = 8
H = 1024
I = 512
NG = 4
TKG = 2
TK = 2
RSF = 2.5
T = 4096


def setup_inputs(seed: int = 0) -> dict:
    key = jax.random.key(seed)
    ks = jax.random.split(key, 9)
    hidden_states = jax.random.normal(ks[0], (T, H), dtype=jnp.float32)
    gate_w = jax.random.normal(ks[1], (E, H), dtype=jnp.float32) * jnp.sqrt(2.0 / H)
    bias = jnp.zeros((E,), dtype=jnp.float32)
    Wg = jax.random.normal(ks[2], (E, I, H), dtype=jnp.float32) * 0.02
    Wu = jax.random.normal(ks[3], (E, I, H), dtype=jnp.float32) * 0.02
    Wd = jax.random.normal(ks[4], (E, H, I), dtype=jnp.float32) * 0.02
    Sg = jax.random.normal(ks[5], (I, H), dtype=jnp.float32) * 0.02
    Su = jax.random.normal(ks[6], (I, H), dtype=jnp.float32) * 0.02
    Sd = jax.random.normal(ks[7], (H, I), dtype=jnp.float32) * 0.02
    return {"hidden_states": hidden_states, "gate_w": gate_w, "bias": bias,
            "Wg": Wg, "Wu": Wu, "Wd": Wd, "Sg": Sg, "Su": Su, "Sd": Sd}


def _route(logits, bias):
    # sigmoid scores + correction bias; group-limited top-k routing (DeepSeek-V3 style)
    s = jax.nn.sigmoid(logits)
    sc = s + bias[None, :]
    t = logits.shape[0]
    gs = sc.reshape(t, NG, E // NG)
    group_scores = jax.lax.top_k(gs, 2)[0].sum(axis=-1)          # (t, NG)
    gidx = jax.lax.top_k(group_scores, TKG)[1]                    # (t, TKG)
    gmask = jnp.zeros((t, NG), dtype=jnp.float32).at[jnp.arange(t)[:, None], gidx].set(1.0)
    smask = jnp.repeat(gmask, E // NG, axis=1)                    # (t, E)
    scores_for_choice = jnp.where(smask > 0, sc, 0.0)
    topk_idx = jax.lax.top_k(scores_for_choice, TK)[1]            # (t, TK)
    topk_w = jnp.take_along_axis(s, topk_idx, axis=1)
    topk_w = topk_w / (topk_w.sum(axis=-1, keepdims=True) + 1e-20)  # norm_topk_prob
    topk_w = topk_w * RSF
    return topk_idx, topk_w


def _mlp(x, wg, wu, wd):
    return (jax.nn.silu(x @ wg.T) * (x @ wu.T)) @ wd.T


def reference(hidden_states, gate_w, bias, Wg, Wu, Wd, Sg, Su, Sd):
    orig_shape = hidden_states.shape
    x = hidden_states.reshape(-1, hidden_states.shape[-1])
    residuals = x
    logits = x.astype(jnp.float32) @ gate_w.astype(jnp.float32).T
    topk_idx, topk_w = _route(logits, bias)
    t = x.shape[0]
    # dense combine weights: equivalent to per-expert gather + index_add in torch
    comb = jnp.zeros((t, E), dtype=jnp.float32).at[jnp.arange(t)[:, None], topk_idx].add(topk_w)
    g = jnp.einsum('th,eih->eti', x, Wg)
    u = jnp.einsum('th,eih->eti', x, Wu)
    eo = jnp.einsum('eti,ehi->eth', jax.nn.silu(g) * u, Wd)
    moe_out = jnp.einsum('te,eth->th', comb, eo)
    shared = _mlp(residuals, Sg, Su, Sd)
    out = moe_out + shared
    return out.reshape(orig_shape)

if __name__ == "__main__":
    import jax
    _d = setup_inputs()
    print(jax.jit(kernel)(*tuple(_d.values())))

</pallas_src>

<mosaic_0001>
#map = affine_map<(d0, d1) -> (0, 0)>
#map1 = affine_map<(d0, d1) -> (0)>
module attributes {stable_mosaic.version = 14 : i64} {
  func.func @k(%arg0: i32, %arg1: i32, %arg2: memref<4096x1024xf32, #tpu.memory_space<hbm>>, %arg3: memref<10240xi32, #tpu.memory_space<hbm>>, %arg4: memref<10240x1024xf32, #tpu.memory_space<hbm>>, %arg5: memref<4x16xi32, #tpu.memory_space<vmem>>, %arg6: memref<16x1024xf32, #tpu.memory_space<vmem>>, %arg7: memref<16x1024xf32, #tpu.memory_space<vmem>>, %arg8: memref<16x1024xf32, #tpu.memory_space<vmem>>, %arg9: memref<16x1024xf32, #tpu.memory_space<vmem>>, %arg10: memref<!tpu.dma_semaphore, #tpu.memory_space<semaphore_mem>>, %arg11: memref<!tpu.dma_semaphore, #tpu.memory_space<semaphore_mem>>, %arg12: memref<!tpu.dma_semaphore, #tpu.memory_space<semaphore_mem>>, %arg13: memref<!tpu.dma_semaphore, #tpu.memory_space<semaphore_mem>>) attributes {dimension_semantics = [#tpu.dimension_semantics<core_parallel>, #tpu.dimension_semantics<subcore_parallel>], iteration_bounds = array<i64: 2, 16>, scalar_prefetch = 0 : i64, scratch_operands = 9 : i64, tpu.core_type = #tpu.core_type<sc_vector_subcore>, window_params = [{transform_indices = #map}, {transform_indices = #map1}, {transform_indices = #map}]} {
    %mul3A = arith.constant 2 : i32
    %mul3A_0 = arith.muli %arg1, %mul3A : i32
    %add3A = arith.addi %mul3A_0, %arg0 : i32
    %mul3A_1 = arith.constant 320 : i32
    %mul3A_2 = arith.muli %add3A, %mul3A_1 : i32
    %add3A_3 = arith.constant 0 : i32
    %add3A_4 = arith.addi %mul3A_2, %add3A_3 : i32
    %run_scoped3A = arith.constant 0 : i32
    "tpu.region"() ({
      %run_scoped3A_380 = tpu.sem_alloc : memref<!tpu.dma_semaphore, #tpu.memory_space<semaphore_mem>>
      %dma_start3A_381 = arith.constant 0 : i32
      %dma_start3A_382 = tpu.memref_slice %arg5[%run_scoped3A, %dma_start3A_381] : memref<4x16xi32, #tpu.memory_space<vmem>> -> memref<1x16xi32, #tpu.memory_space<vmem>>
      %dma_start3A_383 = tpu.memref_squeeze %dma_start3A_382 : memref<1x16xi32, #tpu.memory_space<vmem>> -> memref<16xi32, #tpu.memory_space<vmem>>
      %dma_start3A_384 = tpu.memref_slice %arg3[%add3A_4] : memref<10240xi32, #tpu.memory_space<hbm>> -> memref<16xi32, #tpu.memory_space<hbm>>
      %dma_start3A_385 = arith.constant 0 : i32
      %dma_start3A_386 = tpu.memref_slice %arg5[%run_scoped3A, %dma_start3A_385] : memref<4x16xi32, #tpu.memory_space<vmem>> -> memref<1x16xi32, #tpu.memory_space<vmem>>
      %dma_start3A_387 = tpu.memref_squeeze %dma_start3A_386 : memref<1x16xi32, #tpu.memory_space<vmem>> -> memref<16xi32, #tpu.memory_space<vmem>>
      %dma_start3A_388 = tpu.memref_slice %arg3[%add3A_4] : memref<10240xi32, #tpu.memory_space<hbm>> -> memref<16xi32, #tpu.memory_space<hbm>>
      tpu.enqueue_dma source(%dma_start3A_388 : memref<16xi32, #tpu.memory_space<hbm>>) target(%dma_start3A_387 : memref<16xi32, #tpu.memory_space<vmem>>) target_semaphore(%run_scoped3A_380 : memref<!tpu.dma_semaphore, #tpu.memory_space<semaphore_mem>>)
      %dma_wait3A_389 = arith.constant 0 : i32
      %dma_wait3A_390 = tpu.memref_slice %arg5[%run_scoped3A, %dma_wait3A_389] : memref<4x16xi32, #tpu.memory_space<vmem>> -> memref<1x16xi32, #tpu.memory_space<vmem>>
      %dma_wait3A_391 = tpu.memref_squeeze %dma_wait3A_390 : memref<1x16xi32, #tpu.memory_space<vmem>> -> memref<16xi32, #tpu.memory_space<vmem>>
      %dma_wait3A_392 = tpu.memref_slice %arg3[%add3A_4] : memref<10240xi32, #tpu.memory_space<hbm>> -> memref<16xi32, #tpu.memory_space<hbm>>
      %dma_wait3A_393 = arith.constant 0 : i32
      %dma_wait3A_394 = tpu.memref_slice %arg5[%run_scoped3A, %dma_wait3A_393] : memref<4x16xi32, #tpu.memory_space<vmem>> -> memref<1x16xi32, #tpu.memory_space<vmem>>
      %dma_wait3A_395 = tpu.memref_squeeze %dma_wait3A_394 : memref<1x16xi32, #tpu.memory_space<vmem>> -> memref<16xi32, #tpu.memory_space<vmem>>
      %dma_wait3A_396 = tpu.memref_slice %arg3[%add3A_4] : memref<10240xi32, #tpu.memory_space<hbm>> -> memref<16xi32, #tpu.memory_space<hbm>>
      tpu.wait_dma2 semaphore(%run_scoped3A_380 : memref<!tpu.dma_semaphore, #tpu.memory_space<semaphore_mem>>) src(%dma_wait3A_396 : memref<16xi32, #tpu.memory_space<hbm>>) dst(%dma_wait3A_395 : memref<16xi32, #tpu.memory_space<vmem>>)
      tpu.yield
    }) : () -> ()
    %dma_start3A = arith.constant 0 : i32
    %dma_start3A_5 = arith.constant 0 : i32
    %dma_start3A_6 = tpu.memref_slice %arg5[%dma_start3A, %dma_start3A_5] : memref<4x16xi32, #tpu.memory_space<vmem>> -> memref<1x16xi32, #tpu.memory_space<vmem>>
    %dma_start3A_7 = tpu.memref_squeeze %dma_start3A_6 : memref<1x16xi32, #tpu.memory_space<vmem>> -> memref<16xi32, #tpu.memory_space<vmem>>
    %dma_start3A_8 = arith.constant 0 : i32
    %dma_start3A_9 = arith.constant 0 : i32
    %dma_start3A_10 = tpu.memref_slice %arg2[%dma_start3A_8, %dma_start3A_9] : memref<4096x1024xf32, #tpu.memory_space<hbm>> -> memref<4096x1024xf32, #tpu.memory_space<hbm>>
    tpu.enqueue_indirect_dma source(%dma_start3A_10 : memref<4096x1024xf32, #tpu.memory_space<hbm>>) target(%arg6 : memref<16x1024xf32, #tpu.memory_space<vmem>>) offsets(%dma_start3A_7 : memref<16xi32, #tpu.memory_space<vmem>>) semaphore(%arg10 : memref<!tpu.dma_semaphore, #tpu.memory_space<semaphore_mem>>)
    %add3A_11 = arith.constant 16 : i32
    %add3A_12 = arith.addi %mul3A_2, %add3A_11 : i32
    %run_scoped3A_13 = arith.constant 1 : i32
    "tpu.region"() ({
      %run_scoped3A_380 = tpu.sem_alloc : memref<!tpu.dma_semaphore, #tpu.memory_space<semaphore_mem>>
      %dma_start3A_381 = arith.constant 0 : i32
      %dma_start3A_382 = tpu.memref_slice %arg5[%run_scoped3A_13, %dma_start3A_381] : memref<4x16xi32, #tpu.memory_space<vmem>> -> memref<1x16xi32, #tpu.memory_space<vmem>>
      %dma_start3A_383 = tpu.memref_squeeze %dma_start3A_382 : memref<1x16xi32, #tpu.memory_space<vmem>> -> memref<16xi32, #tpu.memory_space<vmem>>
      %dma_start3A_384 = tpu.memref_slice %arg3[%add3A_12] : memref<10240xi32, #tpu.memory_space<hbm>> -> memref<16xi32, #tpu.memory_space<hbm>>
      %dma_start3A_385 = arith.constant 0 : i32
      %dma_start3A_386 = tpu.memref_slice %arg5[%run_scoped3A_13, %dma_start3A_385] : memref<4x16xi32, #tpu.memory_space<vmem>> -> memref<1x16xi32, #tpu.memory_space<vmem>>
      %dma_start3A_387 = tpu.memref_squeeze %dma_start3A_386 : memref<1x16xi32, #tpu.memory_space<vmem>> -> memref<16xi32, #tpu.memory_space<vmem>>
      %dma_start3A_388 = tpu.memref_slice %arg3[%add3A_12] : memref<10240xi32, #tpu.memory_space<hbm>> -> memref<16xi32, #tpu.memory_space<hbm>>
      tpu.enqueue_dma source(%dma_start3A_388 : memref<16xi32, #tpu.memory_space<hbm>>) target(%dma_start3A_387 : memref<16xi32, #tpu.memory_space<vmem>>) target_semaphore(%run_scoped3A_380 : memref<!tpu.dma_semaphore, #tpu.memory_space<semaphore_mem>>)
      %dma_wait3A_389 = arith.constant 0 : i32
      %dma_wait3A_390 = tpu.memref_slice %arg5[%run_scoped3A_13, %dma_wait3A_389] : memref<4x16xi32, #tpu.memory_space<vmem>> -> memref<1x16xi32, #tpu.memory_space<vmem>>
      %dma_wait3A_391 = tpu.memref_squeeze %dma_wait3A_390 : memref<1x16xi32, #tpu.memory_space<vmem>> -> memref<16xi32, #tpu.memory_space<vmem>>
      %dma_wait3A_392 = tpu.memref_slice %arg3[%add3A_12] : memref<10240xi32, #tpu.memory_space<hbm>> -> memref<16xi32, #tpu.memory_space<hbm>>
      %dma_wait3A_393 = arith.constant 0 : i32
      %dma_wait3A_394 = tpu.memref_slice %arg5[%run_scoped3A_13, %dma_wait3A_393] : memref<4x16xi32, #tpu.memory_space<vmem>> -> memref<1x16xi32, #tpu.memory_space<vmem>>
      %dma_wait3A_395 = tpu.memref_squeeze %dma_wait3A_394 : memref<1x16xi32, #tpu.memory_space<vmem>> -> memref<16xi32, #tpu.memory_space<vmem>>
      %dma_wait3A_396 = tpu.memref_slice %arg3[%add3A_12] : memref<10240xi32, #tpu.memory_space<hbm>> -> memref<16xi32, #tpu.memory_space<hbm>>
      tpu.wait_dma2 semaphore(%run_scoped3A_380 : memref<!tpu.dma_semaphore, #tpu.memory_space<semaphore_mem>>) src(%dma_wait3A_396 : memref<16xi32, #tpu.memory_space<hbm>>) dst(%dma_wait3A_395 : memref<16xi32, #tpu.memory_space<vmem>>)
      tpu.yield
    }) : () -> ()
    %dma_start3A_14 = arith.constant 1 : i32
    %dma_start3A_15 = arith.constant 0 : i32
    %dma_start3A_16 = tpu.memref_slice %arg5[%dma_start3A_14, %dma_start3A_15] : memref<4x16xi32, #tpu.memory_space<vmem>> -> memref<1x16xi32, #tpu.memory_space<vmem>>
    %dma_start3A_17 = tpu.memref_squeeze %dma_start3A_16 : memref<1x16xi32, #tpu.memory_space<vmem>> -> memref<16xi32, #tpu.memory_space<vmem>>
    %dma_start3A_18 = arith.constant 0 : i32
    %dma_start3A_19 = arith.constant 0 : i32
    %dma_start3A_20 = tpu.memref_slice %arg2[%dma_start3A_18, %dma_start3A_19] : memref<4096x1024xf32, #tpu.memory_space<hbm>> -> memref<4096x1024xf32, #tpu.memory_space<hbm>>
    tpu.enqueue_indirect_dma source(%dma_start3A_20 : memref<4096x1024xf32, #tpu.memory_space<hbm>>) target(%arg7 : memref<16x1024xf32, #tpu.memory_space<vmem>>) offsets(%dma_start3A_17 : memref<16xi32, #tpu.memory_space<vmem>>) semaphore(%arg11 : memref<!tpu.dma_semaphore, #tpu.memory_space<semaphore_mem>>)
    %add3A_21 = arith.constant 32 : i32
    %add3A_22 = arith.addi %mul3A_2, %add3A_21 : i32
    %run_scoped3A_23 = arith.constant 2 : i32
    "tpu.region"() ({
      %run_scoped3A_380 = tpu.sem_alloc : memref<!tpu.dma_semaphore, #tpu.memory_space<semaphore_mem>>
      %dma_start3A_381 = arith.constant 0 : i32
      %dma_start3A_382 = tpu.memref_slice %arg5[%run_scoped3A_23, %dma_start3A_381] : memref<4x16xi32, #tpu.memory_space<vmem>> -> memref<1x16xi32, #tpu.memory_space<vmem>>
      %dma_start3A_383 = tpu.memref_squeeze %dma_start3A_382 : memref<1x16xi32, #tpu.memory_space<vmem>> -> memref<16xi32, #tpu.memory_space<vmem>>
      %dma_start3A_384 = tpu.memref_slice %arg3[%add3A_22] : memref<10240xi32, #tpu.memory_space<hbm>> -> memref<16xi32, #tpu.memory_space<hbm>>
      %dma_start3A_385 = arith.constant 0 : i32
      %dma_start3A_386 = tpu.memref_slice %arg5[%run_scoped3A_23, %dma_start3A_385] : memref<4x16xi32, #tpu.memory_space<vmem>> -> memref<1x16xi32, #tpu.memory_space<vmem>>
      %dma_start3A_387 = tpu.memref_squeeze %dma_start3A_386 : memref<1x16xi32, #tpu.memory_space<vmem>> -> memref<16xi32, #tpu.memory_space<vmem>>
      %dma_start3A_388 = tpu.memref_slice %arg3[%add3A_22] : memref<10240xi32, #tpu.memory_space<hbm>> -> memref<16xi32, #tpu.memory_space<hbm>>
      tpu.enqueue_dma source(%dma_start3A_388 : memref<16xi32, #tpu.memory_space<hbm>>) target(%dma_start3A_387 : memref<16xi32, #tpu.memory_space<vmem>>) target_semaphore(%run_scoped3A_380 : memref<!tpu.dma_semaphore, #tpu.memory_space<semaphore_mem>>)
      %dma_wait3A_389 = arith.constant 0 : i32
      %dma_wait3A_390 = tpu.memref_slice %arg5[%run_scoped3A_23, %dma_wait3A_389] : memref<4x16xi32, #tpu.memory_space<vmem>> -> memref<1x16xi32, #tpu.memory_space<vmem>>
      %dma_wait3A_391 = tpu.memref_squeeze %dma_wait3A_390 : memref<1x16xi32, #tpu.memory_space<vmem>> -> memref<16xi32, #tpu.memory_space<vmem>>
      %dma_wait3A_392 = tpu.memref_slice %arg3[%add3A_22] : memref<10240xi32, #tpu.memory_space<hbm>> -> memref<16xi32, #tpu.memory_space<hbm>>
      %dma_wait3A_393 = arith.constant 0 : i32
      %dma_wait3A_394 = tpu.memref_slice %arg5[%run_scoped3A_23, %dma_wait3A_393] : memref<4x16xi32, #tpu.memory_space<vmem>> -> memref<1x16xi32, #tpu.memory_space<vmem>>
      %dma_wait3A_395 = tpu.memref_squeeze %dma_wait3A_394 : memref<1x16xi32, #tpu.memory_space<vmem>> -> memref<16xi32, #tpu.memory_space<vmem>>
      %dma_wait3A_396 = tpu.memref_slice %arg3[%add3A_22] : memref<10240xi32, #tpu.memory_space<hbm>> -> memref<16xi32, #tpu.memory_space<hbm>>
      tpu.wait_dma2 semaphore(%run_scoped3A_380 : memref<!tpu.dma_semaphore, #tpu.memory_space<semaphore_mem>>) src(%dma_wait3A_396 : memref<16xi32, #tpu.memory_space<hbm>>) dst(%dma_wait3A_395 : memref<16xi32, #tpu.memory_space<vmem>>)
      tpu.yield
    }) : () -> ()
    %dma_start3A_24 = arith.constant 2 : i32
    %dma_start3A_25 = arith.constant 0 : i32
    %dma_start3A_26 = tpu.memref_slice %arg5[%dma_start3A_24, %dma_start3A_25] : memref<4x16xi32, #tpu.memory_space<vmem>> -> memref<1x16xi32, #tpu.memory_space<vmem>>
    %dma_start3A_27 = tpu.memref_squeeze %dma_start3A_26 : memref<1x16xi32, #tpu.memory_space<vmem>> -> memref<16xi32, #tpu.memory_space<vmem>>
    %dma_start3A_28 = arith.constant 0 : i32
    %dma_start3A_29 = arith.constant 0 : i32
    %dma_start3A_30 = tpu.memref_slice %arg2[%dma_start3A_28, %dma_start3A_29] : memref<4096x1024xf32, #tpu.memory_space<hbm>> -> memref<4096x1024xf32, #tpu.memory_space<hbm>>
    tpu.enqueue_indirect_dma source(%dma_start3A_30 : memref<4096x1024xf32, #tpu.memory_space<hbm>>) target(%arg8 : memref<16x1024xf32, #tpu.memory_space<vmem>>) offsets(%dma_start3A_27 : memref<16xi32, #tpu.memory_space<vmem>>) semaphore(%arg12 : memref<!tpu.dma_semaphore, #tpu.memory_space<semaphore_mem>>)
    %add3A_31 = arith.constant 48 : i32
    %add3A_32 = arith.addi %mul3A_2, %add3A_31 : i32
    %run_scoped3A_33 = arith.constant 3 : i32
    "tpu.region"() ({
      %run_scoped3A_380 = tpu.sem_alloc : memref<!tpu.dma_semaphore, #tpu.memory_space<semaphore_mem>>
      %dma_start3A_381 = arith.constant 0 : i32
      %dma_start3A_382 = tpu.memref_slice %arg5[%run_scoped3A_33, %dma_start3A_381] : memref<4x16xi32, #tpu.memory_space<vmem>> -> memref<1x16xi32, #tpu.memory_space<vmem>>
      %dma_start3A_383 = tpu.memref_squeeze %dma_start3A_382 : memref<1x16xi32, #tpu.memory_space<vmem>> -> memref<16xi32, #tpu.memory_space<vmem>>
      %dma_start3A_384 = tpu.memref_slice %arg3[%add3A_32] : memref<10240xi32, #tpu.memory_space<hbm>> -> memref<16xi32, #tpu.memory_space<hbm>>
      %dma_start3A_385 = arith.constant 0 : i32
      %dma_start3A_386 = tpu.memref_slice %arg5[%run_scoped3A_33, %dma_start3A_385] : memref<4x16xi32, #tpu.memory_space<vmem>> -> memref<1x16xi32, #tpu.memory_space<vmem>>
      %dma_start3A_387 = tpu.memref_squeeze %dma_start3A_386 : memref<1x16xi32, #tpu.memory_space<vmem>> -> memref<16xi32, #tpu.memory_space<vmem>>
      %dma_start3A_388 = tpu.memref_slice %arg3[%add3A_32] : memref<10240xi32, #tpu.memory_space<hbm>> -> memref<16xi32, #tpu.memory_space<hbm>>
      tpu.enqueue_dma source(%dma_start3A_388 : memref<16xi32, #tpu.memory_space<hbm>>) target(%dma_start3A_387 : memref<16xi32, #tpu.memory_space<vmem>>) target_semaphore(%run_scoped3A_380 : memref<!tpu.dma_semaphore, #tpu.memory_space<semaphore_mem>>)
      %dma_wait3A_389 = arith.constant 0 : i32
      %dma_wait3A_390 = tpu.memref_slice %arg5[%run_scoped3A_33, %dma_wait3A_389] : memref<4x16xi32, #tpu.memory_space<vmem>> -> memref<1x16xi32, #tpu.memory_space<vmem>>
      %dma_wait3A_391 = tpu.memref_squeeze %dma_wait3A_390 : memref<1x16xi32, #tpu.memory_space<vmem>> -> memref<16xi32, #tpu.memory_space<vmem>>
      %dma_wait3A_392 = tpu.memref_slice %arg3[%add3A_32] : memref<10240xi32, #tpu.memory_space<hbm>> -> memref<16xi32, #tpu.memory_space<hbm>>
      %dma_wait3A_393 = arith.constant 0 : i32
      %dma_wait3A_394 = tpu.memref_slice %arg5[%run_scoped3A_33, %dma_wait3A_393] : memref<4x16xi32, #tpu.memory_space<vmem>> -> memref<1x16xi32, #tpu.memory_space<vmem>>
      %dma_wait3A_395 = tpu.memref_squeeze %dma_wait3A_394 : memref<1x16xi32, #tpu.memory_space<vmem>> -> memref<16xi32, #tpu.memory_space<vmem>>
      %dma_wait3A_396 = tpu.memref_slice %arg3[%add3A_32] : memref<10240xi32, #tpu.memory_space<hbm>> -> memref<16xi32, #tpu.memory_space<hbm>>
      tpu.wait_dma2 semaphore(%run_scoped3A_380 : memref<!tpu.dma_semaphore, #tpu.memory_space<semaphore_mem>>) src(%dma_wait3A_396 : memref<16xi32, #tpu.memory_space<hbm>>) dst(%dma_wait3A_395 : memref<16xi32, #tpu.memory_space<vmem>>)
      tpu.yield
    }) : () -> ()
    %dma_start3A_34 = arith.constant 3 : i32
    %dma_start3A_35 = arith.constant 0 : i32
    %dma_start3A_36 = tpu.memref_slice %arg5[%dma_start3A_34, %dma_start3A_35] : memref<4x16xi32, #tpu.memory_space<vmem>> -> memref<1x16xi32, #tpu.memory_space<vmem>>
    %dma_start3A_37 = tpu.memref_squeeze %dma_start3A_36 : memref<1x16xi32, #tpu.memory_space<vmem>> -> memref<16xi32, #tpu.memory_space<vmem>>
    %dma_start3A_38 = arith.constant 0 : i32
    %dma_start3A_39 = arith.constant 0 : i32
    %dma_start3A_40 = tpu.memref_slice %arg2[%dma_start3A_38, %dma_start3A_39] : memref<4096x1024xf32, #tpu.memory_space<hbm>> -> memref<4096x1024xf32, #tpu.memory_space<hbm>>
    tpu.enqueue_indirect_dma source(%dma_start3A_40 : memref<4096x1024xf32, #tpu.memory_space<hbm>>) target(%arg9 : memref<16x1024xf32, #tpu.memory_space<vmem>>) offsets(%dma_start3A_37 : memref<16xi32, #tpu.memory_space<vmem>>) semaphore(%arg13 : memref<!tpu.dma_semaphore, #tpu.memory_space<semaphore_mem>>)
    %dma_wait3A = arith.constant 0 : i32
    %dma_wait3A_41 = arith.constant 0 : i32
    %dma_wait3A_42 = tpu.memref_slice %arg5[%dma_wait3A, %dma_wait3A_41] : memref<4x16xi32, #tpu.memory_space<vmem>> -> memref<1x16xi32, #tpu.memory_space<vmem>>
    %dma_wait3A_43 = tpu.memref_squeeze %dma_wait3A_42 : memref<1x16xi32, #tpu.memory_space<vmem>> -> memref<16xi32, #tpu.memory_space<vmem>>
    %dma_wait3A_44 = arith.constant 0 : i32
    %dma_wait3A_45 = arith.constant 0 : i32
    %dma_wait3A_46 = tpu.memref_slice %arg2[%dma_wait3A_44, %dma_wait3A_45] : memref<4096x1024xf32, #tpu.memory_space<hbm>> -> memref<4096x1024xf32, #tpu.memory_space<hbm>>
    tpu.wait_indirect_dma semaphore(%arg10 : memref<!tpu.dma_semaphore, #tpu.memory_space<semaphore_mem>>) src(%dma_wait3A_46 : memref<4096x1024xf32, #tpu.memory_space<hbm>>) dst(%arg6 : memref<16x1024xf32, #tpu.memory_space<vmem>>)
    %add3A_47 = arith.constant 0 : i32
    %add3A_48 = arith.addi %mul3A_2, %add3A_47 : i32
    "tpu.region"() ({
      %run_scoped3A_380 = tpu.sem_alloc : memref<!tpu.dma_semaphore, #tpu.memory_space<semaphore_mem>>
      %dma_start3A_381 = arith.constant 0 : i32
      %dma_start3A_382 = tpu.memref_slice %arg4[%add3A_48, %dma_start3A_381] : memref<10240x1024xf32, #tpu.memory_space<hbm>> -> memref<16x1024xf32, #tpu.memory_space<hbm>>
      %dma_start3A_383 = arith.constant 0 : i32
      %dma_start3A_384 = tpu.memref_slice %arg4[%add3A_48, %dma_start3A_383] : memref<10240x1024xf32, #tpu.memory_space<hbm>> -> memref<16x1024xf32, #tpu.memory_space<hbm>>
      tpu.enqueue_dma source(%arg6 : memref<16x1024xf32, #tpu.memory_space<vmem>>) target(%dma_start3A_384 : memref<16x1024xf32, #tpu.memory_space<hbm>>) target_semaphore(%run_scoped3A_380 : memref<!tpu.dma_semaphore, #tpu.memory_space<semaphore_mem>>)
      %dma_wait3A_385 = arith.constant 0 : i32
      %dma_wait3A_386 = tpu.memref_slice %arg4[%add3A_48, %dma_wait3A_385] : memref<10240x1024xf32, #tpu.memory_space<hbm>> -> memref<16x1024xf32, #tpu.memory_space<hbm>>
      %dma_wait3A_387 = arith.constant 0 : i32
      %dma_wait3A_388 = tpu.memref_slice %arg4[%add3A_48, %dma_wait3A_387] : memref<10240x1024xf32, #tpu.memory_space<hbm>> -> memref<16x1024xf32, #tpu.memory_space<hbm>>
      tpu.wait_dma2 semaphore(%run_scoped3A_380 : memref<!tpu.dma_semaphore, #tpu.memory_space<semaphore_mem>>) src(%arg6 : memref<16x1024xf32, #tpu.memory_space<vmem>>) dst(%dma_wait3A_388 : memref<16x1024xf32, #tpu.memory_space<hbm>>)
      tpu.yield
    }) : () -> ()
    %add3A_49 = arith.constant 64 : i32
    %add3A_50 = arith.addi %mul3A_2, %add3A_49 : i32
    %run_scoped3A_51 = arith.constant 0 : i32
    "tpu.region"() ({
      %run_scoped3A_380 = tpu.sem_alloc : memref<!tpu.dma_semaphore, #tpu.memory_space<semaphore_mem>>
      %dma_start3A_381 = arith.constant 0 : i32
      %dma_start3A_382 = tpu.memref_slice %arg5[%run_scoped3A_51, %dma_start3A_381] : memref<4x16xi32, #tpu.memory_space<vmem>> -> memref<1x16xi32, #tpu.memory_space<vmem>>
      %dma_start3A_383 = tpu.memref_squeeze %dma_start3A_382 : memref<1x16xi32, #tpu.memory_space<vmem>> -> memref<16xi32, #tpu.memory_space<vmem>>
      %dma_start3A_384 = tpu.memref_slice %arg3[%add3A_50] : memref<10240xi32, #tpu.memory_space<hbm>> -> memref<16xi32, #tpu.memory_space<hbm>>
      %dma_start3A_385 = arith.constant 0 : i32
      %dma_start3A_386 = tpu.memref_slice %arg5[%run_scoped3A_51, %dma_start3A_385] : memref<4x16xi32, #tpu.memory_space<vmem>> -> memref<1x16xi32, #tpu.memory_space<vmem>>
      %dma_start3A_387 = tpu.memref_squeeze %dma_start3A_386 : memref<1x16xi32, #tpu.memory_space<vmem>> -> memref<16xi32, #tpu.memory_space<vmem>>
      %dma_start3A_388 = tpu.memref_slice %arg3[%add3A_50] : memref<10240xi32, #tpu.memory_space<hbm>> -> memref<16xi32, #tpu.memory_space<hbm>>
      tpu.enqueue_dma source(%dma_start3A_388 : memref<16xi32, #tpu.memory_space<hbm>>) target(%dma_start3A_387 : memref<16xi32, #tpu.memory_space<vmem>>) target_semaphore(%run_scoped3A_380 : memref<!tpu.dma_semaphore, #tpu.memory_space<semaphore_mem>>)
      %dma_wait3A_389 = arith.constant 0 : i32
      %dma_wait3A_390 = tpu.memref_slice %arg5[%run_scoped3A_51, %dma_wait3A_389] : memref<4x16xi32, #tpu.memory_space<vmem>> -> memref<1x16xi32, #tpu.memory_space<vmem>>
      %dma_wait3A_391 = tpu.memref_squeeze %dma_wait3A_390 : memref<1x16xi32, #tpu.memory_space<vmem>> -> memref<16xi32, #tpu.memory_space<vmem>>
      %dma_wait3A_392 = tpu.memref_slice %arg3[%add3A_50] : memref<10240xi32, #tpu.memory_space<hbm>> -> memref<16xi32, #tpu.memory_space<hbm>>
      %dma_wait3A_393 = arith.constant 0 : i32
      %dma_wait3A_394 = tpu.memref_slice %arg5[%run_scoped3A_51, %dma_wait3A_393] : memref<4x16xi32, #tpu.memory_space<vmem>> -> memref<1x16xi32, #tpu.memory_space<vmem>>
      %dma_wait3A_395 = tpu.memref_squeeze %dma_wait3A_394 : memref<1x16xi32, #tpu.memory_space<vmem>> -> memref<16xi32, #tpu.memory_space<vmem>>
      %dma_wait3A_396 = tpu.memref_slice %arg3[%add3A_50] : memref<10240xi32, #tpu.memory_space<hbm>> -> memref<16xi32, #tpu.memory_space<hbm>>
      tpu.wait_dma2 semaphore(%run_scoped3A_380 : memref<!tpu.dma_semaphore, #tpu.memory_space<semaphore_mem>>) src(%dma_wait3A_396 : memref<16xi32, #tpu.memory_space<hbm>>) dst(%dma_wait3A_395 : memref<16xi32, #tpu.memory_space<vmem>>)
      tpu.yield
    }) : () -> ()
    %dma_start3A_52 = arith.constant 0 : i32
    %dma_start3A_53 = arith.constant 0 : i32
    %dma_start3A_54 = tpu.memref_slice %arg5[%dma_start3A_52, %dma_start3A_53] : memref<4x16xi32, #tpu.memory_space<vmem>> -> memref<1x16xi32, #tpu.memory_space<vmem>>
    %dma_start3A_55 = tpu.memref_squeeze %dma_start3A_54 : memref<1x16xi32, #tpu.memory_space<vmem>> -> memref<16xi32, #tpu.memory_space<vmem>>
    %dma_start3A_56 = arith.constant 0 : i32
    %dma_start3A_57 = arith.constant 0 : i32
    %dma_start3A_58 = tpu.memref_slice %arg2[%dma_start3A_56, %dma_start3A_57] : memref<4096x1024xf32, #tpu.memory_space<hbm>> -> memref<4096x1024xf32, #tpu.memory_space<hbm>>
    tpu.enqueue_indirect_dma source(%dma_start3A_58 : memref<4096x1024xf32, #tpu.memory_space<hbm>>) target(%arg6 : memref<16x1024xf32, #tpu.memory_space<vmem>>) offsets(%dma_start3A_55 : memref<16xi32, #tpu.memory_space<vmem>>) semaphore(%arg10 : memref<!tpu.dma_semaphore, #tpu.memory_space<semaphore_mem>>)
    %dma_wait3A_59 = arith.constant 1 : i32
    %dma_wait3A_60 = arith.constant 0 : i32
    %dma_wait3A_61 = tpu.memref_slice %arg5[%dma_wait3A_59, %dma_wait3A_60] : memref<4x16xi32, #tpu.memory_space<vmem>> -> memref<1x16xi32, #tpu.memory_space<vmem>>
    %dma_wait3A_62 = tpu.memref_squeeze %dma_wait3A_61 : memref<1x16xi32, #tpu.memory_space<vmem>> -> memref<16xi32, #tpu.memory_space<vmem>>
    %dma_wait3A_63 = arith.constant 0 : i32
    %dma_wait3A_64 = arith.constant 0 : i32
    %dma_wait3A_65 = tpu.memref_slice %arg2[%dma_wait3A_63, %dma_wait3A_64] : memref<4096x1024xf32, #tpu.memory_space<hbm>> -> memref<4096x1024xf32, #tpu.memory_space<hbm>>
    tpu.wait_indirect_dma semaphore(%arg11 : memref<!tpu.dma_semaphore, #tpu.memory_space<semaphore_mem>>) src(%dma_wait3A_65 : memref<4096x1024xf32, #tpu.memory_space<hbm>>) dst(%arg7 : memref<16x1024xf32, #tpu.memory_space<vmem>>)
    %add3A_66 = arith.constant 16 : i32
    %add3A_67 = arith.addi %mul3A_2, %add3A_66 : i32
    "tpu.region"() ({
      %run_scoped3A_380 = tpu.sem_alloc : memref<!tpu.dma_semaphore, #tpu.memory_space<semaphore_mem>>
      %dma_start3A_381 = arith.constant 0 : i32
      %dma_start3A_382 = tpu.memref_slice %arg4[%add3A_67, %dma_start3A_381] : memref<10240x1024xf32, #tpu.memory_space<hbm>> -> memref<16x1024xf32, #tpu.memory_space<hbm>>
      %dma_start3A_383 = arith.constant 0 : i32
      %dma_start3A_384 = tpu.memref_slice %arg4[%add3A_67, %dma_start3A_383] : memref<10240x1024xf32, #tpu.memory_space<hbm>> -> memref<16x1024xf32, #tpu.memory_space<hbm>>
      tpu.enqueue_dma source(%arg7 : memref<16x1024xf32, #tpu.memory_space<vmem>>) target(%dma_start3A_384 : memref<16x1024xf32, #tpu.memory_space<hbm>>) target_semaphore(%run_scoped3A_380 : memref<!tpu.dma_semaphore, #tpu.memory_space<semaphore_mem>>)
      %dma_wait3A_385 = arith.constant 0 : i32
      %dma_wait3A_386 = tpu.memref_slice %arg4[%add3A_67, %dma_wait3A_385] : memref<10240x1024xf32, #tpu.memory_space<hbm>> -> memref<16x1024xf32, #tpu.memory_space<hbm>>
      %dma_wait3A_387 = arith.constant 0 : i32
      %dma_wait3A_388 = tpu.memref_slice %arg4[%add3A_67, %dma_wait3A_387] : memref<10240x1024xf32, #tpu.memory_space<hbm>> -> memref<16x1024xf32, #tpu.memory_space<hbm>>
      tpu.wait_dma2 semaphore(%run_scoped3A_380 : memref<!tpu.dma_semaphore, #tpu.memory_space<semaphore_mem>>) src(%arg7 : memref<16x1024xf32, #tpu.memory_space<vmem>>) dst(%dma_wait3A_388 : memref<16x1024xf32, #tpu.memory_space<hbm>>)
      tpu.yield
    }) : () -> ()
    %add3A_68 = arith.constant 80 : i32
    %add3A_69 = arith.addi %mul3A_2, %add3A_68 : i32
    %run_scoped3A_70 = arith.constant 1 : i32
    "tpu.region"() ({
      %run_scoped3A_380 = tpu.sem_alloc : memref<!tpu.dma_semaphore, #tpu.memory_space<semaphore_mem>>
      %dma_start3A_381 = arith.constant 0 : i32
      %dma_start3A_382 = tpu.memref_slice %arg5[%run_scoped3A_70, %dma_start3A_381] : memref<4x16xi32, #tpu.memory_space<vmem>> -> memref<1x16xi32, #tpu.memory_space<vmem>>
      %dma_start3A_383 = tpu.memref_squeeze %dma_start3A_382 : memref<1x16xi32, #tpu.memory_space<vmem>> -> memref<16xi32, #tpu.memory_space<vmem>>
      %dma_start3A_384 = tpu.memref_slice %arg3[%add3A_69] : memref<10240xi32, #tpu.memory_space<hbm>> -> memref<16xi32, #tpu.memory_space<hbm>>
      %dma_start3A_385 = arith.constant 0 : i32
      %dma_start3A_386 = tpu.memref_slice %arg5[%run_scoped3A_70, %dma_start3A_385] : memref<4x16xi32, #tpu.memory_space<vmem>> -> memref<1x16xi32, #tpu.memory_space<vmem>>
      %dma_start3A_387 = tpu.memref_squeeze %dma_start3A_386 : memref<1x16xi32, #tpu.memory_space<vmem>> -> memref<16xi32, #tpu.memory_space<vmem>>
      %dma_start3A_388 = tpu.memref_slice %arg3[%add3A_69] : memref<10240xi32, #tpu.memory_space<hbm>> -> memref<16xi32, #tpu.memory_space<hbm>>
      tpu.enqueue_dma source(%dma_start3A_388 : memref<16xi32, #tpu.memory_space<hbm>>) target(%dma_start3A_387 : memref<16xi32, #tpu.memory_space<vmem>>) target_semaphore(%run_scoped3A_380 : memref<!tpu.dma_semaphore, #tpu.memory_space<semaphore_mem>>)
      %dma_wait3A_389 = arith.constant 0 : i32
      %dma_wait3A_390 = tpu.memref_slice %arg5[%run_scoped3A_70, %dma_wait3A_389] : memref<4x16xi32, #tpu.memory_space<vmem>> -> memref<1x16xi32, #tpu.memory_space<vmem>>
      %dma_wait3A_391 = tpu.memref_squeeze %dma_wait3A_390 : memref<1x16xi32, #tpu.memory_space<vmem>> -> memref<16xi32, #tpu.memory_space<vmem>>
      %dma_wait3A_392 = tpu.memref_slice %arg3[%add3A_69] : memref<10240xi32, #tpu.memory_space<hbm>> -> memref<16xi32, #tpu.memory_space<hbm>>
      %dma_wait3A_393 = arith.constant 0 : i32
      %dma_wait3A_394 = tpu.memref_slice %arg5[%run_scoped3A_70, %dma_wait3A_393] : memref<4x16xi32, #tpu.memory_space<vmem>> -> memref<1x16xi32, #tpu.memory_space<vmem>>
      %dma_wait3A_395 = tpu.memref_squeeze %dma_wait3A_394 : memref<1x16xi32, #tpu.memory_space<vmem>> -> memref<16xi32, #tpu.memory_space<vmem>>
      %dma_wait3A_396 = tpu.memref_slice %arg3[%add3A_69] : memref<10240xi32, #tpu.memory_space<hbm>> -> memref<16xi32, #tpu.memory_space<hbm>>
      tpu.wait_dma2 semaphore(%run_scoped3A_380 : memref<!tpu.dma_semaphore, #tpu.memory_space<semaphore_mem>>) src(%dma_wait3A_396 : memref<16xi32, #tpu.memory_space<hbm>>) dst(%dma_wait3A_395 : memref<16xi32, #tpu.memory_space<vmem>>)
      tpu.yield
    }) : () -> ()
    %dma_start3A_71 = arith.constant 1 : i32
    %dma_start3A_72 = arith.constant 0 : i32
    %dma_start3A_73 = tpu.memref_slice %arg5[%dma_start3A_71, %dma_start3A_72] : memref<4x16xi32, #tpu.memory_space<vmem>> -> memref<1x16xi32, #tpu.memory_space<vmem>>
    %dma_start3A_74 = tpu.memref_squeeze %dma_start3A_73 : memref<1x16xi32, #tpu.memory_space<vmem>> -> memref<16xi32, #tpu.memory_space<vmem>>
    %dma_start3A_75 = arith.constant 0 : i32
    %dma_start3A_76 = arith.constant 0 : i32
    %dma_start3A_77 = tpu.memref_slice %arg2[%dma_start3A_75, %dma_start3A_76] : memref<4096x1024xf32, #tpu.memory_space<hbm>> -> memref<4096x1024xf32, #tpu.memory_space<hbm>>
    tpu.enqueue_indirect_dma source(%dma_start3A_77 : memref<4096x1024xf32, #tpu.memory_space<hbm>>) target(%arg7 : memref<16x1024xf32, #tpu.memory_space<vmem>>) offsets(%dma_start3A_74 : memref<16xi32, #tpu.memory_space<vmem>>) semaphore(%arg11 : memref<!tpu.dma_semaphore, #tpu.memory_space<semaphore_mem>>)
    %dma_wait3A_78 = arith.constant 2 : i32
    %dma_wait3A_79 = arith.constant 0 : i32
    %dma_wait3A_80 = tpu.memref_slice %arg5[%dma_wait3A_78, %dma_wait3A_79] : memref<4x16xi32, #tpu.memory_space<vmem>> -> memref<1x16xi32, #tpu.memory_space<vmem>>
    %dma_wait3A_81 = tpu.memref_squeeze %dma_wait3A_80 : memref<1x16xi32, #tpu.memory_space<vmem>> -> memref<16xi32, #tpu.memory_space<vmem>>
    %dma_wait3A_82 = arith.constant 0 : i32
    %dma_wait3A_83 = arith.constant 0 : i32
    %dma_wait3A_84 = tpu.memref_slice %arg2[%dma_wait3A_82, %dma_wait3A_83] : memref<4096x1024xf32, #tpu.memory_space<hbm>> -> memref<4096x1024xf32, #tpu.memory_space<hbm>>
    tpu.wait_indirect_dma semaphore(%arg12 : memref<!tpu.dma_semaphore, #tpu.memory_space<semaphore_mem>>) src(%dma_wait3A_84 : memref<4096x1024xf32, #tpu.memory_space<hbm>>) dst(%arg8 : memref<16x1024xf32, #tpu.memory_space<vmem>>)
    %add3A_85 = arith.constant 32 : i32
    %add3A_86 = arith.addi %mul3A_2, %add3A_85 : i32
    "tpu.region"() ({
      %run_scoped3A_380 = tpu.sem_alloc : memref<!tpu.dma_semaphore, #tpu.memory_space<semaphore_mem>>
      %dma_start3A_381 = arith.constant 0 : i32
      %dma_start3A_382 = tpu.memref_slice %arg4[%add3A_86, %dma_start3A_381] : memref<10240x1024xf32, #tpu.memory_space<hbm>> -> memref<16x1024xf32, #tpu.memory_space<hbm>>
      %dma_start3A_383 = arith.constant 0 : i32
      %dma_start3A_384 = tpu.memref_slice %arg4[%add3A_86, %dma_start3A_383] : memref<10240x1024xf32, #tpu.memory_space<hbm>> -> memref<16x1024xf32, #tpu.memory_space<hbm>>
      tpu.enqueue_dma source(%arg8 : memref<16x1024xf32, #tpu.memory_space<vmem>>) target(%dma_start3A_384 : memref<16x1024xf32, #tpu.memory_space<hbm>>) target_semaphore(%run_scoped3A_380 : memref<!tpu.dma_semaphore, #tpu.memory_space<semaphore_mem>>)
      %dma_wait3A_385 = arith.constant 0 : i32
      %dma_wait3A_386 = tpu.memref_slice %arg4[%add3A_86, %dma_wait3A_385] : memref<10240x1024xf32, #tpu.memory_space<hbm>> -> memref<16x1024xf32, #tpu.memory_space<hbm>>
      %dma_wait3A_387 = arith.constant 0 : i32
      %dma_wait3A_388 = tpu.memref_slice %arg4[%add3A_86, %dma_wait3A_387] : memref<10240x1024xf32, #tpu.memory_space<hbm>> -> memref<16x1024xf32, #tpu.memory_space<hbm>>
      tpu.wait_dma2 semaphore(%run_scoped3A_380 : memref<!tpu.dma_semaphore, #tpu.memory_space<semaphore_mem>>) src(%arg8 : memref<16x1024xf32, #tpu.memory_space<vmem>>) dst(%dma_wait3A_388 : memref<16x1024xf32, #tpu.memory_space<hbm>>)
      tpu.yield
    }) : () -> ()
    %add3A_87 = arith.constant 96 : i32
    %add3A_88 = arith.addi %mul3A_2, %add3A_87 : i32
    %run_scoped3A_89 = arith.constant 2 : i32
    "tpu.region"() ({
      %run_scoped3A_380 = tpu.sem_alloc : memref<!tpu.dma_semaphore, #tpu.memory_space<semaphore_mem>>
      %dma_start3A_381 = arith.constant 0 : i32
      %dma_start3A_382 = tpu.memref_slice %arg5[%run_scoped3A_89, %dma_start3A_381] : memref<4x16xi32, #tpu.memory_space<vmem>> -> memref<1x16xi32, #tpu.memory_space<vmem>>
      %dma_start3A_383 = tpu.memref_squeeze %dma_start3A_382 : memref<1x16xi32, #tpu.memory_space<vmem>> -> memref<16xi32, #tpu.memory_space<vmem>>
      %dma_start3A_384 = tpu.memref_slice %arg3[%add3A_88] : memref<10240xi32, #tpu.memory_space<hbm>> -> memref<16xi32, #tpu.memory_space<hbm>>
      %dma_start3A_385 = arith.constant 0 : i32
      %dma_start3A_386 = tpu.memref_slice %arg5[%run_scoped3A_89, %dma_start3A_385] : memref<4x16xi32, #tpu.memory_space<vmem>> -> memref<1x16xi32, #tpu.memory_space<vmem>>
      %dma_start3A_387 = tpu.memref_squeeze %dma_start3A_386 : memref<1x16xi32, #tpu.memory_space<vmem>> -> memref<16xi32, #tpu.memory_space<vmem>>
      %dma_start3A_388 = tpu.memref_slice %arg3[%add3A_88] : memref<10240xi32, #tpu.memory_space<hbm>> -> memref<16xi32, #tpu.memory_space<hbm>>
      tpu.enqueue_dma source(%dma_start3A_388 : memref<16xi32, #tpu.memory_space<hbm>>) target(%dma_start3A_387 : memref<16xi32, #tpu.memory_space<vmem>>) target_semaphore(%run_scoped3A_380 : memref<!tpu.dma_semaphore, #tpu.memory_space<semaphore_mem>>)
      %dma_wait3A_389 = arith.constant 0 : i32
      %dma_wait3A_390 = tpu.memref_slice %arg5[%run_scoped3A_89, %dma_wait3A_389] : memref<4x16xi32, #tpu.memory_space<vmem>> -> memref<1x16xi32, #tpu.memory_space<vmem>>
      %dma_wait3A_391 = tpu.memref_squeeze %dma_wait3A_390 : memref<1x16xi32, #tpu.memory_space<vmem>> -> memref<16xi32, #tpu.memory_space<vmem>>
      %dma_wait3A_392 = tpu.memref_slice %arg3[%add3A_88] : memref<10240xi32, #tpu.memory_space<hbm>> -> memref<16xi32, #tpu.memory_space<hbm>>
      %dma_wait3A_393 = arith.constant 0 : i32
      %dma_wait3A_394 = tpu.memref_slice %arg5[%run_scoped3A_89, %dma_wait3A_393] : memref<4x16xi32, #tpu.memory_space<vmem>> -> memref<1x16xi32, #tpu.memory_space<vmem>>
      %dma_wait3A_395 = tpu.memref_squeeze %dma_wait3A_394 : memref<1x16xi32, #tpu.memory_space<vmem>> -> memref<16xi32, #tpu.memory_space<vmem>>
      %dma_wait3A_396 = tpu.memref_slice %arg3[%add3A_88] : memref<10240xi32, #tpu.memory_space<hbm>> -> memref<16xi32, #tpu.memory_space<hbm>>
      tpu.wait_dma2 semaphore(%run_scoped3A_380 : memref<!tpu.dma_semaphore, #tpu.memory_space<semaphore_mem>>) src(%dma_wait3A_396 : memref<16xi32, #tpu.memory_space<hbm>>) dst(%dma_wait3A_395 : memref<16xi32, #tpu.memory_space<vmem>>)
      tpu.yield
    }) : () -> ()
    %dma_start3A_90 = arith.constant 2 : i32
    %dma_start3A_91 = arith.constant 0 : i32
    %dma_start3A_92 = tpu.memref_slice %arg5[%dma_start3A_90, %dma_start3A_91] : memref<4x16xi32, #tpu.memory_space<vmem>> -> memref<1x16xi32, #tpu.memory_space<vmem>>
    %dma_start3A_93 = tpu.memref_squeeze %dma_start3A_92 : memref<1x16xi32, #tpu.memory_space<vmem>> -> memref<16xi32, #tpu.memory_space<vmem>>
    %dma_start3A_94 = arith.constant 0 : i32
    %dma_start3A_95 = arith.constant 0 : i32
    %dma_start3A_96 = tpu.memref_slice %arg2[%dma_start3A_94, %dma_start3A_95] : memref<4096x1024xf32, #tpu.memory_space<hbm>> -> memref<4096x1024xf32, #tpu.memory_space<hbm>>
    tpu.enqueue_indirect_dma source(%dma_start3A_96 : memref<4096x1024xf32, #tpu.memory_space<hbm>>) target(%arg8 : memref<16x1024xf32, #tpu.memory_space<vmem>>) offsets(%dma_start3A_93 : memref<16xi32, #tpu.memory_space<vmem>>) semaphore(%arg12 : memref<!tpu.dma_semaphore, #tpu.memory_space<semaphore_mem>>)
    %dma_wait3A_97 = arith.constant 3 : i32
    %dma_wait3A_98 = arith.constant 0 : i32
    %dma_wait3A_99 = tpu.memref_slice %arg5[%dma_wait3A_97, %dma_wait3A_98] : memref<4x16xi32, #tpu.memory_space<vmem>> -> memref<1x16xi32, #tpu.memory_space<vmem>>
    %dma_wait3A_100 = tpu.memref_squeeze %dma_wait3A_99 : memref<1x16xi32, #tpu.memory_space<vmem>> -> memref<16xi32, #tpu.memory_space<vmem>>
    %dma_wait3A_101 = arith.constant 0 : i32
    %dma_wait3A_102 = arith.constant 0 : i32
    %dma_wait3A_103 = tpu.memref_slice %arg2[%dma_wait3A_101, %dma_wait3A_102] : memref<4096x1024xf32, #tpu.memory_space<hbm>> -> memref<4096x1024xf32, #tpu.memory_space<hbm>>
    tpu.wait_indirect_dma semaphore(%arg13 : memref<!tpu.dma_semaphore, #tpu.memory_space<semaphore_mem>>) src(%dma_wait3A_103 : memref<4096x1024xf32, #tpu.memory_space<hbm>>) dst(%arg9 : memref<16x1024xf32, #tpu.memory_space<vmem>>)
    %add3A_104 = arith.constant 48 : i32
    %add3A_105 = arith.addi %mul3A_2, %add3A_104 : i32
    "tpu.region"() ({
      %run_scoped3A_380 = tpu.sem_alloc : memref<!tpu.dma_semaphore, #tpu.memory_space<semaphore_mem>>
      %dma_start3A_381 = arith.constant 0 : i32
      %dma_start3A_382 = tpu.memref_slice %arg4[%add3A_105, %dma_start3A_381] : memref<10240x1024xf32, #tpu.memory_space<hbm>> -> memref<16x1024xf32, #tpu.memory_space<hbm>>
      %dma_start3A_383 = arith.constant 0 : i32
      %dma_start3A_384 = tpu.memref_slice %arg4[%add3A_105, %dma_start3A_383] : memref<10240x1024xf32, #tpu.memory_space<hbm>> -> memref<16x1024xf32, #tpu.memory_space<hbm>>
      tpu.enqueue_dma source(%arg9 : memref<16x1024xf32, #tpu.memory_space<vmem>>) target(%dma_start3A_384 : memref<16x1024xf32, #tpu.memory_space<hbm>>) target_semaphore(%run_scoped3A_380 : memref<!tpu.dma_semaphore, #tpu.memory_space<semaphore_mem>>)
      %dma_wait3A_385 = arith.constant 0 : i32
      %dma_wait3A_386 = tpu.memref_slice %arg4[%add3A_105, %dma_wait3A_385] : memref<10240x1024xf32, #tpu.memory_space<hbm>> -> memref<16x1024xf32, #tpu.memory_space<hbm>>
      %dma_wait3A_387 = arith.constant 0 : i32
      %dma_wait3A_388 = tpu.memref_slice %arg4[%add3A_105, %dma_wait3A_387] : memref<10240x1024xf32, #tpu.memory_space<hbm>> -> memref<16x1024xf32, #tpu.memory_space<hbm>>
      tpu.wait_dma2 semaphore(%run_scoped3A_380 : memref<!tpu.dma_semaphore, #tpu.memory_space<semaphore_mem>>) src(%arg9 : memref<16x1024xf32, #tpu.memory_space<vmem>>) dst(%dma_wait3A_388 : memref<16x1024xf32, #tpu.memory_space<hbm>>)
      tpu.yield
    }) : () -> ()
    %add3A_106 = arith.constant 112 : i32
    %add3A_107 = arith.addi %mul3A_2, %add3A_106 : i32
    %run_scoped3A_108 = arith.constant 3 : i32
    "tpu.region"() ({
      %run_scoped3A_380 = tpu.sem_alloc : memref<!tpu.dma_semaphore, #tpu.memory_space<semaphore_mem>>
      %dma_start3A_381 = arith.constant 0 : i32
      %dma_start3A_382 = tpu.memref_slice %arg5[%run_scoped3A_108, %dma_start3A_381] : memref<4x16xi32, #tpu.memory_space<vmem>> -> memref<1x16xi32, #tpu.memory_space<vmem>>
      %dma_start3A_383 = tpu.memref_squeeze %dma_start3A_382 : memref<1x16xi32, #tpu.memory_space<vmem>> -> memref<16xi32, #tpu.memory_space<vmem>>
      %dma_start3A_384 = tpu.memref_slice %arg3[%add3A_107] : memref<10240xi32, #tpu.memory_space<hbm>> -> memref<16xi32, #tpu.memory_space<hbm>>
      %dma_start3A_385 = arith.constant 0 : i32
      %dma_start3A_386 = tpu.memref_slice %arg5[%run_scoped3A_108, %dma_start3A_385] : memref<4x16xi32, #tpu.memory_space<vmem>> -> memref<1x16xi32, #tpu.memory_space<vmem>>
      %dma_start3A_387 = tpu.memref_squeeze %dma_start3A_386 : memref<1x16xi32, #tpu.memory_space<vmem>> -> memref<16xi32, #tpu.memory_space<vmem>>
      %dma_start3A_388 = tpu.memref_slice %arg3[%add3A_107] : memref<10240xi32, #tpu.memory_space<hbm>> -> memref<16xi32, #tpu.memory_space<hbm>>
      tpu.enqueue_dma source(%dma_start3A_388 : memref<16xi32, #tpu.memory_space<hbm>>) target(%dma_start3A_387 : memref<16xi32, #tpu.memory_space<vmem>>) target_semaphore(%run_scoped3A_380 : memref<!tpu.dma_semaphore, #tpu.memory_space<semaphore_mem>>)
      %dma_wait3A_389 = arith.constant 0 : i32
      %dma_wait3A_390 = tpu.memref_slice %arg5[%run_scoped3A_108, %dma_wait3A_389] : memref<4x16xi32, #tpu.memory_space<vmem>> -> memref<1x16xi32, #tpu.memory_space<vmem>>
      %dma_wait3A_391 = tpu.memref_squeeze %dma_wait3A_390 : memref<1x16xi32, #tpu.memory_space<vmem>> -> memref<16xi32, #tpu.memory_space<vmem>>
      %dma_wait3A_392 = tpu.memref_slice %arg3[%add3A_107] : memref<10240xi32, #tpu.memory_space<hbm>> -> memref<16xi32, #tpu.memory_space<hbm>>
      %dma_wait3A_393 = arith.constant 0 : i32
      %dma_wait3A_394 = tpu.memref_slice %arg5[%run_scoped3A_108, %dma_wait3A_393] : memref<4x16xi32, #tpu.memory_space<vmem>> -> memref<1x16xi32, #tpu.memory_space<vmem>>
      %dma_wait3A_395 = tpu.memref_squeeze %dma_wait3A_394 : memref<1x16xi32, #tpu.memory_space<vmem>> -> memref<16xi32, #tpu.memory_space<vmem>>
      %dma_wait3A_396 = tpu.memref_slice %arg3[%add3A_107] : memref<10240xi32, #tpu.memory_space<hbm>> -> memref<16xi32, #tpu.memory_space<hbm>>
      tpu.wait_dma2 semaphore(%run_scoped3A_380 : memref<!tpu.dma_semaphore, #tpu.memory_space<semaphore_mem>>) src(%dma_wait3A_396 : memref<16xi32, #tpu.memory_space<hbm>>) dst(%dma_wait3A_395 : memref<16xi32, #tpu.memory_space<vmem>>)
      tpu.yield
    }) : () -> ()
    %dma_start3A_109 = arith.constant 3 : i32
    %dma_start3A_110 = arith.constant 0 : i32
    %dma_start3A_111 = tpu.memref_slice %arg5[%dma_start3A_109, %dma_start3A_110] : memref<4x16xi32, #tpu.memory_space<vmem>> -> memref<1x16xi32, #tpu.memory_space<vmem>>
    %dma_start3A_112 = tpu.memref_squeeze %dma_start3A_111 : memref<1x16xi32, #tpu.memory_space<vmem>> -> memref<16xi32, #tpu.memory_space<vmem>>
    %dma_start3A_113 = arith.constant 0 : i32
    %dma_start3A_114 = arith.constant 0 : i32
    %dma_start3A_115 = tpu.memref_slice %arg2[%dma_start3A_113, %dma_start3A_114] : memref<4096x1024xf32, #tpu.memory_space<hbm>> -> memref<4096x1024xf32, #tpu.memory_space<hbm>>
    tpu.enqueue_indirect_dma source(%dma_start3A_115 : memref<4096x1024xf32, #tpu.memory_space<hbm>>) target(%arg9 : memref<16x1024xf32, #tpu.memory_space<vmem>>) offsets(%dma_start3A_112 : memref<16xi32, #tpu.memory_space<vmem>>) semaphore(%arg13 : memref<!tpu.dma_semaphore, #tpu.memory_space<semaphore_mem>>)
    %dma_wait3A_116 = arith.constant 0 : i32
    %dma_wait3A_117 = arith.constant 0 : i32
    %dma_wait3A_118 = tpu.memref_slice %arg5[%dma_wait3A_116, %dma_wait3A_117] : memref<4x16xi32, #tpu.memory_space<vmem>> -> memref<1x16xi32, #tpu.memory_space<vmem>>
    %dma_wait3A_119 = tpu.memref_squeeze %dma_wait3A_118 : memref<1x16xi32, #tpu.memory_space<vmem>> -> memref<16xi32, #tpu.memory_space<vmem>>
    %dma_wait3A_120 = arith.constant 0 : i32
    %dma_wait3A_121 = arith.constant 0 : i32
    %dma_wait3A_122 = tpu.memref_slice %arg2[%dma_wait3A_120, %dma_wait3A_121] : memref<4096x1024xf32, #tpu.memory_space<hbm>> -> memref<4096x1024xf32, #tpu.memory_space<hbm>>
    tpu.wait_indirect_dma semaphore(%arg10 : memref<!tpu.dma_semaphore, #tpu.memory_space<semaphore_mem>>) src(%dma_wait3A_122 : memref<4096x1024xf32, #tpu.memory_space<hbm>>) dst(%arg6 : memref<16x1024xf32, #tpu.memory_space<vmem>>)
    %add3A_123 = arith.constant 64 : i32
    %add3A_124 = arith.addi %mul3A_2, %add3A_123 : i32
    "tpu.region"() ({
      %run_scoped3A_380 = tpu.sem_alloc : memref<!tpu.dma_semaphore, #tpu.memory_space<semaphore_mem>>
      %dma_start3A_381 = arith.constant 0 : i32
      %dma_start3A_382 = tpu.memref_slice %arg4[%add3A_124, %dma_start3A_381] : memref<10240x1024xf32, #tpu.memory_space<hbm>> -> memref<16x1024xf32, #tpu.memory_space<hbm>>
      %dma_start3A_383 = arith.constant 0 : i32
      %dma_start3A_384 = tpu.memref_slice %arg4[%add3A_124, %dma_start3A_383] : memref<10240x1024xf32, #tpu.memory_space<hbm>> -> memref<16x1024xf32, #tpu.memory_space<hbm>>
      tpu.enqueue_dma source(%arg6 : memref<16x1024xf32, #tpu.memory_space<vmem>>) target(%dma_start3A_384 : memref<16x1024xf32, #tpu.memory_space<hbm>>) target_semaphore(%run_scoped3A_380 : memref<!tpu.dma_semaphore, #tpu.memory_space<semaphore_mem>>)
      %dma_wait3A_385 = arith.constant 0 : i32
      %dma_wait3A_386 = tpu.memref_slice %arg4[%add3A_124, %dma_wait3A_385] : memref<10240x1024xf32, #tpu.memory_space<hbm>> -> memref<16x1024xf32, #tpu.memory_space<hbm>>
      %dma_wait3A_387 = arith.constant 0 : i32
      %dma_wait3A_388 = tpu.memref_slice %arg4[%add3A_124, %dma_wait3A_387] : memref<10240x1024xf32, #tpu.memory_space<hbm>> -> memref<16x1024xf32, #tpu.memory_space<hbm>>
      tpu.wait_dma2 semaphore(%run_scoped3A_380 : memref<!tpu.dma_semaphore, #tpu.memory_space<semaphore_mem>>) src(%arg6 : memref<16x1024xf32, #tpu.memory_space<vmem>>) dst(%dma_wait3A_388 : memref<16x1024xf32, #tpu.memory_space<hbm>>)
      tpu.yield
    }) : () -> ()
    %add3A_125 = arith.constant 128 : i32
    %add3A_126 = arith.addi %mul3A_2, %add3A_125 : i32
    %run_scoped3A_127 = arith.constant 0 : i32
    "tpu.region"() ({
      %run_scoped3A_380 = tpu.sem_alloc : memref<!tpu.dma_semaphore, #tpu.memory_space<semaphore_mem>>
      %dma_start3A_381 = arith.constant 0 : i32
      %dma_start3A_382 = tpu.memref_slice %arg5[%run_scoped3A_127, %dma_start3A_381] : memref<4x16xi32, #tpu.memory_space<vmem>> -> memref<1x16xi32, #tpu.memory_space<vmem>>
      %dma_start3A_383 = tpu.memref_squeeze %dma_start3A_382 : memref<1x16xi32, #tpu.memory_space<vmem>> -> memref<16xi32, #tpu.memory_space<vmem>>
      %dma_start3A_384 = tpu.memref_slice %arg3[%add3A_126] : memref<10240xi32, #tpu.memory_space<hbm>> -> memref<16xi32, #tpu.memory_space<hbm>>
      %dma_start3A_385 = arith.constant 0 : i32
      %dma_start3A_386 = tpu.memref_slice %arg5[%run_scoped3A_127, %dma_start3A_385] : memref<4x16xi32, #tpu.memory_space<vmem>> -> memref<1x16xi32, #tpu.memory_space<vmem>>
      %dma_start3A_387 = tpu.memref_squeeze %dma_start3A_386 : memref<1x16xi32, #tpu.memory_space<vmem>> -> memref<16xi32, #tpu.memory_space<vmem>>
      %dma_start3A_388 = tpu.memref_slice %arg3[%add3A_126] : memref<10240xi32, #tpu.memory_space<hbm>> -> memref<16xi32, #tpu.memory_space<hbm>>
      tpu.enqueue_dma source(%dma_start3A_388 : memref<16xi32, #tpu.memory_space<hbm>>) target(%dma_start3A_387 : memref<16xi32, #tpu.memory_space<vmem>>) target_semaphore(%run_scoped3A_380 : memref<!tpu.dma_semaphore, #tpu.memory_space<semaphore_mem>>)
      %dma_wait3A_389 = arith.constant 0 : i32
      %dma_wait3A_390 = tpu.memref_slice %arg5[%run_scoped3A_127, %dma_wait3A_389] : memref<4x16xi32, #tpu.memory_space<vmem>> -> memref<1x16xi32, #tpu.memory_space<vmem>>
      %dma_wait3A_391 = tpu.memref_squeeze %dma_wait3A_390 : memref<1x16xi32, #tpu.memory_space<vmem>> -> memref<16xi32, #tpu.memory_space<vmem>>
      %dma_wait3A_392 = tpu.memref_slice %arg3[%add3A_126] : memref<10240xi32, #tpu.memory_space<hbm>> -> memref<16xi32, #tpu.memory_space<hbm>>
      %dma_wait3A_393 = arith.constant 0 : i32
      %dma_wait3A_394 = tpu.memref_slice %arg5[%run_scoped3A_127, %dma_wait3A_393] : memref<4x16xi32, #tpu.memory_space<vmem>> -> memref<1x16xi32, #tpu.memory_space<vmem>>
      %dma_wait3A_395 = tpu.memref_squeeze %dma_wait3A_394 : memref<1x16xi32, #tpu.memory_space<vmem>> -> memref<16xi32, #tpu.memory_space<vmem>>
      %dma_wait3A_396 = tpu.memref_slice %arg3[%add3A_126] : memref<10240xi32, #tpu.memory_space<hbm>> -> memref<16xi32, #tpu.memory_space<hbm>>
      tpu.wait_dma2 semaphore(%run_scoped3A_380 : memref<!tpu.dma_semaphore, #tpu.memory_space<semaphore_mem>>) src(%dma_wait3A_396 : memref<16xi32, #tpu.memory_space<hbm>>) dst(%dma_wait3A_395 : memref<16xi32, #tpu.memory_space<vmem>>)
      tpu.yield
    }) : () -> ()
    %dma_start3A_128 = arith.constant 0 : i32
    %dma_start3A_129 = arith.constant 0 : i32
    %dma_start3A_130 = tpu.memref_slice %arg5[%dma_start3A_128, %dma_start3A_129] : memref<4x16xi32, #tpu.memory_space<vmem>> -> memref<1x16xi32, #tpu.memory_space<vmem>>
    %dma_start3A_131 = tpu.memref_squeeze %dma_start3A_130 : memref<1x16xi32, #tpu.memory_space<vmem>> -> memref<16xi32, #tpu.memory_space<vmem>>
    %dma_start3A_132 = arith.constant 0 : i32
    %dma_start3A_133 = arith.constant 0 : i32
    %dma_start3A_134 = tpu.memref_slice %arg2[%dma_start3A_132, %dma_start3A_133] : memref<4096x1024xf32, #tpu.memory_space<hbm>> -> memref<4096x1024xf32, #tpu.memory_space<hbm>>
    tpu.enqueue_indirect_dma source(%dma_start3A_134 : memref<4096x1024xf32, #tpu.memory_space<hbm>>) target(%arg6 : memref<16x1024xf32, #tpu.memory_space<vmem>>) offsets(%dma_start3A_131 : memref<16xi32, #tpu.memory_space<vmem>>) semaphore(%arg10 : memref<!tpu.dma_semaphore, #tpu.memory_space<semaphore_mem>>)
    %dma_wait3A_135 = arith.constant 1 : i32
    %dma_wait3A_136 = arith.constant 0 : i32
    %dma_wait3A_137 = tpu.memref_slice %arg5[%dma_wait3A_135, %dma_wait3A_136] : memref<4x16xi32, #tpu.memory_space<vmem>> -> memref<1x16xi32, #tpu.memory_space<vmem>>
    %dma_wait3A_138 = tpu.memref_squeeze %dma_wait3A_137 : memref<1x16xi32, #tpu.memory_space<vmem>> -> memref<16xi32, #tpu.memory_space<vmem>>
    %dma_wait3A_139 = arith.constant 0 : i32
    %dma_wait3A_140 = arith.constant 0 : i32
    %dma_wait3A_141 = tpu.memref_slice %arg2[%dma_wait3A_139, %dma_wait3A_140] : memref<4096x1024xf32, #tpu.memory_space<hbm>> -> memref<4096x1024xf32, #tpu.memory_space<hbm>>
    tpu.wait_indirect_dma semaphore(%arg11 : memref<!tpu.dma_semaphore, #tpu.memory_space<semaphore_mem>>) src(%dma_wait3A_141 : memref<4096x1024xf32, #tpu.memory_space<hbm>>) dst(%arg7 : memref<16x1024xf32, #tpu.memory_space<vmem>>)
    %add3A_142 = arith.constant 80 : i32
    %add3A_143 = arith.addi %mul3A_2, %add3A_142 : i32
    "tpu.region"() ({
      %run_scoped3A_380 = tpu.sem_alloc : memref<!tpu.dma_semaphore, #tpu.memory_space<semaphore_mem>>
      %dma_start3A_381 = arith.constant 0 : i32
      %dma_start3A_382 = tpu.memref_slice %arg4[%add3A_143, %dma_start3A_381] : memref<10240x1024xf32, #tpu.memory_space<hbm>> -> memref<16x1024xf32, #tpu.memory_space<hbm>>
      %dma_start3A_383 = arith.constant 0 : i32
      %dma_start3A_384 = tpu.memref_slice %arg4[%add3A_143, %dma_start3A_383] : memref<10240x1024xf32, #tpu.memory_space<hbm>> -> memref<16x1024xf32, #tpu.memory_space<hbm>>
      tpu.enqueue_dma source(%arg7 : memref<16x1024xf32, #tpu.memory_space<vmem>>) target(%dma_start3A_384 : memref<16x1024xf32, #tpu.memory_space<hbm>>) target_semaphore(%run_scoped3A_380 : memref<!tpu.dma_semaphore, #tpu.memory_space<semaphore_mem>>)
      %dma_wait3A_385 = arith.constant 0 : i32
      %dma_wait3A_386 = tpu.memref_slice %arg4[%add3A_143, %dma_wait3A_385] : memref<10240x1024xf32, #tpu.memory_space<hbm>> -> memref<16x1024xf32, #tpu.memory_space<hbm>>
      %dma_wait3A_387 = arith.constant 0 : i32
      %dma_wait3A_388 = tpu.memref_slice %arg4[%add3A_143, %dma_wait3A_387] : memref<10240x1024xf32, #tpu.memory_space<hbm>> -> memref<16x1024xf32, #tpu.memory_space<hbm>>
      tpu.wait_dma2 semaphore(%run_scoped3A_380 : memref<!tpu.dma_semaphore, #tpu.memory_space<semaphore_mem>>) src(%arg7 : memref<16x1024xf32, #tpu.memory_space<vmem>>) dst(%dma_wait3A_388 : memref<16x1024xf32, #tpu.memory_space<hbm>>)
      tpu.yield
    }) : () -> ()
    %add3A_144 = arith.constant 144 : i32
    %add3A_145 = arith.addi %mul3A_2, %add3A_144 : i32
    %run_scoped3A_146 = arith.constant 1 : i32
    "tpu.region"() ({
      %run_scoped3A_380 = tpu.sem_alloc : memref<!tpu.dma_semaphore, #tpu.memory_space<semaphore_mem>>
      %dma_start3A_381 = arith.constant 0 : i32
      %dma_start3A_382 = tpu.memref_slice %arg5[%run_scoped3A_146, %dma_start3A_381] : memref<4x16xi32, #tpu.memory_space<vmem>> -> memref<1x16xi32, #tpu.memory_space<vmem>>
      %dma_start3A_383 = tpu.memref_squeeze %dma_start3A_382 : memref<1x16xi32, #tpu.memory_space<vmem>> -> memref<16xi32, #tpu.memory_space<vmem>>
      %dma_start3A_384 = tpu.memref_slice %arg3[%add3A_145] : memref<10240xi32, #tpu.memory_space<hbm>> -> memref<16xi32, #tpu.memory_space<hbm>>
      %dma_start3A_385 = arith.constant 0 : i32
      %dma_start3A_386 = tpu.memref_slice %arg5[%run_scoped3A_146, %dma_start3A_385] : memref<4x16xi32, #tpu.memory_space<vmem>> -> memref<1x16xi32, #tpu.memory_space<vmem>>
      %dma_start3A_387 = tpu.memref_squeeze %dma_start3A_386 : memref<1x16xi32, #tpu.memory_space<vmem>> -> memref<16xi32, #tpu.memory_space<vmem>>
      %dma_start3A_388 = tpu.memref_slice %arg3[%add3A_145] : memref<10240xi32, #tpu.memory_space<hbm>> -> memref<16xi32, #tpu.memory_space<hbm>>
      tpu.enqueue_dma source(%dma_start3A_388 : memref<16xi32, #tpu.memory_space<hbm>>) target(%dma_start3A_387 : memref<16xi32, #tpu.memory_space<vmem>>) target_semaphore(%run_scoped3A_380 : memref<!tpu.dma_semaphore, #tpu.memory_space<semaphore_mem>>)
      %dma_wait3A_389 = arith.constant 0 : i32
      %dma_wait3A_390 = tpu.memref_slice %arg5[%run_scoped3A_146, %dma_wait3A_389] : memref<4x16xi32, #tpu.memory_space<vmem>> -> memref<1x16xi32, #tpu.memory_space<vmem>>
      %dma_wait3A_391 = tpu.memref_squeeze %dma_wait3A_390 : memref<1x16xi32, #tpu.memory_space<vmem>> -> memref<16xi32, #tpu.memory_space<vmem>>
      %dma_wait3A_392 = tpu.memref_slice %arg3[%add3A_145] : memref<10240xi32, #tpu.memory_space<hbm>> -> memref<16xi32, #tpu.memory_space<hbm>>
      %dma_wait3A_393 = arith.constant 0 : i32
      %dma_wait3A_394 = tpu.memref_slice %arg5[%run_scoped3A_146, %dma_wait3A_393] : memref<4x16xi32, #tpu.memory_space<vmem>> -> memref<1x16xi32, #tpu.memory_space<vmem>>
      %dma_wait3A_395 = tpu.memref_squeeze %dma_wait3A_394 : memref<1x16xi32, #tpu.memory_space<vmem>> -> memref<16xi32, #tpu.memory_space<vmem>>
      %dma_wait3A_396 = tpu.memref_slice %arg3[%add3A_145] : memref<10240xi32, #tpu.memory_space<hbm>> -> memref<16xi32, #tpu.memory_space<hbm>>
      tpu.wait_dma2 semaphore(%run_scoped3A_380 : memref<!tpu.dma_semaphore, #tpu.memory_space<semaphore_mem>>) src(%dma_wait3A_396 : memref<16xi32, #tpu.memory_space<hbm>>) dst(%dma_wait3A_395 : memref<16xi32, #tpu.memory_space<vmem>>)
      tpu.yield
    }) : () -> ()
    %dma_start3A_147 = arith.constant 1 : i32
    %dma_start3A_148 = arith.constant 0 : i32
    %dma_start3A_149 = tpu.memref_slice %arg5[%dma_start3A_147, %dma_start3A_148] : memref<4x16xi32, #tpu.memory_space<vmem>> -> memref<1x16xi32, #tpu.memory_space<vmem>>
    %dma_start3A_150 = tpu.memref_squeeze %dma_start3A_149 : memref<1x16xi32, #tpu.memory_space<vmem>> -> memref<16xi32, #tpu.memory_space<vmem>>
    %dma_start3A_151 = arith.constant 0 : i32
    %dma_start3A_152 = arith.constant 0 : i32
    %dma_start3A_153 = tpu.memref_slice %arg2[%dma_start3A_151, %dma_start3A_152] : memref<4096x1024xf32, #tpu.memory_space<hbm>> -> memref<4096x1024xf32, #tpu.memory_space<hbm>>
    tpu.enqueue_indirect_dma source(%dma_start3A_153 : memref<4096x1024xf32, #tpu.memory_space<hbm>>) target(%arg7 : memref<16x1024xf32, #tpu.memory_space<vmem>>) offsets(%dma_start3A_150 : memref<16xi32, #tpu.memory_space<vmem>>) semaphore(%arg11 : memref<!tpu.dma_semaphore, #tpu.memory_space<semaphore_mem>>)
    %dma_wait3A_154 = arith.constant 2 : i32
    %dma_wait3A_155 = arith.constant 0 : i32
    %dma_wait3A_156 = tpu.memref_slice %arg5[%dma_wait3A_154, %dma_wait3A_155] : memref<4x16xi32, #tpu.memory_space<vmem>> -> memref<1x16xi32, #tpu.memory_space<vmem>>
    %dma_wait3A_157 = tpu.memref_squeeze %dma_wait3A_156 : memref<1x16xi32, #tpu.memory_space<vmem>> -> memref<16xi32, #tpu.memory_space<vmem>>
    %dma_wait3A_158 = arith.constant 0 : i32
    %dma_wait3A_159 = arith.constant 0 : i32
    %dma_wait3A_160 = tpu.memref_slice %arg2[%dma_wait3A_158, %dma_wait3A_159] : memref<4096x1024xf32, #tpu.memory_space<hbm>> -> memref<4096x1024xf32, #tpu.memory_space<hbm>>
    tpu.wait_indirect_dma semaphore(%arg12 : memref<!tpu.dma_semaphore, #tpu.memory_space<semaphore_mem>>) src(%dma_wait3A_160 : memref<4096x1024xf32, #tpu.memory_space<hbm>>) dst(%arg8 : memref<16x1024xf32, #tpu.memory_space<vmem>>)
    %add3A_161 = arith.constant 96 : i32
    %add3A_162 = arith.addi %mul3A_2, %add3A_161 : i32
    "tpu.region"() ({
      %run_scoped3A_380 = tpu.sem_alloc : memref<!tpu.dma_semaphore, #tpu.memory_space<semaphore_mem>>
      %dma_start3A_381 = arith.constant 0 : i32
      %dma_start3A_382 = tpu.memref_slice %arg4[%add3A_162, %dma_start3A_381] : memref<10240x1024xf32, #tpu.memory_space<hbm>> -> memref<16x1024xf32, #tpu.memory_space<hbm>>
      %dma_start3A_383 = arith.constant 0 : i32
      %dma_start3A_384 = tpu.memref_slice %arg4[%add3A_162, %dma_start3A_383] : memref<10240x1024xf32, #tpu.memory_space<hbm>> -> memref<16x1024xf32, #tpu.memory_space<hbm>>
      tpu.enqueue_dma source(%arg8 : memref<16x1024xf32, #tpu.memory_space<vmem>>) target(%dma_start3A_384 : memref<16x1024xf32, #tpu.memory_space<hbm>>) target_semaphore(%run_scoped3A_380 : memref<!tpu.dma_semaphore, #tpu.memory_space<semaphore_mem>>)
      %dma_wait3A_385 = arith.constant 0 : i32
      %dma_wait3A_386 = tpu.memref_slice %arg4[%add3A_162, %dma_wait3A_385] : memref<10240x1024xf32, #tpu.memory_space<hbm>> -> memref<16x1024xf32, #tpu.memory_space<hbm>>
      %dma_wait3A_387 = arith.constant 0 : i32
      %dma_wait3A_388 = tpu.memref_slice %arg4[%add3A_162, %dma_wait3A_387] : memref<10240x1024xf32, #tpu.memory_space<hbm>> -> memref<16x1024xf32, #tpu.memory_space<hbm>>
      tpu.wait_dma2 semaphore(%run_scoped3A_380 : memref<!tpu.dma_semaphore, #tpu.memory_space<semaphore_mem>>) src(%arg8 : memref<16x1024xf32, #tpu.memory_space<vmem>>) dst(%dma_wait3A_388 : memref<16x1024xf32, #tpu.memory_space<hbm>>)
      tpu.yield
    }) : () -> ()
    %add3A_163 = arith.constant 160 : i32
    %add3A_164 = arith.addi %mul3A_2, %add3A_163 : i32
    %run_scoped3A_165 = arith.constant 2 : i32
    "tpu.region"() ({
      %run_scoped3A_380 = tpu.sem_alloc : memref<!tpu.dma_semaphore, #tpu.memory_space<semaphore_mem>>
      %dma_start3A_381 = arith.constant 0 : i32
      %dma_start3A_382 = tpu.memref_slice %arg5[%run_scoped3A_165, %dma_start3A_381] : memref<4x16xi32, #tpu.memory_space<vmem>> -> memref<1x16xi32, #tpu.memory_space<vmem>>
      %dma_start3A_383 = tpu.memref_squeeze %dma_start3A_382 : memref<1x16xi32, #tpu.memory_space<vmem>> -> memref<16xi32, #tpu.memory_space<vmem>>
      %dma_start3A_384 = tpu.memref_slice %arg3[%add3A_164] : memref<10240xi32, #tpu.memory_space<hbm>> -> memref<16xi32, #tpu.memory_space<hbm>>
      %dma_start3A_385 = arith.constant 0 : i32
      %dma_start3A_386 = tpu.memref_slice %arg5[%run_scoped3A_165, %dma_start3A_385] : memref<4x16xi32, #tpu.memory_space<vmem>> -> memref<1x16xi32, #tpu.memory_space<vmem>>
      %dma_start3A_387 = tpu.memref_squeeze %dma_start3A_386 : memref<1x16xi32, #tpu.memory_space<vmem>> -> memref<16xi32, #tpu.memory_space<vmem>>
      %dma_start3A_388 = tpu.memref_slice %arg3[%add3A_164] : memref<10240xi32, #tpu.memory_space<hbm>> -> memref<16xi32, #tpu.memory_space<hbm>>
      tpu.enqueue_dma source(%dma_start3A_388 : memref<16xi32, #tpu.memory_space<hbm>>) target(%dma_start3A_387 : memref<16xi32, #tpu.memory_space<vmem>>) target_semaphore(%run_scoped3A_380 : memref<!tpu.dma_semaphore, #tpu.memory_space<semaphore_mem>>)
      %dma_wait3A_389 = arith.constant 0 : i32
      %dma_wait3A_390 = tpu.memref_slice %arg5[%run_scoped3A_165, %dma_wait3A_389] : memref<4x16xi32, #tpu.memory_space<vmem>> -> memref<1x16xi32, #tpu.memory_space<vmem>>
      %dma_wait3A_391 = tpu.memref_squeeze %dma_wait3A_390 : memref<1x16xi32, #tpu.memory_space<vmem>> -> memref<16xi32, #tpu.memory_space<vmem>>
      %dma_wait3A_392 = tpu.memref_slice %arg3[%add3A_164] : memref<10240xi32, #tpu.memory_space<hbm>> -> memref<16xi32, #tpu.memory_space<hbm>>
      %dma_wait3A_393 = arith.constant 0 : i32
      %dma_wait3A_394 = tpu.memref_slice %arg5[%run_scoped3A_165, %dma_wait3A_393] : memref<4x16xi32, #tpu.memory_space<vmem>> -> memref<1x16xi32, #tpu.memory_space<vmem>>
      %dma_wait3A_395 = tpu.memref_squeeze %dma_wait3A_394 : memref<1x16xi32, #tpu.memory_space<vmem>> -> memref<16xi32, #tpu.memory_space<vmem>>
      %dma_wait3A_396 = tpu.memref_slice %arg3[%add3A_164] : memref<10240xi32, #tpu.memory_space<hbm>> -> memref<16xi32, #tpu.memory_space<hbm>>
      tpu.wait_dma2 semaphore(%run_scoped3A_380 : memref<!tpu.dma_semaphore, #tpu.memory_space<semaphore_mem>>) src(%dma_wait3A_396 : memref<16xi32, #tpu.memory_space<hbm>>) dst(%dma_wait3A_395 : memref<16xi32, #tpu.memory_space<vmem>>)
      tpu.yield
    }) : () -> ()
    %dma_start3A_166 = arith.constant 2 : i32
    %dma_start3A_167 = arith.constant 0 : i32
    %dma_start3A_168 = tpu.memref_slice %arg5[%dma_start3A_166, %dma_start3A_167] : memref<4x16xi32, #tpu.memory_space<vmem>> -> memref<1x16xi32, #tpu.memory_space<vmem>>
    %dma_start3A_169 = tpu.memref_squeeze %dma_start3A_168 : memref<1x16xi32, #tpu.memory_space<vmem>> -> memref<16xi32, #tpu.memory_space<vmem>>
    %dma_start3A_170 = arith.constant 0 : i32
    %dma_start3A_171 = arith.constant 0 : i32
    %dma_start3A_172 = tpu.memref_slice %arg2[%dma_start3A_170, %dma_start3A_171] : memref<4096x1024xf32, #tpu.memory_space<hbm>> -> memref<4096x1024xf32, #tpu.memory_space<hbm>>
    tpu.enqueue_indirect_dma source(%dma_start3A_172 : memref<4096x1024xf32, #tpu.memory_space<hbm>>) target(%arg8 : memref<16x1024xf32, #tpu.memory_space<vmem>>) offsets(%dma_start3A_169 : memref<16xi32, #tpu.memory_space<vmem>>) semaphore(%arg12 : memref<!tpu.dma_semaphore, #tpu.memory_space<semaphore_mem>>)
    %dma_wait3A_173 = arith.constant 3 : i32
    %dma_wait3A_174 = arith.constant 0 : i32
    %dma_wait3A_175 = tpu.memref_slice %arg5[%dma_wait3A_173, %dma_wait3A_174] : memref<4x16xi32, #tpu.memory_space<vmem>> -> memref<1x16xi32, #tpu.memory_space<vmem>>
    %dma_wait3A_176 = tpu.memref_squeeze %dma_wait3A_175 : memref<1x16xi32, #tpu.memory_space<vmem>> -> memref<16xi32, #tpu.memory_space<vmem>>
    %dma_wait3A_177 = arith.constant 0 : i32
    %dma_wait3A_178 = arith.constant 0 : i32
    %dma_wait3A_179 = tpu.memref_slice %arg2[%dma_wait3A_177, %dma_wait3A_178] : memref<4096x1024xf32, #tpu.memory_space<hbm>> -> memref<4096x1024xf32, #tpu.memory_space<hbm>>
    tpu.wait_indirect_dma semaphore(%arg13 : memref<!tpu.dma_semaphore, #tpu.memory_space<semaphore_mem>>) src(%dma_wait3A_179 : memref<4096x1024xf32, #tpu.memory_space<hbm>>) dst(%arg9 : memref<16x1024xf32, #tpu.memory_space<vmem>>)
    %add3A_180 = arith.constant 112 : i32
    %add3A_181 = arith.addi %mul3A_2, %add3A_180 : i32
    "tpu.region"() ({
      %run_scoped3A_380 = tpu.sem_alloc : memref<!tpu.dma_semaphore, #tpu.memory_space<semaphore_mem>>
      %dma_start3A_381 = arith.constant 0 : i32
      %dma_start3A_382 = tpu.memref_slice %arg4[%add3A_181, %dma_start3A_381] : memref<10240x1024xf32, #tpu.memory_space<hbm>> -> memref<16x1024xf32, #tpu.memory_space<hbm>>
      %dma_start3A_383 = arith.constant 0 : i32
      %dma_start3A_384 = tpu.memref_slice %arg4[%add3A_181, %dma_start3A_383] : memref<10240x1024xf32, #tpu.memory_space<hbm>> -> memref<16x1024xf32, #tpu.memory_space<hbm>>
      tpu.enqueue_dma source(%arg9 : memref<16x1024xf32, #tpu.memory_space<vmem>>) target(%dma_start3A_384 : memref<16x1024xf32, #tpu.memory_space<hbm>>) target_semaphore(%run_scoped3A_380 : memref<!tpu.dma_semaphore, #tpu.memory_space<semaphore_mem>>)
      %dma_wait3A_385 = arith.constant 0 : i32
      %dma_wait3A_386 = tpu.memref_slice %arg4[%add3A_181, %dma_wait3A_385] : memref<10240x1024xf32, #tpu.memory_space<hbm>> -> memref<16x1024xf32, #tpu.memory_space<hbm>>
      %dma_wait3A_387 = arith.constant 0 : i32
      %dma_wait3A_388 = tpu.memref_slice %arg4[%add3A_181, %dma_wait3A_387] : memref<10240x1024xf32, #tpu.memory_space<hbm>> -> memref<16x1024xf32, #tpu.memory_space<hbm>>
      tpu.wait_dma2 semaphore(%run_scoped3A_380 : memref<!tpu.dma_semaphore, #tpu.memory_space<semaphore_mem>>) src(%arg9 : memref<16x1024xf32, #tpu.memory_space<vmem>>) dst(%dma_wait3A_388 : memref<16x1024xf32, #tpu.memory_space<hbm>>)
      tpu.yield
    }) : () -> ()
    %add3A_182 = arith.constant 176 : i32
    %add3A_183 = arith.addi %mul3A_2, %add3A_182 : i32
    %run_scoped3A_184 = arith.constant 3 : i32
    "tpu.region"() ({
      %run_scoped3A_380 = tpu.sem_alloc : memref<!tpu.dma_semaphore, #tpu.memory_space<semaphore_mem>>
      %dma_start3A_381 = arith.constant 0 : i32
      %dma_start3A_382 = tpu.memref_slice %arg5[%run_scoped3A_184, %dma_start3A_381] : memref<4x16xi32, #tpu.memory_space<vmem>> -> memref<1x16xi32, #tpu.memory_space<vmem>>
      %dma_start3A_383 = tpu.memref_squeeze %dma_start3A_382 : memref<1x16xi32, #tpu.memory_space<vmem>> -> memref<16xi32, #tpu.memory_space<vmem>>
      %dma_start3A_384 = tpu.memref_slice %arg3[%add3A_183] : memref<10240xi32, #tpu.memory_space<hbm>> -> memref<16xi32, #tpu.memory_space<hbm>>
      %dma_start3A_385 = arith.constant 0 : i32
      %dma_start3A_386 = tpu.memref_slice %arg5[%run_scoped3A_184, %dma_start3A_385] : memref<4x16xi32, #tpu.memory_space<vmem>> -> memref<1x16xi32, #tpu.memory_space<vmem>>
      %dma_start3A_387 = tpu.memref_squeeze %dma_start3A_386 : memref<1x16xi32, #tpu.memory_space<vmem>> -> memref<16xi32, #tpu.memory_space<vmem>>
      %dma_start3A_388 = tpu.memref_slice %arg3[%add3A_183] : memref<10240xi32, #tpu.memory_space<hbm>> -> memref<16xi32, #tpu.memory_space<hbm>>
      tpu.enqueue_dma source(%dma_start3A_388 : memref<16xi32, #tpu.memory_space<hbm>>) target(%dma_start3A_387 : memref<16xi32, #tpu.memory_space<vmem>>) target_semaphore(%run_scoped3A_380 : memref<!tpu.dma_semaphore, #tpu.memory_space<semaphore_mem>>)
      %dma_wait3A_389 = arith.constant 0 : i32
      %dma_wait3A_390 = tpu.memref_slice %arg5[%run_scoped3A_184, %dma_wait3A_389] : memref<4x16xi32, #tpu.memory_space<vmem>> -> memref<1x16xi32, #tpu.memory_space<vmem>>
      %dma_wait3A_391 = tpu.memref_squeeze %dma_wait3A_390 : memref<1x16xi32, #tpu.memory_space<vmem>> -> memref<16xi32, #tpu.memory_space<vmem>>
      %dma_wait3A_392 = tpu.memref_slice %arg3[%add3A_183] : memref<10240xi32, #tpu.memory_space<hbm>> -> memref<16xi32, #tpu.memory_space<hbm>>
      %dma_wait3A_393 = arith.constant 0 : i32
      %dma_wait3A_394 = tpu.memref_slice %arg5[%run_scoped3A_184, %dma_wait3A_393] : memref<4x16xi32, #tpu.memory_space<vmem>> -> memref<1x16xi32, #tpu.memory_space<vmem>>
      %dma_wait3A_395 = tpu.memref_squeeze %dma_wait3A_394 : memref<1x16xi32, #tpu.memory_space<vmem>> -> memref<16xi32, #tpu.memory_space<vmem>>
      %dma_wait3A_396 = tpu.memref_slice %arg3[%add3A_183] : memref<10240xi32, #tpu.memory_space<hbm>> -> memref<16xi32, #tpu.memory_space<hbm>>
      tpu.wait_dma2 semaphore(%run_scoped3A_380 : memref<!tpu.dma_semaphore, #tpu.memory_space<semaphore_mem>>) src(%dma_wait3A_396 : memref<16xi32, #tpu.memory_space<hbm>>) dst(%dma_wait3A_395 : memref<16xi32, #tpu.memory_space<vmem>>)
      tpu.yield
    }) : () -> ()
    %dma_start3A_185 = arith.constant 3 : i32
    %dma_start3A_186 = arith.constant 0 : i32
    %dma_start3A_187 = tpu.memref_slice %arg5[%dma_start3A_185, %dma_start3A_186] : memref<4x16xi32, #tpu.memory_space<vmem>> -> memref<1x16xi32, #tpu.memory_space<vmem>>
    %dma_start3A_188 = tpu.memref_squeeze %dma_start3A_187 : memref<1x16xi32, #tpu.memory_space<vmem>> -> memref<16xi32, #tpu.memory_space<vmem>>
    %dma_start3A_189 = arith.constant 0 : i32
    %dma_start3A_190 = arith.constant 0 : i32
    %dma_start3A_191 = tpu.memref_slice %arg2[%dma_start3A_189, %dma_start3A_190] : memref<4096x1024xf32, #tpu.memory_space<hbm>> -> memref<4096x1024xf32, #tpu.memory_space<hbm>>
    tpu.enqueue_indirect_dma source(%dma_start3A_191 : memref<4096x1024xf32, #tpu.memory_space<hbm>>) target(%arg9 : memref<16x1024xf32, #tpu.memory_space<vmem>>) offsets(%dma_start3A_188 : memref<16xi32, #tpu.memory_space<vmem>>) semaphore(%arg13 : memref<!tpu.dma_semaphore, #tpu.memory_space<semaphore_mem>>)
    %dma_wait3A_192 = arith.constant 0 : i32
    %dma_wait3A_193 = arith.constant 0 : i32
    %dma_wait3A_194 = tpu.memref_slice %arg5[%dma_wait3A_192, %dma_wait3A_193] : memref<4x16xi32, #tpu.memory_space<vmem>> -> memref<1x16xi32, #tpu.memory_space<vmem>>
    %dma_wait3A_195 = tpu.memref_squeeze %dma_wait3A_194 : memref<1x16xi32, #tpu.memory_space<vmem>> -> memref<16xi32, #tpu.memory_space<vmem>>
    %dma_wait3A_196 = arith.constant 0 : i32
    %dma_wait3A_197 = arith.constant 0 : i32
    %dma_wait3A_198 = tpu.memref_slice %arg2[%dma_wait3A_196, %dma_wait3A_197] : memref<4096x1024xf32, #tpu.memory_space<hbm>> -> memref<4096x1024xf32, #tpu.memory_space<hbm>>
    tpu.wait_indirect_dma semaphore(%arg10 : memref<!tpu.dma_semaphore, #tpu.memory_space<semaphore_mem>>) src(%dma_wait3A_198 : memref<4096x1024xf32, #tpu.memory_space<hbm>>) dst(%arg6 : memref<16x1024xf32, #tpu.memory_space<vmem>>)
    %add3A_199 = arith.constant 128 : i32
    %add3A_200 = arith.addi %mul3A_2, %add3A_199 : i32
    "tpu.region"() ({
      %run_scoped3A_380 = tpu.sem_alloc : memref<!tpu.dma_semaphore, #tpu.memory_space<semaphore_mem>>
      %dma_start3A_381 = arith.constant 0 : i32
      %dma_start3A_382 = tpu.memref_slice %arg4[%add3A_200, %dma_start3A_381] : memref<10240x1024xf32, #tpu.memory_space<hbm>> -> memref<16x1024xf32, #tpu.memory_space<hbm>>
      %dma_start3A_383 = arith.constant 0 : i32
      %dma_start3A_384 = tpu.memref_slice %arg4[%add3A_200, %dma_start3A_383] : memref<10240x1024xf32, #tpu.memory_space<hbm>> -> memref<16x1024xf32, #tpu.memory_space<hbm>>
      tpu.enqueue_dma source(%arg6 : memref<16x1024xf32, #tpu.memory_space<vmem>>) target(%dma_start3A_384 : memref<16x1024xf32, #tpu.memory_space<hbm>>) target_semaphore(%run_scoped3A_380 : memref<!tpu.dma_semaphore, #tpu.memory_space<semaphore_mem>>)
      %dma_wait3A_385 = arith.constant 0 : i32
      %dma_wait3A_386 = tpu.memref_slice %arg4[%add3A_200, %dma_wait3A_385] : memref<10240x1024xf32, #tpu.memory_space<hbm>> -> memref<16x1024xf32, #tpu.memory_space<hbm>>
      %dma_wait3A_387 = arith.constant 0 : i32
      %dma_wait3A_388 = tpu.memref_slice %arg4[%add3A_200, %dma_wait3A_387] : memref<10240x1024xf32, #tpu.memory_space<hbm>> -> memref<16x1024xf32, #tpu.memory_space<hbm>>
      tpu.wait_dma2 semaphore(%run_scoped3A_380 : memref<!tpu.dma_semaphore, #tpu.memory_space<semaphore_mem>>) src(%arg6 : memref<16x1024xf32, #tpu.memory_space<vmem>>) dst(%dma_wait3A_388 : memref<16x1024xf32, #tpu.memory_space<hbm>>)
      tpu.yield
    }) : () -> ()
    %add3A_201 = arith.constant 192 : i32
    %add3A_202 = arith.addi %mul3A_2, %add3A_201 : i32
    %run_scoped3A_203 = arith.constant 0 : i32
    "tpu.region"() ({
      %run_scoped3A_380 = tpu.sem_alloc : memref<!tpu.dma_semaphore, #tpu.memory_space<semaphore_mem>>
      %dma_start3A_381 = arith.constant 0 : i32
      %dma_start3A_382 = tpu.memref_slice %arg5[%run_scoped3A_203, %dma_start3A_381] : memref<4x16xi32, #tpu.memory_space<vmem>> -> memref<1x16xi32, #tpu.memory_space<vmem>>
      %dma_start3A_383 = tpu.memref_squeeze %dma_start3A_382 : memref<1x16xi32, #tpu.memory_space<vmem>> -> memref<16xi32, #tpu.memory_space<vmem>>
      %dma_start3A_384 = tpu.memref_slice %arg3[%add3A_202] : memref<10240xi32, #tpu.memory_space<hbm>> -> memref<16xi32, #tpu.memory_space<hbm>>
      %dma_start3A_385 = arith.constant 0 : i32
      %dma_start3A_386 = tpu.memref_slice %arg5[%run_scoped3A_203, %dma_start3A_385] : memref<4x16xi32, #tpu.memory_space<vmem>> -> memref<1x16xi32, #tpu.memory_space<vmem>>
      %dma_start3A_387 = tpu.memref_squeeze %dma_start3A_386 : memref<1x16xi32, #tpu.memory_space<vmem>> -> memref<16xi32, #tpu.memory_space<vmem>>
      %dma_start3A_388 = tpu.memref_slice %arg3[%add3A_202] : memref<10240xi32, #tpu.memory_space<hbm>> -> memref<16xi32, #tpu.memory_space<hbm>>
      tpu.enqueue_dma source(%dma_start3A_388 : memref<16xi32, #tpu.memory_space<hbm>>) target(%dma_start3A_387 : memref<16xi32, #tpu.memory_space<vmem>>) target_semaphore(%run_scoped3A_380 : memref<!tpu.dma_semaphore, #tpu.memory_space<semaphore_mem>>)
      %dma_wait3A_389 = arith.constant 0 : i32
      %dma_wait3A_390 = tpu.memref_slice %arg5[%run_scoped3A_203, %dma_wait3A_389] : memref<4x16xi32, #tpu.memory_space<vmem>> -> memref<1x16xi32, #tpu.memory_space<vmem>>
      %dma_wait3A_391 = tpu.memref_squeeze %dma_wait3A_390 : memref<1x16xi32, #tpu.memory_space<vmem>> -> memref<16xi32, #tpu.memory_space<vmem>>
      %dma_wait3A_392 = tpu.memref_slice %arg3[%add3A_202] : memref<10240xi32, #tpu.memory_space<hbm>> -> memref<16xi32, #tpu.memory_space<hbm>>
      %dma_wait3A_393 = arith.constant 0 : i32
      %dma_wait3A_394 = tpu.memref_slice %arg5[%run_scoped3A_203, %dma_wait3A_393] : memref<4x16xi32, #tpu.memory_space<vmem>> -> memref<1x16xi32, #tpu.memory_space<vmem>>
      %dma_wait3A_395 = tpu.memref_squeeze %dma_wait3A_394 : memref<1x16xi32, #tpu.memory_space<vmem>> -> memref<16xi32, #tpu.memory_space<vmem>>
      %dma_wait3A_396 = tpu.memref_slice %arg3[%add3A_202] : memref<10240xi32, #tpu.memory_space<hbm>> -> memref<16xi32, #tpu.memory_space<hbm>>
      tpu.wait_dma2 semaphore(%run_scoped3A_380 : memref<!tpu.dma_semaphore, #tpu.memory_space<semaphore_mem>>) src(%dma_wait3A_396 : memref<16xi32, #tpu.memory_space<hbm>>) dst(%dma_wait3A_395 : memref<16xi32, #tpu.memory_space<vmem>>)
      tpu.yield
    }) : () -> ()
    %dma_start3A_204 = arith.constant 0 : i32
    %dma_start3A_205 = arith.constant 0 : i32
    %dma_start3A_206 = tpu.memref_slice %arg5[%dma_start3A_204, %dma_start3A_205] : memref<4x16xi32, #tpu.memory_space<vmem>> -> memref<1x16xi32, #tpu.memory_space<vmem>>
    %dma_start3A_207 = tpu.memref_squeeze %dma_start3A_206 : memref<1x16xi32, #tpu.memory_space<vmem>> -> memref<16xi32, #tpu.memory_space<vmem>>
    %dma_start3A_208 = arith.constant 0 : i32
    %dma_start3A_209 = arith.constant 0 : i32
    %dma_start3A_210 = tpu.memref_slice %arg2[%dma_start3A_208, %dma_start3A_209] : memref<4096x1024xf32, #tpu.memory_space<hbm>> -> memref<4096x1024xf32, #tpu.memory_space<hbm>>
    tpu.enqueue_indirect_dma source(%dma_start3A_210 : memref<4096x1024xf32, #tpu.memory_space<hbm>>) target(%arg6 : memref<16x1024xf32, #tpu.memory_space<vmem>>) offsets(%dma_start3A_207 : memref<16xi32, #tpu.memory_space<vmem>>) semaphore(%arg10 : memref<!tpu.dma_semaphore, #tpu.memory_space<semaphore_mem>>)
    %dma_wait3A_211 = arith.constant 1 : i32
    %dma_wait3A_212 = arith.constant 0 : i32
    %dma_wait3A_213 = tpu.memref_slice %arg5[%dma_wait3A_211, %dma_wait3A_212] : memref<4x16xi32, #tpu.memory_space<vmem>> -> memref<1x16xi32, #tpu.memory_space<vmem>>
    %dma_wait3A_214 = tpu.memref_squeeze %dma_wait3A_213 : memref<1x16xi32, #tpu.memory_space<vmem>> -> memref<16xi32, #tpu.memory_space<vmem>>
    %dma_wait3A_215 = arith.constant 0 : i32
    %dma_wait3A_216 = arith.constant 0 : i32
    %dma_wait3A_217 = tpu.memref_slice %arg2[%dma_wait3A_215, %dma_wait3A_216] : memref<4096x1024xf32, #tpu.memory_space<hbm>> -> memref<4096x1024xf32, #tpu.memory_space<hbm>>
    tpu.wait_indirect_dma semaphore(%arg11 : memref<!tpu.dma_semaphore, #tpu.memory_space<semaphore_mem>>) src(%dma_wait3A_217 : memref<4096x1024xf32, #tpu.memory_space<hbm>>) dst(%arg7 : memref<16x1024xf32, #tpu.memory_space<vmem>>)
    %add3A_218 = arith.constant 144 : i32
    %add3A_219 = arith.addi %mul3A_2, %add3A_218 : i32
    "tpu.region"() ({
      %run_scoped3A_380 = tpu.sem_alloc : memref<!tpu.dma_semaphore, #tpu.memory_space<semaphore_mem>>
      %dma_start3A_381 = arith.constant 0 : i32
      %dma_start3A_382 = tpu.memref_slice %arg4[%add3A_219, %dma_start3A_381] : memref<10240x1024xf32, #tpu.memory_space<hbm>> -> memref<16x1024xf32, #tpu.memory_space<hbm>>
      %dma_start3A_383 = arith.constant 0 : i32
      %dma_start3A_384 = tpu.memref_slice %arg4[%add3A_219, %dma_start3A_383] : memref<10240x1024xf32, #tpu.memory_space<hbm>> -> memref<16x1024xf32, #tpu.memory_space<hbm>>
      tpu.enqueue_dma source(%arg7 : memref<16x1024xf32, #tpu.memory_space<vmem>>) target(%dma_start3A_384 : memref<16x1024xf32, #tpu.memory_space<hbm>>) target_semaphore(%run_scoped3A_380 : memref<!tpu.dma_semaphore, #tpu.memory_space<semaphore_mem>>)
      %dma_wait3A_385 = arith.constant 0 : i32
      %dma_wait3A_386 = tpu.memref_slice %arg4[%add3A_219, %dma_wait3A_385] : memref<10240x1024xf32, #tpu.memory_space<hbm>> -> memref<16x1024xf32, #tpu.memory_space<hbm>>
      %dma_wait3A_387 = arith.constant 0 : i32
      %dma_wait3A_388 = tpu.memref_slice %arg4[%add3A_219, %dma_wait3A_387] : memref<10240x1024xf32, #tpu.memory_space<hbm>> -> memref<16x1024xf32, #tpu.memory_space<hbm>>
      tpu.wait_dma2 semaphore(%run_scoped3A_380 : memref<!tpu.dma_semaphore, #tpu.memory_space<semaphore_mem>>) src(%arg7 : memref<16x1024xf32, #tpu.memory_space<vmem>>) dst(%dma_wait3A_388 : memref<16x1024xf32, #tpu.memory_space<hbm>>)
      tpu.yield
    }) : () -> ()
    %add3A_220 = arith.constant 208 : i32
    %add3A_221 = arith.addi %mul3A_2, %add3A_220 : i32
    %run_scoped3A_222 = arith.constant 1 : i32
    "tpu.region"() ({
      %run_scoped3A_380 = tpu.sem_alloc : memref<!tpu.dma_semaphore, #tpu.memory_space<semaphore_mem>>
      %dma_start3A_381 = arith.constant 0 : i32
      %dma_start3A_382 = tpu.memref_slice %arg5[%run_scoped3A_222, %dma_start3A_381] : memref<4x16xi32, #tpu.memory_space<vmem>> -> memref<1x16xi32, #tpu.memory_space<vmem>>
      %dma_start3A_383 = tpu.memref_squeeze %dma_start3A_382 : memref<1x16xi32, #tpu.memory_space<vmem>> -> memref<16xi32, #tpu.memory_space<vmem>>
      %dma_start3A_384 = tpu.memref_slice %arg3[%add3A_221] : memref<10240xi32, #tpu.memory_space<hbm>> -> memref<16xi32, #tpu.memory_space<hbm>>
      %dma_start3A_385 = arith.constant 0 : i32
      %dma_start3A_386 = tpu.memref_slice %arg5[%run_scoped3A_222, %dma_start3A_385] : memref<4x16xi32, #tpu.memory_space<vmem>> -> memref<1x16xi32, #tpu.memory_space<vmem>>
      %dma_start3A_387 = tpu.memref_squeeze %dma_start3A_386 : memref<1x16xi32, #tpu.memory_space<vmem>> -> memref<16xi32, #tpu.memory_space<vmem>>
      %dma_start3A_388 = tpu.memref_slice %arg3[%add3A_221] : memref<10240xi32, #tpu.memory_space<hbm>> -> memref<16xi32, #tpu.memory_space<hbm>>
      tpu.enqueue_dma source(%dma_start3A_388 : memref<16xi32, #tpu.memory_space<hbm>>) target(%dma_start3A_387 : memref<16xi32, #tpu.memory_space<vmem>>) target_semaphore(%run_scoped3A_380 : memref<!tpu.dma_semaphore, #tpu.memory_space<semaphore_mem>>)
      %dma_wait3A_389 = arith.constant 0 : i32
      %dma_wait3A_390 = tpu.memref_slice %arg5[%run_scoped3A_222, %dma_wait3A_389] : memref<4x16xi32, #tpu.memory_space<vmem>> -> memref<1x16xi32, #tpu.memory_space<vmem>>
      %dma_wait3A_391 = tpu.memref_squeeze %dma_wait3A_390 : memref<1x16xi32, #tpu.memory_space<vmem>> -> memref<16xi32, #tpu.memory_space<vmem>>
      %dma_wait3A_392 = tpu.memref_slice %arg3[%add3A_221] : memref<10240xi32, #tpu.memory_space<hbm>> -> memref<16xi32, #tpu.memory_space<hbm>>
      %dma_wait3A_393 = arith.constant 0 : i32
      %dma_wait3A_394 = tpu.memref_slice %arg5[%run_scoped3A_222, %dma_wait3A_393] : memref<4x16xi32, #tpu.memory_space<vmem>> -> memref<1x16xi32, #tpu.memory_space<vmem>>
      %dma_wait3A_395 = tpu.memref_squeeze %dma_wait3A_394 : memref<1x16xi32, #tpu.memory_space<vmem>> -> memref<16xi32, #tpu.memory_space<vmem>>
      %dma_wait3A_396 = tpu.memref_slice %arg3[%add3A_221] : memref<10240xi32, #tpu.memory_space<hbm>> -> memref<16xi32, #tpu.memory_space<hbm>>
      tpu.wait_dma2 semaphore(%run_scoped3A_380 : memref<!tpu.dma_semaphore, #tpu.memory_space<semaphore_mem>>) src(%dma_wait3A_396 : memref<16xi32, #tpu.memory_space<hbm>>) dst(%dma_wait3A_395 : memref<16xi32, #tpu.memory_space<vmem>>)
      tpu.yield
    }) : () -> ()
    %dma_start3A_223 = arith.constant 1 : i32
    %dma_start3A_224 = arith.constant 0 : i32
    %dma_start3A_225 = tpu.memref_slice %arg5[%dma_start3A_223, %dma_start3A_224] : memref<4x16xi32, #tpu.memory_space<vmem>> -> memref<1x16xi32, #tpu.memory_space<vmem>>
    %dma_start3A_226 = tpu.memref_squeeze %dma_start3A_225 : memref<1x16xi32, #tpu.memory_space<vmem>> -> memref<16xi32, #tpu.memory_space<vmem>>
    %dma_start3A_227 = arith.constant 0 : i32
    %dma_start3A_228 = arith.constant 0 : i32
    %dma_start3A_229 = tpu.memref_slice %arg2[%dma_start3A_227, %dma_start3A_228] : memref<4096x1024xf32, #tpu.memory_space<hbm>> -> memref<4096x1024xf32, #tpu.memory_space<hbm>>
    tpu.enqueue_indirect_dma source(%dma_start3A_229 : memref<4096x1024xf32, #tpu.memory_space<hbm>>) target(%arg7 : memref<16x1024xf32, #tpu.memory_space<vmem>>) offsets(%dma_start3A_226 : memref<16xi32, #tpu.memory_space<vmem>>) semaphore(%arg11 : memref<!tpu.dma_semaphore, #tpu.memory_space<semaphore_mem>>)
    %dma_wait3A_230 = arith.constant 2 : i32
    %dma_wait3A_231 = arith.constant 0 : i32
    %dma_wait3A_232 = tpu.memref_slice %arg5[%dma_wait3A_230, %dma_wait3A_231] : memref<4x16xi32, #tpu.memory_space<vmem>> -> memref<1x16xi32, #tpu.memory_space<vmem>>
    %dma_wait3A_233 = tpu.memref_squeeze %dma_wait3A_232 : memref<1x16xi32, #tpu.memory_space<vmem>> -> memref<16xi32, #tpu.memory_space<vmem>>
    %dma_wait3A_234 = arith.constant 0 : i32
    %dma_wait3A_235 = arith.constant 0 : i32
    %dma_wait3A_236 = tpu.memref_slice %arg2[%dma_wait3A_234, %dma_wait3A_235] : memref<4096x1024xf32, #tpu.memory_space<hbm>> -> memref<4096x1024xf32, #tpu.memory_space<hbm>>
    tpu.wait_indirect_dma semaphore(%arg12 : memref<!tpu.dma_semaphore, #tpu.memory_space<semaphore_mem>>) src(%dma_wait3A_236 : memref<4096x1024xf32, #tpu.memory_space<hbm>>) dst(%arg8 : memref<16x1024xf32, #tpu.memory_space<vmem>>)
    %add3A_237 = arith.constant 160 : i32
    %add3A_238 = arith.addi %mul3A_2, %add3A_237 : i32
    "tpu.region"() ({
      %run_scoped3A_380 = tpu.sem_alloc : memref<!tpu.dma_semaphore, #tpu.memory_space<semaphore_mem>>
      %dma_start3A_381 = arith.constant 0 : i32
      %dma_start3A_382 = tpu.memref_slice %arg4[%add3A_238, %dma_start3A_381] : memref<10240x1024xf32, #tpu.memory_space<hbm>> -> memref<16x1024xf32, #tpu.memory_space<hbm>>
      %dma_start3A_383 = arith.constant 0 : i32
      %dma_start3A_384 = tpu.memref_slice %arg4[%add3A_238, %dma_start3A_383] : memref<10240x1024xf32, #tpu.memory_space<hbm>> -> memref<16x1024xf32, #tpu.memory_space<hbm>>
      tpu.enqueue_dma source(%arg8 : memref<16x1024xf32, #tpu.memory_space<vmem>>) target(%dma_start3A_384 : memref<16x1024xf32, #tpu.memory_space<hbm>>) target_semaphore(%run_scoped3A_380 : memref<!tpu.dma_semaphore, #tpu.memory_space<semaphore_mem>>)
      %dma_wait3A_385 = arith.constant 0 : i32
      %dma_wait3A_386 = tpu.memref_slice %arg4[%add3A_238, %dma_wait3A_385] : memref<10240x1024xf32, #tpu.memory_space<hbm>> -> memref<16x1024xf32, #tpu.memory_space<hbm>>
      %dma_wait3A_387 = arith.constant 0 : i32
      %dma_wait3A_388 = tpu.memref_slice %arg4[%add3A_238, %dma_wait3A_387] : memref<10240x1024xf32, #tpu.memory_space<hbm>> -> memref<16x1024xf32, #tpu.memory_space<hbm>>
      tpu.wait_dma2 semaphore(%run_scoped3A_380 : memref<!tpu.dma_semaphore, #tpu.memory_space<semaphore_mem>>) src(%arg8 : memref<16x1024xf32, #tpu.memory_space<vmem>>) dst(%dma_wait3A_388 : memref<16x1024xf32, #tpu.memory_space<hbm>>)
      tpu.yield
    }) : () -> ()
    %add3A_239 = arith.constant 224 : i32
    %add3A_240 = arith.addi %mul3A_2, %add3A_239 : i32
    %run_scoped3A_241 = arith.constant 2 : i32
    "tpu.region"() ({
      %run_scoped3A_380 = tpu.sem_alloc : memref<!tpu.dma_semaphore, #tpu.memory_space<semaphore_mem>>
      %dma_start3A_381 = arith.constant 0 : i32
      %dma_start3A_382 = tpu.memref_slice %arg5[%run_scoped3A_241, %dma_start3A_381] : memref<4x16xi32, #tpu.memory_space<vmem>> -> memref<1x16xi32, #tpu.memory_space<vmem>>
      %dma_start3A_383 = tpu.memref_squeeze %dma_start3A_382 : memref<1x16xi32, #tpu.memory_space<vmem>> -> memref<16xi32, #tpu.memory_space<vmem>>
      %dma_start3A_384 = tpu.memref_slice %arg3[%add3A_240] : memref<10240xi32, #tpu.memory_space<hbm>> -> memref<16xi32, #tpu.memory_space<hbm>>
      %dma_start3A_385 = arith.constant 0 : i32
      %dma_start3A_386 = tpu.memref_slice %arg5[%run_scoped3A_241, %dma_start3A_385] : memref<4x16xi32, #tpu.memory_space<vmem>> -> memref<1x16xi32, #tpu.memory_space<vmem>>
      %dma_start3A_387 = tpu.memref_squeeze %dma_start3A_386 : memref<1x16xi32, #tpu.memory_space<vmem>> -> memref<16xi32, #tpu.memory_space<vmem>>
      %dma_start3A_388 = tpu.memref_slice %arg3[%add3A_240] : memref<10240xi32, #tpu.memory_space<hbm>> -> memref<16xi32, #tpu.memory_space<hbm>>
      tpu.enqueue_dma source(%dma_start3A_388 : memref<16xi32, #tpu.memory_space<hbm>>) target(%dma_start3A_387 : memref<16xi32, #tpu.memory_space<vmem>>) target_semaphore(%run_scoped3A_380 : memref<!tpu.dma_semaphore, #tpu.memory_space<semaphore_mem>>)
      %dma_wait3A_389 = arith.constant 0 : i32
      %dma_wait3A_390 = tpu.memref_slice %arg5[%run_scoped3A_241, %dma_wait3A_389] : memref<4x16xi32, #tpu.memory_space<vmem>> -> memref<1x16xi32, #tpu.memory_space<vmem>>
      %dma_wait3A_391 = tpu.memref_squeeze %dma_wait3A_390 : memref<1x16xi32, #tpu.memory_space<vmem>> -> memref<16xi32, #tpu.memory_space<vmem>>
      %dma_wait3A_392 = tpu.memref_slice %arg3[%add3A_240] : memref<10240xi32, #tpu.memory_space<hbm>> -> memref<16xi32, #tpu.memory_space<hbm>>
      %dma_wait3A_393 = arith.constant 0 : i32
      %dma_wait3A_394 = tpu.memref_slice %arg5[%run_scoped3A_241, %dma_wait3A_393] : memref<4x16xi32, #tpu.memory_space<vmem>> -> memref<1x16xi32, #tpu.memory_space<vmem>>
      %dma_wait3A_395 = tpu.memref_squeeze %dma_wait3A_394 : memref<1x16xi32, #tpu.memory_space<vmem>> -> memref<16xi32, #tpu.memory_space<vmem>>
      %dma_wait3A_396 = tpu.memref_slice %arg3[%add3A_240] : memref<10240xi32, #tpu.memory_space<hbm>> -> memref<16xi32, #tpu.memory_space<hbm>>
      tpu.wait_dma2 semaphore(%run_scoped3A_380 : memref<!tpu.dma_semaphore, #tpu.memory_space<semaphore_mem>>) src(%dma_wait3A_396 : memref<16xi32, #tpu.memory_space<hbm>>) dst(%dma_wait3A_395 : memref<16xi32, #tpu.memory_space<vmem>>)
      tpu.yield
    }) : () -> ()
    %dma_start3A_242 = arith.constant 2 : i32
    %dma_start3A_243 = arith.constant 0 : i32
    %dma_start3A_244 = tpu.memref_slice %arg5[%dma_start3A_242, %dma_start3A_243] : memref<4x16xi32, #tpu.memory_space<vmem>> -> memref<1x16xi32, #tpu.memory_space<vmem>>
    %dma_start3A_245 = tpu.memref_squeeze %dma_start3A_244 : memref<1x16xi32, #tpu.memory_space<vmem>> -> memref<16xi32, #tpu.memory_space<vmem>>
    %dma_start3A_246 = arith.constant 0 : i32
    %dma_start3A_247 = arith.constant 0 : i32
    %dma_start3A_248 = tpu.memref_slice %arg2[%dma_start3A_246, %dma_start3A_247] : memref<4096x1024xf32, #tpu.memory_space<hbm>> -> memref<4096x1024xf32, #tpu.memory_space<hbm>>
    tpu.enqueue_indirect_dma source(%dma_start3A_248 : memref<4096x1024xf32, #tpu.memory_space<hbm>>) target(%arg8 : memref<16x1024xf32, #tpu.memory_space<vmem>>) offsets(%dma_start3A_245 : memref<16xi32, #tpu.memory_space<vmem>>) semaphore(%arg12 : memref<!tpu.dma_semaphore, #tpu.memory_space<semaphore_mem>>)
    %dma_wait3A_249 = arith.constant 3 : i32
    %dma_wait3A_250 = arith.constant 0 : i32
    %dma_wait3A_251 = tpu.memref_slice %arg5[%dma_wait3A_249, %dma_wait3A_250] : memref<4x16xi32, #tpu.memory_space<vmem>> -> memref<1x16xi32, #tpu.memory_space<vmem>>
    %dma_wait3A_252 = tpu.memref_squeeze %dma_wait3A_251 : memref<1x16xi32, #tpu.memory_space<vmem>> -> memref<16xi32, #tpu.memory_space<vmem>>
    %dma_wait3A_253 = arith.constant 0 : i32
    %dma_wait3A_254 = arith.constant 0 : i32
    %dma_wait3A_255 = tpu.memref_slice %arg2[%dma_wait3A_253, %dma_wait3A_254] : memref<4096x1024xf32, #tpu.memory_space<hbm>> -> memref<4096x1024xf32, #tpu.memory_space<hbm>>
    tpu.wait_indirect_dma semaphore(%arg13 : memref<!tpu.dma_semaphore, #tpu.memory_space<semaphore_mem>>) src(%dma_wait3A_255 : memref<4096x1024xf32, #tpu.memory_space<hbm>>) dst(%arg9 : memref<16x1024xf32, #tpu.memory_space<vmem>>)
    %add3A_256 = arith.constant 176 : i32
    %add3A_257 = arith.addi %mul3A_2, %add3A_256 : i32
    "tpu.region"() ({
      %run_scoped3A_380 = tpu.sem_alloc : memref<!tpu.dma_semaphore, #tpu.memory_space<semaphore_mem>>
      %dma_start3A_381 = arith.constant 0 : i32
      %dma_start3A_382 = tpu.memref_slice %arg4[%add3A_257, %dma_start3A_381] : memref<10240x1024xf32, #tpu.memory_space<hbm>> -> memref<16x1024xf32, #tpu.memory_space<hbm>>
      %dma_start3A_383 = arith.constant 0 : i32
      %dma_start3A_384 = tpu.memref_slice %arg4[%add3A_257, %dma_start3A_383] : memref<10240x1024xf32, #tpu.memory_space<hbm>> -> memref<16x1024xf32, #tpu.memory_space<hbm>>
      tpu.enqueue_dma source(%arg9 : memref<16x1024xf32, #tpu.memory_space<vmem>>) target(%dma_start3A_384 : memref<16x1024xf32, #tpu.memory_space<hbm>>) target_semaphore(%run_scoped3A_380 : memref<!tpu.dma_semaphore, #tpu.memory_space<semaphore_mem>>)
      %dma_wait3A_385 = arith.constant 0 : i32
      %dma_wait3A_386 = tpu.memref_slice %arg4[%add3A_257, %dma_wait3A_385] : memref<10240x1024xf32, #tpu.memory_space<hbm>> -> memref<16x1024xf32, #tpu.memory_space<hbm>>
      %dma_wait3A_387 = arith.constant 0 : i32
      %dma_wait3A_388 = tpu.memref_slice %arg4[%add3A_257, %dma_wait3A_387] : memref<10240x1024xf32, #tpu.memory_space<hbm>> -> memref<16x1024xf32, #tpu.memory_space<hbm>>
      tpu.wait_dma2 semaphore(%run_scoped3A_380 : memref<!tpu.dma_semaphore, #tpu.memory_space<semaphore_mem>>) src(%arg9 : memref<16x1024xf32, #tpu.memory_space<vmem>>) dst(%dma_wait3A_388 : memref<16x1024xf32, #tpu.memory_space<hbm>>)
      tpu.yield
    }) : () -> ()
    %add3A_258 = arith.constant 240 : i32
    %add3A_259 = arith.addi %mul3A_2, %add3A_258 : i32
    %run_scoped3A_260 = arith.constant 3 : i32
    "tpu.region"() ({
      %run_scoped3A_380 = tpu.sem_alloc : memref<!tpu.dma_semaphore, #tpu.memory_space<semaphore_mem>>
      %dma_start3A_381 = arith.constant 0 : i32
      %dma_start3A_382 = tpu.memref_slice %arg5[%run_scoped3A_260, %dma_start3A_381] : memref<4x16xi32, #tpu.memory_space<vmem>> -> memref<1x16xi32, #tpu.memory_space<vmem>>
      %dma_start3A_383 = tpu.memref_squeeze %dma_start3A_382 : memref<1x16xi32, #tpu.memory_space<vmem>> -> memref<16xi32, #tpu.memory_space<vmem>>
      %dma_start3A_384 = tpu.memref_slice %arg3[%add3A_259] : memref<10240xi32, #tpu.memory_space<hbm>> -> memref<16xi32, #tpu.memory_space<hbm>>
      %dma_start3A_385 = arith.constant 0 : i32
      %dma_start3A_386 = tpu.memref_slice %arg5[%run_scoped3A_260, %dma_start3A_385] : memref<4x16xi32, #tpu.memory_space<vmem>> -> memref<1x16xi32, #tpu.memory_space<vmem>>
      %dma_start3A_387 = tpu.memref_squeeze %dma_start3A_386 : memref<1x16xi32, #tpu.memory_space<vmem>> -> memref<16xi32, #tpu.memory_space<vmem>>
      %dma_start3A_388 = tpu.memref_slice %arg3[%add3A_259] : memref<10240xi32, #tpu.memory_space<hbm>> -> memref<16xi32, #tpu.memory_space<hbm>>
      tpu.enqueue_dma source(%dma_start3A_388 : memref<16xi32, #tpu.memory_space<hbm>>) target(%dma_start3A_387 : memref<16xi32, #tpu.memory_space<vmem>>) target_semaphore(%run_scoped3A_380 : memref<!tpu.dma_semaphore, #tpu.memory_space<semaphore_mem>>)
      %dma_wait3A_389 = arith.constant 0 : i32
      %dma_wait3A_390 = tpu.memref_slice %arg5[%run_scoped3A_260, %dma_wait3A_389] : memref<4x16xi32, #tpu.memory_space<vmem>> -> memref<1x16xi32, #tpu.memory_space<vmem>>
      %dma_wait3A_391 = tpu.memref_squeeze %dma_wait3A_390 : memref<1x16xi32, #tpu.memory_space<vmem>> -> memref<16xi32, #tpu.memory_space<vmem>>
      %dma_wait3A_392 = tpu.memref_slice %arg3[%add3A_259] : memref<10240xi32, #tpu.memory_space<hbm>> -> memref<16xi32, #tpu.memory_space<hbm>>
      %dma_wait3A_393 = arith.constant 0 : i32
      %dma_wait3A_394 = tpu.memref_slice %arg5[%run_scoped3A_260, %dma_wait3A_393] : memref<4x16xi32, #tpu.memory_space<vmem>> -> memref<1x16xi32, #tpu.memory_space<vmem>>
      %dma_wait3A_395 = tpu.memref_squeeze %dma_wait3A_394 : memref<1x16xi32, #tpu.memory_space<vmem>> -> memref<16xi32, #tpu.memory_space<vmem>>
      %dma_wait3A_396 = tpu.memref_slice %arg3[%add3A_259] : memref<10240xi32, #tpu.memory_space<hbm>> -> memref<16xi32, #tpu.memory_space<hbm>>
      tpu.wait_dma2 semaphore(%run_scoped3A_380 : memref<!tpu.dma_semaphore, #tpu.memory_space<semaphore_mem>>) src(%dma_wait3A_396 : memref<16xi32, #tpu.memory_space<hbm>>) dst(%dma_wait3A_395 : memref<16xi32, #tpu.memory_space<vmem>>)
      tpu.yield
    }) : () -> ()
    %dma_start3A_261 = arith.constant 3 : i32
    %dma_start3A_262 = arith.constant 0 : i32
    %dma_start3A_263 = tpu.memref_slice %arg5[%dma_start3A_261, %dma_start3A_262] : memref<4x16xi32, #tpu.memory_space<vmem>> -> memref<1x16xi32, #tpu.memory_space<vmem>>
    %dma_start3A_264 = tpu.memref_squeeze %dma_start3A_263 : memref<1x16xi32, #tpu.memory_space<vmem>> -> memref<16xi32, #tpu.memory_space<vmem>>
    %dma_start3A_265 = arith.constant 0 : i32
    %dma_start3A_266 = arith.constant 0 : i32
    %dma_start3A_267 = tpu.memref_slice %arg2[%dma_start3A_265, %dma_start3A_266] : memref<4096x1024xf32, #tpu.memory_space<hbm>> -> memref<4096x1024xf32, #tpu.memory_space<hbm>>
    tpu.enqueue_indirect_dma source(%dma_start3A_267 : memref<4096x1024xf32, #tpu.memory_space<hbm>>) target(%arg9 : memref<16x1024xf32, #tpu.memory_space<vmem>>) offsets(%dma_start3A_264 : memref<16xi32, #tpu.memory_space<vmem>>) semaphore(%arg13 : memref<!tpu.dma_semaphore, #tpu.memory_space<semaphore_mem>>)
    %dma_wait3A_268 = arith.constant 0 : i32
    %dma_wait3A_269 = arith.constant 0 : i32
    %dma_wait3A_270 = tpu.memref_slice %arg5[%dma_wait3A_268, %dma_wait3A_269] : memref<4x16xi32, #tpu.memory_space<vmem>> -> memref<1x16xi32, #tpu.memory_space<vmem>>
    %dma_wait3A_271 = tpu.memref_squeeze %dma_wait3A_270 : memref<1x16xi32, #tpu.memory_space<vmem>> -> memref<16xi32, #tpu.memory_space<vmem>>
    %dma_wait3A_272 = arith.constant 0 : i32
    %dma_wait3A_273 = arith.constant 0 : i32
    %dma_wait3A_274 = tpu.memref_slice %arg2[%dma_wait3A_272, %dma_wait3A_273] : memref<4096x1024xf32, #tpu.memory_space<hbm>> -> memref<4096x1024xf32, #tpu.memory_space<hbm>>
    tpu.wait_indirect_dma semaphore(%arg10 : memref<!tpu.dma_semaphore, #tpu.memory_space<semaphore_mem>>) src(%dma_wait3A_274 : memref<4096x1024xf32, #tpu.memory_space<hbm>>) dst(%arg6 : memref<16x1024xf32, #tpu.memory_space<vmem>>)
    %add3A_275 = arith.constant 192 : i32
    %add3A_276 = arith.addi %mul3A_2, %add3A_275 : i32
    "tpu.region"() ({
      %run_scoped3A_380 = tpu.sem_alloc : memref<!tpu.dma_semaphore, #tpu.memory_space<semaphore_mem>>
      %dma_start3A_381 = arith.constant 0 : i32
      %dma_start3A_382 = tpu.memref_slice %arg4[%add3A_276, %dma_start3A_381] : memref<10240x1024xf32, #tpu.memory_space<hbm>> -> memref<16x1024xf32, #tpu.memory_space<hbm>>
      %dma_start3A_383 = arith.constant 0 : i32
      %dma_start3A_384 = tpu.memref_slice %arg4[%add3A_276, %dma_start3A_383] : memref<10240x1024xf32, #tpu.memory_space<hbm>> -> memref<16x1024xf32, #tpu.memory_space<hbm>>
      tpu.enqueue_dma source(%arg6 : memref<16x1024xf32, #tpu.memory_space<vmem>>) target(%dma_start3A_384 : memref<16x1024xf32, #tpu.memory_space<hbm>>) target_semaphore(%run_scoped3A_380 : memref<!tpu.dma_semaphore, #tpu.memory_space<semaphore_mem>>)
      %dma_wait3A_385 = arith.constant 0 : i32
      %dma_wait3A_386 = tpu.memref_slice %arg4[%add3A_276, %dma_wait3A_385] : memref<10240x1024xf32, #tpu.memory_space<hbm>> -> memref<16x1024xf32, #tpu.memory_space<hbm>>
      %dma_wait3A_387 = arith.constant 0 : i32
      %dma_wait3A_388 = tpu.memref_slice %arg4[%add3A_276, %dma_wait3A_387] : memref<10240x1024xf32, #tpu.memory_space<hbm>> -> memref<16x1024xf32, #tpu.memory_space<hbm>>
      tpu.wait_dma2 semaphore(%run_scoped3A_380 : memref<!tpu.dma_semaphore, #tpu.memory_space<semaphore_mem>>) src(%arg6 : memref<16x1024xf32, #tpu.memory_space<vmem>>) dst(%dma_wait3A_388 : memref<16x1024xf32, #tpu.memory_space<hbm>>)
      tpu.yield
    }) : () -> ()
    %add3A_277 = arith.constant 256 : i32
    %add3A_278 = arith.addi %mul3A_2, %add3A_277 : i32
    %run_scoped3A_279 = arith.constant 0 : i32
    "tpu.region"() ({
      %run_scoped3A_380 = tpu.sem_alloc : memref<!tpu.dma_semaphore, #tpu.memory_space<semaphore_mem>>
      %dma_start3A_381 = arith.constant 0 : i32
      %dma_start3A_382 = tpu.memref_slice %arg5[%run_scoped3A_279, %dma_start3A_381] : memref<4x16xi32, #tpu.memory_space<vmem>> -> memref<1x16xi32, #tpu.memory_space<vmem>>
      %dma_start3A_383 = tpu.memref_squeeze %dma_start3A_382 : memref<1x16xi32, #tpu.memory_space<vmem>> -> memref<16xi32, #tpu.memory_space<vmem>>
      %dma_start3A_384 = tpu.memref_slice %arg3[%add3A_278] : memref<10240xi32, #tpu.memory_space<hbm>> -> memref<16xi32, #tpu.memory_space<hbm>>
      %dma_start3A_385 = arith.constant 0 : i32
      %dma_start3A_386 = tpu.memref_slice %arg5[%run_scoped3A_279, %dma_start3A_385] : memref<4x16xi32, #tpu.memory_space<vmem>> -> memref<1x16xi32, #tpu.memory_space<vmem>>
      %dma_start3A_387 = tpu.memref_squeeze %dma_start3A_386 : memref<1x16xi32, #tpu.memory_space<vmem>> -> memref<16xi32, #tpu.memory_space<vmem>>
      %dma_start3A_388 = tpu.memref_slice %arg3[%add3A_278] : memref<10240xi32, #tpu.memory_space<hbm>> -> memref<16xi32, #tpu.memory_space<hbm>>
      tpu.enqueue_dma source(%dma_start3A_388 : memref<16xi32, #tpu.memory_space<hbm>>) target(%dma_start3A_387 : memref<16xi32, #tpu.memory_space<vmem>>) target_semaphore(%run_scoped3A_380 : memref<!tpu.dma_semaphore, #tpu.memory_space<semaphore_mem>>)
      %dma_wait3A_389 = arith.constant 0 : i32
      %dma_wait3A_390 = tpu.memref_slice %arg5[%run_scoped3A_279, %dma_wait3A_389] : memref<4x16xi32, #tpu.memory_space<vmem>> -> memref<1x16xi32, #tpu.memory_space<vmem>>
      %dma_wait3A_391 = tpu.memref_squeeze %dma_wait3A_390 : memref<1x16xi32, #tpu.memory_space<vmem>> -> memref<16xi32, #tpu.memory_space<vmem>>
      %dma_wait3A_392 = tpu.memref_slice %arg3[%add3A_278] : memref<10240xi32, #tpu.memory_space<hbm>> -> memref<16xi32, #tpu.memory_space<hbm>>
      %dma_wait3A_393 = arith.constant 0 : i32
      %dma_wait3A_394 = tpu.memref_slice %arg5[%run_scoped3A_279, %dma_wait3A_393] : memref<4x16xi32, #tpu.memory_space<vmem>> -> memref<1x16xi32, #tpu.memory_space<vmem>>
      %dma_wait3A_395 = tpu.memref_squeeze %dma_wait3A_394 : memref<1x16xi32, #tpu.memory_space<vmem>> -> memref<16xi32, #tpu.memory_space<vmem>>
      %dma_wait3A_396 = tpu.memref_slice %arg3[%add3A_278] : memref<10240xi32, #tpu.memory_space<hbm>> -> memref<16xi32, #tpu.memory_space<hbm>>
      tpu.wait_dma2 semaphore(%run_scoped3A_380 : memref<!tpu.dma_semaphore, #tpu.memory_space<semaphore_mem>>) src(%dma_wait3A_396 : memref<16xi32, #tpu.memory_space<hbm>>) dst(%dma_wait3A_395 : memref<16xi32, #tpu.memory_space<vmem>>)
      tpu.yield
    }) : () -> ()
    %dma_start3A_280 = arith.constant 0 : i32
    %dma_start3A_281 = arith.constant 0 : i32
    %dma_start3A_282 = tpu.memref_slice %arg5[%dma_start3A_280, %dma_start3A_281] : memref<4x16xi32, #tpu.memory_space<vmem>> -> memref<1x16xi32, #tpu.memory_space<vmem>>
    %dma_start3A_283 = tpu.memref_squeeze %dma_start3A_282 : memref<1x16xi32, #tpu.memory_space<vmem>> -> memref<16xi32, #tpu.memory_space<vmem>>
    %dma_start3A_284 = arith.constant 0 : i32
    %dma_start3A_285 = arith.constant 0 : i32
    %dma_start3A_286 = tpu.memref_slice %arg2[%dma_start3A_284, %dma_start3A_285] : memref<4096x1024xf32, #tpu.memory_space<hbm>> -> memref<4096x1024xf32, #tpu.memory_space<hbm>>
    tpu.enqueue_indirect_dma source(%dma_start3A_286 : memref<4096x1024xf32, #tpu.memory_space<hbm>>) target(%arg6 : memref<16x1024xf32, #tpu.memory_space<vmem>>) offsets(%dma_start3A_283 : memref<16xi32, #tpu.memory_space<vmem>>) semaphore(%arg10 : memref<!tpu.dma_semaphore, #tpu.memory_space<semaphore_mem>>)
    %dma_wait3A_287 = arith.constant 1 : i32
    %dma_wait3A_288 = arith.constant 0 : i32
    %dma_wait3A_289 = tpu.memref_slice %arg5[%dma_wait3A_287, %dma_wait3A_288] : memref<4x16xi32, #tpu.memory_space<vmem>> -> memref<1x16xi32, #tpu.memory_space<vmem>>
    %dma_wait3A_290 = tpu.memref_squeeze %dma_wait3A_289 : memref<1x16xi32, #tpu.memory_space<vmem>> -> memref<16xi32, #tpu.memory_space<vmem>>
    %dma_wait3A_291 = arith.constant 0 : i32
    %dma_wait3A_292 = arith.constant 0 : i32
    %dma_wait3A_293 = tpu.memref_slice %arg2[%dma_wait3A_291, %dma_wait3A_292] : memref<4096x1024xf32, #tpu.memory_space<hbm>> -> memref<4096x1024xf32, #tpu.memory_space<hbm>>
    tpu.wait_indirect_dma semaphore(%arg11 : memref<!tpu.dma_semaphore, #tpu.memory_space<semaphore_mem>>) src(%dma_wait3A_293 : memref<4096x1024xf32, #tpu.memory_space<hbm>>) dst(%arg7 : memref<16x1024xf32, #tpu.memory_space<vmem>>)
    %add3A_294 = arith.constant 208 : i32
    %add3A_295 = arith.addi %mul3A_2, %add3A_294 : i32
    "tpu.region"() ({
      %run_scoped3A_380 = tpu.sem_alloc : memref<!tpu.dma_semaphore, #tpu.memory_space<semaphore_mem>>
      %dma_start3A_381 = arith.constant 0 : i32
      %dma_start3A_382 = tpu.memref_slice %arg4[%add3A_295, %dma_start3A_381] : memref<10240x1024xf32, #tpu.memory_space<hbm>> -> memref<16x1024xf32, #tpu.memory_space<hbm>>
      %dma_start3A_383 = arith.constant 0 : i32
      %dma_start3A_384 = tpu.memref_slice %arg4[%add3A_295, %dma_start3A_383] : memref<10240x1024xf32, #tpu.memory_space<hbm>> -> memref<16x1024xf32, #tpu.memory_space<hbm>>
      tpu.enqueue_dma source(%arg7 : memref<16x1024xf32, #tpu.memory_space<vmem>>) target(%dma_start3A_384 : memref<16x1024xf32, #tpu.memory_space<hbm>>) target_semaphore(%run_scoped3A_380 : memref<!tpu.dma_semaphore, #tpu.memory_space<semaphore_mem>>)
      %dma_wait3A_385 = arith.constant 0 : i32
      %dma_wait3A_386 = tpu.memref_slice %arg4[%add3A_295, %dma_wait3A_385] : memref<10240x1024xf32, #tpu.memory_space<hbm>> -> memref<16x1024xf32, #tpu.memory_space<hbm>>
      %dma_wait3A_387 = arith.constant 0 : i32
      %dma_wait3A_388 = tpu.memref_slice %arg4[%add3A_295, %dma_wait3A_387] : memref<10240x1024xf32, #tpu.memory_space<hbm>> -> memref<16x1024xf32, #tpu.memory_space<hbm>>
      tpu.wait_dma2 semaphore(%run_scoped3A_380 : memref<!tpu.dma_semaphore, #tpu.memory_space<semaphore_mem>>) src(%arg7 : memref<16x1024xf32, #tpu.memory_space<vmem>>) dst(%dma_wait3A_388 : memref<16x1024xf32, #tpu.memory_space<hbm>>)
      tpu.yield
    }) : () -> ()
    %add3A_296 = arith.constant 272 : i32
    %add3A_297 = arith.addi %mul3A_2, %add3A_296 : i32
    %run_scoped3A_298 = arith.constant 1 : i32
    "tpu.region"() ({
      %run_scoped3A_380 = tpu.sem_alloc : memref<!tpu.dma_semaphore, #tpu.memory_space<semaphore_mem>>
      %dma_start3A_381 = arith.constant 0 : i32
      %dma_start3A_382 = tpu.memref_slice %arg5[%run_scoped3A_298, %dma_start3A_381] : memref<4x16xi32, #tpu.memory_space<vmem>> -> memref<1x16xi32, #tpu.memory_space<vmem>>
      %dma_start3A_383 = tpu.memref_squeeze %dma_start3A_382 : memref<1x16xi32, #tpu.memory_space<vmem>> -> memref<16xi32, #tpu.memory_space<vmem>>
      %dma_start3A_384 = tpu.memref_slice %arg3[%add3A_297] : memref<10240xi32, #tpu.memory_space<hbm>> -> memref<16xi32, #tpu.memory_space<hbm>>
      %dma_start3A_385 = arith.constant 0 : i32
      %dma_start3A_386 = tpu.memref_slice %arg5[%run_scoped3A_298, %dma_start3A_385] : memref<4x16xi32, #tpu.memory_space<vmem>> -> memref<1x16xi32, #tpu.memory_space<vmem>>
      %dma_start3A_387 = tpu.memref_squeeze %dma_start3A_386 : memref<1x16xi32, #tpu.memory_space<vmem>> -> memref<16xi32, #tpu.memory_space<vmem>>
      %dma_start3A_388 = tpu.memref_slice %arg3[%add3A_297] : memref<10240xi32, #tpu.memory_space<hbm>> -> memref<16xi32, #tpu.memory_space<hbm>>
      tpu.enqueue_dma source(%dma_start3A_388 : memref<16xi32, #tpu.memory_space<hbm>>) target(%dma_start3A_387 : memref<16xi32, #tpu.memory_space<vmem>>) target_semaphore(%run_scoped3A_380 : memref<!tpu.dma_semaphore, #tpu.memory_space<semaphore_mem>>)
      %dma_wait3A_389 = arith.constant 0 : i32
      %dma_wait3A_390 = tpu.memref_slice %arg5[%run_scoped3A_298, %dma_wait3A_389] : memref<4x16xi32, #tpu.memory_space<vmem>> -> memref<1x16xi32, #tpu.memory_space<vmem>>
      %dma_wait3A_391 = tpu.memref_squeeze %dma_wait3A_390 : memref<1x16xi32, #tpu.memory_space<vmem>> -> memref<16xi32, #tpu.memory_space<vmem>>
      %dma_wait3A_392 = tpu.memref_slice %arg3[%add3A_297] : memref<10240xi32, #tpu.memory_space<hbm>> -> memref<16xi32, #tpu.memory_space<hbm>>
      %dma_wait3A_393 = arith.constant 0 : i32
      %dma_wait3A_394 = tpu.memref_slice %arg5[%run_scoped3A_298, %dma_wait3A_393] : memref<4x16xi32, #tpu.memory_space<vmem>> -> memref<1x16xi32, #tpu.memory_space<vmem>>
      %dma_wait3A_395 = tpu.memref_squeeze %dma_wait3A_394 : memref<1x16xi32, #tpu.memory_space<vmem>> -> memref<16xi32, #tpu.memory_space<vmem>>
      %dma_wait3A_396 = tpu.memref_slice %arg3[%add3A_297] : memref<10240xi32, #tpu.memory_space<hbm>> -> memref<16xi32, #tpu.memory_space<hbm>>
      tpu.wait_dma2 semaphore(%run_scoped3A_380 : memref<!tpu.dma_semaphore, #tpu.memory_space<semaphore_mem>>) src(%dma_wait3A_396 : memref<16xi32, #tpu.memory_space<hbm>>) dst(%dma_wait3A_395 : memref<16xi32, #tpu.memory_space<vmem>>)
      tpu.yield
    }) : () -> ()
    %dma_start3A_299 = arith.constant 1 : i32
    %dma_start3A_300 = arith.constant 0 : i32
    %dma_start3A_301 = tpu.memref_slice %arg5[%dma_start3A_299, %dma_start3A_300] : memref<4x16xi32, #tpu.memory_space<vmem>> -> memref<1x16xi32, #tpu.memory_space<vmem>>
    %dma_start3A_302 = tpu.memref_squeeze %dma_start3A_301 : memref<1x16xi32, #tpu.memory_space<vmem>> -> memref<16xi32, #tpu.memory_space<vmem>>
    %dma_start3A_303 = arith.constant 0 : i32
    %dma_start3A_304 = arith.constant 0 : i32
    %dma_start3A_305 = tpu.memref_slice %arg2[%dma_start3A_303, %dma_start3A_304] : memref<4096x1024xf32, #tpu.memory_space<hbm>> -> memref<4096x1024xf32, #tpu.memory_space<hbm>>
    tpu.enqueue_indirect_dma source(%dma_start3A_305 : memref<4096x1024xf32, #tpu.memory_space<hbm>>) target(%arg7 : memref<16x1024xf32, #tpu.memory_space<vmem>>) offsets(%dma_start3A_302 : memref<16xi32, #tpu.memory_space<vmem>>) semaphore(%arg11 : memref<!tpu.dma_semaphore, #tpu.memory_space<semaphore_mem>>)
    %dma_wait3A_306 = arith.constant 2 : i32
    %dma_wait3A_307 = arith.constant 0 : i32
    %dma_wait3A_308 = tpu.memref_slice %arg5[%dma_wait3A_306, %dma_wait3A_307] : memref<4x16xi32, #tpu.memory_space<vmem>> -> memref<1x16xi32, #tpu.memory_space<vmem>>
    %dma_wait3A_309 = tpu.memref_squeeze %dma_wait3A_308 : memref<1x16xi32, #tpu.memory_space<vmem>> -> memref<16xi32, #tpu.memory_space<vmem>>
    %dma_wait3A_310 = arith.constant 0 : i32
    %dma_wait3A_311 = arith.constant 0 : i32
    %dma_wait3A_312 = tpu.memref_slice %arg2[%dma_wait3A_310, %dma_wait3A_311] : memref<4096x1024xf32, #tpu.memory_space<hbm>> -> memref<4096x1024xf32, #tpu.memory_space<hbm>>
    tpu.wait_indirect_dma semaphore(%arg12 : memref<!tpu.dma_semaphore, #tpu.memory_space<semaphore_mem>>) src(%dma_wait3A_312 : memref<4096x1024xf32, #tpu.memory_space<hbm>>) dst(%arg8 : memref<16x1024xf32, #tpu.memory_space<vmem>>)
    %add3A_313 = arith.constant 224 : i32
    %add3A_314 = arith.addi %mul3A_2, %add3A_313 : i32
    "tpu.region"() ({
      %run_scoped3A_380 = tpu.sem_alloc : memref<!tpu.dma_semaphore, #tpu.memory_space<semaphore_mem>>
      %dma_start3A_381 = arith.constant 0 : i32
      %dma_start3A_382 = tpu.memref_slice %arg4[%add3A_314, %dma_start3A_381] : memref<10240x1024xf32, #tpu.memory_space<hbm>> -> memref<16x1024xf32, #tpu.memory_space<hbm>>
      %dma_start3A_383 = arith.constant 0 : i32
      %dma_start3A_384 = tpu.memref_slice %arg4[%add3A_314, %dma_start3A_383] : memref<10240x1024xf32, #tpu.memory_space<hbm>> -> memref<16x1024xf32, #tpu.memory_space<hbm>>
      tpu.enqueue_dma source(%arg8 : memref<16x1024xf32, #tpu.memory_space<vmem>>) target(%dma_start3A_384 : memref<16x1024xf32, #tpu.memory_space<hbm>>) target_semaphore(%run_scoped3A_380 : memref<!tpu.dma_semaphore, #tpu.memory_space<semaphore_mem>>)
      %dma_wait3A_385 = arith.constant 0 : i32
      %dma_wait3A_386 = tpu.memref_slice %arg4[%add3A_314, %dma_wait3A_385] : memref<10240x1024xf32, #tpu.memory_space<hbm>> -> memref<16x1024xf32, #tpu.memory_space<hbm>>
      %dma_wait3A_387 = arith.constant 0 : i32
      %dma_wait3A_388 = tpu.memref_slice %arg4[%add3A_314, %dma_wait3A_387] : memref<10240x1024xf32, #tpu.memory_space<hbm>> -> memref<16x1024xf32, #tpu.memory_space<hbm>>
      tpu.wait_dma2 semaphore(%run_scoped3A_380 : memref<!tpu.dma_semaphore, #tpu.memory_space<semaphore_mem>>) src(%arg8 : memref<16x1024xf32, #tpu.memory_space<vmem>>) dst(%dma_wait3A_388 : memref<16x1024xf32, #tpu.memory_space<hbm>>)
      tpu.yield
    }) : () -> ()
    %add3A_315 = arith.constant 288 : i32
    %add3A_316 = arith.addi %mul3A_2, %add3A_315 : i32
    %run_scoped3A_317 = arith.constant 2 : i32
    "tpu.region"() ({
      %run_scoped3A_380 = tpu.sem_alloc : memref<!tpu.dma_semaphore, #tpu.memory_space<semaphore_mem>>
      %dma_start3A_381 = arith.constant 0 : i32
      %dma_start3A_382 = tpu.memref_slice %arg5[%run_scoped3A_317, %dma_start3A_381] : memref<4x16xi32, #tpu.memory_space<vmem>> -> memref<1x16xi32, #tpu.memory_space<vmem>>
      %dma_start3A_383 = tpu.memref_squeeze %dma_start3A_382 : memref<1x16xi32, #tpu.memory_space<vmem>> -> memref<16xi32, #tpu.memory_space<vmem>>
      %dma_start3A_384 = tpu.memref_slice %arg3[%add3A_316] : memref<10240xi32, #tpu.memory_space<hbm>> -> memref<16xi32, #tpu.memory_space<hbm>>
      %dma_start3A_385 = arith.constant 0 : i32
      %dma_start3A_386 = tpu.memref_slice %arg5[%run_scoped3A_317, %dma_start3A_385] : memref<4x16xi32, #tpu.memory_space<vmem>> -> memref<1x16xi32, #tpu.memory_space<vmem>>
      %dma_start3A_387 = tpu.memref_squeeze %dma_start3A_386 : memref<1x16xi32, #tpu.memory_space<vmem>> -> memref<16xi32, #tpu.memory_space<vmem>>
      %dma_start3A_388 = tpu.memref_slice %arg3[%add3A_316] : memref<10240xi32, #tpu.memory_space<hbm>> -> memref<16xi32, #tpu.memory_space<hbm>>
      tpu.enqueue_dma source(%dma_start3A_388 : memref<16xi32, #tpu.memory_space<hbm>>) target(%dma_start3A_387 : memref<16xi32, #tpu.memory_space<vmem>>) target_semaphore(%run_scoped3A_380 : memref<!tpu.dma_semaphore, #tpu.memory_space<semaphore_mem>>)
      %dma_wait3A_389 = arith.constant 0 : i32
      %dma_wait3A_390 = tpu.memref_slice %arg5[%run_scoped3A_317, %dma_wait3A_389] : memref<4x16xi32, #tpu.memory_space<vmem>> -> memref<1x16xi32, #tpu.memory_space<vmem>>
      %dma_wait3A_391 = tpu.memref_squeeze %dma_wait3A_390 : memref<1x16xi32, #tpu.memory_space<vmem>> -> memref<16xi32, #tpu.memory_space<vmem>>
      %dma_wait3A_392 = tpu.memref_slice %arg3[%add3A_316] : memref<10240xi32, #tpu.memory_space<hbm>> -> memref<16xi32, #tpu.memory_space<hbm>>
      %dma_wait3A_393 = arith.constant 0 : i32
      %dma_wait3A_394 = tpu.memref_slice %arg5[%run_scoped3A_317, %dma_wait3A_393] : memref<4x16xi32, #tpu.memory_space<vmem>> -> memref<1x16xi32, #tpu.memory_space<vmem>>
      %dma_wait3A_395 = tpu.memref_squeeze %dma_wait3A_394 : memref<1x16xi32, #tpu.memory_space<vmem>> -> memref<16xi32, #tpu.memory_space<vmem>>
      %dma_wait3A_396 = tpu.memref_slice %arg3[%add3A_316] : memref<10240xi32, #tpu.memory_space<hbm>> -> memref<16xi32, #tpu.memory_space<hbm>>
      tpu.wait_dma2 semaphore(%run_scoped3A_380 : memref<!tpu.dma_semaphore, #tpu.memory_space<semaphore_mem>>) src(%dma_wait3A_396 : memref<16xi32, #tpu.memory_space<hbm>>) dst(%dma_wait3A_395 : memref<16xi32, #tpu.memory_space<vmem>>)
      tpu.yield
    }) : () -> ()
    %dma_start3A_318 = arith.constant 2 : i32
    %dma_start3A_319 = arith.constant 0 : i32
    %dma_start3A_320 = tpu.memref_slice %arg5[%dma_start3A_318, %dma_start3A_319] : memref<4x16xi32, #tpu.memory_space<vmem>> -> memref<1x16xi32, #tpu.memory_space<vmem>>
    %dma_start3A_321 = tpu.memref_squeeze %dma_start3A_320 : memref<1x16xi32, #tpu.memory_space<vmem>> -> memref<16xi32, #tpu.memory_space<vmem>>
    %dma_start3A_322 = arith.constant 0 : i32
    %dma_start3A_323 = arith.constant 0 : i32
    %dma_start3A_324 = tpu.memref_slice %arg2[%dma_start3A_322, %dma_start3A_323] : memref<4096x1024xf32, #tpu.memory_space<hbm>> -> memref<4096x1024xf32, #tpu.memory_space<hbm>>
    tpu.enqueue_indirect_dma source(%dma_start3A_324 : memref<4096x1024xf32, #tpu.memory_space<hbm>>) target(%arg8 : memref<16x1024xf32, #tpu.memory_space<vmem>>) offsets(%dma_start3A_321 : memref<16xi32, #tpu.memory_space<vmem>>) semaphore(%arg12 : memref<!tpu.dma_semaphore, #tpu.memory_space<semaphore_mem>>)
    %dma_wait3A_325 = arith.constant 3 : i32
    %dma_wait3A_326 = arith.constant 0 : i32
    %dma_wait3A_327 = tpu.memref_slice %arg5[%dma_wait3A_325, %dma_wait3A_326] : memref<4x16xi32, #tpu.memory_space<vmem>> -> memref<1x16xi32, #tpu.memory_space<vmem>>
    %dma_wait3A_328 = tpu.memref_squeeze %dma_wait3A_327 : memref<1x16xi32, #tpu.memory_space<vmem>> -> memref<16xi32, #tpu.memory_space<vmem>>
    %dma_wait3A_329 = arith.constant 0 : i32
    %dma_wait3A_330 = arith.constant 0 : i32
    %dma_wait3A_331 = tpu.memref_slice %arg2[%dma_wait3A_329, %dma_wait3A_330] : memref<4096x1024xf32, #tpu.memory_space<hbm>> -> memref<4096x1024xf32, #tpu.memory_space<hbm>>
    tpu.wait_indirect_dma semaphore(%arg13 : memref<!tpu.dma_semaphore, #tpu.memory_space<semaphore_mem>>) src(%dma_wait3A_331 : memref<4096x1024xf32, #tpu.memory_space<hbm>>) dst(%arg9 : memref<16x1024xf32, #tpu.memory_space<vmem>>)
    %add3A_332 = arith.constant 240 : i32
    %add3A_333 = arith.addi %mul3A_2, %add3A_332 : i32
    "tpu.region"() ({
      %run_scoped3A_380 = tpu.sem_alloc : memref<!tpu.dma_semaphore, #tpu.memory_space<semaphore_mem>>
      %dma_start3A_381 = arith.constant 0 : i32
      %dma_start3A_382 = tpu.memref_slice %arg4[%add3A_333, %dma_start3A_381] : memref<10240x1024xf32, #tpu.memory_space<hbm>> -> memref<16x1024xf32, #tpu.memory_space<hbm>>
      %dma_start3A_383 = arith.constant 0 : i32
      %dma_start3A_384 = tpu.memref_slice %arg4[%add3A_333, %dma_start3A_383] : memref<10240x1024xf32, #tpu.memory_space<hbm>> -> memref<16x1024xf32, #tpu.memory_space<hbm>>
      tpu.enqueue_dma source(%arg9 : memref<16x1024xf32, #tpu.memory_space<vmem>>) target(%dma_start3A_384 : memref<16x1024xf32, #tpu.memory_space<hbm>>) target_semaphore(%run_scoped3A_380 : memref<!tpu.dma_semaphore, #tpu.memory_space<semaphore_mem>>)
      %dma_wait3A_385 = arith.constant 0 : i32
      %dma_wait3A_386 = tpu.memref_slice %arg4[%add3A_333, %dma_wait3A_385] : memref<10240x1024xf32, #tpu.memory_space<hbm>> -> memref<16x1024xf32, #tpu.memory_space<hbm>>
      %dma_wait3A_387 = arith.constant 0 : i32
      %dma_wait3A_388 = tpu.memref_slice %arg4[%add3A_333, %dma_wait3A_387] : memref<10240x1024xf32, #tpu.memory_space<hbm>> -> memref<16x1024xf32, #tpu.memory_space<hbm>>
      tpu.wait_dma2 semaphore(%run_scoped3A_380 : memref<!tpu.dma_semaphore, #tpu.memory_space<semaphore_mem>>) src(%arg9 : memref<16x1024xf32, #tpu.memory_space<vmem>>) dst(%dma_wait3A_388 : memref<16x1024xf32, #tpu.memory_space<hbm>>)
      tpu.yield
    }) : () -> ()
    %add3A_334 = arith.constant 304 : i32
    %add3A_335 = arith.addi %mul3A_2, %add3A_334 : i32
    %run_scoped3A_336 = arith.constant 3 : i32
    "tpu.region"() ({
      %run_scoped3A_380 = tpu.sem_alloc : memref<!tpu.dma_semaphore, #tpu.memory_space<semaphore_mem>>
      %dma_start3A_381 = arith.constant 0 : i32
      %dma_start3A_382 = tpu.memref_slice %arg5[%run_scoped3A_336, %dma_start3A_381] : memref<4x16xi32, #tpu.memory_space<vmem>> -> memref<1x16xi32, #tpu.memory_space<vmem>>
      %dma_start3A_383 = tpu.memref_squeeze %dma_start3A_382 : memref<1x16xi32, #tpu.memory_space<vmem>> -> memref<16xi32, #tpu.memory_space<vmem>>
      %dma_start3A_384 = tpu.memref_slice %arg3[%add3A_335] : memref<10240xi32, #tpu.memory_space<hbm>> -> memref<16xi32, #tpu.memory_space<hbm>>
      %dma_start3A_385 = arith.constant 0 : i32
      %dma_start3A_386 = tpu.memref_slice %arg5[%run_scoped3A_336, %dma_start3A_385] : memref<4x16xi32, #tpu.memory_space<vmem>> -> memref<1x16xi32, #tpu.memory_space<vmem>>
      %dma_start3A_387 = tpu.memref_squeeze %dma_start3A_386 : memref<1x16xi32, #tpu.memory_space<vmem>> -> memref<16xi32, #tpu.memory_space<vmem>>
      %dma_start3A_388 = tpu.memref_slice %arg3[%add3A_335] : memref<10240xi32, #tpu.memory_space<hbm>> -> memref<16xi32, #tpu.memory_space<hbm>>
      tpu.enqueue_dma source(%dma_start3A_388 : memref<16xi32, #tpu.memory_space<hbm>>) target(%dma_start3A_387 : memref<16xi32, #tpu.memory_space<vmem>>) target_semaphore(%run_scoped3A_380 : memref<!tpu.dma_semaphore, #tpu.memory_space<semaphore_mem>>)
      %dma_wait3A_389 = arith.constant 0 : i32
      %dma_wait3A_390 = tpu.memref_slice %arg5[%run_scoped3A_336, %dma_wait3A_389] : memref<4x16xi32, #tpu.memory_space<vmem>> -> memref<1x16xi32, #tpu.memory_space<vmem>>
      %dma_wait3A_391 = tpu.memref_squeeze %dma_wait3A_390 : memref<1x16xi32, #tpu.memory_space<vmem>> -> memref<16xi32, #tpu.memory_space<vmem>>
      %dma_wait3A_392 = tpu.memref_slice %arg3[%add3A_335] : memref<10240xi32, #tpu.memory_space<hbm>> -> memref<16xi32, #tpu.memory_space<hbm>>
      %dma_wait3A_393 = arith.constant 0 : i32
      %dma_wait3A_394 = tpu.memref_slice %arg5[%run_scoped3A_336, %dma_wait3A_393] : memref<4x16xi32, #tpu.memory_space<vmem>> -> memref<1x16xi32, #tpu.memory_space<vmem>>
      %dma_wait3A_395 = tpu.memref_squeeze %dma_wait3A_394 : memref<1x16xi32, #tpu.memory_space<vmem>> -> memref<16xi32, #tpu.memory_space<vmem>>
      %dma_wait3A_396 = tpu.memref_slice %arg3[%add3A_335] : memref<10240xi32, #tpu.memory_space<hbm>> -> memref<16xi32, #tpu.memory_space<hbm>>
      tpu.wait_dma2 semaphore(%run_scoped3A_380 : memref<!tpu.dma_semaphore, #tpu.memory_space<semaphore_mem>>) src(%dma_wait3A_396 : memref<16xi32, #tpu.memory_space<hbm>>) dst(%dma_wait3A_395 : memref<16xi32, #tpu.memory_space<vmem>>)
      tpu.yield
    }) : () -> ()
    %dma_start3A_337 = arith.constant 3 : i32
    %dma_start3A_338 = arith.constant 0 : i32
    %dma_start3A_339 = tpu.memref_slice %arg5[%dma_start3A_337, %dma_start3A_338] : memref<4x16xi32, #tpu.memory_space<vmem>> -> memref<1x16xi32, #tpu.memory_space<vmem>>
    %dma_start3A_340 = tpu.memref_squeeze %dma_start3A_339 : memref<1x16xi32, #tpu.memory_space<vmem>> -> memref<16xi32, #tpu.memory_space<vmem>>
    %dma_start3A_341 = arith.constant 0 : i32
    %dma_start3A_342 = arith.constant 0 : i32
    %dma_start3A_343 = tpu.memref_slice %arg2[%dma_start3A_341, %dma_start3A_342] : memref<4096x1024xf32, #tpu.memory_space<hbm>> -> memref<4096x1024xf32, #tpu.memory_space<hbm>>
    tpu.enqueue_indirect_dma source(%dma_start3A_343 : memref<4096x1024xf32, #tpu.memory_space<hbm>>) target(%arg9 : memref<16x1024xf32, #tpu.memory_space<vmem>>) offsets(%dma_start3A_340 : memref<16xi32, #tpu.memory_space<vmem>>) semaphore(%arg13 : memref<!tpu.dma_semaphore, #tpu.memory_space<semaphore_mem>>)
    %dma_wait3A_344 = arith.constant 0 : i32
    %dma_wait3A_345 = arith.constant 0 : i32
    %dma_wait3A_346 = tpu.memref_slice %arg5[%dma_wait3A_344, %dma_wait3A_345] : memref<4x16xi32, #tpu.memory_space<vmem>> -> memref<1x16xi32, #tpu.memory_space<vmem>>
    %dma_wait3A_347 = tpu.memref_squeeze %dma_wait3A_346 : memref<1x16xi32, #tpu.memory_space<vmem>> -> memref<16xi32, #tpu.memory_space<vmem>>
    %dma_wait3A_348 = arith.constant 0 : i32
    %dma_wait3A_349 = arith.constant 0 : i32
    %dma_wait3A_350 = tpu.memref_slice %arg2[%dma_wait3A_348, %dma_wait3A_349] : memref<4096x1024xf32, #tpu.memory_space<hbm>> -> memref<4096x1024xf32, #tpu.memory_space<hbm>>
    tpu.wait_indirect_dma semaphore(%arg10 : memref<!tpu.dma_semaphore, #tpu.memory_space<semaphore_mem>>) src(%dma_wait3A_350 : memref<4096x1024xf32, #tpu.memory_space<hbm>>) dst(%arg6 : memref<16x1024xf32, #tpu.memory_space<vmem>>)
    %add3A_351 = arith.constant 256 : i32
    %add3A_352 = arith.addi %mul3A_2, %add3A_351 : i32
    "tpu.region"() ({
      %run_scoped3A_380 = tpu.sem_alloc : memref<!tpu.dma_semaphore, #tpu.memory_space<semaphore_mem>>
      %dma_start3A_381 = arith.constant 0 : i32
      %dma_start3A_382 = tpu.memref_slice %arg4[%add3A_352, %dma_start3A_381] : memref<10240x1024xf32, #tpu.memory_space<hbm>> -> memref<16x1024xf32, #tpu.memory_space<hbm>>
      %dma_start3A_383 = arith.constant 0 : i32
      %dma_start3A_384 = tpu.memref_slice %arg4[%add3A_352, %dma_start3A_383] : memref<10240x1024xf32, #tpu.memory_space<hbm>> -> memref<16x1024xf32, #tpu.memory_space<hbm>>
      tpu.enqueue_dma source(%arg6 : memref<16x1024xf32, #tpu.memory_space<vmem>>) target(%dma_start3A_384 : memref<16x1024xf32, #tpu.memory_space<hbm>>) target_semaphore(%run_scoped3A_380 : memref<!tpu.dma_semaphore, #tpu.memory_space<semaphore_mem>>)
      %dma_wait3A_385 = arith.constant 0 : i32
      %dma_wait3A_386 = tpu.memref_slice %arg4[%add3A_352, %dma_wait3A_385] : memref<10240x1024xf32, #tpu.memory_space<hbm>> -> memref<16x1024xf32, #tpu.memory_space<hbm>>
      %dma_wait3A_387 = arith.constant 0 : i32
      %dma_wait3A_388 = tpu.memref_slice %arg4[%add3A_352, %dma_wait3A_387] : memref<10240x1024xf32, #tpu.memory_space<hbm>> -> memref<16x1024xf32, #tpu.memory_space<hbm>>
      tpu.wait_dma2 semaphore(%run_scoped3A_380 : memref<!tpu.dma_semaphore, #tpu.memory_space<semaphore_mem>>) src(%arg6 : memref<16x1024xf32, #tpu.memory_space<vmem>>) dst(%dma_wait3A_388 : memref<16x1024xf32, #tpu.memory_space<hbm>>)
      tpu.yield
    }) : () -> ()
    %dma_wait3A_353 = arith.constant 1 : i32
    %dma_wait3A_354 = arith.constant 0 : i32
    %dma_wait3A_355 = tpu.memref_slice %arg5[%dma_wait3A_353, %dma_wait3A_354] : memref<4x16xi32, #tpu.memory_space<vmem>> -> memref<1x16xi32, #tpu.memory_space<vmem>>
    %dma_wait3A_356 = tpu.memref_squeeze %dma_wait3A_355 : memref<1x16xi32, #tpu.memory_space<vmem>> -> memref<16xi32, #tpu.memory_space<vmem>>
    %dma_wait3A_357 = arith.constant 0 : i32
    %dma_wait3A_358 = arith.constant 0 : i32
    %dma_wait3A_359 = tpu.memref_slice %arg2[%dma_wait3A_357, %dma_wait3A_358] : memref<4096x1024xf32, #tpu.memory_space<hbm>> -> memref<4096x1024xf32, #tpu.memory_space<hbm>>
    tpu.wait_indirect_dma semaphore(%arg11 : memref<!tpu.dma_semaphore, #tpu.memory_space<semaphore_mem>>) src(%dma_wait3A_359 : memref<4096x1024xf32, #tpu.memory_space<hbm>>) dst(%arg7 : memref<16x1024xf32, #tpu.memory_space<vmem>>)
    %add3A_360 = arith.constant 272 : i32
    %add3A_361 = arith.addi %mul3A_2, %add3A_360 : i32
    "tpu.region"() ({
      %run_scoped3A_380 = tpu.sem_alloc : memref<!tpu.dma_semaphore, #tpu.memory_space<semaphore_mem>>
      %dma_start3A_381 = arith.constant 0 : i32
      %dma_start3A_382 = tpu.memref_slice %arg4[%add3A_361, %dma_start3A_381] : memref<10240x1024xf32, #tpu.memory_space<hbm>> -> memref<16x1024xf32, #tpu.memory_space<hbm>>
      %dma_start3A_383 = arith.constant 0 : i32
      %dma_start3A_384 = tpu.memref_slice %arg4[%add3A_361, %dma_start3A_383] : memref<10240x1024xf32, #tpu.memory_space<hbm>> -> memref<16x1024xf32, #tpu.memory_space<hbm>>
      tpu.enqueue_dma source(%arg7 : memref<16x1024xf32, #tpu.memory_space<vmem>>) target(%dma_start3A_384 : memref<16x1024xf32, #tpu.memory_space<hbm>>) target_semaphore(%run_scoped3A_380 : memref<!tpu.dma_semaphore, #tpu.memory_space<semaphore_mem>>)
      %dma_wait3A_385 = arith.constant 0 : i32
      %dma_wait3A_386 = tpu.memref_slice %arg4[%add3A_361, %dma_wait3A_385] : memref<10240x1024xf32, #tpu.memory_space<hbm>> -> memref<16x1024xf32, #tpu.memory_space<hbm>>
      %dma_wait3A_387 = arith.constant 0 : i32
      %dma_wait3A_388 = tpu.memref_slice %arg4[%add3A_361, %dma_wait3A_387] : memref<10240x1024xf32, #tpu.memory_space<hbm>> -> memref<16x1024xf32, #tpu.memory_space<hbm>>
      tpu.wait_dma2 semaphore(%run_scoped3A_380 : memref<!tpu.dma_semaphore, #tpu.memory_space<semaphore_mem>>) src(%arg7 : memref<16x1024xf32, #tpu.memory_space<vmem>>) dst(%dma_wait3A_388 : memref<16x1024xf32, #tpu.memory_space<hbm>>)
      tpu.yield
    }) : () -> ()
    %dma_wait3A_362 = arith.constant 2 : i32
    %dma_wait3A_363 = arith.constant 0 : i32
    %dma_wait3A_364 = tpu.memref_slice %arg5[%dma_wait3A_362, %dma_wait3A_363] : memref<4x16xi32, #tpu.memory_space<vmem>> -> memref<1x16xi32, #tpu.memory_space<vmem>>
    %dma_wait3A_365 = tpu.memref_squeeze %dma_wait3A_364 : memref<1x16xi32, #tpu.memory_space<vmem>> -> memref<16xi32, #tpu.memory_space<vmem>>
    %dma_wait3A_366 = arith.constant 0 : i32
    %dma_wait3A_367 = arith.constant 0 : i32
    %dma_wait3A_368 = tpu.memref_slice %arg2[%dma_wait3A_366, %dma_wait3A_367] : memref<4096x1024xf32, #tpu.memory_space<hbm>> -> memref<4096x1024xf32, #tpu.memory_space<hbm>>
    tpu.wait_indirect_dma semaphore(%arg12 : memref<!tpu.dma_semaphore, #tpu.memory_space<semaphore_mem>>) src(%dma_wait3A_368 : memref<4096x1024xf32, #tpu.memory_space<hbm>>) dst(%arg8 : memref<16x1024xf32, #tpu.memory_space<vmem>>)
    %add3A_369 = arith.constant 288 : i32
    %add3A_370 = arith.addi %mul3A_2, %add3A_369 : i32
    "tpu.region"() ({
      %run_scoped3A_380 = tpu.sem_alloc : memref<!tpu.dma_semaphore, #tpu.memory_space<semaphore_mem>>
      %dma_start3A_381 = arith.constant 0 : i32
      %dma_start3A_382 = tpu.memref_slice %arg4[%add3A_370, %dma_start3A_381] : memref<10240x1024xf32, #tpu.memory_space<hbm>> -> memref<16x1024xf32, #tpu.memory_space<hbm>>
      %dma_start3A_383 = arith.constant 0 : i32
      %dma_start3A_384 = tpu.memref_slice %arg4[%add3A_370, %dma_start3A_383] : memref<10240x1024xf32, #tpu.memory_space<hbm>> -> memref<16x1024xf32, #tpu.memory_space<hbm>>
      tpu.enqueue_dma source(%arg8 : memref<16x1024xf32, #tpu.memory_space<vmem>>) target(%dma_start3A_384 : memref<16x1024xf32, #tpu.memory_space<hbm>>) target_semaphore(%run_scoped3A_380 : memref<!tpu.dma_semaphore, #tpu.memory_space<semaphore_mem>>)
      %dma_wait3A_385 = arith.constant 0 : i32
      %dma_wait3A_386 = tpu.memref_slice %arg4[%add3A_370, %dma_wait3A_385] : memref<10240x1024xf32, #tpu.memory_space<hbm>> -> memref<16x1024xf32, #tpu.memory_space<hbm>>
      %dma_wait3A_387 = arith.constant 0 : i32
      %dma_wait3A_388 = tpu.memref_slice %arg4[%add3A_370, %dma_wait3A_387] : memref<10240x1024xf32, #tpu.memory_space<hbm>> -> memref<16x1024xf32, #tpu.memory_space<hbm>>
      tpu.wait_dma2 semaphore(%run_scoped3A_380 : memref<!tpu.dma_semaphore, #tpu.memory_space<semaphore_mem>>) src(%arg8 : memref<16x1024xf32, #tpu.memory_space<vmem>>) dst(%dma_wait3A_388 : memref<16x1024xf32, #tpu.memory_space<hbm>>)
      tpu.yield
    }) : () -> ()
    %dma_wait3A_371 = arith.constant 3 : i32
    %dma_wait3A_372 = arith.constant 0 : i32
    %dma_wait3A_373 = tpu.memref_slice %arg5[%dma_wait3A_371, %dma_wait3A_372] : memref<4x16xi32, #tpu.memory_space<vmem>> -> memref<1x16xi32, #tpu.memory_space<vmem>>
    %dma_wait3A_374 = tpu.memref_squeeze %dma_wait3A_373 : memref<1x16xi32, #tpu.memory_space<vmem>> -> memref<16xi32, #tpu.memory_space<vmem>>
    %dma_wait3A_375 = arith.constant 0 : i32
    %dma_wait3A_376 = arith.constant 0 : i32
    %dma_wait3A_377 = tpu.memref_slice %arg2[%dma_wait3A_375, %dma_wait3A_376] : memref<4096x1024xf32, #tpu.memory_space<hbm>> -> memref<4096x1024xf32, #tpu.memory_space<hbm>>
    tpu.wait_indirect_dma semaphore(%arg13 : memref<!tpu.dma_semaphore, #tpu.memory_space<semaphore_mem>>) src(%dma_wait3A_377 : memref<4096x1024xf32, #tpu.memory_space<hbm>>) dst(%arg9 : memref<16x1024xf32, #tpu.memory_space<vmem>>)
    %add3A_378 = arith.constant 304 : i32
    %add3A_379 = arith.addi %mul3A_2, %add3A_378 : i32
    "tpu.region"() ({
      %run_scoped3A_380 = tpu.sem_alloc : memref<!tpu.dma_semaphore, #tpu.memory_space<semaphore_mem>>
      %dma_start3A_381 = arith.constant 0 : i32
      %dma_start3A_382 = tpu.memref_slice %arg4[%add3A_379, %dma_start3A_381] : memref<10240x1024xf32, #tpu.memory_space<hbm>> -> memref<16x1024xf32, #tpu.memory_space<hbm>>
      %dma_start3A_383 = arith.constant 0 : i32
      %dma_start3A_384 = tpu.memref_slice %arg4[%add3A_379, %dma_start3A_383] : memref<10240x1024xf32, #tpu.memory_space<hbm>> -> memref<16x1024xf32, #tpu.memory_space<hbm>>
      tpu.enqueue_dma source(%arg9 : memref<16x1024xf32, #tpu.memory_space<vmem>>) target(%dma_start3A_384 : memref<16x1024xf32, #tpu.memory_space<hbm>>) target_semaphore(%run_scoped3A_380 : memref<!tpu.dma_semaphore, #tpu.memory_space<semaphore_mem>>)
      %dma_wait3A_385 = arith.constant 0 : i32
      %dma_wait3A_386 = tpu.memref_slice %arg4[%add3A_379, %dma_wait3A_385] : memref<10240x1024xf32, #tpu.memory_space<hbm>> -> memref<16x1024xf32, #tpu.memory_space<hbm>>
      %dma_wait3A_387 = arith.constant 0 : i32
      %dma_wait3A_388 = tpu.memref_slice %arg4[%add3A_379, %dma_wait3A_387] : memref<10240x1024xf32, #tpu.memory_space<hbm>> -> memref<16x1024xf32, #tpu.memory_space<hbm>>
      tpu.wait_dma2 semaphore(%run_scoped3A_380 : memref<!tpu.dma_semaphore, #tpu.memory_space<semaphore_mem>>) src(%arg9 : memref<16x1024xf32, #tpu.memory_space<vmem>>) dst(%dma_wait3A_388 : memref<16x1024xf32, #tpu.memory_space<hbm>>)
      tpu.yield
    }) : () -> ()
    return
  }
}

#map = affine_map<(d0, d1) -> (0, 0)>
#map1 = affine_map<(d0, d1) -> (0)>
module attributes {stable_mosaic.version = 14 : i64} {
  func.func @k(%arg0: i32, %arg1: i32, %arg2: memref<10240x1024xf32, #tpu.memory_space<hbm>>, %arg3: memref<4096xi32, #tpu.memory_space<hbm>>, %arg4: memref<4096xi32, #tpu.memory_space<hbm>>, %arg5: memref<4096x1024xf32, #tpu.memory_space<hbm>>, %arg6: memref<4096x1024xf32, #tpu.memory_space<hbm>>, %arg7: memref<2x16xi32, #tpu.memory_space<vmem>>, %arg8: memref<2x16xi32, #tpu.memory_space<vmem>>, %arg9: memref<16x1024xf32, #tpu.memory_space<vmem>>, %arg10: memref<16x1024xf32, #tpu.memory_space<vmem>>, %arg11: memref<16x1024xf32, #tpu.memory_space<vmem>>, %arg12: memref<16x1024xf32, #tpu.memory_space<vmem>>, %arg13: memref<!tpu.dma_semaphore, #tpu.memory_space<semaphore_mem>>, %arg14: memref<!tpu.dma_semaphore, #tpu.memory_space<semaphore_mem>>, %arg15: memref<!tpu.dma_semaphore, #tpu.memory_space<semaphore_mem>>, %arg16: memref<!tpu.dma_semaphore, #tpu.memory_space<semaphore_mem>>) attributes {dimension_semantics = [#tpu.dimension_semantics<core_parallel>, #tpu.dimension_semantics<subcore_parallel>], iteration_bounds = array<i64: 2, 16>, scalar_prefetch = 0 : i64, scratch_operands = 10 : i64, tpu.core_type = #tpu.core_type<sc_vector_subcore>, window_params = [{transform_indices = #map}, {transform_indices = #map1}, {transform_indices = #map1}, {transform_indices = #map}, {transform_indices = #map}]} {
    %mul3A = arith.constant 2 : i32
    %mul3A_0 = arith.muli %arg1, %mul3A : i32
    %add3A = arith.addi %mul3A_0, %arg0 : i32
    %mul3A_1 = arith.constant 128 : i32
    %mul3A_2 = arith.muli %add3A, %mul3A_1 : i32
    %add3A_3 = arith.constant 0 : i32
    %add3A_4 = arith.addi %mul3A_2, %add3A_3 : i32
    %run_scoped3A = arith.constant 0 : i32
    "tpu.region"() ({
      %run_scoped3A_272 = tpu.sem_alloc : memref<!tpu.dma_semaphore, #tpu.memory_space<semaphore_mem>>
      %dma_start3A_273 = arith.constant 0 : i32
      %dma_start3A_274 = tpu.memref_slice %arg7[%run_scoped3A, %dma_start3A_273] : memref<2x16xi32, #tpu.memory_space<vmem>> -> memref<1x16xi32, #tpu.memory_space<vmem>>
      %dma_start3A_275 = tpu.memref_squeeze %dma_start3A_274 : memref<1x16xi32, #tpu.memory_space<vmem>> -> memref<16xi32, #tpu.memory_space<vmem>>
      %dma_start3A_276 = tpu.memref_slice %arg3[%add3A_4] : memref<4096xi32, #tpu.memory_space<hbm>> -> memref<16xi32, #tpu.memory_space<hbm>>
      %dma_start3A_277 = arith.constant 0 : i32
      %dma_start3A_278 = tpu.memref_slice %arg7[%run_scoped3A, %dma_start3A_277] : memref<2x16xi32, #tpu.memory_space<vmem>> -> memref<1x16xi32, #tpu.memory_space<vmem>>
      %dma_start3A_279 = tpu.memref_squeeze %dma_start3A_278 : memref<1x16xi32, #tpu.memory_space<vmem>> -> memref<16xi32, #tpu.memory_space<vmem>>
      %dma_start3A_280 = tpu.memref_slice %arg3[%add3A_4] : memref<4096xi32, #tpu.memory_space<hbm>> -> memref<16xi32, #tpu.memory_space<hbm>>
      tpu.enqueue_dma source(%dma_start3A_280 : memref<16xi32, #tpu.memory_space<hbm>>) target(%dma_start3A_279 : memref<16xi32, #tpu.memory_space<vmem>>) target_semaphore(%run_scoped3A_272 : memref<!tpu.dma_semaphore, #tpu.memory_space<semaphore_mem>>)
      %dma_wait3A_281 = arith.constant 0 : i32
      %dma_wait3A_282 = tpu.memref_slice %arg7[%run_scoped3A, %dma_wait3A_281] : memref<2x16xi32, #tpu.memory_space<vmem>> -> memref<1x16xi32, #tpu.memory_space<vmem>>
      %dma_wait3A_283 = tpu.memref_squeeze %dma_wait3A_282 : memref<1x16xi32, #tpu.memory_space<vmem>> -> memref<16xi32, #tpu.memory_space<vmem>>
      %dma_wait3A_284 = tpu.memref_slice %arg3[%add3A_4] : memref<4096xi32, #tpu.memory_space<hbm>> -> memref<16xi32, #tpu.memory_space<hbm>>
      %dma_wait3A_285 = arith.constant 0 : i32
      %dma_wait3A_286 = tpu.memref_slice %arg7[%run_scoped3A, %dma_wait3A_285] : memref<2x16xi32, #tpu.memory_space<vmem>> -> memref<1x16xi32, #tpu.memory_space<vmem>>
      %dma_wait3A_287 = tpu.memref_squeeze %dma_wait3A_286 : memref<1x16xi32, #tpu.memory_space<vmem>> -> memref<16xi32, #tpu.memory_space<vmem>>
      %dma_wait3A_288 = tpu.memref_slice %arg3[%add3A_4] : memref<4096xi32, #tpu.memory_space<hbm>> -> memref<16xi32, #tpu.memory_space<hbm>>
      tpu.wait_dma2 semaphore(%run_scoped3A_272 : memref<!tpu.dma_semaphore, #tpu.memory_space<semaphore_mem>>) src(%dma_wait3A_288 : memref<16xi32, #tpu.memory_space<hbm>>) dst(%dma_wait3A_287 : memref<16xi32, #tpu.memory_space<vmem>>)
      tpu.yield
    }) : () -> ()
    %run_scoped3A_5 = arith.constant 0 : i32
    "tpu.region"() ({
      %run_scoped3A_272 = tpu.sem_alloc : memref<!tpu.dma_semaphore, #tpu.memory_space<semaphore_mem>>
      %dma_start3A_273 = arith.constant 0 : i32
      %dma_start3A_274 = tpu.memref_slice %arg8[%run_scoped3A_5, %dma_start3A_273] : memref<2x16xi32, #tpu.memory_space<vmem>> -> memref<1x16xi32, #tpu.memory_space<vmem>>
      %dma_start3A_275 = tpu.memref_squeeze %dma_start3A_274 : memref<1x16xi32, #tpu.memory_space<vmem>> -> memref<16xi32, #tpu.memory_space<vmem>>
      %dma_start3A_276 = tpu.memref_slice %arg4[%add3A_4] : memref<4096xi32, #tpu.memory_space<hbm>> -> memref<16xi32, #tpu.memory_space<hbm>>
      %dma_start3A_277 = arith.constant 0 : i32
      %dma_start3A_278 = tpu.memref_slice %arg8[%run_scoped3A_5, %dma_start3A_277] : memref<2x16xi32, #tpu.memory_space<vmem>> -> memref<1x16xi32, #tpu.memory_space<vmem>>
      %dma_start3A_279 = tpu.memref_squeeze %dma_start3A_278 : memref<1x16xi32, #tpu.memory_space<vmem>> -> memref<16xi32, #tpu.memory_space<vmem>>
      %dma_start3A_280 = tpu.memref_slice %arg4[%add3A_4] : memref<4096xi32, #tpu.memory_space<hbm>> -> memref<16xi32, #tpu.memory_space<hbm>>
      tpu.enqueue_dma source(%dma_start3A_280 : memref<16xi32, #tpu.memory_space<hbm>>) target(%dma_start3A_279 : memref<16xi32, #tpu.memory_space<vmem>>) target_semaphore(%run_scoped3A_272 : memref<!tpu.dma_semaphore, #tpu.memory_space<semaphore_mem>>)
      %dma_wait3A_281 = arith.constant 0 : i32
      %dma_wait3A_282 = tpu.memref_slice %arg8[%run_scoped3A_5, %dma_wait3A_281] : memref<2x16xi32, #tpu.memory_space<vmem>> -> memref<1x16xi32, #tpu.memory_space<vmem>>
      %dma_wait3A_283 = tpu.memref_squeeze %dma_wait3A_282 : memref<1x16xi32, #tpu.memory_space<vmem>> -> memref<16xi32, #tpu.memory_space<vmem>>
      %dma_wait3A_284 = tpu.memref_slice %arg4[%add3A_4] : memref<4096xi32, #tpu.memory_space<hbm>> -> memref<16xi32, #tpu.memory_space<hbm>>
      %dma_wait3A_285 = arith.constant 0 : i32
      %dma_wait3A_286 = tpu.memref_slice %arg8[%run_scoped3A_5, %dma_wait3A_285] : memref<2x16xi32, #tpu.memory_space<vmem>> -> memref<1x16xi32, #tpu.memory_space<vmem>>
      %dma_wait3A_287 = tpu.memref_squeeze %dma_wait3A_286 : memref<1x16xi32, #tpu.memory_space<vmem>> -> memref<16xi32, #tpu.memory_space<vmem>>
      %dma_wait3A_288 = tpu.memref_slice %arg4[%add3A_4] : memref<4096xi32, #tpu.memory_space<hbm>> -> memref<16xi32, #tpu.memory_space<hbm>>
      tpu.wait_dma2 semaphore(%run_scoped3A_272 : memref<!tpu.dma_semaphore, #tpu.memory_space<semaphore_mem>>) src(%dma_wait3A_288 : memref<16xi32, #tpu.memory_space<hbm>>) dst(%dma_wait3A_287 : memref<16xi32, #tpu.memory_space<vmem>>)
      tpu.yield
    }) : () -> ()
    %dma_start3A = arith.constant 0 : i32
    %dma_start3A_6 = arith.constant 0 : i32
    %dma_start3A_7 = tpu.memref_slice %arg7[%dma_start3A, %dma_start3A_6] : memref<2x16xi32, #tpu.memory_space<vmem>> -> memref<1x16xi32, #tpu.memory_space<vmem>>
    %dma_start3A_8 = tpu.memref_squeeze %dma_start3A_7 : memref<1x16xi32, #tpu.memory_space<vmem>> -> memref<16xi32, #tpu.memory_space<vmem>>
    %dma_start3A_9 = arith.constant 0 : i32
    %dma_start3A_10 = arith.constant 0 : i32
    %dma_start3A_11 = tpu.memref_slice %arg2[%dma_start3A_9, %dma_start3A_10] : memref<10240x1024xf32, #tpu.memory_space<hbm>> -> memref<10240x1024xf32, #tpu.memory_space<hbm>>
    tpu.enqueue_indirect_dma source(%dma_start3A_11 : memref<10240x1024xf32, #tpu.memory_space<hbm>>) target(%arg9 : memref<16x1024xf32, #tpu.memory_space<vmem>>) offsets(%dma_start3A_8 : memref<16xi32, #tpu.memory_space<vmem>>) semaphore(%arg13 : memref<!tpu.dma_semaphore, #tpu.memory_space<semaphore_mem>>)
    %dma_start3A_12 = arith.constant 0 : i32
    %dma_start3A_13 = arith.constant 0 : i32
    %dma_start3A_14 = tpu.memref_slice %arg8[%dma_start3A_12, %dma_start3A_13] : memref<2x16xi32, #tpu.memory_space<vmem>> -> memref<1x16xi32, #tpu.memory_space<vmem>>
    %dma_start3A_15 = tpu.memref_squeeze %dma_start3A_14 : memref<1x16xi32, #tpu.memory_space<vmem>> -> memref<16xi32, #tpu.memory_space<vmem>>
    %dma_start3A_16 = arith.constant 0 : i32
    %dma_start3A_17 = arith.constant 0 : i32
    %dma_start3A_18 = tpu.memref_slice %arg2[%dma_start3A_16, %dma_start3A_17] : memref<10240x1024xf32, #tpu.memory_space<hbm>> -> memref<10240x1024xf32, #tpu.memory_space<hbm>>
    tpu.enqueue_indirect_dma source(%dma_start3A_18 : memref<10240x1024xf32, #tpu.memory_space<hbm>>) target(%arg11 : memref<16x1024xf32, #tpu.memory_space<vmem>>) offsets(%dma_start3A_15 : memref<16xi32, #tpu.memory_space<vmem>>) semaphore(%arg15 : memref<!tpu.dma_semaphore, #tpu.memory_space<semaphore_mem>>)
    %add3A_19 = arith.constant 16 : i32
    %add3A_20 = arith.addi %mul3A_2, %add3A_19 : i32
    %run_scoped3A_21 = arith.constant 1 : i32
    "tpu.region"() ({
      %run_scoped3A_272 = tpu.sem_alloc : memref<!tpu.dma_semaphore, #tpu.memory_space<semaphore_mem>>
      %dma_start3A_273 = arith.constant 0 : i32
      %dma_start3A_274 = tpu.memref_slice %arg7[%run_scoped3A_21, %dma_start3A_273] : memref<2x16xi32, #tpu.memory_space<vmem>> -> memref<1x16xi32, #tpu.memory_space<vmem>>
      %dma_start3A_275 = tpu.memref_squeeze %dma_start3A_274 : memref<1x16xi32, #tpu.memory_space<vmem>> -> memref<16xi32, #tpu.memory_space<vmem>>
      %dma_start3A_276 = tpu.memref_slice %arg3[%add3A_20] : memref<4096xi32, #tpu.memory_space<hbm>> -> memref<16xi32, #tpu.memory_space<hbm>>
      %dma_start3A_277 = arith.constant 0 : i32
      %dma_start3A_278 = tpu.memref_slice %arg7[%run_scoped3A_21, %dma_start3A_277] : memref<2x16xi32, #tpu.memory_space<vmem>> -> memref<1x16xi32, #tpu.memory_space<vmem>>
      %dma_start3A_279 = tpu.memref_squeeze %dma_start3A_278 : memref<1x16xi32, #tpu.memory_space<vmem>> -> memref<16xi32, #tpu.memory_space<vmem>>
      %dma_start3A_280 = tpu.memref_slice %arg3[%add3A_20] : memref<4096xi32, #tpu.memory_space<hbm>> -> memref<16xi32, #tpu.memory_space<hbm>>
      tpu.enqueue_dma source(%dma_start3A_280 : memref<16xi32, #tpu.memory_space<hbm>>) target(%dma_start3A_279 : memref<16xi32, #tpu.memory_space<vmem>>) target_semaphore(%run_scoped3A_272 : memref<!tpu.dma_semaphore, #tpu.memory_space<semaphore_mem>>)
      %dma_wait3A_281 = arith.constant 0 : i32
      %dma_wait3A_282 = tpu.memref_slice %arg7[%run_scoped3A_21, %dma_wait3A_281] : memref<2x16xi32, #tpu.memory_space<vmem>> -> memref<1x16xi32, #tpu.memory_space<vmem>>
      %dma_wait3A_283 = tpu.memref_squeeze %dma_wait3A_282 : memref<1x16xi32, #tpu.memory_space<vmem>> -> memref<16xi32, #tpu.memory_space<vmem>>
      %dma_wait3A_284 = tpu.memref_slice %arg3[%add3A_20] : memref<4096xi32, #tpu.memory_space<hbm>> -> memref<16xi32, #tpu.memory_space<hbm>>
      %dma_wait3A_285 = arith.constant 0 : i32
      %dma_wait3A_286 = tpu.memref_slice %arg7[%run_scoped3A_21, %dma_wait3A_285] : memref<2x16xi32, #tpu.memory_space<vmem>> -> memref<1x16xi32, #tpu.memory_space<vmem>>
      %dma_wait3A_287 = tpu.memref_squeeze %dma_wait3A_286 : memref<1x16xi32, #tpu.memory_space<vmem>> -> memref<16xi32, #tpu.memory_space<vmem>>
      %dma_wait3A_288 = tpu.memref_slice %arg3[%add3A_20] : memref<4096xi32, #tpu.memory_space<hbm>> -> memref<16xi32, #tpu.memory_space<hbm>>
      tpu.wait_dma2 semaphore(%run_scoped3A_272 : memref<!tpu.dma_semaphore, #tpu.memory_space<semaphore_mem>>) src(%dma_wait3A_288 : memref<16xi32, #tpu.memory_space<hbm>>) dst(%dma_wait3A_287 : memref<16xi32, #tpu.memory_space<vmem>>)
      tpu.yield
    }) : () -> ()
    %run_scoped3A_22 = arith.constant 1 : i32
    "tpu.region"() ({
      %run_scoped3A_272 = tpu.sem_alloc : memref<!tpu.dma_semaphore, #tpu.memory_space<semaphore_mem>>
      %dma_start3A_273 = arith.constant 0 : i32
      %dma_start3A_274 = tpu.memref_slice %arg8[%run_scoped3A_22, %dma_start3A_273] : memref<2x16xi32, #tpu.memory_space<vmem>> -> memref<1x16xi32, #tpu.memory_space<vmem>>
      %dma_start3A_275 = tpu.memref_squeeze %dma_start3A_274 : memref<1x16xi32, #tpu.memory_space<vmem>> -> memref<16xi32, #tpu.memory_space<vmem>>
      %dma_start3A_276 = tpu.memref_slice %arg4[%add3A_20] : memref<4096xi32, #tpu.memory_space<hbm>> -> memref<16xi32, #tpu.memory_space<hbm>>
      %dma_start3A_277 = arith.constant 0 : i32
      %dma_start3A_278 = tpu.memref_slice %arg8[%run_scoped3A_22, %dma_start3A_277] : memref<2x16xi32, #tpu.memory_space<vmem>> -> memref<1x16xi32, #tpu.memory_space<vmem>>
      %dma_start3A_279 = tpu.memref_squeeze %dma_start3A_278 : memref<1x16xi32, #tpu.memory_space<vmem>> -> memref<16xi32, #tpu.memory_space<vmem>>
      %dma_start3A_280 = tpu.memref_slice %arg4[%add3A_20] : memref<4096xi32, #tpu.memory_space<hbm>> -> memref<16xi32, #tpu.memory_space<hbm>>
      tpu.enqueue_dma source(%dma_start3A_280 : memref<16xi32, #tpu.memory_space<hbm>>) target(%dma_start3A_279 : memref<16xi32, #tpu.memory_space<vmem>>) target_semaphore(%run_scoped3A_272 : memref<!tpu.dma_semaphore, #tpu.memory_space<semaphore_mem>>)
      %dma_wait3A_281 = arith.constant 0 : i32
      %dma_wait3A_282 = tpu.memref_slice %arg8[%run_scoped3A_22, %dma_wait3A_281] : memref<2x16xi32, #tpu.memory_space<vmem>> -> memref<1x16xi32, #tpu.memory_space<vmem>>
      %dma_wait3A_283 = tpu.memref_squeeze %dma_wait3A_282 : memref<1x16xi32, #tpu.memory_space<vmem>> -> memref<16xi32, #tpu.memory_space<vmem>>
      %dma_wait3A_284 = tpu.memref_slice %arg4[%add3A_20] : memref<4096xi32, #tpu.memory_space<hbm>> -> memref<16xi32, #tpu.memory_space<hbm>>
      %dma_wait3A_285 = arith.constant 0 : i32
      %dma_wait3A_286 = tpu.memref_slice %arg8[%run_scoped3A_22, %dma_wait3A_285] : memref<2x16xi32, #tpu.memory_space<vmem>> -> memref<1x16xi32, #tpu.memory_space<vmem>>
      %dma_wait3A_287 = tpu.memref_squeeze %dma_wait3A_286 : memref<1x16xi32, #tpu.memory_space<vmem>> -> memref<16xi32, #tpu.memory_space<vmem>>
      %dma_wait3A_288 = tpu.memref_slice %arg4[%add3A_20] : memref<4096xi32, #tpu.memory_space<hbm>> -> memref<16xi32, #tpu.memory_space<hbm>>
      tpu.wait_dma2 semaphore(%run_scoped3A_272 : memref<!tpu.dma_semaphore, #tpu.memory_space<semaphore_mem>>) src(%dma_wait3A_288 : memref<16xi32, #tpu.memory_space<hbm>>) dst(%dma_wait3A_287 : memref<16xi32, #tpu.memory_space<vmem>>)
      tpu.yield
    }) : () -> ()
    %dma_start3A_23 = arith.constant 1 : i32
    %dma_start3A_24 = arith.constant 0 : i32
    %dma_start3A_25 = tpu.memref_slice %arg7[%dma_start3A_23, %dma_start3A_24] : memref<2x16xi32, #tpu.memory_space<vmem>> -> memref<1x16xi32, #tpu.memory_space<vmem>>
    %dma_start3A_26 = tpu.memref_squeeze %dma_start3A_25 : memref<1x16xi32, #tpu.memory_space<vmem>> -> memref<16xi32, #tpu.memory_space<vmem>>
    %dma_start3A_27 = arith.constant 0 : i32
    %dma_start3A_28 = arith.constant 0 : i32
    %dma_start3A_29 = tpu.memref_slice %arg2[%dma_start3A_27, %dma_start3A_28] : memref<10240x1024xf32, #tpu.memory_space<hbm>> -> memref<10240x1024xf32, #tpu.memory_space<hbm>>
    tpu.enqueue_indirect_dma source(%dma_start3A_29 : memref<10240x1024xf32, #tpu.memory_space<hbm>>) target(%arg10 : memref<16x1024xf32, #tpu.memory_space<vmem>>) offsets(%dma_start3A_26 : memref<16xi32, #tpu.memory_space<vmem>>) semaphore(%arg14 : memref<!tpu.dma_semaphore, #tpu.memory_space<semaphore_mem>>)
    %dma_start3A_30 = arith.constant 1 : i32
    %dma_start3A_31 = arith.constant 0 : i32
    %dma_start3A_32 = tpu.memref_slice %arg8[%dma_start3A_30, %dma_start3A_31] : memref<2x16xi32, #tpu.memory_space<vmem>> -> memref<1x16xi32, #tpu.memory_space<vmem>>
    %dma_start3A_33 = tpu.memref_squeeze %dma_start3A_32 : memref<1x16xi32, #tpu.memory_space<vmem>> -> memref<16xi32, #tpu.memory_space<vmem>>
    %dma_start3A_34 = arith.constant 0 : i32
    %dma_start3A_35 = arith.constant 0 : i32
    %dma_start3A_36 = tpu.memref_slice %arg2[%dma_start3A_34, %dma_start3A_35] : memref<10240x1024xf32, #tpu.memory_space<hbm>> -> memref<10240x1024xf32, #tpu.memory_space<hbm>>
    tpu.enqueue_indirect_dma source(%dma_start3A_36 : memref<10240x1024xf32, #tpu.memory_space<hbm>>) target(%arg12 : memref<16x1024xf32, #tpu.memory_space<vmem>>) offsets(%dma_start3A_33 : memref<16xi32, #tpu.memory_space<vmem>>) semaphore(%arg16 : memref<!tpu.dma_semaphore, #tpu.memory_space<semaphore_mem>>)
    %dma_wait3A = arith.constant 0 : i32
    %dma_wait3A_37 = arith.constant 0 : i32
    %dma_wait3A_38 = tpu.memref_slice %arg7[%dma_wait3A, %dma_wait3A_37] : memref<2x16xi32, #tpu.memory_space<vmem>> -> memref<1x16xi32, #tpu.memory_space<vmem>>
    %dma_wait3A_39 = tpu.memref_squeeze %dma_wait3A_38 : memref<1x16xi32, #tpu.memory_space<vmem>> -> memref<16xi32, #tpu.memory_space<vmem>>
    %dma_wait3A_40 = arith.constant 0 : i32
    %dma_wait3A_41 = arith.constant 0 : i32
    %dma_wait3A_42 = tpu.memref_slice %arg2[%dma_wait3A_40, %dma_wait3A_41] : memref<10240x1024xf32, #tpu.memory_space<hbm>> -> memref<10240x1024xf32, #tpu.memory_space<hbm>>
    tpu.wait_indirect_dma semaphore(%arg13 : memref<!tpu.dma_semaphore, #tpu.memory_space<semaphore_mem>>) src(%dma_wait3A_42 : memref<10240x1024xf32, #tpu.memory_space<hbm>>) dst(%arg9 : memref<16x1024xf32, #tpu.memory_space<vmem>>)
    %dma_wait3A_43 = arith.constant 0 : i32
    %dma_wait3A_44 = arith.constant 0 : i32
    %dma_wait3A_45 = tpu.memref_slice %arg8[%dma_wait3A_43, %dma_wait3A_44] : memref<2x16xi32, #tpu.memory_space<vmem>> -> memref<1x16xi32, #tpu.memory_space<vmem>>
    %dma_wait3A_46 = tpu.memref_squeeze %dma_wait3A_45 : memref<1x16xi32, #tpu.memory_space<vmem>> -> memref<16xi32, #tpu.memory_space<vmem>>
    %dma_wait3A_47 = arith.constant 0 : i32
    %dma_wait3A_48 = arith.constant 0 : i32
    %dma_wait3A_49 = tpu.memref_slice %arg2[%dma_wait3A_47, %dma_wait3A_48] : memref<10240x1024xf32, #tpu.memory_space<hbm>> -> memref<10240x1024xf32, #tpu.memory_space<hbm>>
    tpu.wait_indirect_dma semaphore(%arg15 : memref<!tpu.dma_semaphore, #tpu.memory_space<semaphore_mem>>) src(%dma_wait3A_49 : memref<10240x1024xf32, #tpu.memory_space<hbm>>) dst(%arg11 : memref<16x1024xf32, #tpu.memory_space<vmem>>)
    %add3A_50 = arith.constant 0 : i32
    %add3A_51 = arith.addi %mul3A_2, %add3A_50 : i32
    "tpu.region"() ({
      %run_scoped3A_272 = tpu.sem_alloc : memref<!tpu.dma_semaphore, #tpu.memory_space<semaphore_mem>>
      %dma_start3A_273 = arith.constant 0 : i32
      %dma_start3A_274 = tpu.memref_slice %arg5[%add3A_51, %dma_start3A_273] : memref<4096x1024xf32, #tpu.memory_space<hbm>> -> memref<16x1024xf32, #tpu.memory_space<hbm>>
      %dma_start3A_275 = arith.constant 0 : i32
      %dma_start3A_276 = tpu.memref_slice %arg5[%add3A_51, %dma_start3A_275] : memref<4096x1024xf32, #tpu.memory_space<hbm>> -> memref<16x1024xf32, #tpu.memory_space<hbm>>
      tpu.enqueue_dma source(%arg9 : memref<16x1024xf32, #tpu.memory_space<vmem>>) target(%dma_start3A_276 : memref<16x1024xf32, #tpu.memory_space<hbm>>) target_semaphore(%run_scoped3A_272 : memref<!tpu.dma_semaphore, #tpu.memory_space<semaphore_mem>>)
      %dma_wait3A_277 = arith.constant 0 : i32
      %dma_wait3A_278 = tpu.memref_slice %arg5[%add3A_51, %dma_wait3A_277] : memref<4096x1024xf32, #tpu.memory_space<hbm>> -> memref<16x1024xf32, #tpu.memory_space<hbm>>
      %dma_wait3A_279 = arith.constant 0 : i32
      %dma_wait3A_280 = tpu.memref_slice %arg5[%add3A_51, %dma_wait3A_279] : memref<4096x1024xf32, #tpu.memory_space<hbm>> -> memref<16x1024xf32, #tpu.memory_space<hbm>>
      tpu.wait_dma2 semaphore(%run_scoped3A_272 : memref<!tpu.dma_semaphore, #tpu.memory_space<semaphore_mem>>) src(%arg9 : memref<16x1024xf32, #tpu.memory_space<vmem>>) dst(%dma_wait3A_280 : memref<16x1024xf32, #tpu.memory_space<hbm>>)
      tpu.yield
    }) : () -> ()
    "tpu.region"() ({
      %run_scoped3A_272 = tpu.sem_alloc : memref<!tpu.dma_semaphore, #tpu.memory_space<semaphore_mem>>
      %dma_start3A_273 = arith.constant 0 : i32
      %dma_start3A_274 = tpu.memref_slice %arg6[%add3A_51, %dma_start3A_273] : memref<4096x1024xf32, #tpu.memory_space<hbm>> -> memref<16x1024xf32, #tpu.memory_space<hbm>>
      %dma_start3A_275 = arith.constant 0 : i32
      %dma_start3A_276 = tpu.memref_slice %arg6[%add3A_51, %dma_start3A_275] : memref<4096x1024xf32, #tpu.memory_space<hbm>> -> memref<16x1024xf32, #tpu.memory_space<hbm>>
      tpu.enqueue_dma source(%arg11 : memref<16x1024xf32, #tpu.memory_space<vmem>>) target(%dma_start3A_276 : memref<16x1024xf32, #tpu.memory_space<hbm>>) target_semaphore(%run_scoped3A_272 : memref<!tpu.dma_semaphore, #tpu.memory_space<semaphore_mem>>)
      %dma_wait3A_277 = arith.constant 0 : i32
      %dma_wait3A_278 = tpu.memref_slice %arg6[%add3A_51, %dma_wait3A_277] : memref<4096x1024xf32, #tpu.memory_space<hbm>> -> memref<16x1024xf32, #tpu.memory_space<hbm>>
      %dma_wait3A_279 = arith.constant 0 : i32
      %dma_wait3A_280 = tpu.memref_slice %arg6[%add3A_51, %dma_wait3A_279] : memref<4096x1024xf32, #tpu.memory_space<hbm>> -> memref<16x1024xf32, #tpu.memory_space<hbm>>
      tpu.wait_dma2 semaphore(%run_scoped3A_272 : memref<!tpu.dma_semaphore, #tpu.memory_space<semaphore_mem>>) src(%arg11 : memref<16x1024xf32, #tpu.memory_space<vmem>>) dst(%dma_wait3A_280 : memref<16x1024xf32, #tpu.memory_space<hbm>>)
      tpu.yield
    }) : () -> ()
    %add3A_52 = arith.constant 32 : i32
    %add3A_53 = arith.addi %mul3A_2, %add3A_52 : i32
    %run_scoped3A_54 = arith.constant 0 : i32
    "tpu.region"() ({
      %run_scoped3A_272 = tpu.sem_alloc : memref<!tpu.dma_semaphore, #tpu.memory_space<semaphore_mem>>
      %dma_start3A_273 = arith.constant 0 : i32
      %dma_start3A_274 = tpu.memref_slice %arg7[%run_scoped3A_54, %dma_start3A_273] : memref<2x16xi32, #tpu.memory_space<vmem>> -> memref<1x16xi32, #tpu.memory_space<vmem>>
      %dma_start3A_275 = tpu.memref_squeeze %dma_start3A_274 : memref<1x16xi32, #tpu.memory_space<vmem>> -> memref<16xi32, #tpu.memory_space<vmem>>
      %dma_start3A_276 = tpu.memref_slice %arg3[%add3A_53] : memref<4096xi32, #tpu.memory_space<hbm>> -> memref<16xi32, #tpu.memory_space<hbm>>
      %dma_start3A_277 = arith.constant 0 : i32
      %dma_start3A_278 = tpu.memref_slice %arg7[%run_scoped3A_54, %dma_start3A_277] : memref<2x16xi32, #tpu.memory_space<vmem>> -> memref<1x16xi32, #tpu.memory_space<vmem>>
      %dma_start3A_279 = tpu.memref_squeeze %dma_start3A_278 : memref<1x16xi32, #tpu.memory_space<vmem>> -> memref<16xi32, #tpu.memory_space<vmem>>
      %dma_start3A_280 = tpu.memref_slice %arg3[%add3A_53] : memref<4096xi32, #tpu.memory_space<hbm>> -> memref<16xi32, #tpu.memory_space<hbm>>
      tpu.enqueue_dma source(%dma_start3A_280 : memref<16xi32, #tpu.memory_space<hbm>>) target(%dma_start3A_279 : memref<16xi32, #tpu.memory_space<vmem>>) target_semaphore(%run_scoped3A_272 : memref<!tpu.dma_semaphore, #tpu.memory_space<semaphore_mem>>)
      %dma_wait3A_281 = arith.constant 0 : i32
      %dma_wait3A_282 = tpu.memref_slice %arg7[%run_scoped3A_54, %dma_wait3A_281] : memref<2x16xi32, #tpu.memory_space<vmem>> -> memref<1x16xi32, #tpu.memory_space<vmem>>
      %dma_wait3A_283 = tpu.memref_squeeze %dma_wait3A_282 : memref<1x16xi32, #tpu.memory_space<vmem>> -> memref<16xi32, #tpu.memory_space<vmem>>
      %dma_wait3A_284 = tpu.memref_slice %arg3[%add3A_53] : memref<4096xi32, #tpu.memory_space<hbm>> -> memref<16xi32, #tpu.memory_space<hbm>>
      %dma_wait3A_285 = arith.constant 0 : i32
      %dma_wait3A_286 = tpu.memref_slice %arg7[%run_scoped3A_54, %dma_wait3A_285] : memref<2x16xi32, #tpu.memory_space<vmem>> -> memref<1x16xi32, #tpu.memory_space<vmem>>
      %dma_wait3A_287 = tpu.memref_squeeze %dma_wait3A_286 : memref<1x16xi32, #tpu.memory_space<vmem>> -> memref<16xi32, #tpu.memory_space<vmem>>
      %dma_wait3A_288 = tpu.memref_slice %arg3[%add3A_53] : memref<4096xi32, #tpu.memory_space<hbm>> -> memref<16xi32, #tpu.memory_space<hbm>>
      tpu.wait_dma2 semaphore(%run_scoped3A_272 : memref<!tpu.dma_semaphore, #tpu.memory_space<semaphore_mem>>) src(%dma_wait3A_288 : memref<16xi32, #tpu.memory_space<hbm>>) dst(%dma_wait3A_287 : memref<16xi32, #tpu.memory_space<vmem>>)
      tpu.yield
    }) : () -> ()
    %run_scoped3A_55 = arith.constant 0 : i32
    "tpu.region"() ({
      %run_scoped3A_272 = tpu.sem_alloc : memref<!tpu.dma_semaphore, #tpu.memory_space<semaphore_mem>>
      %dma_start3A_273 = arith.constant 0 : i32
      %dma_start3A_274 = tpu.memref_slice %arg8[%run_scoped3A_55, %dma_start3A_273] : memref<2x16xi32, #tpu.memory_space<vmem>> -> memref<1x16xi32, #tpu.memory_space<vmem>>
      %dma_start3A_275 = tpu.memref_squeeze %dma_start3A_274 : memref<1x16xi32, #tpu.memory_space<vmem>> -> memref<16xi32, #tpu.memory_space<vmem>>
      %dma_start3A_276 = tpu.memref_slice %arg4[%add3A_53] : memref<4096xi32, #tpu.memory_space<hbm>> -> memref<16xi32, #tpu.memory_space<hbm>>
      %dma_start3A_277 = arith.constant 0 : i32
      %dma_start3A_278 = tpu.memref_slice %arg8[%run_scoped3A_55, %dma_start3A_277] : memref<2x16xi32, #tpu.memory_space<vmem>> -> memref<1x16xi32, #tpu.memory_space<vmem>>
      %dma_start3A_279 = tpu.memref_squeeze %dma_start3A_278 : memref<1x16xi32, #tpu.memory_space<vmem>> -> memref<16xi32, #tpu.memory_space<vmem>>
      %dma_start3A_280 = tpu.memref_slice %arg4[%add3A_53] : memref<4096xi32, #tpu.memory_space<hbm>> -> memref<16xi32, #tpu.memory_space<hbm>>
      tpu.enqueue_dma source(%dma_start3A_280 : memref<16xi32, #tpu.memory_space<hbm>>) target(%dma_start3A_279 : memref<16xi32, #tpu.memory_space<vmem>>) target_semaphore(%run_scoped3A_272 : memref<!tpu.dma_semaphore, #tpu.memory_space<semaphore_mem>>)
      %dma_wait3A_281 = arith.constant 0 : i32
      %dma_wait3A_282 = tpu.memref_slice %arg8[%run_scoped3A_55, %dma_wait3A_281] : memref<2x16xi32, #tpu.memory_space<vmem>> -> memref<1x16xi32, #tpu.memory_space<vmem>>
      %dma_wait3A_283 = tpu.memref_squeeze %dma_wait3A_282 : memref<1x16xi32, #tpu.memory_space<vmem>> -> memref<16xi32, #tpu.memory_space<vmem>>
      %dma_wait3A_284 = tpu.memref_slice %arg4[%add3A_53] : memref<4096xi32, #tpu.memory_space<hbm>> -> memref<16xi32, #tpu.memory_space<hbm>>
      %dma_wait3A_285 = arith.constant 0 : i32
      %dma_wait3A_286 = tpu.memref_slice %arg8[%run_scoped3A_55, %dma_wait3A_285] : memref<2x16xi32, #tpu.memory_space<vmem>> -> memref<1x16xi32, #tpu.memory_space<vmem>>
      %dma_wait3A_287 = tpu.memref_squeeze %dma_wait3A_286 : memref<1x16xi32, #tpu.memory_space<vmem>> -> memref<16xi32, #tpu.memory_space<vmem>>
      %dma_wait3A_288 = tpu.memref_slice %arg4[%add3A_53] : memref<4096xi32, #tpu.memory_space<hbm>> -> memref<16xi32, #tpu.memory_space<hbm>>
      tpu.wait_dma2 semaphore(%run_scoped3A_272 : memref<!tpu.dma_semaphore, #tpu.memory_space<semaphore_mem>>) src(%dma_wait3A_288 : memref<16xi32, #tpu.memory_space<hbm>>) dst(%dma_wait3A_287 : memref<16xi32, #tpu.memory_space<vmem>>)
      tpu.yield
    }) : () -> ()
    %dma_start3A_56 = arith.constant 0 : i32
    %dma_start3A_57 = arith.constant 0 : i32
    %dma_start3A_58 = tpu.memref_slice %arg7[%dma_start3A_56, %dma_start3A_57] : memref<2x16xi32, #tpu.memory_space<vmem>> -> memref<1x16xi32, #tpu.memory_space<vmem>>
    %dma_start3A_59 = tpu.memref_squeeze %dma_start3A_58 : memref<1x16xi32, #tpu.memory_space<vmem>> -> memref<16xi32, #tpu.memory_space<vmem>>
    %dma_start3A_60 = arith.constant 0 : i32
    %dma_start3A_61 = arith.constant 0 : i32
    %dma_start3A_62 = tpu.memref_slice %arg2[%dma_start3A_60, %dma_start3A_61] : memref<10240x1024xf32, #tpu.memory_space<hbm>> -> memref<10240x1024xf32, #tpu.memory_space<hbm>>
    tpu.enqueue_indirect_dma source(%dma_start3A_62 : memref<10240x1024xf32, #tpu.memory_space<hbm>>) target(%arg9 : memref<16x1024xf32, #tpu.memory_space<vmem>>) offsets(%dma_start3A_59 : memref<16xi32, #tpu.memory_space<vmem>>) semaphore(%arg13 : memref<!tpu.dma_semaphore, #tpu.memory_space<semaphore_mem>>)
    %dma_start3A_63 = arith.constant 0 : i32
    %dma_start3A_64 = arith.constant 0 : i32
    %dma_start3A_65 = tpu.memref_slice %arg8[%dma_start3A_63, %dma_start3A_64] : memref<2x16xi32, #tpu.memory_space<vmem>> -> memref<1x16xi32, #tpu.memory_space<vmem>>
    %dma_start3A_66 = tpu.memref_squeeze %dma_start3A_65 : memref<1x16xi32, #tpu.memory_space<vmem>> -> memref<16xi32, #tpu.memory_space<vmem>>
    %dma_start3A_67 = arith.constant 0 : i32
    %dma_start3A_68 = arith.constant 0 : i32
    %dma_start3A_69 = tpu.memref_slice %arg2[%dma_start3A_67, %dma_start3A_68] : memref<10240x1024xf32, #tpu.memory_space<hbm>> -> memref<10240x1024xf32, #tpu.memory_space<hbm>>
    tpu.enqueue_indirect_dma source(%dma_start3A_69 : memref<10240x1024xf32, #tpu.memory_space<hbm>>) target(%arg11 : memref<16x1024xf32, #tpu.memory_space<vmem>>) offsets(%dma_start3A_66 : memref<16xi32, #tpu.memory_space<vmem>>) semaphore(%arg15 : memref<!tpu.dma_semaphore, #tpu.memory_space<semaphore_mem>>)
    %dma_wait3A_70 = arith.constant 1 : i32
    %dma_wait3A_71 = arith.constant 0 : i32
    %dma_wait3A_72 = tpu.memref_slice %arg7[%dma_wait3A_70, %dma_wait3A_71] : memref<2x16xi32, #tpu.memory_space<vmem>> -> memref<1x16xi32, #tpu.memory_space<vmem>>
    %dma_wait3A_73 = tpu.memref_squeeze %dma_wait3A_72 : memref<1x16xi32, #tpu.memory_space<vmem>> -> memref<16xi32, #tpu.memory_space<vmem>>
    %dma_wait3A_74 = arith.constant 0 : i32
    %dma_wait3A_75 = arith.constant 0 : i32
    %dma_wait3A_76 = tpu.memref_slice %arg2[%dma_wait3A_74, %dma_wait3A_75] : memref<10240x1024xf32, #tpu.memory_space<hbm>> -> memref<10240x1024xf32, #tpu.memory_space<hbm>>
    tpu.wait_indirect_dma semaphore(%arg14 : memref<!tpu.dma_semaphore, #tpu.memory_space<semaphore_mem>>) src(%dma_wait3A_76 : memref<10240x1024xf32, #tpu.memory_space<hbm>>) dst(%arg10 : memref<16x1024xf32, #tpu.memory_space<vmem>>)
    %dma_wait3A_77 = arith.constant 1 : i32
    %dma_wait3A_78 = arith.constant 0 : i32
    %dma_wait3A_79 = tpu.memref_slice %arg8[%dma_wait3A_77, %dma_wait3A_78] : memref<2x16xi32, #tpu.memory_space<vmem>> -> memref<1x16xi32, #tpu.memory_space<vmem>>
    %dma_wait3A_80 = tpu.memref_squeeze %dma_wait3A_79 : memref<1x16xi32, #tpu.memory_space<vmem>> -> memref<16xi32, #tpu.memory_space<vmem>>
    %dma_wait3A_81 = arith.constant 0 : i32
    %dma_wait3A_82 = arith.constant 0 : i32
    %dma_wait3A_83 = tpu.memref_slice %arg2[%dma_wait3A_81, %dma_wait3A_82] : memref<10240x1024xf32, #tpu.memory_space<hbm>> -> memref<10240x1024xf32, #tpu.memory_space<hbm>>
    tpu.wait_indirect_dma semaphore(%arg16 : memref<!tpu.dma_semaphore, #tpu.memory_space<semaphore_mem>>) src(%dma_wait3A_83 : memref<10240x1024xf32, #tpu.memory_space<hbm>>) dst(%arg12 : memref<16x1024xf32, #tpu.memory_space<vmem>>)
    %add3A_84 = arith.constant 16 : i32
    %add3A_85 = arith.addi %mul3A_2, %add3A_84 : i32
    "tpu.region"() ({
      %run_scoped3A_272 = tpu.sem_alloc : memref<!tpu.dma_semaphore, #tpu.memory_space<semaphore_mem>>
      %dma_start3A_273 = arith.constant 0 : i32
      %dma_start3A_274 = tpu.memref_slice %arg5[%add3A_85, %dma_start3A_273] : memref<4096x1024xf32, #tpu.memory_space<hbm>> -> memref<16x1024xf32, #tpu.memory_space<hbm>>
      %dma_start3A_275 = arith.constant 0 : i32
      %dma_start3A_276 = tpu.memref_slice %arg5[%add3A_85, %dma_start3A_275] : memref<4096x1024xf32, #tpu.memory_space<hbm>> -> memref<16x1024xf32, #tpu.memory_space<hbm>>
      tpu.enqueue_dma source(%arg10 : memref<16x1024xf32, #tpu.memory_space<vmem>>) target(%dma_start3A_276 : memref<16x1024xf32, #tpu.memory_space<hbm>>) target_semaphore(%run_scoped3A_272 : memref<!tpu.dma_semaphore, #tpu.memory_space<semaphore_mem>>)
      %dma_wait3A_277 = arith.constant 0 : i32
      %dma_wait3A_278 = tpu.memref_slice %arg5[%add3A_85, %dma_wait3A_277] : memref<4096x1024xf32, #tpu.memory_space<hbm>> -> memref<16x1024xf32, #tpu.memory_space<hbm>>
      %dma_wait3A_279 = arith.constant 0 : i32
      %dma_wait3A_280 = tpu.memref_slice %arg5[%add3A_85, %dma_wait3A_279] : memref<4096x1024xf32, #tpu.memory_space<hbm>> -> memref<16x1024xf32, #tpu.memory_space<hbm>>
      tpu.wait_dma2 semaphore(%run_scoped3A_272 : memref<!tpu.dma_semaphore, #tpu.memory_space<semaphore_mem>>) src(%arg10 : memref<16x1024xf32, #tpu.memory_space<vmem>>) dst(%dma_wait3A_280 : memref<16x1024xf32, #tpu.memory_space<hbm>>)
      tpu.yield
    }) : () -> ()
    "tpu.region"() ({
      %run_scoped3A_272 = tpu.sem_alloc : memref<!tpu.dma_semaphore, #tpu.memory_space<semaphore_mem>>
      %dma_start3A_273 = arith.constant 0 : i32
      %dma_start3A_274 = tpu.memref_slice %arg6[%add3A_85, %dma_start3A_273] : memref<4096x1024xf32, #tpu.memory_space<hbm>> -> memref<16x1024xf32, #tpu.memory_space<hbm>>
      %dma_start3A_275 = arith.constant 0 : i32
      %dma_start3A_276 = tpu.memref_slice %arg6[%add3A_85, %dma_start3A_275] : memref<4096x1024xf32, #tpu.memory_space<hbm>> -> memref<16x1024xf32, #tpu.memory_space<hbm>>
      tpu.enqueue_dma source(%arg12 : memref<16x1024xf32, #tpu.memory_space<vmem>>) target(%dma_start3A_276 : memref<16x1024xf32, #tpu.memory_space<hbm>>) target_semaphore(%run_scoped3A_272 : memref<!tpu.dma_semaphore, #tpu.memory_space<semaphore_mem>>)
      %dma_wait3A_277 = arith.constant 0 : i32
      %dma_wait3A_278 = tpu.memref_slice %arg6[%add3A_85, %dma_wait3A_277] : memref<4096x1024xf32, #tpu.memory_space<hbm>> -> memref<16x1024xf32, #tpu.memory_space<hbm>>
      %dma_wait3A_279 = arith.constant 0 : i32
      %dma_wait3A_280 = tpu.memref_slice %arg6[%add3A_85, %dma_wait3A_279] : memref<4096x1024xf32, #tpu.memory_space<hbm>> -> memref<16x1024xf32, #tpu.memory_space<hbm>>
      tpu.wait_dma2 semaphore(%run_scoped3A_272 : memref<!tpu.dma_semaphore, #tpu.memory_space<semaphore_mem>>) src(%arg12 : memref<16x1024xf32, #tpu.memory_space<vmem>>) dst(%dma_wait3A_280 : memref<16x1024xf32, #tpu.memory_space<hbm>>)
      tpu.yield
    }) : () -> ()
    %add3A_86 = arith.constant 48 : i32
    %add3A_87 = arith.addi %mul3A_2, %add3A_86 : i32
    %run_scoped3A_88 = arith.constant 1 : i32
    "tpu.region"() ({
      %run_scoped3A_272 = tpu.sem_alloc : memref<!tpu.dma_semaphore, #tpu.memory_space<semaphore_mem>>
      %dma_start3A_273 = arith.constant 0 : i32
      %dma_start3A_274 = tpu.memref_slice %arg7[%run_scoped3A_88, %dma_start3A_273] : memref<2x16xi32, #tpu.memory_space<vmem>> -> memref<1x16xi32, #tpu.memory_space<vmem>>
      %dma_start3A_275 = tpu.memref_squeeze %dma_start3A_274 : memref<1x16xi32, #tpu.memory_space<vmem>> -> memref<16xi32, #tpu.memory_space<vmem>>
      %dma_start3A_276 = tpu.memref_slice %arg3[%add3A_87] : memref<4096xi32, #tpu.memory_space<hbm>> -> memref<16xi32, #tpu.memory_space<hbm>>
      %dma_start3A_277 = arith.constant 0 : i32
      %dma_start3A_278 = tpu.memref_slice %arg7[%run_scoped3A_88, %dma_start3A_277] : memref<2x16xi32, #tpu.memory_space<vmem>> -> memref<1x16xi32, #tpu.memory_space<vmem>>
      %dma_start3A_279 = tpu.memref_squeeze %dma_start3A_278 : memref<1x16xi32, #tpu.memory_space<vmem>> -> memref<16xi32, #tpu.memory_space<vmem>>
      %dma_start3A_280 = tpu.memref_slice %arg3[%add3A_87] : memref<4096xi32, #tpu.memory_space<hbm>> -> memref<16xi32, #tpu.memory_space<hbm>>
      tpu.enqueue_dma source(%dma_start3A_280 : memref<16xi32, #tpu.memory_space<hbm>>) target(%dma_start3A_279 : memref<16xi32, #tpu.memory_space<vmem>>) target_semaphore(%run_scoped3A_272 : memref<!tpu.dma_semaphore, #tpu.memory_space<semaphore_mem>>)
      %dma_wait3A_281 = arith.constant 0 : i32
      %dma_wait3A_282 = tpu.memref_slice %arg7[%run_scoped3A_88, %dma_wait3A_281] : memref<2x16xi32, #tpu.memory_space<vmem>> -> memref<1x16xi32, #tpu.memory_space<vmem>>
      %dma_wait3A_283 = tpu.memref_squeeze %dma_wait3A_282 : memref<1x16xi32, #tpu.memory_space<vmem>> -> memref<16xi32, #tpu.memory_space<vmem>>
      %dma_wait3A_284 = tpu.memref_slice %arg3[%add3A_87] : memref<4096xi32, #tpu.memory_space<hbm>> -> memref<16xi32, #tpu.memory_space<hbm>>
      %dma_wait3A_285 = arith.constant 0 : i32
      %dma_wait3A_286 = tpu.memref_slice %arg7[%run_scoped3A_88, %dma_wait3A_285] : memref<2x16xi32, #tpu.memory_space<vmem>> -> memref<1x16xi32, #tpu.memory_space<vmem>>
      %dma_wait3A_287 = tpu.memref_squeeze %dma_wait3A_286 : memref<1x16xi32, #tpu.memory_space<vmem>> -> memref<16xi32, #tpu.memory_space<vmem>>
      %dma_wait3A_288 = tpu.memref_slice %arg3[%add3A_87] : memref<4096xi32, #tpu.memory_space<hbm>> -> memref<16xi32, #tpu.memory_space<hbm>>
      tpu.wait_dma2 semaphore(%run_scoped3A_272 : memref<!tpu.dma_semaphore, #tpu.memory_space<semaphore_mem>>) src(%dma_wait3A_288 : memref<16xi32, #tpu.memory_space<hbm>>) dst(%dma_wait3A_287 : memref<16xi32, #tpu.memory_space<vmem>>)
      tpu.yield
    }) : () -> ()
    %run_scoped3A_89 = arith.constant 1 : i32
    "tpu.region"() ({
      %run_scoped3A_272 = tpu.sem_alloc : memref<!tpu.dma_semaphore, #tpu.memory_space<semaphore_mem>>
      %dma_start3A_273 = arith.constant 0 : i32
      %dma_start3A_274 = tpu.memref_slice %arg8[%run_scoped3A_89, %dma_start3A_273] : memref<2x16xi32, #tpu.memory_space<vmem>> -> memref<1x16xi32, #tpu.memory_space<vmem>>
      %dma_start3A_275 = tpu.memref_squeeze %dma_start3A_274 : memref<1x16xi32, #tpu.memory_space<vmem>> -> memref<16xi32, #tpu.memory_space<vmem>>
      %dma_start3A_276 = tpu.memref_slice %arg4[%add3A_87] : memref<4096xi32, #tpu.memory_space<hbm>> -> memref<16xi32, #tpu.memory_space<hbm>>
      %dma_start3A_277 = arith.constant 0 : i32
      %dma_start3A_278 = tpu.memref_slice %arg8[%run_scoped3A_89, %dma_start3A_277] : memref<2x16xi32, #tpu.memory_space<vmem>> -> memref<1x16xi32, #tpu.memory_space<vmem>>
      %dma_start3A_279 = tpu.memref_squeeze %dma_start3A_278 : memref<1x16xi32, #tpu.memory_space<vmem>> -> memref<16xi32, #tpu.memory_space<vmem>>
      %dma_start3A_280 = tpu.memref_slice %arg4[%add3A_87] : memref<4096xi32, #tpu.memory_space<hbm>> -> memref<16xi32, #tpu.memory_space<hbm>>
      tpu.enqueue_dma source(%dma_start3A_280 : memref<16xi32, #tpu.memory_space<hbm>>) target(%dma_start3A_279 : memref<16xi32, #tpu.memory_space<vmem>>) target_semaphore(%run_scoped3A_272 : memref<!tpu.dma_semaphore, #tpu.memory_space<semaphore_mem>>)
      %dma_wait3A_281 = arith.constant 0 : i32
      %dma_wait3A_282 = tpu.memref_slice %arg8[%run_scoped3A_89, %dma_wait3A_281] : memref<2x16xi32, #tpu.memory_space<vmem>> -> memref<1x16xi32, #tpu.memory_space<vmem>>
      %dma_wait3A_283 = tpu.memref_squeeze %dma_wait3A_282 : memref<1x16xi32, #tpu.memory_space<vmem>> -> memref<16xi32, #tpu.memory_space<vmem>>
      %dma_wait3A_284 = tpu.memref_slice %arg4[%add3A_87] : memref<4096xi32, #tpu.memory_space<hbm>> -> memref<16xi32, #tpu.memory_space<hbm>>
      %dma_wait3A_285 = arith.constant 0 : i32
      %dma_wait3A_286 = tpu.memref_slice %arg8[%run_scoped3A_89, %dma_wait3A_285] : memref<2x16xi32, #tpu.memory_space<vmem>> -> memref<1x16xi32, #tpu.memory_space<vmem>>
      %dma_wait3A_287 = tpu.memref_squeeze %dma_wait3A_286 : memref<1x16xi32, #tpu.memory_space<vmem>> -> memref<16xi32, #tpu.memory_space<vmem>>
      %dma_wait3A_288 = tpu.memref_slice %arg4[%add3A_87] : memref<4096xi32, #tpu.memory_space<hbm>> -> memref<16xi32, #tpu.memory_space<hbm>>
      tpu.wait_dma2 semaphore(%run_scoped3A_272 : memref<!tpu.dma_semaphore, #tpu.memory_space<semaphore_mem>>) src(%dma_wait3A_288 : memref<16xi32, #tpu.memory_space<hbm>>) dst(%dma_wait3A_287 : memref<16xi32, #tpu.memory_space<vmem>>)
      tpu.yield
    }) : () -> ()
    %dma_start3A_90 = arith.constant 1 : i32
    %dma_start3A_91 = arith.constant 0 : i32
    %dma_start3A_92 = tpu.memref_slice %arg7[%dma_start3A_90, %dma_start3A_91] : memref<2x16xi32, #tpu.memory_space<vmem>> -> memref<1x16xi32, #tpu.memory_space<vmem>>
    %dma_start3A_93 = tpu.memref_squeeze %dma_start3A_92 : memref<1x16xi32, #tpu.memory_space<vmem>> -> memref<16xi32, #tpu.memory_space<vmem>>
    %dma_start3A_94 = arith.constant 0 : i32
    %dma_start3A_95 = arith.constant 0 : i32
    %dma_start3A_96 = tpu.memref_slice %arg2[%dma_start3A_94, %dma_start3A_95] : memref<10240x1024xf32, #tpu.memory_space<hbm>> -> memref<10240x1024xf32, #tpu.memory_space<hbm>>
    tpu.enqueue_indirect_dma source(%dma_start3A_96 : memref<10240x1024xf32, #tpu.memory_space<hbm>>) target(%arg10 : memref<16x1024xf32, #tpu.memory_space<vmem>>) offsets(%dma_start3A_93 : memref<16xi32, #tpu.memory_space<vmem>>) semaphore(%arg14 : memref<!tpu.dma_semaphore, #tpu.memory_space<semaphore_mem>>)
    %dma_start3A_97 = arith.constant 1 : i32
    %dma_start3A_98 = arith.constant 0 : i32
    %dma_start3A_99 = tpu.memref_slice %arg8[%dma_start3A_97, %dma_start3A_98] : memref<2x16xi32, #tpu.memory_space<vmem>> -> memref<1x16xi32, #tpu.memory_space<vmem>>
    %dma_start3A_100 = tpu.memref_squeeze %dma_start3A_99 : memref<1x16xi32, #tpu.memory_space<vmem>> -> memref<16xi32, #tpu.memory_space<vmem>>
    %dma_start3A_101 = arith.constant 0 : i32
    %dma_start3A_102 = arith.constant 0 : i32
    %dma_start3A_103 = tpu.memref_slice %arg2[%dma_start3A_101, %dma_start3A_102] : memref<10240x1024xf32, #tpu.memory_space<hbm>> -> memref<10240x1024xf32, #tpu.memory_space<hbm>>
    tpu.enqueue_indirect_dma source(%dma_start3A_103 : memref<10240x1024xf32, #tpu.memory_space<hbm>>) target(%arg12 : memref<16x1024xf32, #tpu.memory_space<vmem>>) offsets(%dma_start3A_100 : memref<16xi32, #tpu.memory_space<vmem>>) semaphore(%arg16 : memref<!tpu.dma_semaphore, #tpu.memory_space<semaphore_mem>>)
    %dma_wait3A_104 = arith.constant 0 : i32
    %dma_wait3A_105 = arith.constant 0 : i32
    %dma_wait3A_106 = tpu.memref_slice %arg7[%dma_wait3A_104, %dma_wait3A_105] : memref<2x16xi32, #tpu.memory_space<vmem>> -> memref<1x16xi32, #tpu.memory_space<vmem>>
    %dma_wait3A_107 = tpu.memref_squeeze %dma_wait3A_106 : memref<1x16xi32, #tpu.memory_space<vmem>> -> memref<16xi32, #tpu.memory_space<vmem>>
    %dma_wait3A_108 = arith.constant 0 : i32
    %dma_wait3A_109 = arith.constant 0 : i32
    %dma_wait3A_110 = tpu.memref_slice %arg2[%dma_wait3A_108, %dma_wait3A_109] : memref<10240x1024xf32, #tpu.memory_space<hbm>> -> memref<10240x1024xf32, #tpu.memory_space<hbm>>
    tpu.wait_indirect_dma semaphore(%arg13 : memref<!tpu.dma_semaphore, #tpu.memory_space<semaphore_mem>>) src(%dma_wait3A_110 : memref<10240x1024xf32, #tpu.memory_space<hbm>>) dst(%arg9 : memref<16x1024xf32, #tpu.memory_space<vmem>>)
    %dma_wait3A_111 = arith.constant 0 : i32
    %dma_wait3A_112 = arith.constant 0 : i32
    %dma_wait3A_113 = tpu.memref_slice %arg8[%dma_wait3A_111, %dma_wait3A_112] : memref<2x16xi32, #tpu.memory_space<vmem>> -> memref<1x16xi32, #tpu.memory_space<vmem>>
    %dma_wait3A_114 = tpu.memref_squeeze %dma_wait3A_113 : memref<1x16xi32, #tpu.memory_space<vmem>> -> memref<16xi32, #tpu.memory_space<vmem>>
    %dma_wait3A_115 = arith.constant 0 : i32
    %dma_wait3A_116 = arith.constant 0 : i32
    %dma_wait3A_117 = tpu.memref_slice %arg2[%dma_wait3A_115, %dma_wait3A_116] : memref<10240x1024xf32, #tpu.memory_space<hbm>> -> memref<10240x1024xf32, #tpu.memory_space<hbm>>
    tpu.wait_indirect_dma semaphore(%arg15 : memref<!tpu.dma_semaphore, #tpu.memory_space<semaphore_mem>>) src(%dma_wait3A_117 : memref<10240x1024xf32, #tpu.memory_space<hbm>>) dst(%arg11 : memref<16x1024xf32, #tpu.memory_space<vmem>>)
    %add3A_118 = arith.constant 32 : i32
    %add3A_119 = arith.addi %mul3A_2, %add3A_118 : i32
    "tpu.region"() ({
      %run_scoped3A_272 = tpu.sem_alloc : memref<!tpu.dma_semaphore, #tpu.memory_space<semaphore_mem>>
      %dma_start3A_273 = arith.constant 0 : i32
      %dma_start3A_274 = tpu.memref_slice %arg5[%add3A_119, %dma_start3A_273] : memref<4096x1024xf32, #tpu.memory_space<hbm>> -> memref<16x1024xf32, #tpu.memory_space<hbm>>
      %dma_start3A_275 = arith.constant 0 : i32
      %dma_start3A_276 = tpu.memref_slice %arg5[%add3A_119, %dma_start3A_275] : memref<4096x1024xf32, #tpu.memory_space<hbm>> -> memref<16x1024xf32, #tpu.memory_space<hbm>>
      tpu.enqueue_dma source(%arg9 : memref<16x1024xf32, #tpu.memory_space<vmem>>) target(%dma_start3A_276 : memref<16x1024xf32, #tpu.memory_space<hbm>>) target_semaphore(%run_scoped3A_272 : memref<!tpu.dma_semaphore, #tpu.memory_space<semaphore_mem>>)
      %dma_wait3A_277 = arith.constant 0 : i32
      %dma_wait3A_278 = tpu.memref_slice %arg5[%add3A_119, %dma_wait3A_277] : memref<4096x1024xf32, #tpu.memory_space<hbm>> -> memref<16x1024xf32, #tpu.memory_space<hbm>>
      %dma_wait3A_279 = arith.constant 0 : i32
      %dma_wait3A_280 = tpu.memref_slice %arg5[%add3A_119, %dma_wait3A_279] : memref<4096x1024xf32, #tpu.memory_space<hbm>> -> memref<16x1024xf32, #tpu.memory_space<hbm>>
      tpu.wait_dma2 semaphore(%run_scoped3A_272 : memref<!tpu.dma_semaphore, #tpu.memory_space<semaphore_mem>>) src(%arg9 : memref<16x1024xf32, #tpu.memory_space<vmem>>) dst(%dma_wait3A_280 : memref<16x1024xf32, #tpu.memory_space<hbm>>)
      tpu.yield
    }) : () -> ()
    "tpu.region"() ({
      %run_scoped3A_272 = tpu.sem_alloc : memref<!tpu.dma_semaphore, #tpu.memory_space<semaphore_mem>>
      %dma_start3A_273 = arith.constant 0 : i32
      %dma_start3A_274 = tpu.memref_slice %arg6[%add3A_119, %dma_start3A_273] : memref<4096x1024xf32, #tpu.memory_space<hbm>> -> memref<16x1024xf32, #tpu.memory_space<hbm>>
      %dma_start3A_275 = arith.constant 0 : i32
      %dma_start3A_276 = tpu.memref_slice %arg6[%add3A_119, %dma_start3A_275] : memref<4096x1024xf32, #tpu.memory_space<hbm>> -> memref<16x1024xf32, #tpu.memory_space<hbm>>
      tpu.enqueue_dma source(%arg11 : memref<16x1024xf32, #tpu.memory_space<vmem>>) target(%dma_start3A_276 : memref<16x1024xf32, #tpu.memory_space<hbm>>) target_semaphore(%run_scoped3A_272 : memref<!tpu.dma_semaphore, #tpu.memory_space<semaphore_mem>>)
      %dma_wait3A_277 = arith.constant 0 : i32
      %dma_wait3A_278 = tpu.memref_slice %arg6[%add3A_119, %dma_wait3A_277] : memref<4096x1024xf32, #tpu.memory_space<hbm>> -> memref<16x1024xf32, #tpu.memory_space<hbm>>
      %dma_wait3A_279 = arith.constant 0 : i32
      %dma_wait3A_280 = tpu.memref_slice %arg6[%add3A_119, %dma_wait3A_279] : memref<4096x1024xf32, #tpu.memory_space<hbm>> -> memref<16x1024xf32, #tpu.memory_space<hbm>>
      tpu.wait_dma2 semaphore(%run_scoped3A_272 : memref<!tpu.dma_semaphore, #tpu.memory_space<semaphore_mem>>) src(%arg11 : memref<16x1024xf32, #tpu.memory_space<vmem>>) dst(%dma_wait3A_280 : memref<16x1024xf32, #tpu.memory_space<hbm>>)
      tpu.yield
    }) : () -> ()
    %add3A_120 = arith.constant 64 : i32
    %add3A_121 = arith.addi %mul3A_2, %add3A_120 : i32
    %run_scoped3A_122 = arith.constant 0 : i32
    "tpu.region"() ({
      %run_scoped3A_272 = tpu.sem_alloc : memref<!tpu.dma_semaphore, #tpu.memory_space<semaphore_mem>>
      %dma_start3A_273 = arith.constant 0 : i32
      %dma_start3A_274 = tpu.memref_slice %arg7[%run_scoped3A_122, %dma_start3A_273] : memref<2x16xi32, #tpu.memory_space<vmem>> -> memref<1x16xi32, #tpu.memory_space<vmem>>
      %dma_start3A_275 = tpu.memref_squeeze %dma_start3A_274 : memref<1x16xi32, #tpu.memory_space<vmem>> -> memref<16xi32, #tpu.memory_space<vmem>>
      %dma_start3A_276 = tpu.memref_slice %arg3[%add3A_121] : memref<4096xi32, #tpu.memory_space<hbm>> -> memref<16xi32, #tpu.memory_space<hbm>>
      %dma_start3A_277 = arith.constant 0 : i32
      %dma_start3A_278 = tpu.memref_slice %arg7[%run_scoped3A_122, %dma_start3A_277] : memref<2x16xi32, #tpu.memory_space<vmem>> -> memref<1x16xi32, #tpu.memory_space<vmem>>
      %dma_start3A_279 = tpu.memref_squeeze %dma_start3A_278 : memref<1x16xi32, #tpu.memory_space<vmem>> -> memref<16xi32, #tpu.memory_space<vmem>>
      %dma_start3A_280 = tpu.memref_slice %arg3[%add3A_121] : memref<4096xi32, #tpu.memory_space<hbm>> -> memref<16xi32, #tpu.memory_space<hbm>>
      tpu.enqueue_dma source(%dma_start3A_280 : memref<16xi32, #tpu.memory_space<hbm>>) target(%dma_start3A_279 : memref<16xi32, #tpu.memory_space<vmem>>) target_semaphore(%run_scoped3A_272 : memref<!tpu.dma_semaphore, #tpu.memory_space<semaphore_mem>>)
      %dma_wait3A_281 = arith.constant 0 : i32
      %dma_wait3A_282 = tpu.memref_slice %arg7[%run_scoped3A_122, %dma_wait3A_281] : memref<2x16xi32, #tpu.memory_space<vmem>> -> memref<1x16xi32, #tpu.memory_space<vmem>>
      %dma_wait3A_283 = tpu.memref_squeeze %dma_wait3A_282 : memref<1x16xi32, #tpu.memory_space<vmem>> -> memref<16xi32, #tpu.memory_space<vmem>>
      %dma_wait3A_284 = tpu.memref_slice %arg3[%add3A_121] : memref<4096xi32, #tpu.memory_space<hbm>> -> memref<16xi32, #tpu.memory_space<hbm>>
      %dma_wait3A_285 = arith.constant 0 : i32
      %dma_wait3A_286 = tpu.memref_slice %arg7[%run_scoped3A_122, %dma_wait3A_285] : memref<2x16xi32, #tpu.memory_space<vmem>> -> memref<1x16xi32, #tpu.memory_space<vmem>>
      %dma_wait3A_287 = tpu.memref_squeeze %dma_wait3A_286 : memref<1x16xi32, #tpu.memory_space<vmem>> -> memref<16xi32, #tpu.memory_space<vmem>>
      %dma_wait3A_288 = tpu.memref_slice %arg3[%add3A_121] : memref<4096xi32, #tpu.memory_space<hbm>> -> memref<16xi32, #tpu.memory_space<hbm>>
      tpu.wait_dma2 semaphore(%run_scoped3A_272 : memref<!tpu.dma_semaphore, #tpu.memory_space<semaphore_mem>>) src(%dma_wait3A_288 : memref<16xi32, #tpu.memory_space<hbm>>) dst(%dma_wait3A_287 : memref<16xi32, #tpu.memory_space<vmem>>)
      tpu.yield
    }) : () -> ()
    %run_scoped3A_123 = arith.constant 0 : i32
    "tpu.region"() ({
      %run_scoped3A_272 = tpu.sem_alloc : memref<!tpu.dma_semaphore, #tpu.memory_space<semaphore_mem>>
      %dma_start3A_273 = arith.constant 0 : i32
      %dma_start3A_274 = tpu.memref_slice %arg8[%run_scoped3A_123, %dma_start3A_273] : memref<2x16xi32, #tpu.memory_space<vmem>> -> memref<1x16xi32, #tpu.memory_space<vmem>>
      %dma_start3A_275 = tpu.memref_squeeze %dma_start3A_274 : memref<1x16xi32, #tpu.memory_space<vmem>> -> memref<16xi32, #tpu.memory_space<vmem>>
      %dma_start3A_276 = tpu.memref_slice %arg4[%add3A_121] : memref<4096xi32, #tpu.memory_space<hbm>> -> memref<16xi32, #tpu.memory_space<hbm>>
      %dma_start3A_277 = arith.constant 0 : i32
      %dma_start3A_278 = tpu.memref_slice %arg8[%run_scoped3A_123, %dma_start3A_277] : memref<2x16xi32, #tpu.memory_space<vmem>> -> memref<1x16xi32, #tpu.memory_space<vmem>>
      %dma_start3A_279 = tpu.memref_squeeze %dma_start3A_278 : memref<1x16xi32, #tpu.memory_space<vmem>> -> memref<16xi32, #tpu.memory_space<vmem>>
      %dma_start3A_280 = tpu.memref_slice %arg4[%add3A_121] : memref<4096xi32, #tpu.memory_space<hbm>> -> memref<16xi32, #tpu.memory_space<hbm>>
      tpu.enqueue_dma source(%dma_start3A_280 : memref<16xi32, #tpu.memory_space<hbm>>) target(%dma_start3A_279 : memref<16xi32, #tpu.memory_space<vmem>>) target_semaphore(%run_scoped3A_272 : memref<!tpu.dma_semaphore, #tpu.memory_space<semaphore_mem>>)
      %dma_wait3A_281 = arith.constant 0 : i32
      %dma_wait3A_282 = tpu.memref_slice %arg8[%run_scoped3A_123, %dma_wait3A_281] : memref<2x16xi32, #tpu.memory_space<vmem>> -> memref<1x16xi32, #tpu.memory_space<vmem>>
      %dma_wait3A_283 = tpu.memref_squeeze %dma_wait3A_282 : memref<1x16xi32, #tpu.memory_space<vmem>> -> memref<16xi32, #tpu.memory_space<vmem>>
      %dma_wait3A_284 = tpu.memref_slice %arg4[%add3A_121] : memref<4096xi32, #tpu.memory_space<hbm>> -> memref<16xi32, #tpu.memory_space<hbm>>
      %dma_wait3A_285 = arith.constant 0 : i32
      %dma_wait3A_286 = tpu.memref_slice %arg8[%run_scoped3A_123, %dma_wait3A_285] : memref<2x16xi32, #tpu.memory_space<vmem>> -> memref<1x16xi32, #tpu.memory_space<vmem>>
      %dma_wait3A_287 = tpu.memref_squeeze %dma_wait3A_286 : memref<1x16xi32, #tpu.memory_space<vmem>> -> memref<16xi32, #tpu.memory_space<vmem>>
      %dma_wait3A_288 = tpu.memref_slice %arg4[%add3A_121] : memref<4096xi32, #tpu.memory_space<hbm>> -> memref<16xi32, #tpu.memory_space<hbm>>
      tpu.wait_dma2 semaphore(%run_scoped3A_272 : memref<!tpu.dma_semaphore, #tpu.memory_space<semaphore_mem>>) src(%dma_wait3A_288 : memref<16xi32, #tpu.memory_space<hbm>>) dst(%dma_wait3A_287 : memref<16xi32, #tpu.memory_space<vmem>>)
      tpu.yield
    }) : () -> ()
    %dma_start3A_124 = arith.constant 0 : i32
    %dma_start3A_125 = arith.constant 0 : i32
    %dma_start3A_126 = tpu.memref_slice %arg7[%dma_start3A_124, %dma_start3A_125] : memref<2x16xi32, #tpu.memory_space<vmem>> -> memref<1x16xi32, #tpu.memory_space<vmem>>
    %dma_start3A_127 = tpu.memref_squeeze %dma_start3A_126 : memref<1x16xi32, #tpu.memory_space<vmem>> -> memref<16xi32, #tpu.memory_space<vmem>>
    %dma_start3A_128 = arith.constant 0 : i32
    %dma_start3A_129 = arith.constant 0 : i32
    %dma_start3A_130 = tpu.memref_slice %arg2[%dma_start3A_128, %dma_start3A_129] : memref<10240x1024xf32, #tpu.memory_space<hbm>> -> memref<10240x1024xf32, #tpu.memory_space<hbm>>
    tpu.enqueue_indirect_dma source(%dma_start3A_130 : memref<10240x1024xf32, #tpu.memory_space<hbm>>) target(%arg9 : memref<16x1024xf32, #tpu.memory_space<vmem>>) offsets(%dma_start3A_127 : memref<16xi32, #tpu.memory_space<vmem>>) semaphore(%arg13 : memref<!tpu.dma_semaphore, #tpu.memory_space<semaphore_mem>>)
    %dma_start3A_131 = arith.constant 0 : i32
    %dma_start3A_132 = arith.constant 0 : i32
    %dma_start3A_133 = tpu.memref_slice %arg8[%dma_start3A_131, %dma_start3A_132] : memref<2x16xi32, #tpu.memory_space<vmem>> -> memref<1x16xi32, #tpu.memory_space<vmem>>
    %dma_start3A_134 = tpu.memref_squeeze %dma_start3A_133 : memref<1x16xi32, #tpu.memory_space<vmem>> -> memref<16xi32, #tpu.memory_space<vmem>>
    %dma_start3A_135 = arith.constant 0 : i32
    %dma_start3A_136 = arith.constant 0 : i32
    %dma_start3A_137 = tpu.memref_slice %arg2[%dma_start3A_135, %dma_start3A_136] : memref<10240x1024xf32, #tpu.memory_space<hbm>> -> memref<10240x1024xf32, #tpu.memory_space<hbm>>
    tpu.enqueue_indirect_dma source(%dma_start3A_137 : memref<10240x1024xf32, #tpu.memory_space<hbm>>) target(%arg11 : memref<16x1024xf32, #tpu.memory_space<vmem>>) offsets(%dma_start3A_134 : memref<16xi32, #tpu.memory_space<vmem>>) semaphore(%arg15 : memref<!tpu.dma_semaphore, #tpu.memory_space<semaphore_mem>>)
    %dma_wait3A_138 = arith.constant 1 : i32
    %dma_wait3A_139 = arith.constant 0 : i32
    %dma_wait3A_140 = tpu.memref_slice %arg7[%dma_wait3A_138, %dma_wait3A_139] : memref<2x16xi32, #tpu.memory_space<vmem>> -> memref<1x16xi32, #tpu.memory_space<vmem>>
    %dma_wait3A_141 = tpu.memref_squeeze %dma_wait3A_140 : memref<1x16xi32, #tpu.memory_space<vmem>> -> memref<16xi32, #tpu.memory_space<vmem>>
    %dma_wait3A_142 = arith.constant 0 : i32
    %dma_wait3A_143 = arith.constant 0 : i32
    %dma_wait3A_144 = tpu.memref_slice %arg2[%dma_wait3A_142, %dma_wait3A_143] : memref<10240x1024xf32, #tpu.memory_space<hbm>> -> memref<10240x1024xf32, #tpu.memory_space<hbm>>
    tpu.wait_indirect_dma semaphore(%arg14 : memref<!tpu.dma_semaphore, #tpu.memory_space<semaphore_mem>>) src(%dma_wait3A_144 : memref<10240x1024xf32, #tpu.memory_space<hbm>>) dst(%arg10 : memref<16x1024xf32, #tpu.memory_space<vmem>>)
    %dma_wait3A_145 = arith.constant 1 : i32
    %dma_wait3A_146 = arith.constant 0 : i32
    %dma_wait3A_147 = tpu.memref_slice %arg8[%dma_wait3A_145, %dma_wait3A_146] : memref<2x16xi32, #tpu.memory_space<vmem>> -> memref<1x16xi32, #tpu.memory_space<vmem>>
    %dma_wait3A_148 = tpu.memref_squeeze %dma_wait3A_147 : memref<1x16xi32, #tpu.memory_space<vmem>> -> memref<16xi32, #tpu.memory_space<vmem>>
    %dma_wait3A_149 = arith.constant 0 : i32
    %dma_wait3A_150 = arith.constant 0 : i32
    %dma_wait3A_151 = tpu.memref_slice %arg2[%dma_wait3A_149, %dma_wait3A_150] : memref<10240x1024xf32, #tpu.memory_space<hbm>> -> memref<10240x1024xf32, #tpu.memory_space<hbm>>
    tpu.wait_indirect_dma semaphore(%arg16 : memref<!tpu.dma_semaphore, #tpu.memory_space<semaphore_mem>>) src(%dma_wait3A_151 : memref<10240x1024xf32, #tpu.memory_space<hbm>>) dst(%arg12 : memref<16x1024xf32, #tpu.memory_space<vmem>>)
    %add3A_152 = arith.constant 48 : i32
    %add3A_153 = arith.addi %mul3A_2, %add3A_152 : i32
    "tpu.region"() ({
      %run_scoped3A_272 = tpu.sem_alloc : memref<!tpu.dma_semaphore, #tpu.memory_space<semaphore_mem>>
      %dma_start3A_273 = arith.constant 0 : i32
      %dma_start3A_274 = tpu.memref_slice %arg5[%add3A_153, %dma_start3A_273] : memref<4096x1024xf32, #tpu.memory_space<hbm>> -> memref<16x1024xf32, #tpu.memory_space<hbm>>
      %dma_start3A_275 = arith.constant 0 : i32
      %dma_start3A_276 = tpu.memref_slice %arg5[%add3A_153, %dma_start3A_275] : memref<4096x1024xf32, #tpu.memory_space<hbm>> -> memref<16x1024xf32, #tpu.memory_space<hbm>>
      tpu.enqueue_dma source(%arg10 : memref<16x1024xf32, #tpu.memory_space<vmem>>) target(%dma_start3A_276 : memref<16x1024xf32, #tpu.memory_space<hbm>>) target_semaphore(%run_scoped3A_272 : memref<!tpu.dma_semaphore, #tpu.memory_space<semaphore_mem>>)
      %dma_wait3A_277 = arith.constant 0 : i32
      %dma_wait3A_278 = tpu.memref_slice %arg5[%add3A_153, %dma_wait3A_277] : memref<4096x1024xf32, #tpu.memory_space<hbm>> -> memref<16x1024xf32, #tpu.memory_space<hbm>>
      %dma_wait3A_279 = arith.constant 0 : i32
      %dma_wait3A_280 = tpu.memref_slice %arg5[%add3A_153, %dma_wait3A_279] : memref<4096x1024xf32, #tpu.memory_space<hbm>> -> memref<16x1024xf32, #tpu.memory_space<hbm>>
      tpu.wait_dma2 semaphore(%run_scoped3A_272 : memref<!tpu.dma_semaphore, #tpu.memory_space<semaphore_mem>>) src(%arg10 : memref<16x1024xf32, #tpu.memory_space<vmem>>) dst(%dma_wait3A_280 : memref<16x1024xf32, #tpu.memory_space<hbm>>)
      tpu.yield
    }) : () -> ()
    "tpu.region"() ({
      %run_scoped3A_272 = tpu.sem_alloc : memref<!tpu.dma_semaphore, #tpu.memory_space<semaphore_mem>>
      %dma_start3A_273 = arith.constant 0 : i32
      %dma_start3A_274 = tpu.memref_slice %arg6[%add3A_153, %dma_start3A_273] : memref<4096x1024xf32, #tpu.memory_space<hbm>> -> memref<16x1024xf32, #tpu.memory_space<hbm>>
      %dma_start3A_275 = arith.constant 0 : i32
      %dma_start3A_276 = tpu.memref_slice %arg6[%add3A_153, %dma_start3A_275] : memref<4096x1024xf32, #tpu.memory_space<hbm>> -> memref<16x1024xf32, #tpu.memory_space<hbm>>
      tpu.enqueue_dma source(%arg12 : memref<16x1024xf32, #tpu.memory_space<vmem>>) target(%dma_start3A_276 : memref<16x1024xf32, #tpu.memory_space<hbm>>) target_semaphore(%run_scoped3A_272 : memref<!tpu.dma_semaphore, #tpu.memory_space<semaphore_mem>>)
      %dma_wait3A_277 = arith.constant 0 : i32
      %dma_wait3A_278 = tpu.memref_slice %arg6[%add3A_153, %dma_wait3A_277] : memref<4096x1024xf32, #tpu.memory_space<hbm>> -> memref<16x1024xf32, #tpu.memory_space<hbm>>
      %dma_wait3A_279 = arith.constant 0 : i32
      %dma_wait3A_280 = tpu.memref_slice %arg6[%add3A_153, %dma_wait3A_279] : memref<4096x1024xf32, #tpu.memory_space<hbm>> -> memref<16x1024xf32, #tpu.memory_space<hbm>>
      tpu.wait_dma2 semaphore(%run_scoped3A_272 : memref<!tpu.dma_semaphore, #tpu.memory_space<semaphore_mem>>) src(%arg12 : memref<16x1024xf32, #tpu.memory_space<vmem>>) dst(%dma_wait3A_280 : memref<16x1024xf32, #tpu.memory_space<hbm>>)
      tpu.yield
    }) : () -> ()
    %add3A_154 = arith.constant 80 : i32
    %add3A_155 = arith.addi %mul3A_2, %add3A_154 : i32
    %run_scoped3A_156 = arith.constant 1 : i32
    "tpu.region"() ({
      %run_scoped3A_272 = tpu.sem_alloc : memref<!tpu.dma_semaphore, #tpu.memory_space<semaphore_mem>>
      %dma_start3A_273 = arith.constant 0 : i32
      %dma_start3A_274 = tpu.memref_slice %arg7[%run_scoped3A_156, %dma_start3A_273] : memref<2x16xi32, #tpu.memory_space<vmem>> -> memref<1x16xi32, #tpu.memory_space<vmem>>
      %dma_start3A_275 = tpu.memref_squeeze %dma_start3A_274 : memref<1x16xi32, #tpu.memory_space<vmem>> -> memref<16xi32, #tpu.memory_space<vmem>>
      %dma_start3A_276 = tpu.memref_slice %arg3[%add3A_155] : memref<4096xi32, #tpu.memory_space<hbm>> -> memref<16xi32, #tpu.memory_space<hbm>>
      %dma_start3A_277 = arith.constant 0 : i32
      %dma_start3A_278 = tpu.memref_slice %arg7[%run_scoped3A_156, %dma_start3A_277] : memref<2x16xi32, #tpu.memory_space<vmem>> -> memref<1x16xi32, #tpu.memory_space<vmem>>
      %dma_start3A_279 = tpu.memref_squeeze %dma_start3A_278 : memref<1x16xi32, #tpu.memory_space<vmem>> -> memref<16xi32, #tpu.memory_space<vmem>>
      %dma_start3A_280 = tpu.memref_slice %arg3[%add3A_155] : memref<4096xi32, #tpu.memory_space<hbm>> -> memref<16xi32, #tpu.memory_space<hbm>>
      tpu.enqueue_dma source(%dma_start3A_280 : memref<16xi32, #tpu.memory_space<hbm>>) target(%dma_start3A_279 : memref<16xi32, #tpu.memory_space<vmem>>) target_semaphore(%run_scoped3A_272 : memref<!tpu.dma_semaphore, #tpu.memory_space<semaphore_mem>>)
      %dma_wait3A_281 = arith.constant 0 : i32
      %dma_wait3A_282 = tpu.memref_slice %arg7[%run_scoped3A_156, %dma_wait3A_281] : memref<2x16xi32, #tpu.memory_space<vmem>> -> memref<1x16xi32, #tpu.memory_space<vmem>>
      %dma_wait3A_283 = tpu.memref_squeeze %dma_wait3A_282 : memref<1x16xi32, #tpu.memory_space<vmem>> -> memref<16xi32, #tpu.memory_space<vmem>>
      %dma_wait3A_284 = tpu.memref_slice %arg3[%add3A_155] : memref<4096xi32, #tpu.memory_space<hbm>> -> memref<16xi32, #tpu.memory_space<hbm>>
      %dma_wait3A_285 = arith.constant 0 : i32
      %dma_wait3A_286 = tpu.memref_slice %arg7[%run_scoped3A_156, %dma_wait3A_285] : memref<2x16xi32, #tpu.memory_space<vmem>> -> memref<1x16xi32, #tpu.memory_space<vmem>>
      %dma_wait3A_287 = tpu.memref_squeeze %dma_wait3A_286 : memref<1x16xi32, #tpu.memory_space<vmem>> -> memref<16xi32, #tpu.memory_space<vmem>>
      %dma_wait3A_288 = tpu.memref_slice %arg3[%add3A_155] : memref<4096xi32, #tpu.memory_space<hbm>> -> memref<16xi32, #tpu.memory_space<hbm>>
      tpu.wait_dma2 semaphore(%run_scoped3A_272 : memref<!tpu.dma_semaphore, #tpu.memory_space<semaphore_mem>>) src(%dma_wait3A_288 : memref<16xi32, #tpu.memory_space<hbm>>) dst(%dma_wait3A_287 : memref<16xi32, #tpu.memory_space<vmem>>)
      tpu.yield
    }) : () -> ()
    %run_scoped3A_157 = arith.constant 1 : i32
    "tpu.region"() ({
      %run_scoped3A_272 = tpu.sem_alloc : memref<!tpu.dma_semaphore, #tpu.memory_space<semaphore_mem>>
      %dma_start3A_273 = arith.constant 0 : i32
      %dma_start3A_274 = tpu.memref_slice %arg8[%run_scoped3A_157, %dma_start3A_273] : memref<2x16xi32, #tpu.memory_space<vmem>> -> memref<1x16xi32, #tpu.memory_space<vmem>>
      %dma_start3A_275 = tpu.memref_squeeze %dma_start3A_274 : memref<1x16xi32, #tpu.memory_space<vmem>> -> memref<16xi32, #tpu.memory_space<vmem>>
      %dma_start3A_276 = tpu.memref_slice %arg4[%add3A_155] : memref<4096xi32, #tpu.memory_space<hbm>> -> memref<16xi32, #tpu.memory_space<hbm>>
      %dma_start3A_277 = arith.constant 0 : i32
      %dma_start3A_278 = tpu.memref_slice %arg8[%run_scoped3A_157, %dma_start3A_277] : memref<2x16xi32, #tpu.memory_space<vmem>> -> memref<1x16xi32, #tpu.memory_space<vmem>>
      %dma_start3A_279 = tpu.memref_squeeze %dma_start3A_278 : memref<1x16xi32, #tpu.memory_space<vmem>> -> memref<16xi32, #tpu.memory_space<vmem>>
      %dma_start3A_280 = tpu.memref_slice %arg4[%add3A_155] : memref<4096xi32, #tpu.memory_space<hbm>> -> memref<16xi32, #tpu.memory_space<hbm>>
      tpu.enqueue_dma source(%dma_start3A_280 : memref<16xi32, #tpu.memory_space<hbm>>) target(%dma_start3A_279 : memref<16xi32, #tpu.memory_space<vmem>>) target_semaphore(%run_scoped3A_272 : memref<!tpu.dma_semaphore, #tpu.memory_space<semaphore_mem>>)
      %dma_wait3A_281 = arith.constant 0 : i32
      %dma_wait3A_282 = tpu.memref_slice %arg8[%run_scoped3A_157, %dma_wait3A_281] : memref<2x16xi32, #tpu.memory_space<vmem>> -> memref<1x16xi32, #tpu.memory_space<vmem>>
      %dma_wait3A_283 = tpu.memref_squeeze %dma_wait3A_282 : memref<1x16xi32, #tpu.memory_space<vmem>> -> memref<16xi32, #tpu.memory_space<vmem>>
      %dma_wait3A_284 = tpu.memref_slice %arg4[%add3A_155] : memref<4096xi32, #tpu.memory_space<hbm>> -> memref<16xi32, #tpu.memory_space<hbm>>
      %dma_wait3A_285 = arith.constant 0 : i32
      %dma_wait3A_286 = tpu.memref_slice %arg8[%run_scoped3A_157, %dma_wait3A_285] : memref<2x16xi32, #tpu.memory_space<vmem>> -> memref<1x16xi32, #tpu.memory_space<vmem>>
      %dma_wait3A_287 = tpu.memref_squeeze %dma_wait3A_286 : memref<1x16xi32, #tpu.memory_space<vmem>> -> memref<16xi32, #tpu.memory_space<vmem>>
      %dma_wait3A_288 = tpu.memref_slice %arg4[%add3A_155] : memref<4096xi32, #tpu.memory_space<hbm>> -> memref<16xi32, #tpu.memory_space<hbm>>
      tpu.wait_dma2 semaphore(%run_scoped3A_272 : memref<!tpu.dma_semaphore, #tpu.memory_space<semaphore_mem>>) src(%dma_wait3A_288 : memref<16xi32, #tpu.memory_space<hbm>>) dst(%dma_wait3A_287 : memref<16xi32, #tpu.memory_space<vmem>>)
      tpu.yield
    }) : () -> ()
    %dma_start3A_158 = arith.constant 1 : i32
    %dma_start3A_159 = arith.constant 0 : i32
    %dma_start3A_160 = tpu.memref_slice %arg7[%dma_start3A_158, %dma_start3A_159] : memref<2x16xi32, #tpu.memory_space<vmem>> -> memref<1x16xi32, #tpu.memory_space<vmem>>
    %dma_start3A_161 = tpu.memref_squeeze %dma_start3A_160 : memref<1x16xi32, #tpu.memory_space<vmem>> -> memref<16xi32, #tpu.memory_space<vmem>>
    %dma_start3A_162 = arith.constant 0 : i32
    %dma_start3A_163 = arith.constant 0 : i32
    %dma_start3A_164 = tpu.memref_slice %arg2[%dma_start3A_162, %dma_start3A_163] : memref<10240x1024xf32, #tpu.memory_space<hbm>> -> memref<10240x1024xf32, #tpu.memory_space<hbm>>
    tpu.enqueue_indirect_dma source(%dma_start3A_164 : memref<10240x1024xf32, #tpu.memory_space<hbm>>) target(%arg10 : memref<16x1024xf32, #tpu.memory_space<vmem>>) offsets(%dma_start3A_161 : memref<16xi32, #tpu.memory_space<vmem>>) semaphore(%arg14 : memref<!tpu.dma_semaphore, #tpu.memory_space<semaphore_mem>>)
    %dma_start3A_165 = arith.constant 1 : i32
    %dma_start3A_166 = arith.constant 0 : i32
    %dma_start3A_167 = tpu.memref_slice %arg8[%dma_start3A_165, %dma_start3A_166] : memref<2x16xi32, #tpu.memory_space<vmem>> -> memref<1x16xi32, #tpu.memory_space<vmem>>
    %dma_start3A_168 = tpu.memref_squeeze %dma_start3A_167 : memref<1x16xi32, #tpu.memory_space<vmem>> -> memref<16xi32, #tpu.memory_space<vmem>>
    %dma_start3A_169 = arith.constant 0 : i32
    %dma_start3A_170 = arith.constant 0 : i32
    %dma_start3A_171 = tpu.memref_slice %arg2[%dma_start3A_169, %dma_start3A_170] : memref<10240x1024xf32, #tpu.memory_space<hbm>> -> memref<10240x1024xf32, #tpu.memory_space<hbm>>
    tpu.enqueue_indirect_dma source(%dma_start3A_171 : memref<10240x1024xf32, #tpu.memory_space<hbm>>) target(%arg12 : memref<16x1024xf32, #tpu.memory_space<vmem>>) offsets(%dma_start3A_168 : memref<16xi32, #tpu.memory_space<vmem>>) semaphore(%arg16 : memref<!tpu.dma_semaphore, #tpu.memory_space<semaphore_mem>>)
    %dma_wait3A_172 = arith.constant 0 : i32
    %dma_wait3A_173 = arith.constant 0 : i32
    %dma_wait3A_174 = tpu.memref_slice %arg7[%dma_wait3A_172, %dma_wait3A_173] : memref<2x16xi32, #tpu.memory_space<vmem>> -> memref<1x16xi32, #tpu.memory_space<vmem>>
    %dma_wait3A_175 = tpu.memref_squeeze %dma_wait3A_174 : memref<1x16xi32, #tpu.memory_space<vmem>> -> memref<16xi32, #tpu.memory_space<vmem>>
    %dma_wait3A_176 = arith.constant 0 : i32
    %dma_wait3A_177 = arith.constant 0 : i32
    %dma_wait3A_178 = tpu.memref_slice %arg2[%dma_wait3A_176, %dma_wait3A_177] : memref<10240x1024xf32, #tpu.memory_space<hbm>> -> memref<10240x1024xf32, #tpu.memory_space<hbm>>
    tpu.wait_indirect_dma semaphore(%arg13 : memref<!tpu.dma_semaphore, #tpu.memory_space<semaphore_mem>>) src(%dma_wait3A_178 : memref<10240x1024xf32, #tpu.memory_space<hbm>>) dst(%arg9 : memref<16x1024xf32, #tpu.memory_space<vmem>>)
    %dma_wait3A_179 = arith.constant 0 : i32
    %dma_wait3A_180 = arith.constant 0 : i32
    %dma_wait3A_181 = tpu.memref_slice %arg8[%dma_wait3A_179, %dma_wait3A_180] : memref<2x16xi32, #tpu.memory_space<vmem>> -> memref<1x16xi32, #tpu.memory_space<vmem>>
    %dma_wait3A_182 = tpu.memref_squeeze %dma_wait3A_181 : memref<1x16xi32, #tpu.memory_space<vmem>> -> memref<16xi32, #tpu.memory_space<vmem>>
    %dma_wait3A_183 = arith.constant 0 : i32
    %dma_wait3A_184 = arith.constant 0 : i32
    %dma_wait3A_185 = tpu.memref_slice %arg2[%dma_wait3A_183, %dma_wait3A_184] : memref<10240x1024xf32, #tpu.memory_space<hbm>> -> memref<10240x1024xf32, #tpu.memory_space<hbm>>
    tpu.wait_indirect_dma semaphore(%arg15 : memref<!tpu.dma_semaphore, #tpu.memory_space<semaphore_mem>>) src(%dma_wait3A_185 : memref<10240x1024xf32, #tpu.memory_space<hbm>>) dst(%arg11 : memref<16x1024xf32, #tpu.memory_space<vmem>>)
    %add3A_186 = arith.constant 64 : i32
    %add3A_187 = arith.addi %mul3A_2, %add3A_186 : i32
    "tpu.region"() ({
      %run_scoped3A_272 = tpu.sem_alloc : memref<!tpu.dma_semaphore, #tpu.memory_space<semaphore_mem>>
      %dma_start3A_273 = arith.constant 0 : i32
      %dma_start3A_274 = tpu.memref_slice %arg5[%add3A_187, %dma_start3A_273] : memref<4096x1024xf32, #tpu.memory_space<hbm>> -> memref<16x1024xf32, #tpu.memory_space<hbm>>
      %dma_start3A_275 = arith.constant 0 : i32
      %dma_start3A_276 = tpu.memref_slice %arg5[%add3A_187, %dma_start3A_275] : memref<4096x1024xf32, #tpu.memory_space<hbm>> -> memref<16x1024xf32, #tpu.memory_space<hbm>>
      tpu.enqueue_dma source(%arg9 : memref<16x1024xf32, #tpu.memory_space<vmem>>) target(%dma_start3A_276 : memref<16x1024xf32, #tpu.memory_space<hbm>>) target_semaphore(%run_scoped3A_272 : memref<!tpu.dma_semaphore, #tpu.memory_space<semaphore_mem>>)
      %dma_wait3A_277 = arith.constant 0 : i32
      %dma_wait3A_278 = tpu.memref_slice %arg5[%add3A_187, %dma_wait3A_277] : memref<4096x1024xf32, #tpu.memory_space<hbm>> -> memref<16x1024xf32, #tpu.memory_space<hbm>>
      %dma_wait3A_279 = arith.constant 0 : i32
      %dma_wait3A_280 = tpu.memref_slice %arg5[%add3A_187, %dma_wait3A_279] : memref<4096x1024xf32, #tpu.memory_space<hbm>> -> memref<16x1024xf32, #tpu.memory_space<hbm>>
      tpu.wait_dma2 semaphore(%run_scoped3A_272 : memref<!tpu.dma_semaphore, #tpu.memory_space<semaphore_mem>>) src(%arg9 : memref<16x1024xf32, #tpu.memory_space<vmem>>) dst(%dma_wait3A_280 : memref<16x1024xf32, #tpu.memory_space<hbm>>)
      tpu.yield
    }) : () -> ()
    "tpu.region"() ({
      %run_scoped3A_272 = tpu.sem_alloc : memref<!tpu.dma_semaphore, #tpu.memory_space<semaphore_mem>>
      %dma_start3A_273 = arith.constant 0 : i32
      %dma_start3A_274 = tpu.memref_slice %arg6[%add3A_187, %dma_start3A_273] : memref<4096x1024xf32, #tpu.memory_space<hbm>> -> memref<16x1024xf32, #tpu.memory_space<hbm>>
      %dma_start3A_275 = arith.constant 0 : i32
      %dma_start3A_276 = tpu.memref_slice %arg6[%add3A_187, %dma_start3A_275] : memref<4096x1024xf32, #tpu.memory_space<hbm>> -> memref<16x1024xf32, #tpu.memory_space<hbm>>
      tpu.enqueue_dma source(%arg11 : memref<16x1024xf32, #tpu.memory_space<vmem>>) target(%dma_start3A_276 : memref<16x1024xf32, #tpu.memory_space<hbm>>) target_semaphore(%run_scoped3A_272 : memref<!tpu.dma_semaphore, #tpu.memory_space<semaphore_mem>>)
      %dma_wait3A_277 = arith.constant 0 : i32
      %dma_wait3A_278 = tpu.memref_slice %arg6[%add3A_187, %dma_wait3A_277] : memref<4096x1024xf32, #tpu.memory_space<hbm>> -> memref<16x1024xf32, #tpu.memory_space<hbm>>
      %dma_wait3A_279 = arith.constant 0 : i32
      %dma_wait3A_280 = tpu.memref_slice %arg6[%add3A_187, %dma_wait3A_279] : memref<4096x1024xf32, #tpu.memory_space<hbm>> -> memref<16x1024xf32, #tpu.memory_space<hbm>>
      tpu.wait_dma2 semaphore(%run_scoped3A_272 : memref<!tpu.dma_semaphore, #tpu.memory_space<semaphore_mem>>) src(%arg11 : memref<16x1024xf32, #tpu.memory_space<vmem>>) dst(%dma_wait3A_280 : memref<16x1024xf32, #tpu.memory_space<hbm>>)
      tpu.yield
    }) : () -> ()
    %add3A_188 = arith.constant 96 : i32
    %add3A_189 = arith.addi %mul3A_2, %add3A_188 : i32
    %run_scoped3A_190 = arith.constant 0 : i32
    "tpu.region"() ({
      %run_scoped3A_272 = tpu.sem_alloc : memref<!tpu.dma_semaphore, #tpu.memory_space<semaphore_mem>>
      %dma_start3A_273 = arith.constant 0 : i32
      %dma_start3A_274 = tpu.memref_slice %arg7[%run_scoped3A_190, %dma_start3A_273] : memref<2x16xi32, #tpu.memory_space<vmem>> -> memref<1x16xi32, #tpu.memory_space<vmem>>
      %dma_start3A_275 = tpu.memref_squeeze %dma_start3A_274 : memref<1x16xi32, #tpu.memory_space<vmem>> -> memref<16xi32, #tpu.memory_space<vmem>>
      %dma_start3A_276 = tpu.memref_slice %arg3[%add3A_189] : memref<4096xi32, #tpu.memory_space<hbm>> -> memref<16xi32, #tpu.memory_space<hbm>>
      %dma_start3A_277 = arith.constant 0 : i32
      %dma_start3A_278 = tpu.memref_slice %arg7[%run_scoped3A_190, %dma_start3A_277] : memref<2x16xi32, #tpu.memory_space<vmem>> -> memref<1x16xi32, #tpu.memory_space<vmem>>
      %dma_start3A_279 = tpu.memref_squeeze %dma_start3A_278 : memref<1x16xi32, #tpu.memory_space<vmem>> -> memref<16xi32, #tpu.memory_space<vmem>>
      %dma_start3A_280 = tpu.memref_slice %arg3[%add3A_189] : memref<4096xi32, #tpu.memory_space<hbm>> -> memref<16xi32, #tpu.memory_space<hbm>>
      tpu.enqueue_dma source(%dma_start3A_280 : memref<16xi32, #tpu.memory_space<hbm>>) target(%dma_start3A_279 : memref<16xi32, #tpu.memory_space<vmem>>) target_semaphore(%run_scoped3A_272 : memref<!tpu.dma_semaphore, #tpu.memory_space<semaphore_mem>>)
      %dma_wait3A_281 = arith.constant 0 : i32
      %dma_wait3A_282 = tpu.memref_slice %arg7[%run_scoped3A_190, %dma_wait3A_281] : memref<2x16xi32, #tpu.memory_space<vmem>> -> memref<1x16xi32, #tpu.memory_space<vmem>>
      %dma_wait3A_283 = tpu.memref_squeeze %dma_wait3A_282 : memref<1x16xi32, #tpu.memory_space<vmem>> -> memref<16xi32, #tpu.memory_space<vmem>>
      %dma_wait3A_284 = tpu.memref_slice %arg3[%add3A_189] : memref<4096xi32, #tpu.memory_space<hbm>> -> memref<16xi32, #tpu.memory_space<hbm>>
      %dma_wait3A_285 = arith.constant 0 : i32
      %dma_wait3A_286 = tpu.memref_slice %arg7[%run_scoped3A_190, %dma_wait3A_285] : memref<2x16xi32, #tpu.memory_space<vmem>> -> memref<1x16xi32, #tpu.memory_space<vmem>>
      %dma_wait3A_287 = tpu.memref_squeeze %dma_wait3A_286 : memref<1x16xi32, #tpu.memory_space<vmem>> -> memref<16xi32, #tpu.memory_space<vmem>>
      %dma_wait3A_288 = tpu.memref_slice %arg3[%add3A_189] : memref<4096xi32, #tpu.memory_space<hbm>> -> memref<16xi32, #tpu.memory_space<hbm>>
      tpu.wait_dma2 semaphore(%run_scoped3A_272 : memref<!tpu.dma_semaphore, #tpu.memory_space<semaphore_mem>>) src(%dma_wait3A_288 : memref<16xi32, #tpu.memory_space<hbm>>) dst(%dma_wait3A_287 : memref<16xi32, #tpu.memory_space<vmem>>)
      tpu.yield
    }) : () -> ()
    %run_scoped3A_191 = arith.constant 0 : i32
    "tpu.region"() ({
      %run_scoped3A_272 = tpu.sem_alloc : memref<!tpu.dma_semaphore, #tpu.memory_space<semaphore_mem>>
      %dma_start3A_273 = arith.constant 0 : i32
      %dma_start3A_274 = tpu.memref_slice %arg8[%run_scoped3A_191, %dma_start3A_273] : memref<2x16xi32, #tpu.memory_space<vmem>> -> memref<1x16xi32, #tpu.memory_space<vmem>>
      %dma_start3A_275 = tpu.memref_squeeze %dma_start3A_274 : memref<1x16xi32, #tpu.memory_space<vmem>> -> memref<16xi32, #tpu.memory_space<vmem>>
      %dma_start3A_276 = tpu.memref_slice %arg4[%add3A_189] : memref<4096xi32, #tpu.memory_space<hbm>> -> memref<16xi32, #tpu.memory_space<hbm>>
      %dma_start3A_277 = arith.constant 0 : i32
      %dma_start3A_278 = tpu.memref_slice %arg8[%run_scoped3A_191, %dma_start3A_277] : memref<2x16xi32, #tpu.memory_space<vmem>> -> memref<1x16xi32, #tpu.memory_space<vmem>>
      %dma_start3A_279 = tpu.memref_squeeze %dma_start3A_278 : memref<1x16xi32, #tpu.memory_space<vmem>> -> memref<16xi32, #tpu.memory_space<vmem>>
      %dma_start3A_280 = tpu.memref_slice %arg4[%add3A_189] : memref<4096xi32, #tpu.memory_space<hbm>> -> memref<16xi32, #tpu.memory_space<hbm>>
      tpu.enqueue_dma source(%dma_start3A_280 : memref<16xi32, #tpu.memory_space<hbm>>) target(%dma_start3A_279 : memref<16xi32, #tpu.memory_space<vmem>>) target_semaphore(%run_scoped3A_272 : memref<!tpu.dma_semaphore, #tpu.memory_space<semaphore_mem>>)
      %dma_wait3A_281 = arith.constant 0 : i32
      %dma_wait3A_282 = tpu.memref_slice %arg8[%run_scoped3A_191, %dma_wait3A_281] : memref<2x16xi32, #tpu.memory_space<vmem>> -> memref<1x16xi32, #tpu.memory_space<vmem>>
      %dma_wait3A_283 = tpu.memref_squeeze %dma_wait3A_282 : memref<1x16xi32, #tpu.memory_space<vmem>> -> memref<16xi32, #tpu.memory_space<vmem>>
      %dma_wait3A_284 = tpu.memref_slice %arg4[%add3A_189] : memref<4096xi32, #tpu.memory_space<hbm>> -> memref<16xi32, #tpu.memory_space<hbm>>
      %dma_wait3A_285 = arith.constant 0 : i32
      %dma_wait3A_286 = tpu.memref_slice %arg8[%run_scoped3A_191, %dma_wait3A_285] : memref<2x16xi32, #tpu.memory_space<vmem>> -> memref<1x16xi32, #tpu.memory_space<vmem>>
      %dma_wait3A_287 = tpu.memref_squeeze %dma_wait3A_286 : memref<1x16xi32, #tpu.memory_space<vmem>> -> memref<16xi32, #tpu.memory_space<vmem>>
      %dma_wait3A_288 = tpu.memref_slice %arg4[%add3A_189] : memref<4096xi32, #tpu.memory_space<hbm>> -> memref<16xi32, #tpu.memory_space<hbm>>
      tpu.wait_dma2 semaphore(%run_scoped3A_272 : memref<!tpu.dma_semaphore, #tpu.memory_space<semaphore_mem>>) src(%dma_wait3A_288 : memref<16xi32, #tpu.memory_space<hbm>>) dst(%dma_wait3A_287 : memref<16xi32, #tpu.memory_space<vmem>>)
      tpu.yield
    }) : () -> ()
    %dma_start3A_192 = arith.constant 0 : i32
    %dma_start3A_193 = arith.constant 0 : i32
    %dma_start3A_194 = tpu.memref_slice %arg7[%dma_start3A_192, %dma_start3A_193] : memref<2x16xi32, #tpu.memory_space<vmem>> -> memref<1x16xi32, #tpu.memory_space<vmem>>
    %dma_start3A_195 = tpu.memref_squeeze %dma_start3A_194 : memref<1x16xi32, #tpu.memory_space<vmem>> -> memref<16xi32, #tpu.memory_space<vmem>>
    %dma_start3A_196 = arith.constant 0 : i32
    %dma_start3A_197 = arith.constant 0 : i32
    %dma_start3A_198 = tpu.memref_slice %arg2[%dma_start3A_196, %dma_start3A_197] : memref<10240x1024xf32, #tpu.memory_space<hbm>> -> memref<10240x1024xf32, #tpu.memory_space<hbm>>
    tpu.enqueue_indirect_dma source(%dma_start3A_198 : memref<10240x1024xf32, #tpu.memory_space<hbm>>) target(%arg9 : memref<16x1024xf32, #tpu.memory_space<vmem>>) offsets(%dma_start3A_195 : memref<16xi32, #tpu.memory_space<vmem>>) semaphore(%arg13 : memref<!tpu.dma_semaphore, #tpu.memory_space<semaphore_mem>>)
    %dma_start3A_199 = arith.constant 0 : i32
    %dma_start3A_200 = arith.constant 0 : i32
    %dma_start3A_201 = tpu.memref_slice %arg8[%dma_start3A_199, %dma_start3A_200] : memref<2x16xi32, #tpu.memory_space<vmem>> -> memref<1x16xi32, #tpu.memory_space<vmem>>
    %dma_start3A_202 = tpu.memref_squeeze %dma_start3A_201 : memref<1x16xi32, #tpu.memory_space<vmem>> -> memref<16xi32, #tpu.memory_space<vmem>>
    %dma_start3A_203 = arith.constant 0 : i32
    %dma_start3A_204 = arith.constant 0 : i32
    %dma_start3A_205 = tpu.memref_slice %arg2[%dma_start3A_203, %dma_start3A_204] : memref<10240x1024xf32, #tpu.memory_space<hbm>> -> memref<10240x1024xf32, #tpu.memory_space<hbm>>
    tpu.enqueue_indirect_dma source(%dma_start3A_205 : memref<10240x1024xf32, #tpu.memory_space<hbm>>) target(%arg11 : memref<16x1024xf32, #tpu.memory_space<vmem>>) offsets(%dma_start3A_202 : memref<16xi32, #tpu.memory_space<vmem>>) semaphore(%arg15 : memref<!tpu.dma_semaphore, #tpu.memory_space<semaphore_mem>>)
    %dma_wait3A_206 = arith.constant 1 : i32
    %dma_wait3A_207 = arith.constant 0 : i32
    %dma_wait3A_208 = tpu.memref_slice %arg7[%dma_wait3A_206, %dma_wait3A_207] : memref<2x16xi32, #tpu.memory_space<vmem>> -> memref<1x16xi32, #tpu.memory_space<vmem>>
    %dma_wait3A_209 = tpu.memref_squeeze %dma_wait3A_208 : memref<1x16xi32, #tpu.memory_space<vmem>> -> memref<16xi32, #tpu.memory_space<vmem>>
    %dma_wait3A_210 = arith.constant 0 : i32
    %dma_wait3A_211 = arith.constant 0 : i32
    %dma_wait3A_212 = tpu.memref_slice %arg2[%dma_wait3A_210, %dma_wait3A_211] : memref<10240x1024xf32, #tpu.memory_space<hbm>> -> memref<10240x1024xf32, #tpu.memory_space<hbm>>
    tpu.wait_indirect_dma semaphore(%arg14 : memref<!tpu.dma_semaphore, #tpu.memory_space<semaphore_mem>>) src(%dma_wait3A_212 : memref<10240x1024xf32, #tpu.memory_space<hbm>>) dst(%arg10 : memref<16x1024xf32, #tpu.memory_space<vmem>>)
    %dma_wait3A_213 = arith.constant 1 : i32
    %dma_wait3A_214 = arith.constant 0 : i32
    %dma_wait3A_215 = tpu.memref_slice %arg8[%dma_wait3A_213, %dma_wait3A_214] : memref<2x16xi32, #tpu.memory_space<vmem>> -> memref<1x16xi32, #tpu.memory_space<vmem>>
    %dma_wait3A_216 = tpu.memref_squeeze %dma_wait3A_215 : memref<1x16xi32, #tpu.memory_space<vmem>> -> memref<16xi32, #tpu.memory_space<vmem>>
    %dma_wait3A_217 = arith.constant 0 : i32
    %dma_wait3A_218 = arith.constant 0 : i32
    %dma_wait3A_219 = tpu.memref_slice %arg2[%dma_wait3A_217, %dma_wait3A_218] : memref<10240x1024xf32, #tpu.memory_space<hbm>> -> memref<10240x1024xf32, #tpu.memory_space<hbm>>
    tpu.wait_indirect_dma semaphore(%arg16 : memref<!tpu.dma_semaphore, #tpu.memory_space<semaphore_mem>>) src(%dma_wait3A_219 : memref<10240x1024xf32, #tpu.memory_space<hbm>>) dst(%arg12 : memref<16x1024xf32, #tpu.memory_space<vmem>>)
    %add3A_220 = arith.constant 80 : i32
    %add3A_221 = arith.addi %mul3A_2, %add3A_220 : i32
    "tpu.region"() ({
      %run_scoped3A_272 = tpu.sem_alloc : memref<!tpu.dma_semaphore, #tpu.memory_space<semaphore_mem>>
      %dma_start3A_273 = arith.constant 0 : i32
      %dma_start3A_274 = tpu.memref_slice %arg5[%add3A_221, %dma_start3A_273] : memref<4096x1024xf32, #tpu.memory_space<hbm>> -> memref<16x1024xf32, #tpu.memory_space<hbm>>
      %dma_start3A_275 = arith.constant 0 : i32
      %dma_start3A_276 = tpu.memref_slice %arg5[%add3A_221, %dma_start3A_275] : memref<4096x1024xf32, #tpu.memory_space<hbm>> -> memref<16x1024xf32, #tpu.memory_space<hbm>>
      tpu.enqueue_dma source(%arg10 : memref<16x1024xf32, #tpu.memory_space<vmem>>) target(%dma_start3A_276 : memref<16x1024xf32, #tpu.memory_space<hbm>>) target_semaphore(%run_scoped3A_272 : memref<!tpu.dma_semaphore, #tpu.memory_space<semaphore_mem>>)
      %dma_wait3A_277 = arith.constant 0 : i32
      %dma_wait3A_278 = tpu.memref_slice %arg5[%add3A_221, %dma_wait3A_277] : memref<4096x1024xf32, #tpu.memory_space<hbm>> -> memref<16x1024xf32, #tpu.memory_space<hbm>>
      %dma_wait3A_279 = arith.constant 0 : i32
      %dma_wait3A_280 = tpu.memref_slice %arg5[%add3A_221, %dma_wait3A_279] : memref<4096x1024xf32, #tpu.memory_space<hbm>> -> memref<16x1024xf32, #tpu.memory_space<hbm>>
      tpu.wait_dma2 semaphore(%run_scoped3A_272 : memref<!tpu.dma_semaphore, #tpu.memory_space<semaphore_mem>>) src(%arg10 : memref<16x1024xf32, #tpu.memory_space<vmem>>) dst(%dma_wait3A_280 : memref<16x1024xf32, #tpu.memory_space<hbm>>)
      tpu.yield
    }) : () -> ()
    "tpu.region"() ({
      %run_scoped3A_272 = tpu.sem_alloc : memref<!tpu.dma_semaphore, #tpu.memory_space<semaphore_mem>>
      %dma_start3A_273 = arith.constant 0 : i32
      %dma_start3A_274 = tpu.memref_slice %arg6[%add3A_221, %dma_start3A_273] : memref<4096x1024xf32, #tpu.memory_space<hbm>> -> memref<16x1024xf32, #tpu.memory_space<hbm>>
      %dma_start3A_275 = arith.constant 0 : i32
      %dma_start3A_276 = tpu.memref_slice %arg6[%add3A_221, %dma_start3A_275] : memref<4096x1024xf32, #tpu.memory_space<hbm>> -> memref<16x1024xf32, #tpu.memory_space<hbm>>
      tpu.enqueue_dma source(%arg12 : memref<16x1024xf32, #tpu.memory_space<vmem>>) target(%dma_start3A_276 : memref<16x1024xf32, #tpu.memory_space<hbm>>) target_semaphore(%run_scoped3A_272 : memref<!tpu.dma_semaphore, #tpu.memory_space<semaphore_mem>>)
      %dma_wait3A_277 = arith.constant 0 : i32
      %dma_wait3A_278 = tpu.memref_slice %arg6[%add3A_221, %dma_wait3A_277] : memref<4096x1024xf32, #tpu.memory_space<hbm>> -> memref<16x1024xf32, #tpu.memory_space<hbm>>
      %dma_wait3A_279 = arith.constant 0 : i32
      %dma_wait3A_280 = tpu.memref_slice %arg6[%add3A_221, %dma_wait3A_279] : memref<4096x1024xf32, #tpu.memory_space<hbm>> -> memref<16x1024xf32, #tpu.memory_space<hbm>>
      tpu.wait_dma2 semaphore(%run_scoped3A_272 : memref<!tpu.dma_semaphore, #tpu.memory_space<semaphore_mem>>) src(%arg12 : memref<16x1024xf32, #tpu.memory_space<vmem>>) dst(%dma_wait3A_280 : memref<16x1024xf32, #tpu.memory_space<hbm>>)
      tpu.yield
    }) : () -> ()
    %add3A_222 = arith.constant 112 : i32
    %add3A_223 = arith.addi %mul3A_2, %add3A_222 : i32
    %run_scoped3A_224 = arith.constant 1 : i32
    "tpu.region"() ({
      %run_scoped3A_272 = tpu.sem_alloc : memref<!tpu.dma_semaphore, #tpu.memory_space<semaphore_mem>>
      %dma_start3A_273 = arith.constant 0 : i32
      %dma_start3A_274 = tpu.memref_slice %arg7[%run_scoped3A_224, %dma_start3A_273] : memref<2x16xi32, #tpu.memory_space<vmem>> -> memref<1x16xi32, #tpu.memory_space<vmem>>
      %dma_start3A_275 = tpu.memref_squeeze %dma_start3A_274 : memref<1x16xi32, #tpu.memory_space<vmem>> -> memref<16xi32, #tpu.memory_space<vmem>>
      %dma_start3A_276 = tpu.memref_slice %arg3[%add3A_223] : memref<4096xi32, #tpu.memory_space<hbm>> -> memref<16xi32, #tpu.memory_space<hbm>>
      %dma_start3A_277 = arith.constant 0 : i32
      %dma_start3A_278 = tpu.memref_slice %arg7[%run_scoped3A_224, %dma_start3A_277] : memref<2x16xi32, #tpu.memory_space<vmem>> -> memref<1x16xi32, #tpu.memory_space<vmem>>
      %dma_start3A_279 = tpu.memref_squeeze %dma_start3A_278 : memref<1x16xi32, #tpu.memory_space<vmem>> -> memref<16xi32, #tpu.memory_space<vmem>>
      %dma_start3A_280 = tpu.memref_slice %arg3[%add3A_223] : memref<4096xi32, #tpu.memory_space<hbm>> -> memref<16xi32, #tpu.memory_space<hbm>>
      tpu.enqueue_dma source(%dma_start3A_280 : memref<16xi32, #tpu.memory_space<hbm>>) target(%dma_start3A_279 : memref<16xi32, #tpu.memory_space<vmem>>) target_semaphore(%run_scoped3A_272 : memref<!tpu.dma_semaphore, #tpu.memory_space<semaphore_mem>>)
      %dma_wait3A_281 = arith.constant 0 : i32
      %dma_wait3A_282 = tpu.memref_slice %arg7[%run_scoped3A_224, %dma_wait3A_281] : memref<2x16xi32, #tpu.memory_space<vmem>> -> memref<1x16xi32, #tpu.memory_space<vmem>>
      %dma_wait3A_283 = tpu.memref_squeeze %dma_wait3A_282 : memref<1x16xi32, #tpu.memory_space<vmem>> -> memref<16xi32, #tpu.memory_space<vmem>>
      %dma_wait3A_284 = tpu.memref_slice %arg3[%add3A_223] : memref<4096xi32, #tpu.memory_space<hbm>> -> memref<16xi32, #tpu.memory_space<hbm>>
      %dma_wait3A_285 = arith.constant 0 : i32
      %dma_wait3A_286 = tpu.memref_slice %arg7[%run_scoped3A_224, %dma_wait3A_285] : memref<2x16xi32, #tpu.memory_space<vmem>> -> memref<1x16xi32, #tpu.memory_space<vmem>>
      %dma_wait3A_287 = tpu.memref_squeeze %dma_wait3A_286 : memref<1x16xi32, #tpu.memory_space<vmem>> -> memref<16xi32, #tpu.memory_space<vmem>>
      %dma_wait3A_288 = tpu.memref_slice %arg3[%add3A_223] : memref<4096xi32, #tpu.memory_space<hbm>> -> memref<16xi32, #tpu.memory_space<hbm>>
      tpu.wait_dma2 semaphore(%run_scoped3A_272 : memref<!tpu.dma_semaphore, #tpu.memory_space<semaphore_mem>>) src(%dma_wait3A_288 : memref<16xi32, #tpu.memory_space<hbm>>) dst(%dma_wait3A_287 : memref<16xi32, #tpu.memory_space<vmem>>)
      tpu.yield
    }) : () -> ()
    %run_scoped3A_225 = arith.constant 1 : i32
    "tpu.region"() ({
      %run_scoped3A_272 = tpu.sem_alloc : memref<!tpu.dma_semaphore, #tpu.memory_space<semaphore_mem>>
      %dma_start3A_273 = arith.constant 0 : i32
      %dma_start3A_274 = tpu.memref_slice %arg8[%run_scoped3A_225, %dma_start3A_273] : memref<2x16xi32, #tpu.memory_space<vmem>> -> memref<1x16xi32, #tpu.memory_space<vmem>>
      %dma_start3A_275 = tpu.memref_squeeze %dma_start3A_274 : memref<1x16xi32, #tpu.memory_space<vmem>> -> memref<16xi32, #tpu.memory_space<vmem>>
      %dma_start3A_276 = tpu.memref_slice %arg4[%add3A_223] : memref<4096xi32, #tpu.memory_space<hbm>> -> memref<16xi32, #tpu.memory_space<hbm>>
      %dma_start3A_277 = arith.constant 0 : i32
      %dma_start3A_278 = tpu.memref_slice %arg8[%run_scoped3A_225, %dma_start3A_277] : memref<2x16xi32, #tpu.memory_space<vmem>> -> memref<1x16xi32, #tpu.memory_space<vmem>>
      %dma_start3A_279 = tpu.memref_squeeze %dma_start3A_278 : memref<1x16xi32, #tpu.memory_space<vmem>> -> memref<16xi32, #tpu.memory_space<vmem>>
      %dma_start3A_280 = tpu.memref_slice %arg4[%add3A_223] : memref<4096xi32, #tpu.memory_space<hbm>> -> memref<16xi32, #tpu.memory_space<hbm>>
      tpu.enqueue_dma source(%dma_start3A_280 : memref<16xi32, #tpu.memory_space<hbm>>) target(%dma_start3A_279 : memref<16xi32, #tpu.memory_space<vmem>>) target_semaphore(%run_scoped3A_272 : memref<!tpu.dma_semaphore, #tpu.memory_space<semaphore_mem>>)
      %dma_wait3A_281 = arith.constant 0 : i32
      %dma_wait3A_282 = tpu.memref_slice %arg8[%run_scoped3A_225, %dma_wait3A_281] : memref<2x16xi32, #tpu.memory_space<vmem>> -> memref<1x16xi32, #tpu.memory_space<vmem>>
      %dma_wait3A_283 = tpu.memref_squeeze %dma_wait3A_282 : memref<1x16xi32, #tpu.memory_space<vmem>> -> memref<16xi32, #tpu.memory_space<vmem>>
      %dma_wait3A_284 = tpu.memref_slice %arg4[%add3A_223] : memref<4096xi32, #tpu.memory_space<hbm>> -> memref<16xi32, #tpu.memory_space<hbm>>
      %dma_wait3A_285 = arith.constant 0 : i32
      %dma_wait3A_286 = tpu.memref_slice %arg8[%run_scoped3A_225, %dma_wait3A_285] : memref<2x16xi32, #tpu.memory_space<vmem>> -> memref<1x16xi32, #tpu.memory_space<vmem>>
      %dma_wait3A_287 = tpu.memref_squeeze %dma_wait3A_286 : memref<1x16xi32, #tpu.memory_space<vmem>> -> memref<16xi32, #tpu.memory_space<vmem>>
      %dma_wait3A_288 = tpu.memref_slice %arg4[%add3A_223] : memref<4096xi32, #tpu.memory_space<hbm>> -> memref<16xi32, #tpu.memory_space<hbm>>
      tpu.wait_dma2 semaphore(%run_scoped3A_272 : memref<!tpu.dma_semaphore, #tpu.memory_space<semaphore_mem>>) src(%dma_wait3A_288 : memref<16xi32, #tpu.memory_space<hbm>>) dst(%dma_wait3A_287 : memref<16xi32, #tpu.memory_space<vmem>>)
      tpu.yield
    }) : () -> ()
    %dma_start3A_226 = arith.constant 1 : i32
    %dma_start3A_227 = arith.constant 0 : i32
    %dma_start3A_228 = tpu.memref_slice %arg7[%dma_start3A_226, %dma_start3A_227] : memref<2x16xi32, #tpu.memory_space<vmem>> -> memref<1x16xi32, #tpu.memory_space<vmem>>
    %dma_start3A_229 = tpu.memref_squeeze %dma_start3A_228 : memref<1x16xi32, #tpu.memory_space<vmem>> -> memref<16xi32, #tpu.memory_space<vmem>>
    %dma_start3A_230 = arith.constant 0 : i32
    %dma_start3A_231 = arith.constant 0 : i32
    %dma_start3A_232 = tpu.memref_slice %arg2[%dma_start3A_230, %dma_start3A_231] : memref<10240x1024xf32, #tpu.memory_space<hbm>> -> memref<10240x1024xf32, #tpu.memory_space<hbm>>
    tpu.enqueue_indirect_dma source(%dma_start3A_232 : memref<10240x1024xf32, #tpu.memory_space<hbm>>) target(%arg10 : memref<16x1024xf32, #tpu.memory_space<vmem>>) offsets(%dma_start3A_229 : memref<16xi32, #tpu.memory_space<vmem>>) semaphore(%arg14 : memref<!tpu.dma_semaphore, #tpu.memory_space<semaphore_mem>>)
    %dma_start3A_233 = arith.constant 1 : i32
    %dma_start3A_234 = arith.constant 0 : i32
    %dma_start3A_235 = tpu.memref_slice %arg8[%dma_start3A_233, %dma_start3A_234] : memref<2x16xi32, #tpu.memory_space<vmem>> -> memref<1x16xi32, #tpu.memory_space<vmem>>
    %dma_start3A_236 = tpu.memref_squeeze %dma_start3A_235 : memref<1x16xi32, #tpu.memory_space<vmem>> -> memref<16xi32, #tpu.memory_space<vmem>>
    %dma_start3A_237 = arith.constant 0 : i32
    %dma_start3A_238 = arith.constant 0 : i32
    %dma_start3A_239 = tpu.memref_slice %arg2[%dma_start3A_237, %dma_start3A_238] : memref<10240x1024xf32, #tpu.memory_space<hbm>> -> memref<10240x1024xf32, #tpu.memory_space<hbm>>
    tpu.enqueue_indirect_dma source(%dma_start3A_239 : memref<10240x1024xf32, #tpu.memory_space<hbm>>) target(%arg12 : memref<16x1024xf32, #tpu.memory_space<vmem>>) offsets(%dma_start3A_236 : memref<16xi32, #tpu.memory_space<vmem>>) semaphore(%arg16 : memref<!tpu.dma_semaphore, #tpu.memory_space<semaphore_mem>>)
    %dma_wait3A_240 = arith.constant 0 : i32
    %dma_wait3A_241 = arith.constant 0 : i32
    %dma_wait3A_242 = tpu.memref_slice %arg7[%dma_wait3A_240, %dma_wait3A_241] : memref<2x16xi32, #tpu.memory_space<vmem>> -> memref<1x16xi32, #tpu.memory_space<vmem>>
    %dma_wait3A_243 = tpu.memref_squeeze %dma_wait3A_242 : memref<1x16xi32, #tpu.memory_space<vmem>> -> memref<16xi32, #tpu.memory_space<vmem>>
    %dma_wait3A_244 = arith.constant 0 : i32
    %dma_wait3A_245 = arith.constant 0 : i32
    %dma_wait3A_246 = tpu.memref_slice %arg2[%dma_wait3A_244, %dma_wait3A_245] : memref<10240x1024xf32, #tpu.memory_space<hbm>> -> memref<10240x1024xf32, #tpu.memory_space<hbm>>
    tpu.wait_indirect_dma semaphore(%arg13 : memref<!tpu.dma_semaphore, #tpu.memory_space<semaphore_mem>>) src(%dma_wait3A_246 : memref<10240x1024xf32, #tpu.memory_space<hbm>>) dst(%arg9 : memref<16x1024xf32, #tpu.memory_space<vmem>>)
    %dma_wait3A_247 = arith.constant 0 : i32
    %dma_wait3A_248 = arith.constant 0 : i32
    %dma_wait3A_249 = tpu.memref_slice %arg8[%dma_wait3A_247, %dma_wait3A_248] : memref<2x16xi32, #tpu.memory_space<vmem>> -> memref<1x16xi32, #tpu.memory_space<vmem>>
    %dma_wait3A_250 = tpu.memref_squeeze %dma_wait3A_249 : memref<1x16xi32, #tpu.memory_space<vmem>> -> memref<16xi32, #tpu.memory_space<vmem>>
    %dma_wait3A_251 = arith.constant 0 : i32
    %dma_wait3A_252 = arith.constant 0 : i32
    %dma_wait3A_253 = tpu.memref_slice %arg2[%dma_wait3A_251, %dma_wait3A_252] : memref<10240x1024xf32, #tpu.memory_space<hbm>> -> memref<10240x1024xf32, #tpu.memory_space<hbm>>
    tpu.wait_indirect_dma semaphore(%arg15 : memref<!tpu.dma_semaphore, #tpu.memory_space<semaphore_mem>>) src(%dma_wait3A_253 : memref<10240x1024xf32, #tpu.memory_space<hbm>>) dst(%arg11 : memref<16x1024xf32, #tpu.memory_space<vmem>>)
    %add3A_254 = arith.constant 96 : i32
    %add3A_255 = arith.addi %mul3A_2, %add3A_254 : i32
    "tpu.region"() ({
      %run_scoped3A_272 = tpu.sem_alloc : memref<!tpu.dma_semaphore, #tpu.memory_space<semaphore_mem>>
      %dma_start3A_273 = arith.constant 0 : i32
      %dma_start3A_274 = tpu.memref_slice %arg5[%add3A_255, %dma_start3A_273] : memref<4096x1024xf32, #tpu.memory_space<hbm>> -> memref<16x1024xf32, #tpu.memory_space<hbm>>
      %dma_start3A_275 = arith.constant 0 : i32
      %dma_start3A_276 = tpu.memref_slice %arg5[%add3A_255, %dma_start3A_275] : memref<4096x1024xf32, #tpu.memory_space<hbm>> -> memref<16x1024xf32, #tpu.memory_space<hbm>>
      tpu.enqueue_dma source(%arg9 : memref<16x1024xf32, #tpu.memory_space<vmem>>) target(%dma_start3A_276 : memref<16x1024xf32, #tpu.memory_space<hbm>>) target_semaphore(%run_scoped3A_272 : memref<!tpu.dma_semaphore, #tpu.memory_space<semaphore_mem>>)
      %dma_wait3A_277 = arith.constant 0 : i32
      %dma_wait3A_278 = tpu.memref_slice %arg5[%add3A_255, %dma_wait3A_277] : memref<4096x1024xf32, #tpu.memory_space<hbm>> -> memref<16x1024xf32, #tpu.memory_space<hbm>>
      %dma_wait3A_279 = arith.constant 0 : i32
      %dma_wait3A_280 = tpu.memref_slice %arg5[%add3A_255, %dma_wait3A_279] : memref<4096x1024xf32, #tpu.memory_space<hbm>> -> memref<16x1024xf32, #tpu.memory_space<hbm>>
      tpu.wait_dma2 semaphore(%run_scoped3A_272 : memref<!tpu.dma_semaphore, #tpu.memory_space<semaphore_mem>>) src(%arg9 : memref<16x1024xf32, #tpu.memory_space<vmem>>) dst(%dma_wait3A_280 : memref<16x1024xf32, #tpu.memory_space<hbm>>)
      tpu.yield
    }) : () -> ()
    "tpu.region"() ({
      %run_scoped3A_272 = tpu.sem_alloc : memref<!tpu.dma_semaphore, #tpu.memory_space<semaphore_mem>>
      %dma_start3A_273 = arith.constant 0 : i32
      %dma_start3A_274 = tpu.memref_slice %arg6[%add3A_255, %dma_start3A_273] : memref<4096x1024xf32, #tpu.memory_space<hbm>> -> memref<16x1024xf32, #tpu.memory_space<hbm>>
      %dma_start3A_275 = arith.constant 0 : i32
      %dma_start3A_276 = tpu.memref_slice %arg6[%add3A_255, %dma_start3A_275] : memref<4096x1024xf32, #tpu.memory_space<hbm>> -> memref<16x1024xf32, #tpu.memory_space<hbm>>
      tpu.enqueue_dma source(%arg11 : memref<16x1024xf32, #tpu.memory_space<vmem>>) target(%dma_start3A_276 : memref<16x1024xf32, #tpu.memory_space<hbm>>) target_semaphore(%run_scoped3A_272 : memref<!tpu.dma_semaphore, #tpu.memory_space<semaphore_mem>>)
      %dma_wait3A_277 = arith.constant 0 : i32
      %dma_wait3A_278 = tpu.memref_slice %arg6[%add3A_255, %dma_wait3A_277] : memref<4096x1024xf32, #tpu.memory_space<hbm>> -> memref<16x1024xf32, #tpu.memory_space<hbm>>
      %dma_wait3A_279 = arith.constant 0 : i32
      %dma_wait3A_280 = tpu.memref_slice %arg6[%add3A_255, %dma_wait3A_279] : memref<4096x1024xf32, #tpu.memory_space<hbm>> -> memref<16x1024xf32, #tpu.memory_space<hbm>>
      tpu.wait_dma2 semaphore(%run_scoped3A_272 : memref<!tpu.dma_semaphore, #tpu.memory_space<semaphore_mem>>) src(%arg11 : memref<16x1024xf32, #tpu.memory_space<vmem>>) dst(%dma_wait3A_280 : memref<16x1024xf32, #tpu.memory_space<hbm>>)
      tpu.yield
    }) : () -> ()
    %dma_wait3A_256 = arith.constant 1 : i32
    %dma_wait3A_257 = arith.constant 0 : i32
    %dma_wait3A_258 = tpu.memref_slice %arg7[%dma_wait3A_256, %dma_wait3A_257] : memref<2x16xi32, #tpu.memory_space<vmem>> -> memref<1x16xi32, #tpu.memory_space<vmem>>
    %dma_wait3A_259 = tpu.memref_squeeze %dma_wait3A_258 : memref<1x16xi32, #tpu.memory_space<vmem>> -> memref<16xi32, #tpu.memory_space<vmem>>
    %dma_wait3A_260 = arith.constant 0 : i32
    %dma_wait3A_261 = arith.constant 0 : i32
    %dma_wait3A_262 = tpu.memref_slice %arg2[%dma_wait3A_260, %dma_wait3A_261] : memref<10240x1024xf32, #tpu.memory_space<hbm>> -> memref<10240x1024xf32, #tpu.memory_space<hbm>>
    tpu.wait_indirect_dma semaphore(%arg14 : memref<!tpu.dma_semaphore, #tpu.memory_space<semaphore_mem>>) src(%dma_wait3A_262 : memref<10240x1024xf32, #tpu.memory_space<hbm>>) dst(%arg10 : memref<16x1024xf32, #tpu.memory_space<vmem>>)
    %dma_wait3A_263 = arith.constant 1 : i32
    %dma_wait3A_264 = arith.constant 0 : i32
    %dma_wait3A_265 = tpu.memref_slice %arg8[%dma_wait3A_263, %dma_wait3A_264] : memref<2x16xi32, #tpu.memory_space<vmem>> -> memref<1x16xi32, #tpu.memory_space<vmem>>
    %dma_wait3A_266 = tpu.memref_squeeze %dma_wait3A_265 : memref<1x16xi32, #tpu.memory_space<vmem>> -> memref<16xi32, #tpu.memory_space<vmem>>
    %dma_wait3A_267 = arith.constant 0 : i32
    %dma_wait3A_268 = arith.constant 0 : i32
    %dma_wait3A_269 = tpu.memref_slice %arg2[%dma_wait3A_267, %dma_wait3A_268] : memref<10240x1024xf32, #tpu.memory_space<hbm>> -> memref<10240x1024xf32, #tpu.memory_space<hbm>>
    tpu.wait_indirect_dma semaphore(%arg16 : memref<!tpu.dma_semaphore, #tpu.memory_space<semaphore_mem>>) src(%dma_wait3A_269 : memref<10240x1024xf32, #tpu.memory_space<hbm>>) dst(%arg12 : memref<16x1024xf32, #tpu.memory_space<vmem>>)
    %add3A_270 = arith.constant 112 : i32
    %add3A_271 = arith.addi %mul3A_2, %add3A_270 : i32
    "tpu.region"() ({
      %run_scoped3A_272 = tpu.sem_alloc : memref<!tpu.dma_semaphore, #tpu.memory_space<semaphore_mem>>
      %dma_start3A_273 = arith.constant 0 : i32
      %dma_start3A_274 = tpu.memref_slice %arg5[%add3A_271, %dma_start3A_273] : memref<4096x1024xf32, #tpu.memory_space<hbm>> -> memref<16x1024xf32, #tpu.memory_space<hbm>>
      %dma_start3A_275 = arith.constant 0 : i32
      %dma_start3A_276 = tpu.memref_slice %arg5[%add3A_271, %dma_start3A_275] : memref<4096x1024xf32, #tpu.memory_space<hbm>> -> memref<16x1024xf32, #tpu.memory_space<hbm>>
      tpu.enqueue_dma source(%arg10 : memref<16x1024xf32, #tpu.memory_space<vmem>>) target(%dma_start3A_276 : memref<16x1024xf32, #tpu.memory_space<hbm>>) target_semaphore(%run_scoped3A_272 : memref<!tpu.dma_semaphore, #tpu.memory_space<semaphore_mem>>)
      %dma_wait3A_277 = arith.constant 0 : i32
      %dma_wait3A_278 = tpu.memref_slice %arg5[%add3A_271, %dma_wait3A_277] : memref<4096x1024xf32, #tpu.memory_space<hbm>> -> memref<16x1024xf32, #tpu.memory_space<hbm>>
      %dma_wait3A_279 = arith.constant 0 : i32
      %dma_wait3A_280 = tpu.memref_slice %arg5[%add3A_271, %dma_wait3A_279] : memref<4096x1024xf32, #tpu.memory_space<hbm>> -> memref<16x1024xf32, #tpu.memory_space<hbm>>
      tpu.wait_dma2 semaphore(%run_scoped3A_272 : memref<!tpu.dma_semaphore, #tpu.memory_space<semaphore_mem>>) src(%arg10 : memref<16x1024xf32, #tpu.memory_space<vmem>>) dst(%dma_wait3A_280 : memref<16x1024xf32, #tpu.memory_space<hbm>>)
      tpu.yield
    }) : () -> ()
    "tpu.region"() ({
      %run_scoped3A_272 = tpu.sem_alloc : memref<!tpu.dma_semaphore, #tpu.memory_space<semaphore_mem>>
      %dma_start3A_273 = arith.constant 0 : i32
      %dma_start3A_274 = tpu.memref_slice %arg6[%add3A_271, %dma_start3A_273] : memref<4096x1024xf32, #tpu.memory_space<hbm>> -> memref<16x1024xf32, #tpu.memory_space<hbm>>
      %dma_start3A_275 = arith.constant 0 : i32
      %dma_start3A_276 = tpu.memref_slice %arg6[%add3A_271, %dma_start3A_275] : memref<4096x1024xf32, #tpu.memory_space<hbm>> -> memref<16x1024xf32, #tpu.memory_space<hbm>>
      tpu.enqueue_dma source(%arg12 : memref<16x1024xf32, #tpu.memory_space<vmem>>) target(%dma_start3A_276 : memref<16x1024xf32, #tpu.memory_space<hbm>>) target_semaphore(%run_scoped3A_272 : memref<!tpu.dma_semaphore, #tpu.memory_space<semaphore_mem>>)
      %dma_wait3A_277 = arith.constant 0 : i32
      %dma_wait3A_278 = tpu.memref_slice %arg6[%add3A_271, %dma_wait3A_277] : memref<4096x1024xf32, #tpu.memory_space<hbm>> -> memref<16x1024xf32, #tpu.memory_space<hbm>>
      %dma_wait3A_279 = arith.constant 0 : i32
      %dma_wait3A_280 = tpu.memref_slice %arg6[%add3A_271, %dma_wait3A_279] : memref<4096x1024xf32, #tpu.memory_space<hbm>> -> memref<16x1024xf32, #tpu.memory_space<hbm>>
      tpu.wait_dma2 semaphore(%run_scoped3A_272 : memref<!tpu.dma_semaphore, #tpu.memory_space<semaphore_mem>>) src(%arg12 : memref<16x1024xf32, #tpu.memory_space<vmem>>) dst(%dma_wait3A_280 : memref<16x1024xf32, #tpu.memory_space<hbm>>)
      tpu.yield
    }) : () -> ()
    return
  }
}

module attributes {stable_mosaic.version = 14 : i64} {
  func.func @_router_body(%arg0: i32, %arg1: memref<512x8xf32, #tpu.memory_space<vmem>>, %arg2: memref<1x8xf32, #tpu.memory_space<vmem>>, %arg3: memref<512x8xf32, #tpu.memory_space<vmem>>) attributes {dimension_semantics = [#tpu.dimension_semantics<arbitrary>], iteration_bounds = array<i64: 8>, scalar_prefetch = 0 : i64, scratch_operands = 0 : i64, tpu.core_type = #tpu.core_type<tc>, window_params = [{transform_indices = @transform_0, window_bounds = array<i64: 512, 8>}, {pipeline_mode = #tpu.pipeline_mode<synchronous>, transform_indices = @transform_1, window_bounds = array<i64: 1, 8>}, {transform_indices = @transform_2, window_bounds = array<i64: 512, 8>}]} {
    %get3A = arith.constant 0 : index
    %get3A_0 = arith.constant 0 : index
    %get3A_1 = vector.load %arg1[%get3A, %get3A_0] : memref<512x8xf32, #tpu.memory_space<vmem>>, vector<512x8xf32>
    %logistic3A = arith.negf %get3A_1 : vector<512x8xf32>
    %logistic3A_2 = math.exp %logistic3A : vector<512x8xf32>
    %logistic3A_3 = arith.constant 1.000000e+00 : f32
    %logistic3A_4 = vector.broadcast %logistic3A_3 : f32 to vector<512x8xf32>
    %logistic3A_5 = arith.addf %logistic3A_4, %logistic3A_2 : vector<512x8xf32>
    %logistic3A_6 = arith.divf %logistic3A_4, %logistic3A_5 : vector<512x8xf32>
    %get3A_7 = arith.constant 0 : index
    %get3A_8 = arith.constant 0 : index
    %get3A_9 = vector.load %arg2[%get3A_7, %get3A_8] : memref<1x8xf32, #tpu.memory_space<vmem>>, vector<1x8xf32>
    %add3A = vector.broadcast %get3A_9 : vector<1x8xf32> to vector<512x8xf32>
    %add3A_10 = arith.addf %logistic3A_6, %add3A : vector<512x8xf32>
    %slice3A = vector.extract_strided_slice %add3A_10 {offsets = [0, 0], sizes = [512, 1], strides = [1, 1]} : vector<512x8xf32> to vector<512x1xf32>
    %slice3A_11 = vector.extract_strided_slice %add3A_10 {offsets = [0, 1], sizes = [512, 1], strides = [1, 1]} : vector<512x8xf32> to vector<512x1xf32>
    %add3A_12 = arith.addf %slice3A, %slice3A_11 : vector<512x1xf32>
    %slice3A_13 = vector.extract_strided_slice %add3A_10 {offsets = [0, 2], sizes = [512, 1], strides = [1, 1]} : vector<512x8xf32> to vector<512x1xf32>
    %slice3A_14 = vector.extract_strided_slice %add3A_10 {offsets = [0, 3], sizes = [512, 1], strides = [1, 1]} : vector<512x8xf32> to vector<512x1xf32>
    %add3A_15 = arith.addf %slice3A_13, %slice3A_14 : vector<512x1xf32>
    %slice3A_16 = vector.extract_strided_slice %add3A_10 {offsets = [0, 4], sizes = [512, 1], strides = [1, 1]} : vector<512x8xf32> to vector<512x1xf32>
    %slice3A_17 = vector.extract_strided_slice %add3A_10 {offsets = [0, 5], sizes = [512, 1], strides = [1, 1]} : vector<512x8xf32> to vector<512x1xf32>
    %add3A_18 = arith.addf %slice3A_16, %slice3A_17 : vector<512x1xf32>
    %slice3A_19 = vector.extract_strided_slice %add3A_10 {offsets = [0, 6], sizes = [512, 1], strides = [1, 1]} : vector<512x8xf32> to vector<512x1xf32>
    %slice3A_20 = vector.extract_strided_slice %add3A_10 {offsets = [0, 7], sizes = [512, 1], strides = [1, 1]} : vector<512x8xf32> to vector<512x1xf32>
    %add3A_21 = arith.addf %slice3A_19, %slice3A_20 : vector<512x1xf32>
    %concatenate3A = tpu.concatenate %add3A_12, %add3A_15, %add3A_18, %add3A_21 in 1 : vector<512x1xf32>, vector<512x1xf32>, vector<512x1xf32>, vector<512x1xf32> -> vector<512x4xf32>
    %iota3A = tpu.iota {dimensions = array<i32: 1>} : vector<512x4xi32>
    %reduce_max3A = arith.constant dense<0xFF800000> : vector<512xf32>
    %reduce_max3A_22 = vector.multi_reduction <maximumf>, %concatenate3A, %reduce_max3A [1] : vector<512x4xf32> to vector<512xf32>
    %broadcast_in_dim3A = vector.shape_cast %reduce_max3A_22 : vector<512xf32> to vector<512x1xf32>
    %eq3A = vector.broadcast %broadcast_in_dim3A : vector<512x1xf32> to vector<512x4xf32>
    %eq3A_23 = arith.cmpf oeq, %concatenate3A, %eq3A : vector<512x4xf32>
    %jit3A = arith.constant 4 : i32
    %broadcast_in_dim3A_24 = vector.broadcast %jit3A : i32 to vector<512x4xi32>
    %select_n3A = arith.select %eq3A_23, %iota3A, %broadcast_in_dim3A_24 : vector<512x4xi1>, vector<512x4xi32>
    %reduce_min3A = arith.constant dense<2147483647> : vector<512xi32>
    %reduce_min3A_25 = vector.multi_reduction <minsi>, %select_n3A, %reduce_min3A [1] : vector<512x4xi32> to vector<512xi32>
    %broadcast_in_dim3A_26 = vector.shape_cast %reduce_min3A_25 : vector<512xi32> to vector<512x1xi32>
    %eq3A_27 = vector.broadcast %broadcast_in_dim3A_26 : vector<512x1xi32> to vector<512x4xi32>
    %eq3A_28 = arith.cmpi eq, %iota3A, %eq3A_27 : vector<512x4xi32>
    %jit3A_29 = arith.constant 0xFF800000 : f32
    %broadcast_in_dim3A_30 = vector.broadcast %jit3A_29 : f32 to vector<512x4xf32>
    %select_n3A_31 = arith.select %eq3A_28, %broadcast_in_dim3A_30, %concatenate3A : vector<512x4xi1>, vector<512x4xf32>
    %reduce_max3A_32 = arith.constant dense<0xFF800000> : vector<512xf32>
    %reduce_max3A_33 = vector.multi_reduction <maximumf>, %select_n3A_31, %reduce_max3A_32 [1] : vector<512x4xf32> to vector<512xf32>
    %broadcast_in_dim3A_34 = vector.shape_cast %reduce_max3A_33 : vector<512xf32> to vector<512x1xf32>
    %eq3A_35 = vector.broadcast %broadcast_in_dim3A_34 : vector<512x1xf32> to vector<512x4xf32>
    %eq3A_36 = arith.cmpf oeq, %select_n3A_31, %eq3A_35 : vector<512x4xf32>
    %jit3A_37 = arith.constant 4 : i32
    %broadcast_in_dim3A_38 = vector.broadcast %jit3A_37 : i32 to vector<512x4xi32>
    %select_n3A_39 = arith.select %eq3A_36, %iota3A, %broadcast_in_dim3A_38 : vector<512x4xi1>, vector<512x4xi32>
    %reduce_min3A_40 = arith.constant dense<2147483647> : vector<512xi32>
    %reduce_min3A_41 = vector.multi_reduction <minsi>, %select_n3A_39, %reduce_min3A_40 [1] : vector<512x4xi32> to vector<512xi32>
    %broadcast_in_dim3A_42 = vector.shape_cast %reduce_min3A_41 : vector<512xi32> to vector<512x1xi32>
    %eq3A_43 = vector.broadcast %broadcast_in_dim3A_26 : vector<512x1xi32> to vector<512x4xi32>
    %eq3A_44 = arith.cmpi eq, %iota3A, %eq3A_43 : vector<512x4xi32>
    %eq3A_45 = vector.broadcast %broadcast_in_dim3A_42 : vector<512x1xi32> to vector<512x4xi32>
    %eq3A_46 = arith.cmpi eq, %iota3A, %eq3A_45 : vector<512x4xi32>
    %or3A = arith.ori %eq3A_44, %eq3A_46 : vector<512x4xi1>
    %convert_element_type3A = arith.extui %or3A : vector<512x4xi1> to vector<512x4xi32>
    %convert_element_type3A_47 = arith.sitofp %convert_element_type3A : vector<512x4xi32> to vector<512x4xf32>
    %slice3A_48 = vector.extract_strided_slice %convert_element_type3A_47 {offsets = [0, 0], sizes = [512, 1], strides = [1, 1]} : vector<512x4xf32> to vector<512x1xf32>
    %slice3A_49 = vector.extract_strided_slice %convert_element_type3A_47 {offsets = [0, 0], sizes = [512, 1], strides = [1, 1]} : vector<512x4xf32> to vector<512x1xf32>
    %slice3A_50 = vector.extract_strided_slice %convert_element_type3A_47 {offsets = [0, 1], sizes = [512, 1], strides = [1, 1]} : vector<512x4xf32> to vector<512x1xf32>
    %slice3A_51 = vector.extract_strided_slice %convert_element_type3A_47 {offsets = [0, 1], sizes = [512, 1], strides = [1, 1]} : vector<512x4xf32> to vector<512x1xf32>
    %slice3A_52 = vector.extract_strided_slice %convert_element_type3A_47 {offsets = [0, 2], sizes = [512, 1], strides = [1, 1]} : vector<512x4xf32> to vector<512x1xf32>
    %slice3A_53 = vector.extract_strided_slice %convert_element_type3A_47 {offsets = [0, 2], sizes = [512, 1], strides = [1, 1]} : vector<512x4xf32> to vector<512x1xf32>
    %slice3A_54 = vector.extract_strided_slice %convert_element_type3A_47 {offsets = [0, 3], sizes = [512, 1], strides = [1, 1]} : vector<512x4xf32> to vector<512x1xf32>
    %slice3A_55 = vector.extract_strided_slice %convert_element_type3A_47 {offsets = [0, 3], sizes = [512, 1], strides = [1, 1]} : vector<512x4xf32> to vector<512x1xf32>
    %concatenate3A_56 = tpu.concatenate %slice3A_48, %slice3A_49, %slice3A_50, %slice3A_51, %slice3A_52, %slice3A_53, %slice3A_54, %slice3A_55 in 1 : vector<512x1xf32>, vector<512x1xf32>, vector<512x1xf32>, vector<512x1xf32>, vector<512x1xf32>, vector<512x1xf32>, vector<512x1xf32>, vector<512x1xf32> -> vector<512x8xf32>
    %gt3A = arith.constant 0.000000e+00 : f32
    %gt3A_57 = vector.broadcast %gt3A : f32 to vector<512x8xf32>
    %gt3A_58 = arith.cmpf ogt, %concatenate3A_56, %gt3A_57 : vector<512x8xf32>
    %jit3A_59 = arith.constant 0.000000e+00 : f32
    %broadcast_in_dim3A_60 = vector.broadcast %jit3A_59 : f32 to vector<512x8xf32>
    %select_n3A_61 = arith.select %gt3A_58, %add3A_10, %broadcast_in_dim3A_60 : vector<512x8xi1>, vector<512x8xf32>
    %iota3A_62 = tpu.iota {dimensions = array<i32: 1>} : vector<512x8xi32>
    %reduce_max3A_63 = arith.constant dense<0xFF800000> : vector<512xf32>
    %reduce_max3A_64 = vector.multi_reduction <maximumf>, %select_n3A_61, %reduce_max3A_63 [1] : vector<512x8xf32> to vector<512xf32>
    %broadcast_in_dim3A_65 = vector.shape_cast %reduce_max3A_64 : vector<512xf32> to vector<512x1xf32>
    %eq3A_66 = vector.broadcast %broadcast_in_dim3A_65 : vector<512x1xf32> to vector<512x8xf32>
    %eq3A_67 = arith.cmpf oeq, %select_n3A_61, %eq3A_66 : vector<512x8xf32>
    %jit3A_68 = arith.constant 8 : i32
    %broadcast_in_dim3A_69 = vector.broadcast %jit3A_68 : i32 to vector<512x8xi32>
    %select_n3A_70 = arith.select %eq3A_67, %iota3A_62, %broadcast_in_dim3A_69 : vector<512x8xi1>, vector<512x8xi32>
    %reduce_min3A_71 = arith.constant dense<2147483647> : vector<512xi32>
    %reduce_min3A_72 = vector.multi_reduction <minsi>, %select_n3A_70, %reduce_min3A_71 [1] : vector<512x8xi32> to vector<512xi32>
    %broadcast_in_dim3A_73 = vector.shape_cast %reduce_min3A_72 : vector<512xi32> to vector<512x1xi32>
    %eq3A_74 = vector.broadcast %broadcast_in_dim3A_73 : vector<512x1xi32> to vector<512x8xi32>
    %eq3A_75 = arith.cmpi eq, %iota3A_62, %eq3A_74 : vector<512x8xi32>
    %jit3A_76 = arith.constant 0xFF800000 : f32
    %broadcast_in_dim3A_77 = vector.broadcast %jit3A_76 : f32 to vector<512x8xf32>
    %select_n3A_78 = arith.select %eq3A_75, %broadcast_in_dim3A_77, %select_n3A_61 : vector<512x8xi1>, vector<512x8xf32>
    %reduce_max3A_79 = arith.constant dense<0xFF800000> : vector<512xf32>
    %reduce_max3A_80 = vector.multi_reduction <maximumf>, %select_n3A_78, %reduce_max3A_79 [1] : vector<512x8xf32> to vector<512xf32>
    %broadcast_in_dim3A_81 = vector.shape_cast %reduce_max3A_80 : vector<512xf32> to vector<512x1xf32>
    %eq3A_82 = vector.broadcast %broadcast_in_dim3A_81 : vector<512x1xf32> to vector<512x8xf32>
    %eq3A_83 = arith.cmpf oeq, %select_n3A_78, %eq3A_82 : vector<512x8xf32>
    %jit3A_84 = arith.constant 8 : i32
    %broadcast_in_dim3A_85 = vector.broadcast %jit3A_84 : i32 to vector<512x8xi32>
    %select_n3A_86 = arith.select %eq3A_83, %iota3A_62, %broadcast_in_dim3A_85 : vector<512x8xi1>, vector<512x8xi32>
    %reduce_min3A_87 = arith.constant dense<2147483647> : vector<512xi32>
    %reduce_min3A_88 = vector.multi_reduction <minsi>, %select_n3A_86, %reduce_min3A_87 [1] : vector<512x8xi32> to vector<512xi32>
    %broadcast_in_dim3A_89 = vector.shape_cast %reduce_min3A_88 : vector<512xi32> to vector<512x1xi32>
    %eq3A_90 = vector.broadcast %broadcast_in_dim3A_73 : vector<512x1xi32> to vector<512x8xi32>
    %eq3A_91 = arith.cmpi eq, %iota3A_62, %eq3A_90 : vector<512x8xi32>
    %eq3A_92 = vector.broadcast %broadcast_in_dim3A_89 : vector<512x1xi32> to vector<512x8xi32>
    %eq3A_93 = arith.cmpi eq, %iota3A_62, %eq3A_92 : vector<512x8xi32>
    %jit3A_94 = arith.constant 0.000000e+00 : f32
    %broadcast_in_dim3A_95 = vector.broadcast %jit3A_94 : f32 to vector<512x8xf32>
    %select_n3A_96 = arith.select %eq3A_91, %logistic3A_6, %broadcast_in_dim3A_95 : vector<512x8xi1>, vector<512x8xf32>
    %reduce_sum3A = arith.constant dense<0.000000e+00> : vector<512xf32>
    %reduce_sum3A_97 = vector.multi_reduction <add>, %select_n3A_96, %reduce_sum3A [1] : vector<512x8xf32> to vector<512xf32>
    %broadcast_in_dim3A_98 = vector.shape_cast %reduce_sum3A_97 : vector<512xf32> to vector<512x1xf32>
    %jit3A_99 = arith.constant 0.000000e+00 : f32
    %broadcast_in_dim3A_100 = vector.broadcast %jit3A_99 : f32 to vector<512x8xf32>
    %select_n3A_101 = arith.select %eq3A_93, %logistic3A_6, %broadcast_in_dim3A_100 : vector<512x8xi1>, vector<512x8xf32>
    %reduce_sum3A_102 = arith.constant dense<0.000000e+00> : vector<512xf32>
    %reduce_sum3A_103 = vector.multi_reduction <add>, %select_n3A_101, %reduce_sum3A_102 [1] : vector<512x8xf32> to vector<512xf32>
    %broadcast_in_dim3A_104 = vector.shape_cast %reduce_sum3A_103 : vector<512xf32> to vector<512x1xf32>
    %add3A_105 = arith.addf %broadcast_in_dim3A_98, %broadcast_in_dim3A_104 : vector<512x1xf32>
    %add3A_106 = arith.constant 9.99999968E-21 : f32
    %add3A_107 = vector.broadcast %add3A_106 : f32 to vector<512x1xf32>
    %add3A_108 = arith.addf %add3A_105, %add3A_107 : vector<512x1xf32>
    %div3A = arith.constant 2.500000e+00 : f32
    %div3A_109 = vector.broadcast %div3A : f32 to vector<512x1xf32>
    %div3A_110 = arith.divf %div3A_109, %add3A_108 : vector<512x1xf32>
    %jit3A_111 = arith.constant 0.000000e+00 : f32
    %broadcast_in_dim3A_112 = vector.shape_cast %broadcast_in_dim3A_98 : vector<512x1xf32> to vector<512x1xf32>
    %broadcast_in_dim3A_113 = vector.broadcast %broadcast_in_dim3A_112 : vector<512x1xf32> to vector<512x8xf32>
    %broadcast_in_dim3A_114 = vector.broadcast %jit3A_111 : f32 to vector<512x8xf32>
    %select_n3A_115 = arith.select %eq3A_91, %broadcast_in_dim3A_113, %broadcast_in_dim3A_114 : vector<512x8xi1>, vector<512x8xf32>
    %jit3A_116 = arith.constant 0.000000e+00 : f32
    %broadcast_in_dim3A_117 = vector.shape_cast %broadcast_in_dim3A_104 : vector<512x1xf32> to vector<512x1xf32>
    %broadcast_in_dim3A_118 = vector.broadcast %broadcast_in_dim3A_117 : vector<512x1xf32> to vector<512x8xf32>
    %broadcast_in_dim3A_119 = vector.broadcast %jit3A_116 : f32 to vector<512x8xf32>
    %select_n3A_120 = arith.select %eq3A_93, %broadcast_in_dim3A_118, %broadcast_in_dim3A_119 : vector<512x8xi1>, vector<512x8xf32>
    %add3A_121 = arith.addf %select_n3A_115, %select_n3A_120 : vector<512x8xf32>
    %mul3A = vector.broadcast %div3A_110 : vector<512x1xf32> to vector<512x8xf32>
    %mul3A_122 = arith.mulf %add3A_121, %mul3A : vector<512x8xf32>
    %swap3A = arith.constant 0 : index
    %swap3A_123 = arith.constant 0 : index
    %swap3A_124 = vector.load %arg3[%swap3A, %swap3A_123] : memref<512x8xf32, #tpu.memory_space<vmem>>, vector<512x8xf32>
    tpu.vector_store %arg3[%swap3A, %swap3A_123], %mul3A_122 {strides = array<i32>} : memref<512x8xf32, #tpu.memory_space<vmem>>, vector<512x8xf32>,
    return
  }
  func.func @transform_0(%arg0: i32) -> (i32, i32) {
    %c0_i32 = arith.constant 0 : i32
    %c0_i32_0 = arith.constant 0 : i32
    return %arg0, %c0_i32 : i32, i32
  }
  func.func @transform_1(%arg0: i32) -> (i32, i32) {
    %c0_i32 = arith.constant 0 : i32
    %c0_i32_0 = arith.constant 0 : i32
    %c0_i32_1 = arith.constant 0 : i32
    return %c0_i32, %c0_i32_0 : i32, i32
  }
  func.func @transform_2(%arg0: i32) -> (i32, i32) {
    %c0_i32 = arith.constant 0 : i32
    %c0_i32_0 = arith.constant 0 : i32
    return %arg0, %c0_i32 : i32, i32
  }
}

module attributes {stable_mosaic.version = 14 : i64} {
  func.func @_gmm_body(%arg0: i32, %arg1: memref<40xi32, #tpu.memory_space<smem>>, %arg2: memref<256x1024xf32, #tpu.memory_space<vmem>>, %arg3: memref<1x512x1024xf32, #tpu.memory_space<vmem>>, %arg4: memref<1x512x1024xf32, #tpu.memory_space<vmem>>, %arg5: memref<1x1024x512xf32, #tpu.memory_space<vmem>>, %arg6: memref<256x1xf32, #tpu.memory_space<vmem>>, %arg7: memref<256x1024xf32, #tpu.memory_space<vmem>>) attributes {dimension_semantics = [#tpu.dimension_semantics<arbitrary>], iteration_bounds = array<i64: 40>, scalar_prefetch = 1 : i64, scratch_operands = 0 : i64, tpu.core_type = #tpu.core_type<tc>, window_params = [{transform_indices = @transform_0, window_bounds = array<i64: 256, 1024>}, {transform_indices = @transform_1, window_bounds = array<i64: 1, 512, 1024>}, {transform_indices = @transform_2, window_bounds = array<i64: 1, 512, 1024>}, {transform_indices = @transform_3, window_bounds = array<i64: 1, 1024, 512>}, {transform_indices = @transform_4, window_bounds = array<i64: 256, 1>}, {transform_indices = @transform_5, window_bounds = array<i64: 256, 1024>}]} {
    %get3A = arith.constant 0 : index
    %get3A_0 = arith.constant 0 : index
    %get3A_1 = vector.load %arg2[%get3A, %get3A_0] : memref<256x1024xf32, #tpu.memory_space<vmem>>, vector<256x1024xf32>
    %convert_element_type3A = arith.truncf %get3A_1 : vector<256x1024xf32> to vector<256x1024xbf16>
    %get3A_2 = arith.constant 0 : index
    %get3A_3 = arith.constant 0 : index
    %get3A_4 = arith.constant 0 : index
    %get3A_5 = vector.load %arg3[%get3A_2, %get3A_3, %get3A_4] : memref<1x512x1024xf32, #tpu.memory_space<vmem>>, vector<1x512x1024xf32>
    %get3A_6 = vector.shape_cast %get3A_5 : vector<1x512x1024xf32> to vector<512x1024xf32>
    %convert_element_type3A_7 = arith.truncf %get3A_6 : vector<512x1024xf32> to vector<512x1024xbf16>
    %get3A_8 = arith.constant 0 : index
    %get3A_9 = arith.constant 0 : index
    %get3A_10 = arith.constant 0 : index
    %get3A_11 = vector.load %arg4[%get3A_8, %get3A_9, %get3A_10] : memref<1x512x1024xf32, #tpu.memory_space<vmem>>, vector<1x512x1024xf32>
    %get3A_12 = vector.shape_cast %get3A_11 : vector<1x512x1024xf32> to vector<512x1024xf32>
    %convert_element_type3A_13 = arith.truncf %get3A_12 : vector<512x1024xf32> to vector<512x1024xbf16>
    %dot_general3A = arith.constant dense<0.000000e+00> : vector<256x512xf32>
    %dot_general3A_14 = tpu.matmul %convert_element_type3A, %convert_element_type3A_7, %dot_general3A {dimension_numbers = #tpu.dot_dimension_numbers<[1], [1], [0], [0], [0, 0, 1, 0], [], []>, transpose_lhs_hint = false} : vector<256x1024xbf16>, vector<512x1024xbf16>, vector<256x512xf32> -> vector<256x512xf32>
    %dot_general3A_15 = arith.constant dense<0.000000e+00> : vector<256x512xf32>
    %dot_general3A_16 = tpu.matmul %convert_element_type3A, %convert_element_type3A_13, %dot_general3A_15 {dimension_numbers = #tpu.dot_dimension_numbers<[1], [1], [0], [0], [0, 0, 1, 0], [], []>, transpose_lhs_hint = false} : vector<256x1024xbf16>, vector<512x1024xbf16>, vector<256x512xf32> -> vector<256x512xf32>
    %logistic3A = arith.negf %dot_general3A_14 : vector<256x512xf32>
    %logistic3A_17 = math.exp %logistic3A : vector<256x512xf32>
    %logistic3A_18 = arith.constant 1.000000e+00 : f32
    %logistic3A_19 = vector.broadcast %logistic3A_18 : f32 to vector<256x512xf32>
    %logistic3A_20 = arith.addf %logistic3A_19, %logistic3A_17 : vector<256x512xf32>
    %logistic3A_21 = arith.divf %logistic3A_19, %logistic3A_20 : vector<256x512xf32>
    %mul3A = arith.mulf %dot_general3A_14, %logistic3A_21 : vector<256x512xf32>
    %mul3A_22 = arith.mulf %mul3A, %dot_general3A_16 : vector<256x512xf32>
    %convert_element_type3A_23 = arith.truncf %mul3A_22 : vector<256x512xf32> to vector<256x512xbf16>
    %get3A_24 = arith.constant 0 : index
    %get3A_25 = arith.constant 0 : index
    %get3A_26 = arith.constant 0 : index
    %get3A_27 = vector.load %arg5[%get3A_24, %get3A_25, %get3A_26] : memref<1x1024x512xf32, #tpu.memory_space<vmem>>, vector<1x1024x512xf32>
    %get3A_28 = vector.shape_cast %get3A_27 : vector<1x1024x512xf32> to vector<1024x512xf32>
    %convert_element_type3A_29 = arith.truncf %get3A_28 : vector<1024x512xf32> to vector<1024x512xbf16>
    %dot_general3A_30 = arith.constant dense<0.000000e+00> : vector<256x1024xf32>
    %dot_general3A_31 = tpu.matmul %convert_element_type3A_23, %convert_element_type3A_29, %dot_general3A_30 {dimension_numbers = #tpu.dot_dimension_numbers<[1], [1], [0], [0], [0, 0, 1, 0], [], []>, transpose_lhs_hint = false} : vector<256x512xbf16>, vector<1024x512xbf16>, vector<256x1024xf32> -> vector<256x1024xf32>
    %get3A_32 = arith.constant 0 : index
    %get3A_33 = arith.constant 0 : index
    %get3A_34 = vector.load %arg6[%get3A_32, %get3A_33] : memref<256x1xf32, #tpu.memory_space<vmem>>, vector<256x1xf32>
    %mul3A_35 = vector.broadcast %get3A_34 : vector<256x1xf32> to vector<256x1024xf32>
    %mul3A_36 = arith.mulf %dot_general3A_31, %mul3A_35 : vector<256x1024xf32>
    %swap3A = arith.constant 0 : index
    %swap3A_37 = arith.constant 0 : index
    %swap3A_38 = vector.load %arg7[%swap3A, %swap3A_37] : memref<256x1024xf32, #tpu.memory_space<vmem>>, vector<256x1024xf32>
    tpu.vector_store %arg7[%swap3A, %swap3A_37], %mul3A_36 {strides = array<i32>} : memref<256x1024xf32, #tpu.memory_space<vmem>>, vector<256x1024xf32>,
    return
  }
  func.func @transform_0(%arg0: i32, %arg1: memref<40xi32, #tpu.memory_space<smem>>) -> (i32, i32) {
    %c0_i32 = arith.constant 0 : i32
    %c0_i32_0 = arith.constant 0 : i32
    return %arg0, %c0_i32 : i32, i32
  }
  func.func @transform_1(%arg0: i32, %arg1: memref<40xi32, #tpu.memory_space<smem>>) -> (i32, i32, i32) {
    %get3A = arith.index_cast %arg0 : i32 to index
    %get3A_0 = memref.load %arg1[%get3A] : memref<40xi32, #tpu.memory_space<smem>>
    %c0_i32 = arith.constant 0 : i32
    %c0_i32_1 = arith.constant 0 : i32
    %c0_i32_2 = arith.constant 0 : i32
    return %get3A_0, %c0_i32, %c0_i32_1 : i32, i32, i32
  }
  func.func @transform_2(%arg0: i32, %arg1: memref<40xi32, #tpu.memory_space<smem>>) -> (i32, i32, i32) {
    %get3A = arith.index_cast %arg0 : i32 to index
    %get3A_0 = memref.load %arg1[%get3A] : memref<40xi32, #tpu.memory_space<smem>>
    %c0_i32 = arith.constant 0 : i32
    %c0_i32_1 = arith.constant 0 : i32
    %c0_i32_2 = arith.constant 0 : i32
    return %get3A_0, %c0_i32, %c0_i32_1 : i32, i32, i32
  }
  func.func @transform_3(%arg0: i32, %arg1: memref<40xi32, #tpu.memory_space<smem>>) -> (i32, i32, i32) {
    %get3A = arith.index_cast %arg0 : i32 to index
    %get3A_0 = memref.load %arg1[%get3A] : memref<40xi32, #tpu.memory_space<smem>>
    %c0_i32 = arith.constant 0 : i32
    %c0_i32_1 = arith.constant 0 : i32
    %c0_i32_2 = arith.constant 0 : i32
    return %get3A_0, %c0_i32, %c0_i32_1 : i32, i32, i32
  }
  func.func @transform_4(%arg0: i32, %arg1: memref<40xi32, #tpu.memory_space<smem>>) -> (i32, i32) {
    %c0_i32 = arith.constant 0 : i32
    %c0_i32_0 = arith.constant 0 : i32
    return %arg0, %c0_i32 : i32, i32
  }
  func.func @transform_5(%arg0: i32, %arg1: memref<40xi32, #tpu.memory_space<smem>>) -> (i32, i32) {
    %c0_i32 = arith.constant 0 : i32
    %c0_i32_0 = arith.constant 0 : i32
    return %arg0, %c0_i32 : i32, i32
  }
}

module attributes {stable_mosaic.version = 14 : i64} {
  func.func @_shared_body(%arg0: i32, %arg1: memref<512x1024xf32, #tpu.memory_space<vmem>>, %arg2: memref<512x1024xf32, #tpu.memory_space<vmem>>, %arg3: memref<512x1024xf32, #tpu.memory_space<vmem>>, %arg4: memref<1024x512xf32, #tpu.memory_space<vmem>>, %arg5: memref<512x1024xf32, #tpu.memory_space<vmem>>, %arg6: memref<512x1024xf32, #tpu.memory_space<vmem>>, %arg7: memref<512x1024xf32, #tpu.memory_space<vmem>>) attributes {dimension_semantics = [#tpu.dimension_semantics<arbitrary>], iteration_bounds = array<i64: 8>, scalar_prefetch = 0 : i64, scratch_operands = 0 : i64, tpu.core_type = #tpu.core_type<tc>, window_params = [{transform_indices = @transform_0, window_bounds = array<i64: 512, 1024>}, {pipeline_mode = #tpu.pipeline_mode<synchronous>, transform_indices = @transform_1, window_bounds = array<i64: 512, 1024>}, {pipeline_mode = #tpu.pipeline_mode<synchronous>, transform_indices = @transform_2, window_bounds = array<i64: 512, 1024>}, {pipeline_mode = #tpu.pipeline_mode<synchronous>, transform_indices = @transform_3, window_bounds = array<i64: 1024, 512>}, {transform_indices = @transform_4, window_bounds = array<i64: 512, 1024>}, {transform_indices = @transform_5, window_bounds = array<i64: 512, 1024>}, {transform_indices = @transform_6, window_bounds = array<i64: 512, 1024>}]} {
    %get3A = arith.constant 0 : index
    %get3A_0 = arith.constant 0 : index
    %get3A_1 = vector.load %arg1[%get3A, %get3A_0] : memref<512x1024xf32, #tpu.memory_space<vmem>>, vector<512x1024xf32>
    %convert_element_type3A = arith.truncf %get3A_1 : vector<512x1024xf32> to vector<512x1024xbf16>
    %get3A_2 = arith.constant 0 : index
    %get3A_3 = arith.constant 0 : index
    %get3A_4 = vector.load %arg2[%get3A_2, %get3A_3] : memref<512x1024xf32, #tpu.memory_space<vmem>>, vector<512x1024xf32>
    %convert_element_type3A_5 = arith.truncf %get3A_4 : vector<512x1024xf32> to vector<512x1024xbf16>
    %dot_general3A = arith.constant dense<0.000000e+00> : vector<512x512xf32>
    %dot_general3A_6 = tpu.matmul %convert_element_type3A, %convert_element_type3A_5, %dot_general3A {dimension_numbers = #tpu.dot_dimension_numbers<[1], [1], [0], [0], [0, 0, 1, 0], [], []>, transpose_lhs_hint = false} : vector<512x1024xbf16>, vector<512x1024xbf16>, vector<512x512xf32> -> vector<512x512xf32>
    %get3A_7 = arith.constant 0 : index
    %get3A_8 = arith.constant 0 : index
    %get3A_9 = vector.load %arg3[%get3A_7, %get3A_8] : memref<512x1024xf32, #tpu.memory_space<vmem>>, vector<512x1024xf32>
    %convert_element_type3A_10 = arith.truncf %get3A_9 : vector<512x1024xf32> to vector<512x1024xbf16>
    %dot_general3A_11 = arith.constant dense<0.000000e+00> : vector<512x512xf32>
    %dot_general3A_12 = tpu.matmul %convert_element_type3A, %convert_element_type3A_10, %dot_general3A_11 {dimension_numbers = #tpu.dot_dimension_numbers<[1], [1], [0], [0], [0, 0, 1, 0], [], []>, transpose_lhs_hint = false} : vector<512x1024xbf16>, vector<512x1024xbf16>, vector<512x512xf32> -> vector<512x512xf32>
    %logistic3A = arith.negf %dot_general3A_6 : vector<512x512xf32>
    %logistic3A_13 = math.exp %logistic3A : vector<512x512xf32>
    %logistic3A_14 = arith.constant 1.000000e+00 : f32
    %logistic3A_15 = vector.broadcast %logistic3A_14 : f32 to vector<512x512xf32>
    %logistic3A_16 = arith.addf %logistic3A_15, %logistic3A_13 : vector<512x512xf32>
    %logistic3A_17 = arith.divf %logistic3A_15, %logistic3A_16 : vector<512x512xf32>
    %mul3A = arith.mulf %dot_general3A_6, %logistic3A_17 : vector<512x512xf32>
    %mul3A_18 = arith.mulf %mul3A, %dot_general3A_12 : vector<512x512xf32>
    %convert_element_type3A_19 = arith.truncf %mul3A_18 : vector<512x512xf32> to vector<512x512xbf16>
    %get3A_20 = arith.constant 0 : index
    %get3A_21 = arith.constant 0 : index
    %get3A_22 = vector.load %arg4[%get3A_20, %get3A_21] : memref<1024x512xf32, #tpu.memory_space<vmem>>, vector<1024x512xf32>
    %convert_element_type3A_23 = arith.truncf %get3A_22 : vector<1024x512xf32> to vector<1024x512xbf16>
    %dot_general3A_24 = arith.constant dense<0.000000e+00> : vector<512x1024xf32>
    %dot_general3A_25 = tpu.matmul %convert_element_type3A_19, %convert_element_type3A_23, %dot_general3A_24 {dimension_numbers = #tpu.dot_dimension_numbers<[1], [1], [0], [0], [0, 0, 1, 0], [], []>, transpose_lhs_hint = false} : vector<512x512xbf16>, vector<1024x512xbf16>, vector<512x1024xf32> -> vector<512x1024xf32>
    %get3A_26 = arith.constant 0 : index
    %get3A_27 = arith.constant 0 : index
    %get3A_28 = vector.load %arg5[%get3A_26, %get3A_27] : memref<512x1024xf32, #tpu.memory_space<vmem>>, vector<512x1024xf32>
    %add3A = arith.addf %dot_general3A_25, %get3A_28 : vector<512x1024xf32>
    %get3A_29 = arith.constant 0 : index
    %get3A_30 = arith.constant 0 : index
    %get3A_31 = vector.load %arg6[%get3A_29, %get3A_30] : memref<512x1024xf32, #tpu.memory_space<vmem>>, vector<512x1024xf32>
    %add3A_32 = arith.addf %add3A, %get3A_31 : vector<512x1024xf32>
    %swap3A = arith.constant 0 : index
    %swap3A_33 = arith.constant 0 : index
    %swap3A_34 = vector.load %arg7[%swap3A, %swap3A_33] : memref<512x1024xf32, #tpu.memory_space<vmem>>, vector<512x1024xf32>
    tpu.vector_store %arg7[%swap3A, %swap3A_33], %add3A_32 {strides = array<i32>} : memref<512x1024xf32, #tpu.memory_space<vmem>>, vector<512x1024xf32>,
    return
  }
  func.func @transform_0(%arg0: i32) -> (i32, i32) {
    %c0_i32 = arith.constant 0 : i32
    %c0_i32_0 = arith.constant 0 : i32
    return %arg0, %c0_i32 : i32, i32
  }
  func.func @transform_1(%arg0: i32) -> (i32, i32) {
    %c0_i32 = arith.constant 0 : i32
    %c0_i32_0 = arith.constant 0 : i32
    %c0_i32_1 = arith.constant 0 : i32
    return %c0_i32, %c0_i32_0 : i32, i32
  }
  func.func @transform_2(%arg0: i32) -> (i32, i32) {
    %c0_i32 = arith.constant 0 : i32
    %c0_i32_0 = arith.constant 0 : i32
    %c0_i32_1 = arith.constant 0 : i32
    return %c0_i32, %c0_i32_0 : i32, i32
  }
  func.func @transform_3(%arg0: i32) -> (i32, i32) {
    %c0_i32 = arith.constant 0 : i32
    %c0_i32_0 = arith.constant 0 : i32
    %c0_i32_1 = arith.constant 0 : i32
    return %c0_i32, %c0_i32_0 : i32, i32
  }
  func.func @transform_4(%arg0: i32) -> (i32, i32) {
    %c0_i32 = arith.constant 0 : i32
    %c0_i32_0 = arith.constant 0 : i32
    return %arg0, %c0_i32 : i32, i32
  }
  func.func @transform_5(%arg0: i32) -> (i32, i32) {
    %c0_i32 = arith.constant 0 : i32
    %c0_i32_0 = arith.constant 0 : i32
    return %arg0, %c0_i32 : i32, i32
  }
  func.func @transform_6(%arg0: i32) -> (i32, i32) {
    %c0_i32 = arith.constant 0 : i32
    %c0_i32_0 = arith.constant 0 : i32
    return %arg0, %c0_i32 : i32, i32
  }
}

</mosaic_0001>

<sc_bundles>
// kernel: gather_offload_async_start.1
scs
__scs_entry_jumppad:
0x0: {  	(pc) =	sbr.rel $0x88, $3  }
0x1: {  	(tag) =	ssettag $0x0;
	lr =	simm.s32 $0x1  }
0x2: {  	[smem:$0x3F98] =	sst lr;
	_ =	strace $0xD0000000  }
0x3: {  	_ = 	snop  }
0x4: {  	_ = 	snop  }
0x5: {  	_ = 	snop  }
0x6: {  	_ = 	snop  }
0x7: {  	_ = 	snop  }
__scs_overlays_trampoline_lowered:
0x8: {  	[smem:$0x3FA7] =	sst s0  }
0x9: {  	[smem:$0x3FA8] =	sst s1  }
0xa: {  	[smem:$0x3FA9] =	sst s2  }
0xb: {  	[smem:$0x3FAA] =	sst s3  }
0xc: {  	[smem:$0x3FAB] =	sst s4  }
0xd: {  	[smem:$0x3FAC] =	sst s5  }
0xe: {  	[smem:$0x3FAD] =	sst s6  }
0xf: {  	[smem:$0x3FAE] =	sst s7  }
0x10: {  	[smem:$0x3FAF] =	sst s8  }
0x11: {  	[smem:$0x3FB0] =	sst s9;
	s0 =	simm.s32 @!p0 $0x0  }
0x12: {  	s1 =	sld [smem:$0x3F96];
	s0 =	simm.s32 @p0 $0x1  }
0x13: {  	[smem:$0x3FB1] =	sst s0;
	s0 =	simm.s32 @!p1 $0x0  }
0x14: {  	s2 =	sld [smem:$0x3F95];
	s0 =	simm.s32 @p1 $0x1  }
0x15: {  	[smem:$0x3FB2] =	sst s0;
	s0 =	simm.s32 @!p2 $0x0  }
0x16: {  	s3 =	sld [smem:$0x3FDB];
	s0 =	simm.s32 @p2 $0x1  }
0x17: {  	s4 =	simm.s32 $0x1BF5;
	[smem:$0x3FB4] =	sst s0  }
0x18: {  	s0 =	sld [smem:$0x3F97];
	_ =	swait.ge [sflag:s4], $0x0  }
0x19: {  	s7 =	sld [smem:$0x3F98]  }
0x1a: {  	s8 =	sadd.s32 $0xFFFFE003, lr  }
0x1b: {  	s9 =	sadd.s32 $0xFFFFFEF7, lr;
	s5 =	simm.s32 $0xFFFFFFFF;
	p2 =	slt.u32 s8, $0xFFFFF086  }
0x1c: {  	p1 =	slt.u32 s9, $0xF7A;
	s5 =	simm.s32 @!p2 $0x0  }
0x1d: {  	s5 =	simm.s32 @p1 $0x1;
	p0 =	seq.s32 s7, s2  }
0x1e: {  	s7 =	smul.u32 @!p0 $0xF7A, s2;
	p2 =	seq.s32 @!p0 s5, $0x0  }
0x1f: {  	s9 =	smul.u32 $0xF7A, s1;
	s8 =	simm.s32 @!p0 $0x1BF5;
	p2 =	por !p2, p0  }
0x20: {  	[sflag:s8] =	ssyncset.s32 @!p0 $0xFFFFF086;
	s6 =	sadd.s32 @!p0 s3, s7;
	s7 =	simm.s32 @!p0 $0x108  }
0x21: {  	s3 =	sadd.s32 s3, s9;
	s6 =	sadd.s32 @!p0 $0x88, s6;
	s7 =	simm.s32 @p2 $0x1082  }
0x22: {  	[simem:s7], [sflag:s8] =	dma.local @!p0 [hbm:s6], $0xF7A  }
0x23: {  	s9 =	sor.u32 $0xD0000000, s2;
	s6 =	simm.s32 $0x108;
	_ =	swait.ge @!p0 [sflag:s8], $0x0  }
0x24: {  	s3 =	sadd.s32 $0x88, s3;
	s6 =	simm.s32 @!p1 $0x1082;
	[sflag:s4] =	ssyncset.s32 $0xFFFFF086  }
0x25: {  	[simem:s6], [sflag:s4] =	dma.local [hbm:s3], $0xF7A  }
0x26: {  	[smem:$0x3F98] =	sst s1;
	(tag) =	ssettag s2;
	_ =	strace s9  }
0x27: {  	s1 =	sld [smem:$0x3FA8]  }
0x28: {  	s2 =	sld [smem:$0x3FA9]  }
0x29: {  	s4 =	sld [smem:$0x3FAB]  }
0x2a: {  	p0 =	seq.s32 s5, $0x0;
	s5 =	sld [smem:$0x3FAC]  }
0x2b: {  	s6 =	sld [smem:$0x3FAD]  }
0x2c: {  	s7 =	sld [smem:$0x3FAE]  }
0x2d: {  	s3 =	simm.s32 $0x108;
	s8 =	sld [smem:$0x3FAF]  }
0x2e: {  	s3 =	simm.s32 @!p0 $0x1082;
	s9 =	sld [smem:$0x3FB0]  }
0x2f: {  	lr =	sadd.s32 s0, s3;
	s0 =	sld [smem:$0x3FA7]  }
0x30: {  	s3 =	sld [smem:$0x3FAA]  }
0x31: {  	[smem:$0x3FB3] =	sst s10  }
0x32: {  	s10 =	sld [smem:$0x3FB1];
	_ =	sdelay $0x3  }
0x33: {  	p0 =	seq.s32 s10, $0x1;
	s10 =	sld [smem:$0x3FB3];
	_ =	sdelay $0x3  }
0x34: {  	[smem:$0x3FB3] =	sst s10  }
0x35: {  	s10 =	sld [smem:$0x3FB2];
	_ =	sdelay $0x3  }
0x36: {  	p1 =	seq.s32 s10, $0x1;
	s10 =	sld [smem:$0x3FB3];
	_ =	sdelay $0x3  }
0x37: {  	[smem:$0x3FB3] =	sst s10  }
0x38: {  	s10 =	sld [smem:$0x3FB4]  }
0x39: {  	_ = 	snop;
	(pc) =	sbr.ind lr, $3  }
0x3a: {  	_ = 	snop  }
0x3b: {  	_ = 	snop  }
0x3c: {  	p2 =	seq.s32 s10, $0x1;
	s10 =	sld [smem:$0x3FB3]  }
0x3d: {  	_ =	shalt  }
0x3e: {  	_ =	shalt  }
0x3f: {  	_ =	shalt  }
0x40: {  	_ =	shalt  }
0x41: {  	_ =	shalt  }
0x42: {  	_ =	shalt  }
0x43: {  	_ =	shalt  }
0x44: {  	_ =	shalt  }
0x45: {  	_ =	shalt  }
0x46: {  	_ =	shalt  }
0x47: {  	_ =	shalt  }
0x48: {  	_ =	shalt  }
0x49: {  	_ =	shalt  }
0x4a: {  	_ =	shalt  }
0x4b: {  	_ =	shalt  }
0x4c: {  	_ =	shalt  }
0x4d: {  	_ =	shalt  }
0x4e: {  	_ =	shalt  }
0x4f: {  	_ =	shalt  }
0x50: {  	_ =	shalt  }
0x51: {  	_ =	shalt  }
0x52: {  	_ =	shalt  }
0x53: {  	_ =	shalt  }
0x54: {  	_ =	shalt  }
0x55: {  	_ =	shalt  }
0x56: {  	_ =	shalt  }
0x57: {  	_ =	shalt  }
0x58: {  	_ =	shalt  }
0x59: {  	_ =	shalt  }
0x5a: {  	_ =	shalt  }
0x5b: {  	_ =	shalt  }
0x5c: {  	_ =	shalt  }
0x5d: {  	_ =	shalt  }
0x5e: {  	_ =	shalt  }
0x5f: {  	_ =	shalt  }
0x60: {  	_ =	shalt  }
0x61: {  	_ =	shalt  }
0x62: {  	_ =	shalt  }
0x63: {  	_ =	shalt  }
0x64: {  	_ =	shalt  }
0x65: {  	_ =	shalt  }
0x66: {  	_ =	shalt  }
0x67: {  	_ =	shalt  }
0x68: {  	_ =	shalt  }
0x69: {  	_ =	shalt  }
0x6a: {  	_ =	shalt  }
0x6b: {  	_ =	shalt  }
0x6c: {  	_ =	shalt  }
0x6d: {  	_ =	shalt  }
0x6e: {  	_ =	shalt  }
0x6f: {  	_ =	shalt  }
0x70: {  	_ =	shalt  }
0x71: {  	_ =	shalt  }
0x72: {  	_ =	shalt  }
0x73: {  	_ =	shalt  }
0x74: {  	_ =	shalt  }
0x75: {  	_ =	shalt  }
0x76: {  	_ =	shalt  }
0x77: {  	_ =	shalt  }
0x78: {  	_ =	shalt  }
0x79: {  	_ =	shalt  }
0x7a: {  	_ =	shalt  }
0x7b: {  	_ =	shalt  }
0x7c: {  	_ =	shalt  }
0x7d: {  	_ =	shalt  }
0x7e: {  	_ =	shalt  }
0x7f: {  	_ =	shalt  }
0x80: {  	_ =	shalt  }
0x81: {  	_ =	shalt  }
0x82: {  	_ =	shalt  }
0x83: {  	_ =	shalt  }
0x84: {  	_ =	shalt  }
0x85: {  	_ =	shalt  }
0x86: {  	_ =	shalt  }
0x87: {  	_ =	shalt  }
.Lfunc_end0:
.L_simem_size_0:
called_computation.1_lowered:
.L_overlay_start_0:
0x88: {  	s2 =	sld [smem:$0x3FD9]  }
0x89: {  	s3 =	sld [smem:$0x3FFE];
	_ =	sdelay $0x1  }
0x8a: {  	s1 =	srdreg.scid  }
0x8b: {  	s0 =	sand.u32 $0x1, s1  }
0x8c: {  	s17 =	sshll.u32 s0, $0xA;
	s2 =	sadd.s32 s3, s2  }
0x8d: {  	s2 =	sadd.s32 s2, s17  }
0x8e: {  	[smem:$0x3FBF] =	sst s2  }
0x8f: {  	_ = 	snop  }
0x90: {  	s18 =	sld [smem:$0x3FD0];
	(tm) =	ssettm $0x1  }
0x91: {  	s19 =	sld [smem:$0x3FFB];
	_ =	sdelay $0x3  }
0x92: {  	_ =	strace s19  }
0x93: {  	s2 =	sld [smem:$0x3FFC];
	_ =	sdelay $0x3  }
0x94: {  	_ =	strace s2  }
0x95: {  	s2 =	sld [smem:$0x3FFD];
	_ =	sdelay $0x3  }
0x96: {  	_ =	strace s2  }
0x97: {  	_ =	strace $0x8FFFFFFF  }
0x98: {  	s20 =	sld [smem:$0x3FDB];
	_ =	sdelay $0x1  }
0x99: {  	s4 =	simm.s32 $_scs_section_size  }
0x9a: {  	s5 =	simm.s32 $_size__tile_overlayer_lowered;
	s6 =	simm.s32 $_tile_overlayer_lowered  }
0x9b: {  	s7 =	simm.s32 $0x1BFF;
	s21 =	sshll.u32 s6, $0x1;
	s4 =	sadd.s32 s4, s20  }
0x9c: {  	s22 =	simm.s32 $0x0;
	s5 =	sshll.u32 s5, $0x1;
	s6 =	sadd.s32 s21, s4  }
0x9d: {  	[timem:s22], [sflag:s7] =	dma.local [hbm:s6], s5  }
0x9e: {  	_ =	swait.ge [sflag:s7], s5  }
0x9f: {  	s5 =	ssub.s32 $0x0, s5;
	[sflag:s7] =	ssyncset.done $0x0  }
0xa0: {  	[sflag:s7] =	ssyncadd.s32 s5;
	_ =	sdelay $0x1  }
0xa1: {  	s23 =	simm.s32 $0x1B8B  }
0xa2: {  	_ =	swait.ge [sflag:s23], $0x1  }
0xa3: {  	[sflag:s23] =	ssyncset.done $0x0  }
0xa4: {  	[sflag:s23] =	ssyncadd.s32 $0xFFFFFFFF  }
0xa5: {  	s5 =	sld [smem:$0x0]  }
0xa6: {  	s6 =	sand.u32 $0xFFFFFFFE, s1  }
0xa7: {  	p0 =	sne.s32 s1, s6  }
0xa8: {  	s6 =	sshll.u32 @p0 s6, $0xE  }
0xa9: {  	s6 =	sadd.s32 @p0 $0x11B8D, s6;
	s7 =	sshll.u32 @p0 s5, $0x11  }
0xaa: {  	s6 =	sor.u32 @p0 s7, s6  }
0xab: {  	[sflag:s6] =	ssyncadd.remote.s32 @p0 $0x1;
	_ =	sdelay $0x1  }
0xac: {  	s6 =	simm.s32 @p0 $0x1B8D  }
0xad: {  	_ =	swait.eq @p0 [sflag:s6], $0x1  }
0xae: {  	[sflag:s6] =	ssyncadd.s32 @p0 $0xFFFFFFFF  }
0xaf: {  	s7 =	sshll.u32 @!p0 s1, $0xE  }
0xb0: {  	s7 =	sor.u32 @!p0 $0x4000, s7;
	s6 =	simm.s32 @!p0 $0x1B8D  }
0xb1: {  	s5 =	sshll.u32 @!p0 s5, $0x11;
	s7 =	sadd.s32 @!p0 $0x11B8D, s7;
	_ =	swait.eq @!p0 [sflag:s6], $0x1  }
0xb2: {  	s5 =	sor.u32 @!p0 s5, s7;
	[sflag:s6] =	ssyncadd.s32 @!p0 $0xFFFFFFFF  }
0xb3: {  	s25 =	simm.s32 $0x1B8E;
	s24 =	sld [smem:$0x3FFE];
	[sflag:s5] =	ssyncadd.remote.s32 @!p0 $0x1  }
0xb4: {  	s26 =	simm.s32 $execute0_lowered;
	[smem:$0x3FD2] =	sst s25  }
0xb5: {  	s6 =	sshll.u32 s26, $0x1;
	_ =	strace $0x8000004C;
	[dreg:$0x1] =	wrdreg $0xFFFFFFFF  }
0xb6: {  	s28 =	simm.s32 $_size_execute0_lowered;
	s4 =	sadd.s32 s4, s6;
	[dreg:$0x0] =	wrdreg $0x0  }
0xb7: {  	s6 =	sshll.u32 s28, $0x1;
	[dreg:$0x2] =	wrdreg s4  }
0xb8: {  	[dreg:$0x3] =	wrdreg s6  }
0xb9: {  	[dreg:$0x4] =	wrdreg $0xC0  }
0xba: {  	_ =	task [dreg:s22], $0x5FFFF  }
0xbb: {  	[dreg:$0x1] =	wrdreg $0xFFFFFFFF  }
0xbc: {  	[dreg:$0x0] =	wrdreg $0x60  }
0xbd: {  	[dreg:$0x2] =	wrdreg s18  }
0xbe: {  	[dreg:$0x3] =	wrdreg s24  }
0xbf: {  	[dreg:$0x4] =	wrdreg $0xA  }
0xc0: {  	_ =	task.clear_ibuf [dreg:s22], $0x5FFFF;
	_ =	strace $0x9000004C  }
0xc1: {  	s29 =	simm.s32 $0xA;
	_ =	strace $0x8000004E  }
0xc2: {  	_ =	swait.ge [sflag:s29], $0x1  }
0xc3: {  	[sflag:s29] =	ssyncadd.s32 $0xFFFFFFFF  }
0xc4: {  	_ =	strace $0x9000004E  }
0xc5: {  	_ =	sfence  }
0xc6: {  	s30 =	sld [smem:$0x0];
	_ =	sdelay $0x2  }
0xc7: {  	s31 =	sshll.u32 s1, $0xD;
	s1 =	sshrl.u32 s1, $0x2  }
0xc8: {  	s4 =	sand.u32 $0x4000, s31;
	s1 =	sadd.s32 s1, s30  }
0xc9: {  	s0 =	sor.u32 s4, s0;
	s1 =	sshll.u32 s1, $0x11  }
0xca: {  	s0 =	sor.u32 s1, s0  }
0xcb: {  	s0 =	sadd.s32 $0x8F2B, s0  }
0xcc: {  	[sflag:s0] =	ssyncadd.remote.s32 $0x1  }
0xcd: {  	_ =	sfence.sel $0xFFFF  }
0xce: {  	[dreg:$0x0] =	wrdreg $0xFFFFFFFF;
	(pc) =	sbr.abs _section_cstart, $3  }
0xcf: {  	[dreg:$0x1] =	wrdreg $0xFFFFFFFF  }
0xd0: {  	_ =	task.clear_ibuf [dreg:s22], $0x2FFFF;
	_ =	strace $0x9FFFFFFF  }
0xd1: {  	(tm) =	ssettm $0x7FFFFFFF  }
tec
execute0_lowered:
.L_overlay_start_1:
0x0: {  	(tag) =	ssettag $0x1  }
0x1: {  	s2 =	rddreg [dreg:$0x0];
	s0 =	srdreg.scid  }
0x2: {  	s5 =	rddreg [dreg:$0x1];
	s1 =	stileid.u32;
	s6 =	simm.s32 $0x1  }
0x3: {  	s9 =	simm.s32 $0x1;
	s10 =	simm.s32 $0x3;
	s3 =	sshll.u32 s0, $0x6  }
0x4: {  	s13 =	simm.s32 $0x0;
	s4 =	sshll.u32 s1, $0x7;
	s3 =	sand.u32 $0x40, s3  }
0x5: {  	s0 =	rddreg [dreg:$0x2];
	_ =	strace $0x8000004D;
	s3 =	sor.u32 s4, s3  }
0x6: {  	s12 =	simm.s32 $0x0;
	[sflag:s6] =	ssyncpa.u1 $0x0;
	s8 =	ssub.s32 $0x1000, s3  }
.Ltmp0:
0x7: {  	s4 =	sadd.s32 $0x140800, s5;
	s7 =	sand.u32 $0x7C0, s8;
	(pc) =	sbr.rel .LBB2_1-.Ltmp0, $4  }
0x8: {  	s5 =	sadd.s32 $0x200, s5;
	s11 =	smov.u32 s3;
	p0 =	sne.s32 s7, $0x0  }
0x9: {  	s8 =	sshrl.u32 s8, $0xB;
	s7 =	simm.s32 $0x2;
	s9 =	simm.s32 @!p0 $0x0  }
0xa: {  	[sflag:s7] =	ssyncpa.u1 $0x0;
	p0 =	por $0x0, $0x0;
	s8 =	sadd.s32 s9, s8  }
0xb: {  	vm0 =	vmmov $0xffff;
	[sflag:s10] =	ssyncpa.u1 $0x0;
	s10 =	simm.s32 $0x0;
	s9 =	sadd.s32 $0x1, s8  }
.LBB2_4:
0xc: {  	v5 =	vshrl.u32 v1, $0xC;
	v6 =	vshll.u32 v1, $0x7  }
0xd: {  	vm1 =	veq.s32 v1, $0x80000000;
	v58 =	vand.u32 $0x7, v5;
	v59 =	vand.u32 $0x7FF80, v6  }
0xe: {  	v1 =	vsel vm1, $0xFFFFFFFF, v58;
	v5 =	vsel vm1, $0xFFFFFF80, v59  }
0xf: {  	v3 =	vor.u32 v4, v3;
	v60 =	vand.u32 $0xFFFFFC00, v5;
	v61 =	vand.u32 $0xFFFFFC00, v1  }
0x10: {  	v2 =	vor.u32 v2, v3;
	v63 =	vand.u32 $0x380, v5;
	v62 =	vadd.s32 v61, v60  }
0x11: {  	v1 =	vand.u32 $0x7F, v1;
	v3 =	vor.u32 v63, v62  }
0x12: {  	v1 =	vor.u32 v1, v3  }
0x13: {  	[tilespmem:s15], [sflag:$0x1] =	stream.indirect_vreg.gather [hbm4b:s2+s10], $0x1, v0, vm0, $0x4038;
	[tilespmem:$0x100] =	vst v63  }
0x14: {  	(ifvalue) =	ssetifvalue $0x7FFFFFFF  }
0x15: {  	[tilespmem:s16], [sflag:$0x1] =	stream.indirect_vreg.gather [hbm4b:s2+s10], $0x1, v2, vm0, $0x4038;
	[tilespmem:$0x100] =	vst v63  }
0x16: {  	s29 =	sadd.s32 $0x10, s16;
	(ifvalue) =	ssetifvalue $0x7FFFFFFF  }
0x17: {  	[tilespmem:s29], [sflag:$0x1] =	stream.indirect_vreg.gather [hbm4b:s2+s10], $0x1, v1, vm0, $0x4038;
	[tilespmem:$0x100] =	vst v63  }
0x18: {  	_ =	swait.ge [sflag:s6], $0x40  }
0x19: {  	s30 =	sshrl.u32 s13, $0x3;
	[sflag:s6] =	ssyncset.done $0x0  }
0x1a: {  	s31 =	sand.u32 $0x7, s13;
	s15 =	sadd.s32 s5, s30;
	[sflag:s6] =	ssyncadd.s32 $0xFFFFFFC0  }
0x1b: {  	[hbm4b:s15+s31] =	stream.linear.scatter [tilespmem:s14], [sflag:$0x3], $0x40, $0x38;
	[tilespmem:$0x100] =	vst v63  }
.LBB2_5:
0x1c: {  	s15 =	sadd.s32 $0x800, s11  }
0x1d: {  	p2 =	sgt.s32 s15, $0xFFF  }
0x1e: {  	s15 =	smov.u32 @p2 s3;
	p2 =	sne.s32 s12, s9  }
.Ltmp1:
0x1f: {  	p1 =	slt.u32 s12, $0x2;
	(pc) =	sbr.rel @!p2 .LBB2_6-.Ltmp1, $4  }
0x20: {  	s14 =	simm.s32 @!p1 $0x3  }
0x21: {  	s16 =	sadd.s32 $0x1, s12;
	_ =	swait.ge @!p1 [sflag:s14], $0x40  }
0x22: {  	s13 =	smov.u32 s11;
	p0 =	por !p0, !p0;
	[sflag:s14] =	ssyncset.done @!p1 $0x0  }
0x23: {  	s12 =	smov.u32 s16;
	s11 =	smov.u32 s15;
	[sflag:s14] =	ssyncadd.s32 @!p1 $0xFFFFFFC0  }
.LBB2_1:
0x24: {  	p1 =	sge.u32 s12, s8  }
0x25: {  	s14 =	sxor.u32 @!p1 $0xFFFFFFFF, s12  }
0x26: {  	s31 =	sadd.s32 $0xFFFFFFFF, s12;
	s15 =	sshrl.u32 @!p1 s11, $0x3;
	s14 =	sshll.u32 @!p1 s14, $0x6  }
0x27: {  	s16 =	sand.u32 @!p1 $0x7, s11;
	s15 =	sadd.s32 @!p1 s4, s15;
	s14 =	sand.u32 @!p1 $0x40, s14  }
0x28: {  	[tilespmem:s14], [sflag:$0x2] =	stream.linear.gather @!p1 [hbm4b:s15+s16], $0x40, $0x38;
	[tilespmem:$0x100] =	vst v63  }
0x29: {  	p1 =	sge.u32 s31, s8  }
.Ltmp2:
0x2a: {  	_ = 	snop;
	(pc) =	sbr.rel @p1 .LBB2_5-.Ltmp2, $1  }
0x2b: {  	_ =	sdelay $0x3  }
0x2c: {  	s14 =	simm.s32 $0x1  }
0x2d: {  	_ =	swait.ge [sflag:s7], $0x40;
	s14 =	simm.s32 @!p0 $0x0  }
0x2e: {  	[sflag:s7] =	ssyncset.done $0x0;
	s14 =	sshll.u32 s14, $0x6  }
0x2f: {  	[sflag:s7] =	ssyncadd.s32 $0xFFFFFFC0;
	(ifvalue) =	ssetifvalue $0x7FFFFFFF;
	v0 =	vld.msk [tilespmem:s14+$0x0 ss:$0x1], $0xffff;
	_ =	sdelay $0x4  }
0x30: {  	s15 =	sadd.s32 $0x10, s14;
	v2 =	vshrl.u32 v0, $0xC;
	v3 =	vshll.u32 v0, $0x7  }
0x31: {  	v1 =	vld.msk [tilespmem:s15+$0x0 ss:$0x1], $0xffff;
	vm1 =	veq.s32 v0, $0x80000000;
	v0 =	vand.u32 $0x7, v2;
	v2 =	vand.u32 $0x7FF80, v3  }
0x32: {  	v0 =	vsel vm1, $0xFFFFFFFF, v0;
	v2 =	vsel vm1, $0xFFFFFF80, v2  }
0x33: {  	v3 =	vand.u32 $0xFFFFFC00, v2;
	v4 =	vand.u32 $0xFFFFFC00, v0  }
0x34: {  	v2 =	vand.u32 $0x380, v2;
	v3 =	vadd.s32 v4, v3  }
0x35: {  	v0 =	vand.u32 $0x7F, v0;
	v2 =	vor.u32 v2, v3  }
0x36: {  	v5 =	vshll.u32 v1, $0x7;
	v4 =	vshrl.u32 v1, $0xC;
	v0 =	vor.u32 v0, v2  }
0x37: {  	s16 =	sshll.u32 s12, $0x6;
	vm1 =	veq.s32 v1, $0x80000000;
	v1 =	vand.u32 $0x7, v4;
	v4 =	vand.u32 $0x7FF80, v5  }
0x38: {  	s16 =	sand.u32 $0x40, s16;
	s18 =	sadd.s32 $0x10, s15;
	v3 =	vsel vm1, $0xFFFFFFFF, v1;
	v4 =	vsel vm1, $0xFFFFFF80, v4  }
0x39: {  	s17 =	simm.s32 $0x20;
	s15 =	sor.u32 $0x80, s14;
	s14 =	sor.u32 $0x80, s16;
	v1 =	vld.msk [tilespmem:s18+$0x0 ss:$0x1], $0xffff;
	v5 =	vand.u32 $0xFFFFFC00, v4;
	v6 =	vand.u32 $0xFFFFFC00, v3  }
0x3a: {  	s16 =	sadd.s32 $0x10, s15;
	s18 =	sadd.s32 $0x10, s18;
	(ifvalue) =	ssetifvalue $0x7FFFFFFF;
	v2 =	vand.u32 $0x7F, v3;
	v4 =	vand.u32 $0x380, v4;
	v3 =	vadd.s32 v6, v5  }
.LBB2_3:
0x3b: {  	[tilespmem:s15], [sflag:$0x1] =	stream.indirect_vreg.gather [hbm4b:s2+s10], $0x1, v0, vm0, $0x4038;
	[tilespmem:$0x100] =	vst v63  }
0x3c: {  	s17 =	sadd.s32 $0x10, s17  }
0x3d: {  	v3 =	vor.u32 v4, v3;
	p1 =	slt.u32 s17, $0x30  }
.Ltmp3:
0x3e: {  	v4 =	vshrl.u32 v1, $0xC;
	v5 =	vshll.u32 v1, $0x7;
	s15 =	smov.u32 s16;
	v0 =	vor.u32 v2, v3;
	v2 =	vmovc v1;
	v1 =	vld.msk [tilespmem:s18+$0x0 ss:$0x1], $0xffff;
	(pc) =	sbr.rel @p1 .LBB2_3-.Ltmp3, $4  }
0x3f: {  	v3 =	vand.u32 $0x7FF80, v5;
	vm1 =	veq.s32 v2, $0x80000000;
	v2 =	vand.u32 $0x7, v4  }
0x40: {  	v4 =	vsel vm1, $0xFFFFFFFF, v2;
	v5 =	vsel vm1, $0xFFFFFF80, v3  }
0x41: {  	v2 =	vand.u32 $0x7F, v4;
	v3 =	vand.u32 $0xFFFFFC00, v5;
	v4 =	vand.u32 $0xFFFFFC00, v4  }
0x42: {  	s16 =	sadd.s32 $0x10, s16;
	s18 =	sadd.s32 $0x10, s18;
	v3 =	vadd.s32 v4, v3;
	v4 =	vand.u32 $0x380, v5;
	(ifvalue) =	ssetifvalue $0x7FFFFFFF  }
.Ltmp4:
0x43: {  	_ = 	snop;
	(pc) =	sbr.rel .LBB2_4-.Ltmp4, $1  }
0x44: {  	_ =	sdelay $0x3  }
.LBB2_6:
0x45: {  	_ =	sfence.sel $0x180000  }
0x46: {  	s2 =	simm.s32 $0x2;
	[bflag:$0x0] =	sbarrier.arrive $0xFFFF  }
0x47: {  	s30 =	simm.s32 $0x3;
	[sflag:s2] =	ssyncpa.u1 $0x1  }
0x48: {  	s31 =	simm.s32 $0x1;
	[sflag:s30] =	ssyncpa.u1 $0x1  }
0x49: {  	[sflag:s31] =	ssyncpa.u1 $0x1  }
0x4a: {  	p0 =	sne.s32 s1, $0x0;
	_ =	strace $0x9000004D  }
0x4b: {  	s0 =	sadd.s32 @!p0 $0x100000, s0;
	[bflag:$0x2] =	sbarrier.arrive $0xFFFF  }
0x4c: {  	[sflag:s0] =	ssyncadd.tile.s32 @!p0 $0x1;
	_ =	shalt  }
.Lfunc_end2:
_tile_overlayer_lowered:
.L_overlay_start_2:
0x4d: {  	(tag) =	ssettag $0x2  }
0x4e: {  	s0 =	rddreg [dreg:$0x0];
	s2 =	stileid.u32  }
0x4f: {  	s1 =	rddreg [dreg:$0x1];
	p0 =	sne.s32 s2, $0x0  }
0x50: {  	s3 =	rddreg [dreg:$0x2];
	[bflag:$0x3] =	sbarrier.arrive $0xFFFF;
	s2 =	simm.s32 @!p0 $0x1C01  }
0x51: {  	[timem:s3], [sflag:s2] =	dma.local @!p0 [hbm:s0], s1  }
0x52: {  	s0 =	simm.s32 @!p0 $0x1  }
0x53: {  	_ =	swait.ge @!p0 [sflag:s0], s1  }
0x54: {  	s1 =	ssub.s32 @!p0 $0x0, s1;
	[sflag:s0] =	ssyncset.done @!p0 $0x0  }
0x55: {  	[sflag:s0] =	ssyncadd.s32 @!p0 s1  }
0x56: {  	[bflag:$0x3] =	sbarrier.arrive $0xFFFF  }
0x57: {  	_ =	shalt  }

// kernel: gather_offload_async_start
scs
__scs_entry_jumppad:
0x0: {  	(pc) =	sbr.rel $0x88, $3  }
0x1: {  	(tag) =	ssettag $0x0;
	lr =	simm.s32 $0x1  }
0x2: {  	[smem:$0x3F98] =	sst lr;
	_ =	strace $0xD0000000  }
0x3: {  	_ = 	snop  }
0x4: {  	_ = 	snop  }
0x5: {  	_ = 	snop  }
0x6: {  	_ = 	snop  }
0x7: {  	_ = 	snop  }
__scs_overlays_trampoline_lowered:
0x8: {  	[smem:$0x3FA7] =	sst s0  }
0x9: {  	[smem:$0x3FA8] =	sst s1  }
0xa: {  	[smem:$0x3FA9] =	sst s2  }
0xb: {  	[smem:$0x3FAA] =	sst s3  }
0xc: {  	[smem:$0x3FAB] =	sst s4  }
0xd: {  	[smem:$0x3FAC] =	sst s5  }
0xe: {  	[smem:$0x3FAD] =	sst s6  }
0xf: {  	[smem:$0x3FAE] =	sst s7  }
0x10: {  	[smem:$0x3FAF] =	sst s8  }
0x11: {  	[smem:$0x3FB0] =	sst s9;
	s0 =	simm.s32 @!p0 $0x0  }
0x12: {  	s1 =	sld [smem:$0x3F96];
	s0 =	simm.s32 @p0 $0x1  }
0x13: {  	[smem:$0x3FB1] =	sst s0;
	s0 =	simm.s32 @!p1 $0x0  }
0x14: {  	s2 =	sld [smem:$0x3F95];
	s0 =	simm.s32 @p1 $0x1  }
0x15: {  	[smem:$0x3FB2] =	sst s0;
	s0 =	simm.s32 @!p2 $0x0  }
0x16: {  	s3 =	sld [smem:$0x3FDB];
	s0 =	simm.s32 @p2 $0x1  }
0x17: {  	s4 =	simm.s32 $0x1BF5;
	[smem:$0x3FB4] =	sst s0  }
0x18: {  	s0 =	sld [smem:$0x3F97];
	_ =	swait.ge [sflag:s4], $0x0  }
0x19: {  	s7 =	sld [smem:$0x3F98]  }
0x1a: {  	s8 =	sadd.s32 $0xFFFFE003, lr  }
0x1b: {  	s9 =	sadd.s32 $0xFFFFFEF7, lr;
	s5 =	simm.s32 $0xFFFFFFFF;
	p2 =	slt.u32 s8, $0xFFFFF086  }
0x1c: {  	p1 =	slt.u32 s9, $0xF7A;
	s5 =	simm.s32 @!p2 $0x0  }
0x1d: {  	s5 =	simm.s32 @p1 $0x1;
	p0 =	seq.s32 s7, s2  }
0x1e: {  	s7 =	smul.u32 @!p0 $0xF7A, s2;
	p2 =	seq.s32 @!p0 s5, $0x0  }
0x1f: {  	s9 =	smul.u32 $0xF7A, s1;
	s8 =	simm.s32 @!p0 $0x1BF5;
	p2 =	por !p2, p0  }
0x20: {  	[sflag:s8] =	ssyncset.s32 @!p0 $0xFFFFF086;
	s6 =	sadd.s32 @!p0 s3, s7;
	s7 =	simm.s32 @!p0 $0x108  }
0x21: {  	s3 =	sadd.s32 s3, s9;
	s6 =	sadd.s32 @!p0 $0x88, s6;
	s7 =	simm.s32 @p2 $0x1082  }
0x22: {  	[simem:s7], [sflag:s8] =	dma.local @!p0 [hbm:s6], $0xF7A  }
0x23: {  	s9 =	sor.u32 $0xD0000000, s2;
	s6 =	simm.s32 $0x108;
	_ =	swait.ge @!p0 [sflag:s8], $0x0  }
0x24: {  	s3 =	sadd.s32 $0x88, s3;
	s6 =	simm.s32 @!p1 $0x1082;
	[sflag:s4] =	ssyncset.s32 $0xFFFFF086  }
0x25: {  	[simem:s6], [sflag:s4] =	dma.local [hbm:s3], $0xF7A  }
0x26: {  	[smem:$0x3F98] =	sst s1;
	(tag) =	ssettag s2;
	_ =	strace s9  }
0x27: {  	s1 =	sld [smem:$0x3FA8]  }
0x28: {  	s2 =	sld [smem:$0x3FA9]  }
0x29: {  	s4 =	sld [smem:$0x3FAB]  }
0x2a: {  	p0 =	seq.s32 s5, $0x0;
	s5 =	sld [smem:$0x3FAC]  }
0x2b: {  	s6 =	sld [smem:$0x3FAD]  }
0x2c: {  	s7 =	sld [smem:$0x3FAE]  }
0x2d: {  	s3 =	simm.s32 $0x108;
	s8 =	sld [smem:$0x3FAF]  }
0x2e: {  	s3 =	simm.s32 @!p0 $0x1082;
	s9 =	sld [smem:$0x3FB0]  }
0x2f: {  	lr =	sadd.s32 s0, s3;
	s0 =	sld [smem:$0x3FA7]  }
0x30: {  	s3 =	sld [smem:$0x3FAA]  }
0x31: {  	[smem:$0x3FB3] =	sst s10  }
0x32: {  	s10 =	sld [smem:$0x3FB1];
	_ =	sdelay $0x3  }
0x33: {  	p0 =	seq.s32 s10, $0x1;
	s10 =	sld [smem:$0x3FB3];
	_ =	sdelay $0x3  }
0x34: {  	[smem:$0x3FB3] =	sst s10  }
0x35: {  	s10 =	sld [smem:$0x3FB2];
	_ =	sdelay $0x3  }
0x36: {  	p1 =	seq.s32 s10, $0x1;
	s10 =	sld [smem:$0x3FB3];
	_ =	sdelay $0x3  }
0x37: {  	[smem:$0x3FB3] =	sst s10  }
0x38: {  	s10 =	sld [smem:$0x3FB4]  }
0x39: {  	_ = 	snop;
	(pc) =	sbr.ind lr, $3  }
0x3a: {  	_ = 	snop  }
0x3b: {  	_ = 	snop  }
0x3c: {  	p2 =	seq.s32 s10, $0x1;
	s10 =	sld [smem:$0x3FB3]  }
0x3d: {  	_ =	shalt  }
0x3e: {  	_ =	shalt  }
0x3f: {  	_ =	shalt  }
0x40: {  	_ =	shalt  }
0x41: {  	_ =	shalt  }
0x42: {  	_ =	shalt  }
0x43: {  	_ =	shalt  }
0x44: {  	_ =	shalt  }
0x45: {  	_ =	shalt  }
0x46: {  	_ =	shalt  }
0x47: {  	_ =	shalt  }
0x48: {  	_ =	shalt  }
0x49: {  	_ =	shalt  }
0x4a: {  	_ =	shalt  }
0x4b: {  	_ =	shalt  }
0x4c: {  	_ =	shalt  }
0x4d: {  	_ =	shalt  }
0x4e: {  	_ =	shalt  }
0x4f: {  	_ =	shalt  }
0x50: {  	_ =	shalt  }
0x51: {  	_ =	shalt  }
0x52: {  	_ =	shalt  }
0x53: {  	_ =	shalt  }
0x54: {  	_ =	shalt  }
0x55: {  	_ =	shalt  }
0x56: {  	_ =	shalt  }
0x57: {  	_ =	shalt  }
0x58: {  	_ =	shalt  }
0x59: {  	_ =	shalt  }
0x5a: {  	_ =	shalt  }
0x5b: {  	_ =	shalt  }
0x5c: {  	_ =	shalt  }
0x5d: {  	_ =	shalt  }
0x5e: {  	_ =	shalt  }
0x5f: {  	_ =	shalt  }
0x60: {  	_ =	shalt  }
0x61: {  	_ =	shalt  }
0x62: {  	_ =	shalt  }
0x63: {  	_ =	shalt  }
0x64: {  	_ =	shalt  }
0x65: {  	_ =	shalt  }
0x66: {  	_ =	shalt  }
0x67: {  	_ =	shalt  }
0x68: {  	_ =	shalt  }
0x69: {  	_ =	shalt  }
0x6a: {  	_ =	shalt  }
0x6b: {  	_ =	shalt  }
0x6c: {  	_ =	shalt  }
0x6d: {  	_ =	shalt  }
0x6e: {  	_ =	shalt  }
0x6f: {  	_ =	shalt  }
0x70: {  	_ =	shalt  }
0x71: {  	_ =	shalt  }
0x72: {  	_ =	shalt  }
0x73: {  	_ =	shalt  }
0x74: {  	_ =	shalt  }
0x75: {  	_ =	shalt  }
0x76: {  	_ =	shalt  }
0x77: {  	_ =	shalt  }
0x78: {  	_ =	shalt  }
0x79: {  	_ =	shalt  }
0x7a: {  	_ =	shalt  }
0x7b: {  	_ =	shalt  }
0x7c: {  	_ =	shalt  }
0x7d: {  	_ =	shalt  }
0x7e: {  	_ =	shalt  }
0x7f: {  	_ =	shalt  }
0x80: {  	_ =	shalt  }
0x81: {  	_ =	shalt  }
0x82: {  	_ =	shalt  }
0x83: {  	_ =	shalt  }
0x84: {  	_ =	shalt  }
0x85: {  	_ =	shalt  }
0x86: {  	_ =	shalt  }
0x87: {  	_ =	shalt  }
.Lfunc_end0:
.L_simem_size_0:
called_computation_lowered:
.L_overlay_start_0:
0x88: {  	s2 =	sld [smem:$0x3FD9]  }
0x89: {  	s3 =	sld [smem:$0x3FFE];
	_ =	sdelay $0x1  }
0x8a: {  	s1 =	srdreg.scid  }
0x8b: {  	s0 =	sand.u32 $0x1, s1  }
0x8c: {  	s17 =	sshll.u32 s0, $0xA;
	s2 =	sadd.s32 s3, s2  }
0x8d: {  	s2 =	sadd.s32 s2, s17  }
0x8e: {  	[smem:$0x3FBF] =	sst s2  }
0x8f: {  	_ = 	snop  }
0x90: {  	s2 =	sld [smem:$0x3FD0];
	(tm) =	ssettm $0x1  }
0x91: {  	s18 =	sld [smem:$0x3FFB];
	_ =	sdelay $0x3  }
0x92: {  	_ =	strace s18  }
0x93: {  	s3 =	sld [smem:$0x3FFC];
	_ =	sdelay $0x3  }
0x94: {  	_ =	strace s3  }
0x95: {  	s3 =	sld [smem:$0x3FFD];
	_ =	sdelay $0x3  }
0x96: {  	_ =	strace s3  }
0x97: {  	_ =	strace $0x8FFFFFFF  }
0x98: {  	s19 =	sld [smem:$0x3FDB];
	_ =	sdelay $0x1  }
0x99: {  	s4 =	simm.s32 $_scs_section_size  }
0x9a: {  	s5 =	simm.s32 $_size__tile_overlayer_lowered;
	s6 =	simm.s32 $_tile_overlayer_lowered  }
0x9b: {  	s22 =	simm.s32 $0x1BFF;
	s21 =	sshll.u32 s6, $0x1;
	s3 =	sadd.s32 s4, s19  }
0x9c: {  	s7 =	simm.s32 $0x0;
	s20 =	sshll.u32 s5, $0x1;
	s5 =	sadd.s32 s21, s3  }
0x9d: {  	[timem:s7], [sflag:s22] =	dma.local [hbm:s5], s20  }
0x9e: {  	_ =	swait.ge [sflag:s22], s20  }
0x9f: {  	s4 =	ssub.s32 $0x0, s20;
	[sflag:s22] =	ssyncset.done $0x0  }
0xa0: {  	[sflag:s22] =	ssyncadd.s32 s4;
	_ =	sdelay $0x1  }
0xa1: {  	s23 =	simm.s32 $0x1B8B  }
0xa2: {  	_ =	swait.ge [sflag:s23], $0x1  }
0xa3: {  	[sflag:s23] =	ssyncset.done $0x0  }
0xa4: {  	s25 =	simm.s32 $0x1B8E;
	s24 =	sld [smem:$0x3FFE];
	[sflag:s23] =	ssyncadd.s32 $0xFFFFFFFF  }
0xa5: {  	s26 =	simm.s32 $execute0_lowered;
	[smem:$0x3FD2] =	sst s25  }
0xa6: {  	s5 =	sshll.u32 s26, $0x1;
	_ =	strace $0x80000049;
	[dreg:$0x1] =	wrdreg $0xFFFFFFFF  }
0xa7: {  	s28 =	simm.s32 $_size_execute0_lowered;
	s3 =	sadd.s32 s3, s5;
	[dreg:$0x0] =	wrdreg $0x0  }
0xa8: {  	s5 =	sshll.u32 s28, $0x1;
	[dreg:$0x2] =	wrdreg s3  }
0xa9: {  	[dreg:$0x3] =	wrdreg s5  }
0xaa: {  	[dreg:$0x4] =	wrdreg $0xC0  }
0xab: {  	_ =	task [dreg:s7], $0x5FFFF  }
0xac: {  	[dreg:$0x1] =	wrdreg $0xFFFFFFFF  }
0xad: {  	[dreg:$0x0] =	wrdreg $0x60  }
0xae: {  	[dreg:$0x2] =	wrdreg s2  }
0xaf: {  	[dreg:$0x3] =	wrdreg s24  }
0xb0: {  	[dreg:$0x4] =	wrdreg $0x9  }
0xb1: {  	_ =	task.clear_ibuf [dreg:s7], $0x5FFFF;
	_ =	strace $0x90000049  }
0xb2: {  	s29 =	simm.s32 $0x9;
	_ =	strace $0x8000004B  }
0xb3: {  	_ =	swait.ge [sflag:s29], $0x1  }
0xb4: {  	[sflag:s29] =	ssyncadd.s32 $0xFFFFFFFF  }
0xb5: {  	_ =	strace $0x9000004B  }
0xb6: {  	_ =	sfence  }
0xb7: {  	s30 =	sld [smem:$0x0];
	_ =	sdelay $0x2  }
0xb8: {  	s31 =	sshll.u32 s1, $0xD;
	s1 =	sshrl.u32 s1, $0x2  }
0xb9: {  	s3 =	sand.u32 $0x4000, s31;
	s1 =	sadd.s32 s1, s30  }
0xba: {  	s0 =	sor.u32 s3, s0;
	s1 =	sshll.u32 s1, $0x11  }
0xbb: {  	s0 =	sor.u32 s1, s0  }
0xbc: {  	s0 =	sadd.s32 $0x8F2B, s0  }
0xbd: {  	[sflag:s0] =	ssyncadd.remote.s32 $0x1  }
0xbe: {  	_ =	sfence.sel $0xFFFF  }
0xbf: {  	[dreg:$0x0] =	wrdreg $0xFFFFFFFF;
	(pc) =	sbr.abs _section_cstart, $3  }
0xc0: {  	[dreg:$0x1] =	wrdreg $0xFFFFFFFF  }
0xc1: {  	_ =	task.clear_ibuf [dreg:s7], $0x2FFFF;
	_ =	strace $0x9FFFFFFF  }
0xc2: {  	(tm) =	ssettm $0x7FFFFFFF  }
0xc3: {  	_ =	shalt  }
tec
execute0_lowered:
.L_overlay_start_1:
0x0: {  	(tag) =	ssettag $0x1  }
0x1: {  	s1 =	srdreg.scid;
	s2 =	rddreg [dreg:$0x0]  }
0x2: {  	s0 =	stileid.u32;
	s3 =	rddreg [dreg:$0x1]  }
0x3: {  	s6 =	simm.s32 $0x1;
	s9 =	simm.s32 $0x1;
	s1 =	sshll.u32 s1, $0x6  }
0x4: {  	s10 =	simm.s32 $0x3;
	s4 =	sshll.u32 s0, $0x7;
	s5 =	sand.u32 $0x40, s1  }
0x5: {  	s13 =	simm.s32 $0x0;
	s12 =	simm.s32 $0x0;
	s4 =	sor.u32 s4, s5  }
0x6: {  	s1 =	rddreg [dreg:$0x2];
	_ =	strace $0x8000004A;
	s8 =	ssub.s32 $0x1000, s4  }
.Ltmp0:
0x7: {  	s5 =	sadd.s32 $0x140600, s3;
	s7 =	sand.u32 $0x7C0, s8;
	(pc) =	sbr.rel .LBB2_1-.Ltmp0, $4  }
0x8: {  	[sflag:s6] =	ssyncpa.u1 $0x0;
	s11 =	smov.u32 s4;
	p0 =	sne.s32 s7, $0x0  }
0x9: {  	s8 =	sshrl.u32 s8, $0xB;
	s7 =	simm.s32 $0x2;
	s9 =	simm.s32 @!p0 $0x0  }
0xa: {  	[sflag:s7] =	ssyncpa.u1 $0x0;
	p0 =	por $0x0, $0x0;
	s8 =	sadd.s32 s9, s8  }
0xb: {  	vm0 =	vmmov $0xffff;
	[sflag:s10] =	ssyncpa.u1 $0x0;
	s10 =	simm.s32 $0x0;
	s9 =	sadd.s32 $0x1, s8  }
.LBB2_4:
0xc: {  	v5 =	vshrl.u32 v1, $0xC;
	v6 =	vshll.u32 v1, $0x7  }
0xd: {  	vm1 =	veq.s32 v1, $0x80000000;
	v58 =	vand.u32 $0x7, v5;
	v59 =	vand.u32 $0x7FF80, v6  }
0xe: {  	v1 =	vsel vm1, $0xFFFFFFFF, v58;
	v5 =	vsel vm1, $0xFFFFFF80, v59  }
0xf: {  	v3 =	vor.u32 v4, v3;
	v60 =	vand.u32 $0xFFFFFC00, v5;
	v61 =	vand.u32 $0xFFFFFC00, v1  }
0x10: {  	v2 =	vor.u32 v2, v3;
	v63 =	vand.u32 $0x380, v5;
	v62 =	vadd.s32 v61, v60  }
0x11: {  	v1 =	vand.u32 $0x7F, v1;
	v3 =	vor.u32 v63, v62  }
0x12: {  	v1 =	vor.u32 v1, v3  }
0x13: {  	[tilespmem:s15], [sflag:$0x1] =	stream.indirect_vreg.gather [hbm4b:s2+s10], $0x1, v0, vm0, $0x4038;
	[tilespmem:$0x100] =	vst v63  }
0x14: {  	(ifvalue) =	ssetifvalue $0x7FFFFFFF  }
0x15: {  	[tilespmem:s16], [sflag:$0x1] =	stream.indirect_vreg.gather [hbm4b:s2+s10], $0x1, v2, vm0, $0x4038;
	[tilespmem:$0x100] =	vst v63  }
0x16: {  	s29 =	sadd.s32 $0x10, s16;
	(ifvalue) =	ssetifvalue $0x7FFFFFFF  }
0x17: {  	[tilespmem:s29], [sflag:$0x1] =	stream.indirect_vreg.gather [hbm4b:s2+s10], $0x1, v1, vm0, $0x4038;
	[tilespmem:$0x100] =	vst v63  }
0x18: {  	_ =	swait.ge [sflag:s6], $0x40  }
0x19: {  	s30 =	sshrl.u32 s13, $0x3;
	[sflag:s6] =	ssyncset.done $0x0  }
0x1a: {  	s31 =	sand.u32 $0x7, s13;
	s15 =	sadd.s32 s3, s30;
	[sflag:s6] =	ssyncadd.s32 $0xFFFFFFC0  }
0x1b: {  	[hbm4b:s15+s31] =	stream.linear.scatter [tilespmem:s14], [sflag:$0x3], $0x40, $0x38;
	[tilespmem:$0x100] =	vst v63  }
.LBB2_5:
0x1c: {  	s15 =	sadd.s32 $0x800, s11  }
0x1d: {  	p2 =	sgt.s32 s15, $0xFFF  }
0x1e: {  	s15 =	smov.u32 @p2 s4;
	p2 =	sne.s32 s12, s9  }
.Ltmp1:
0x1f: {  	p1 =	slt.u32 s12, $0x2;
	(pc) =	sbr.rel @!p2 .LBB2_6-.Ltmp1, $4  }
0x20: {  	s14 =	simm.s32 @!p1 $0x3  }
0x21: {  	s16 =	sadd.s32 $0x1, s12;
	_ =	swait.ge @!p1 [sflag:s14], $0x40  }
0x22: {  	s13 =	smov.u32 s11;
	p0 =	por !p0, !p0;
	[sflag:s14] =	ssyncset.done @!p1 $0x0  }
0x23: {  	s12 =	smov.u32 s16;
	s11 =	smov.u32 s15;
	[sflag:s14] =	ssyncadd.s32 @!p1 $0xFFFFFFC0  }
.LBB2_1:
0x24: {  	p1 =	sge.u32 s12, s8  }
0x25: {  	s14 =	sxor.u32 @!p1 $0xFFFFFFFF, s12  }
0x26: {  	s31 =	sadd.s32 $0xFFFFFFFF, s12;
	s15 =	sshrl.u32 @!p1 s11, $0x3;
	s14 =	sshll.u32 @!p1 s14, $0x6  }
0x27: {  	s16 =	sand.u32 @!p1 $0x7, s11;
	s15 =	sadd.s32 @!p1 s5, s15;
	s14 =	sand.u32 @!p1 $0x40, s14  }
0x28: {  	[tilespmem:s14], [sflag:$0x2] =	stream.linear.gather @!p1 [hbm4b:s15+s16], $0x40, $0x38;
	[tilespmem:$0x100] =	vst v63  }
0x29: {  	p1 =	sge.u32 s31, s8  }
.Ltmp2:
0x2a: {  	_ = 	snop;
	(pc) =	sbr.rel @p1 .LBB2_5-.Ltmp2, $1  }
0x2b: {  	_ =	sdelay $0x3  }
0x2c: {  	s14 =	simm.s32 $0x1  }
0x2d: {  	_ =	swait.ge [sflag:s7], $0x40;
	s14 =	simm.s32 @!p0 $0x0  }
0x2e: {  	[sflag:s7] =	ssyncset.done $0x0;
	s14 =	sshll.u32 s14, $0x6  }
0x2f: {  	[sflag:s7] =	ssyncadd.s32 $0xFFFFFFC0;
	(ifvalue) =	ssetifvalue $0x7FFFFFFF;
	v0 =	vld.msk [tilespmem:s14+$0x0 ss:$0x1], $0xffff;
	_ =	sdelay $0x4  }
0x30: {  	s15 =	sadd.s32 $0x10, s14;
	v2 =	vshrl.u32 v0, $0xC;
	v3 =	vshll.u32 v0, $0x7  }
0x31: {  	v1 =	vld.msk [tilespmem:s15+$0x0 ss:$0x1], $0xffff;
	vm1 =	veq.s32 v0, $0x80000000;
	v0 =	vand.u32 $0x7, v2;
	v2 =	vand.u32 $0x7FF80, v3  }
0x32: {  	v0 =	vsel vm1, $0xFFFFFFFF, v0;
	v2 =	vsel vm1, $0xFFFFFF80, v2  }
0x33: {  	v3 =	vand.u32 $0xFFFFFC00, v2;
	v4 =	vand.u32 $0xFFFFFC00, v0  }
0x34: {  	v2 =	vand.u32 $0x380, v2;
	v3 =	vadd.s32 v4, v3  }
0x35: {  	v0 =	vand.u32 $0x7F, v0;
	v2 =	vor.u32 v2, v3  }
0x36: {  	v5 =	vshll.u32 v1, $0x7;
	v4 =	vshrl.u32 v1, $0xC;
	v0 =	vor.u32 v0, v2  }
0x37: {  	s16 =	sshll.u32 s12, $0x6;
	vm1 =	veq.s32 v1, $0x80000000;
	v1 =	vand.u32 $0x7, v4;
	v4 =	vand.u32 $0x7FF80, v5  }
0x38: {  	s16 =	sand.u32 $0x40, s16;
	s18 =	sadd.s32 $0x10, s15;
	v3 =	vsel vm1, $0xFFFFFFFF, v1;
	v4 =	vsel vm1, $0xFFFFFF80, v4  }
0x39: {  	s17 =	simm.s32 $0x20;
	s15 =	sor.u32 $0x80, s14;
	s14 =	sor.u32 $0x80, s16;
	v1 =	vld.msk [tilespmem:s18+$0x0 ss:$0x1], $0xffff;
	v5 =	vand.u32 $0xFFFFFC00, v4;
	v6 =	vand.u32 $0xFFFFFC00, v3  }
0x3a: {  	s16 =	sadd.s32 $0x10, s15;
	s18 =	sadd.s32 $0x10, s18;
	(ifvalue) =	ssetifvalue $0x7FFFFFFF;
	v2 =	vand.u32 $0x7F, v3;
	v4 =	vand.u32 $0x380, v4;
	v3 =	vadd.s32 v6, v5  }
.LBB2_3:
0x3b: {  	[tilespmem:s15], [sflag:$0x1] =	stream.indirect_vreg.gather [hbm4b:s2+s10], $0x1, v0, vm0, $0x4038;
	[tilespmem:$0x100] =	vst v63  }
0x3c: {  	s17 =	sadd.s32 $0x10, s17  }
0x3d: {  	v3 =	vor.u32 v4, v3;
	p1 =	slt.u32 s17, $0x30  }
.Ltmp3:
0x3e: {  	v4 =	vshrl.u32 v1, $0xC;
	v5 =	vshll.u32 v1, $0x7;
	s15 =	smov.u32 s16;
	v0 =	vor.u32 v2, v3;
	v2 =	vmovc v1;
	v1 =	vld.msk [tilespmem:s18+$0x0 ss:$0x1], $0xffff;
	(pc) =	sbr.rel @p1 .LBB2_3-.Ltmp3, $4  }
0x3f: {  	v3 =	vand.u32 $0x7FF80, v5;
	vm1 =	veq.s32 v2, $0x80000000;
	v2 =	vand.u32 $0x7, v4  }
0x40: {  	v4 =	vsel vm1, $0xFFFFFFFF, v2;
	v5 =	vsel vm1, $0xFFFFFF80, v3  }
0x41: {  	v2 =	vand.u32 $0x7F, v4;
	v3 =	vand.u32 $0xFFFFFC00, v5;
	v4 =	vand.u32 $0xFFFFFC00, v4  }
0x42: {  	s16 =	sadd.s32 $0x10, s16;
	s18 =	sadd.s32 $0x10, s18;
	v3 =	vadd.s32 v4, v3;
	v4 =	vand.u32 $0x380, v5;
	(ifvalue) =	ssetifvalue $0x7FFFFFFF  }
.Ltmp4:
0x43: {  	_ = 	snop;
	(pc) =	sbr.rel .LBB2_4-.Ltmp4, $1  }
0x44: {  	_ =	sdelay $0x3  }
.LBB2_6:
0x45: {  	_ =	sfence.sel $0x180000  }
0x46: {  	s2 =	simm.s32 $0x2;
	[bflag:$0x0] =	sbarrier.arrive $0xFFFF  }
0x47: {  	s30 =	simm.s32 $0x3;
	[sflag:s2] =	ssyncpa.u1 $0x1  }
0x48: {  	s31 =	simm.s32 $0x1;
	[sflag:s30] =	ssyncpa.u1 $0x1  }
0x49: {  	[sflag:s31] =	ssyncpa.u1 $0x1  }
0x4a: {  	p0 =	sne.s32 s0, $0x0;
	_ =	strace $0x9000004A  }
0x4b: {  	s0 =	sadd.s32 @!p0 $0x100000, s1;
	[bflag:$0x2] =	sbarrier.arrive $0xFFFF  }
0x4c: {  	[sflag:s0] =	ssyncadd.tile.s32 @!p0 $0x1;
	_ =	shalt  }
.Lfunc_end2:
_tile_overlayer_lowered:
.L_overlay_start_2:
0x4d: {  	(tag) =	ssettag $0x2  }
0x4e: {  	s0 =	rddreg [dreg:$0x0];
	s2 =	stileid.u32  }
0x4f: {  	s1 =	rddreg [dreg:$0x1];
	p0 =	sne.s32 s2, $0x0  }
0x50: {  	s3 =	rddreg [dreg:$0x2];
	[bflag:$0x3] =	sbarrier.arrive $0xFFFF;
	s2 =	simm.s32 @!p0 $0x1C01  }
0x51: {  	[timem:s3], [sflag:s2] =	dma.local @!p0 [hbm:s0], s1  }
0x52: {  	s0 =	simm.s32 @!p0 $0x1  }
0x53: {  	_ =	swait.ge @!p0 [sflag:s0], s1  }
0x54: {  	s1 =	ssub.s32 @!p0 $0x0, s1;
	[sflag:s0] =	ssyncset.done @!p0 $0x0  }
0x55: {  	[sflag:s0] =	ssyncadd.s32 @!p0 s1  }
0x56: {  	[bflag:$0x3] =	sbarrier.arrive $0xFFFF  }
0x57: {  	_ =	shalt  }

// kernel: kernel.10.cloned.1.call-start
scs
__scs_entry_jumppad:
0x0: {  	(pc) =	sbr.rel $0x88, $3  }
0x1: {  	(tag) =	ssettag $0x0;
	lr =	simm.s32 $0x1  }
0x2: {  	[smem:$0x3F98] =	sst lr;
	_ =	strace $0xD0000000  }
0x3: {  	_ = 	snop  }
0x4: {  	_ = 	snop  }
0x5: {  	_ = 	snop  }
0x6: {  	_ = 	snop  }
0x7: {  	_ = 	snop  }
__scs_overlays_trampoline_lowered:
0x8: {  	[smem:$0x3FA7] =	sst s0  }
0x9: {  	[smem:$0x3FA8] =	sst s1  }
0xa: {  	[smem:$0x3FA9] =	sst s2  }
0xb: {  	[smem:$0x3FAA] =	sst s3  }
0xc: {  	[smem:$0x3FAB] =	sst s4  }
0xd: {  	[smem:$0x3FAC] =	sst s5  }
0xe: {  	[smem:$0x3FAD] =	sst s6  }
0xf: {  	[smem:$0x3FAE] =	sst s7  }
0x10: {  	[smem:$0x3FAF] =	sst s8  }
0x11: {  	[smem:$0x3FB0] =	sst s9;
	s0 =	simm.s32 @!p0 $0x0  }
0x12: {  	s1 =	sld [smem:$0x3F96];
	s0 =	simm.s32 @p0 $0x1  }
0x13: {  	[smem:$0x3FB1] =	sst s0;
	s0 =	simm.s32 @!p1 $0x0  }
0x14: {  	s2 =	sld [smem:$0x3F95];
	s0 =	simm.s32 @p1 $0x1  }
0x15: {  	[smem:$0x3FB2] =	sst s0;
	s0 =	simm.s32 @!p2 $0x0  }
0x16: {  	s3 =	sld [smem:$0x3FDB];
	s0 =	simm.s32 @p2 $0x1  }
0x17: {  	s4 =	simm.s32 $0x1BF5;
	[smem:$0x3FB4] =	sst s0  }
0x18: {  	s0 =	sld [smem:$0x3F97];
	_ =	swait.ge [sflag:s4], $0x0  }
0x19: {  	s7 =	sld [smem:$0x3F98]  }
0x1a: {  	s8 =	sadd.s32 $0xFFFFE003, lr  }
0x1b: {  	s9 =	sadd.s32 $0xFFFFFEF7, lr;
	s5 =	simm.s32 $0xFFFFFFFF;
	p2 =	slt.u32 s8, $0xFFFFF086  }
0x1c: {  	p1 =	slt.u32 s9, $0xF7A;
	s5 =	simm.s32 @!p2 $0x0  }
0x1d: {  	s5 =	simm.s32 @p1 $0x1;
	p0 =	seq.s32 s7, s2  }
0x1e: {  	s7 =	smul.u32 @!p0 $0xF7A, s2;
	p2 =	seq.s32 @!p0 s5, $0x0  }
0x1f: {  	s9 =	smul.u32 $0xF7A, s1;
	s8 =	simm.s32 @!p0 $0x1BF5;
	p2 =	por !p2, p0  }
0x20: {  	[sflag:s8] =	ssyncset.s32 @!p0 $0xFFFFF086;
	s6 =	sadd.s32 @!p0 s3, s7;
	s7 =	simm.s32 @!p0 $0x108  }
0x21: {  	s3 =	sadd.s32 s3, s9;
	s6 =	sadd.s32 @!p0 $0x88, s6;
	s7 =	simm.s32 @p2 $0x1082  }
0x22: {  	[simem:s7], [sflag:s8] =	dma.local @!p0 [hbm:s6], $0xF7A  }
0x23: {  	s9 =	sor.u32 $0xD0000000, s2;
	s6 =	simm.s32 $0x108;
	_ =	swait.ge @!p0 [sflag:s8], $0x0  }
0x24: {  	s3 =	sadd.s32 $0x88, s3;
	s6 =	simm.s32 @!p1 $0x1082;
	[sflag:s4] =	ssyncset.s32 $0xFFFFF086  }
0x25: {  	[simem:s6], [sflag:s4] =	dma.local [hbm:s3], $0xF7A  }
0x26: {  	[smem:$0x3F98] =	sst s1;
	(tag) =	ssettag s2;
	_ =	strace s9  }
0x27: {  	s1 =	sld [smem:$0x3FA8]  }
0x28: {  	s2 =	sld [smem:$0x3FA9]  }
0x29: {  	s4 =	sld [smem:$0x3FAB]  }
0x2a: {  	p0 =	seq.s32 s5, $0x0;
	s5 =	sld [smem:$0x3FAC]  }
0x2b: {  	s6 =	sld [smem:$0x3FAD]  }
0x2c: {  	s7 =	sld [smem:$0x3FAE]  }
0x2d: {  	s3 =	simm.s32 $0x108;
	s8 =	sld [smem:$0x3FAF]  }
0x2e: {  	s3 =	simm.s32 @!p0 $0x1082;
	s9 =	sld [smem:$0x3FB0]  }
0x2f: {  	lr =	sadd.s32 s0, s3;
	s0 =	sld [smem:$0x3FA7]  }
0x30: {  	s3 =	sld [smem:$0x3FAA]  }
0x31: {  	[smem:$0x3FB3] =	sst s10  }
0x32: {  	s10 =	sld [smem:$0x3FB1];
	_ =	sdelay $0x3  }
0x33: {  	p0 =	seq.s32 s10, $0x1;
	s10 =	sld [smem:$0x3FB3];
	_ =	sdelay $0x3  }
0x34: {  	[smem:$0x3FB3] =	sst s10  }
0x35: {  	s10 =	sld [smem:$0x3FB2];
	_ =	sdelay $0x3  }
0x36: {  	p1 =	seq.s32 s10, $0x1;
	s10 =	sld [smem:$0x3FB3];
	_ =	sdelay $0x3  }
0x37: {  	[smem:$0x3FB3] =	sst s10  }
0x38: {  	s10 =	sld [smem:$0x3FB4]  }
0x39: {  	_ = 	snop;
	(pc) =	sbr.ind lr, $3  }
0x3a: {  	_ = 	snop  }
0x3b: {  	_ = 	snop  }
0x3c: {  	p2 =	seq.s32 s10, $0x1;
	s10 =	sld [smem:$0x3FB3]  }
0x3d: {  	_ =	shalt  }
0x3e: {  	_ =	shalt  }
0x3f: {  	_ =	shalt  }
0x40: {  	_ =	shalt  }
0x41: {  	_ =	shalt  }
0x42: {  	_ =	shalt  }
0x43: {  	_ =	shalt  }
0x44: {  	_ =	shalt  }
0x45: {  	_ =	shalt  }
0x46: {  	_ =	shalt  }
0x47: {  	_ =	shalt  }
0x48: {  	_ =	shalt  }
0x49: {  	_ =	shalt  }
0x4a: {  	_ =	shalt  }
0x4b: {  	_ =	shalt  }
0x4c: {  	_ =	shalt  }
0x4d: {  	_ =	shalt  }
0x4e: {  	_ =	shalt  }
0x4f: {  	_ =	shalt  }
0x50: {  	_ =	shalt  }
0x51: {  	_ =	shalt  }
0x52: {  	_ =	shalt  }
0x53: {  	_ =	shalt  }
0x54: {  	_ =	shalt  }
0x55: {  	_ =	shalt  }
0x56: {  	_ =	shalt  }
0x57: {  	_ =	shalt  }
0x58: {  	_ =	shalt  }
0x59: {  	_ =	shalt  }
0x5a: {  	_ =	shalt  }
0x5b: {  	_ =	shalt  }
0x5c: {  	_ =	shalt  }
0x5d: {  	_ =	shalt  }
0x5e: {  	_ =	shalt  }
0x5f: {  	_ =	shalt  }
0x60: {  	_ =	shalt  }
0x61: {  	_ =	shalt  }
0x62: {  	_ =	shalt  }
0x63: {  	_ =	shalt  }
0x64: {  	_ =	shalt  }
0x65: {  	_ =	shalt  }
0x66: {  	_ =	shalt  }
0x67: {  	_ =	shalt  }
0x68: {  	_ =	shalt  }
0x69: {  	_ =	shalt  }
0x6a: {  	_ =	shalt  }
0x6b: {  	_ =	shalt  }
0x6c: {  	_ =	shalt  }
0x6d: {  	_ =	shalt  }
0x6e: {  	_ =	shalt  }
0x6f: {  	_ =	shalt  }
0x70: {  	_ =	shalt  }
0x71: {  	_ =	shalt  }
0x72: {  	_ =	shalt  }
0x73: {  	_ =	shalt  }
0x74: {  	_ =	shalt  }
0x75: {  	_ =	shalt  }
0x76: {  	_ =	shalt  }
0x77: {  	_ =	shalt  }
0x78: {  	_ =	shalt  }
0x79: {  	_ =	shalt  }
0x7a: {  	_ =	shalt  }
0x7b: {  	_ =	shalt  }
0x7c: {  	_ =	shalt  }
0x7d: {  	_ =	shalt  }
0x7e: {  	_ =	shalt  }
0x7f: {  	_ =	shalt  }
0x80: {  	_ =	shalt  }
0x81: {  	_ =	shalt  }
0x82: {  	_ =	shalt  }
0x83: {  	_ =	shalt  }
0x84: {  	_ =	shalt  }
0x85: {  	_ =	shalt  }
0x86: {  	_ =	shalt  }
0x87: {  	_ =	shalt  }
.Lfunc_end0:
.L_simem_size_0:
called_computation.3_lowered:
.L_overlay_start_0:
0x88: {  	s2 =	sld [smem:$0x3FD9]  }
0x89: {  	s3 =	sld [smem:$0x3FFE];
	_ =	sdelay $0x1  }
0x8a: {  	s1 =	srdreg.scid  }
0x8b: {  	s0 =	sand.u32 $0x1, s1  }
0x8c: {  	s16 =	sshll.u32 s0, $0xA;
	s2 =	sadd.s32 s3, s2  }
0x8d: {  	s2 =	sadd.s32 s2, s16  }
0x8e: {  	[smem:$0x3FBF] =	sst s2  }
0x8f: {  	_ = 	snop  }
0x90: {  	(tm) =	ssettm $0x1  }
0x91: {  	s17 =	sld [smem:$0x3FFB];
	_ =	sdelay $0x3  }
0x92: {  	_ =	strace s17  }
0x93: {  	s2 =	sld [smem:$0x3FFC];
	_ =	sdelay $0x3  }
0x94: {  	_ =	strace s2  }
0x95: {  	s2 =	sld [smem:$0x3FFD];
	_ =	sdelay $0x3  }
0x96: {  	_ =	strace s2  }
0x97: {  	_ =	strace $0x8FFFFFFF  }
0x98: {  	s18 =	sld [smem:$0x3FDB];
	_ =	sdelay $0x1  }
0x99: {  	s19 =	simm.s32 $_scs_section_size  }
0x9a: {  	s4 =	simm.s32 $_size__tile_overlayer_lowered;
	s5 =	simm.s32 $_tile_overlayer_lowered  }
0x9b: {  	s22 =	simm.s32 $0x1BFF;
	s21 =	sshll.u32 s5, $0x1;
	s2 =	sadd.s32 s19, s18  }
0x9c: {  	s6 =	simm.s32 $0x0;
	s20 =	sshll.u32 s4, $0x1;
	s4 =	sadd.s32 s21, s2  }
0x9d: {  	[timem:s6], [sflag:s22] =	dma.local [hbm:s4], s20  }
0x9e: {  	_ =	swait.ge [sflag:s22], s20  }
0x9f: {  	s3 =	ssub.s32 $0x0, s20;
	[sflag:s22] =	ssyncset.done $0x0  }
0xa0: {  	[sflag:s22] =	ssyncadd.s32 s3;
	_ =	sdelay $0x1  }
0xa1: {  	s23 =	simm.s32 $0x1B8B  }
0xa2: {  	_ =	swait.ge [sflag:s23], $0x1  }
0xa3: {  	[sflag:s23] =	ssyncset.done $0x0  }
0xa4: {  	s25 =	simm.s32 $0x1B8E;
	s24 =	sld [smem:$0x3FFE];
	[sflag:s23] =	ssyncadd.s32 $0xFFFFFFFF  }
0xa5: {  	s26 =	simm.s32 $execute0_lowered;
	[smem:$0x3FD2] =	sst s25  }
0xa6: {  	s4 =	sshll.u32 s26, $0x1;
	_ =	strace $0x8000004F;
	[dreg:$0x1] =	wrdreg $0xFFFFFFFF  }
0xa7: {  	s28 =	simm.s32 $_size_execute0_lowered;
	s2 =	sadd.s32 s2, s4;
	[dreg:$0x0] =	wrdreg $0x0  }
0xa8: {  	s4 =	sshll.u32 s28, $0x1;
	[dreg:$0x2] =	wrdreg s2  }
0xa9: {  	[dreg:$0x3] =	wrdreg s4  }
0xaa: {  	[dreg:$0x4] =	wrdreg $0xC0  }
0xab: {  	_ =	task [dreg:s6], $0x5FFFF  }
0xac: {  	[dreg:$0x1] =	wrdreg $0xFFFFFFFF  }
0xad: {  	[dreg:$0x0] =	wrdreg $0x60  }
0xae: {  	[dreg:$0x2] =	wrdreg s24  }
0xaf: {  	[dreg:$0x3] =	wrdreg $0x9  }
0xb0: {  	_ =	task.clear_ibuf [dreg:s6], $0x4FFFF;
	_ =	strace $0x9000004F  }
0xb1: {  	s29 =	simm.s32 $0x9;
	_ =	strace $0x80000051  }
0xb2: {  	_ =	swait.ge [sflag:s29], $0x1  }
0xb3: {  	[sflag:s29] =	ssyncadd.s32 $0xFFFFFFFF  }
0xb4: {  	_ =	strace $0x90000051  }
0xb5: {  	_ =	sfence  }
0xb6: {  	s30 =	sld [smem:$0x0];
	_ =	sdelay $0x2  }
0xb7: {  	s31 =	sshll.u32 s1, $0xD;
	s1 =	sshrl.u32 s1, $0x2  }
0xb8: {  	s3 =	sand.u32 $0x4000, s31;
	s1 =	sadd.s32 s1, s30  }
0xb9: {  	s0 =	sor.u32 s3, s0;
	s1 =	sshll.u32 s1, $0x11  }
0xba: {  	s0 =	sor.u32 s1, s0  }
0xbb: {  	s0 =	sadd.s32 $0x8F2B, s0  }
0xbc: {  	[sflag:s0] =	ssyncadd.remote.s32 $0x1  }
0xbd: {  	_ =	sfence.sel $0xFFFF  }
0xbe: {  	[dreg:$0x0] =	wrdreg $0xFFFFFFFF;
	(pc) =	sbr.abs _section_cstart, $3  }
0xbf: {  	[dreg:$0x1] =	wrdreg $0xFFFFFFFF  }
0xc0: {  	_ =	task.clear_ibuf [dreg:s6], $0x2FFFF;
	_ =	strace $0x9FFFFFFF  }
0xc1: {  	(tm) =	ssettm $0x7FFFFFFF  }
tec
execute0_lowered:
.L_overlay_start_1:
0x0: {  	(tag) =	ssettag $0x1  }
0x1: {  	s0 =	rddreg [dreg:$0x0]  }
0x2: {  	s1 =	srdreg.scid;
	s3 =	stileid.u32  }
0x3: {  	s2 =	simm.s32 $0x0;
	s29 =	simm.s32 $0x4200;
	s6 =	sand.u32 $0x1, s1  }
0x4: {  	s24 =	sshll.u32 s3, $0x8;
	[smem:$0x7FF] =	sst s2;
	s25 =	sshll.u32 s6, $0x7  }
0x5: {  	s4 =	sadd.s32 $0x200, s0;
	s1 =	sadd.s32 $0x400, s0;
	s5 =	sor.u32 s25, s24  }
0x6: {  	_ =	strace $0x80000050;
	s6 =	ssub.s32 $0x2, s6;
	s3 =	sshrl.u32 s5, $0x3  }
0x7: {  	s8 =	sor.u32 $0x10, s5;
	s30 =	sshll.u32 s5, $0x7;
	s7 =	sadd.s32 s0, s3  }
0x8: {  	s10 =	sor.u32 $0x20, s5;
	s3 =	sadd.s32 s4, s3;
	[dreg:$0x2] =	wrdreg s7  }
0x9: {  	s9 =	sshrl.u32 s8, $0x3;
	s31 =	sadd.s32 s1, s30;
	[dreg:$0x3] =	wrdreg s3  }
0xa: {  	s15 =	sor.u32 $0x30, s5;
	s26 =	sadd.s32 s0, s9;
	[dreg:$0x6] =	wrdreg s31  }
0xb: {  	s11 =	sshrl.u32 s10, $0x3;
	s28 =	sadd.s32 s4, s9;
	[dreg:$0x4] =	wrdreg s26  }
0xc: {  	s22 =	sor.u32 $0x40, s5;
	s12 =	sadd.s32 s0, s11;
	[dreg:$0x5] =	wrdreg s28  }
0xd: {  	s8 =	sshll.u32 s8, $0x7;
	s13 =	sadd.s32 s4, s11;
	[dreg:$0x8] =	wrdreg s12  }
0xe: {  	s17 =	sshrl.u32 s15, $0x3;
	s14 =	sadd.s32 s1, s8;
	[dreg:$0x9] =	wrdreg s13  }
0xf: {  	s20 =	sshll.u32 s10, $0x7;
	s18 =	sadd.s32 s0, s17;
	[dreg:$0xa] =	wrdreg s14  }
0x10: {  	s10 =	sshll.u32 s22, $0x7;
	s19 =	sadd.s32 s4, s17;
	[dreg:$0xc] =	wrdreg s18  }
0x11: {  	s7 =	sadd.s32 $0x80400, s0;
	s21 =	sadd.s32 s1, s20;
	[dreg:$0xd] =	wrdreg s19  }
0x12: {  	s11 =	sshrl.u32 s22, $0x3;
	s9 =	sadd.s32 s7, s30;
	[dreg:$0xe] =	wrdreg s21  }
0x13: {  	s3 =	sadd.s32 $0x140A00, s0;
	s16 =	sadd.s32 s7, s8;
	[dreg:$0x7] =	wrdreg s9  }
0x14: {  	s8 =	sadd.s32 s7, s20;
	s23 =	sadd.s32 s0, s11;
	[dreg:$0xb] =	wrdreg s16  }
0x15: {  	s24 =	sadd.s32 s4, s11;
	s26 =	sor.u32 $0x50, s5;
	[dreg:$0xf] =	wrdreg s8  }
0x16: {  	s12 =	sadd.s32 s1, s10;
	s13 =	sor.u32 $0x60, s5;
	[dreg:$0x10] =	wrdreg s23  }
0x17: {  	s14 =	sadd.s32 s7, s10;
	s5 =	sor.u32 $0x70, s5;
	[dreg:$0x11] =	wrdreg s24  }
0x18: {  	s9 =	sshll.u32 s15, $0x7;
	s30 =	sshrl.u32 s26, $0x3;
	[dreg:$0x16] =	wrdreg s12  }
0x19: {  	s15 =	sshrl.u32 s13, $0x3;
	s12 =	sshrl.u32 s6, $0x1;
	[dreg:$0x17] =	wrdreg s14  }
0x1a: {  	s18 =	sshll.u32 s26, $0x7;
	s21 =	sshrl.u32 s5, $0x3;
	s25 =	sadd.s32 s1, s9  }
0x1b: {  	s8 =	simm.s32 $0x5;
	s28 =	sadd.s32 s7, s9;
	[dreg:$0x12] =	wrdreg s25  }
0x1c: {  	s31 =	sadd.s32 s0, s30;
	s9 =	sadd.s32 s4, s30;
	[dreg:$0x13] =	wrdreg s28  }
0x1d: {  	s16 =	sadd.s32 s0, s15;
	s17 =	sadd.s32 s4, s15;
	[dreg:$0x14] =	wrdreg s31  }
0x1e: {  	s19 =	sadd.s32 s1, s18;
	s20 =	sadd.s32 s7, s18;
	[dreg:$0x15] =	wrdreg s9  }
0x1f: {  	s22 =	ssub.s32 s6, s12;
	s23 =	sadd.s32 s0, s21;
	[dreg:$0x18] =	wrdreg s16  }
0x20: {  	s24 =	sadd.s32 s4, s21;
	s4 =	sadd.s32 $0x140B00, s0;
	[dreg:$0x19] =	wrdreg s17  }
0x21: {  	s30 =	sshll.u32 s5, $0x7;
	s5 =	sadd.s32 $0x140C00, s0;
	[dreg:$0x1a] =	wrdreg s19  }
0x22: {  	s6 =	sadd.s32 $0x140D00, s0;
	s15 =	simm.s32 $0x200;
	[dreg:$0x1b] =	wrdreg s20  }
0x23: {  	s18 =	simm.s32 $0x8200;
	[dreg:$0x1c] =	wrdreg s23;
	s25 =	sshll.u32 s13, $0x7  }
0x24: {  	[dreg:$0x1d] =	wrdreg s24;
	s31 =	sadd.s32 s7, s30;
	s13 =	simm.s32 $0xC200  }
0x25: {  	s23 =	simm.s32 $0x3;
	s26 =	sadd.s32 s1, s25;
	[smem:$0x7FD] =	sst s31  }
0x26: {  	v2 =	vlaneseq.u32;
	s24 =	simm.s32 $0x2;
	s28 =	sadd.s32 s7, s25;
	[dreg:$0x1e] =	wrdreg s26  }
0x27: {  	vm0 =	vmmov $0xffff;
	v1 =	vshrl.u32 v2, $0x3;
	s1 =	sadd.s32 s1, s30;
	s7 =	smax.u32 s22, $0x1;
	[dreg:$0x1f] =	wrdreg s28  }
0x28: {  	v0 =	vand.u32 $0x7, v2;
	v2 =	vor.u32 $0x8, v2;
	v1 =	vmul.u32 $0x8, v1;
	s22 =	simm.s32 $0x1;
	s25 =	simm.s32 $0x4;
	[smem:$0x7FC] =	sst s1  }
.LBB2_1:
0x29: {  	s26 =	rddreg [dreg:$0x2]  }
0x2a: {  	[tilespmem:s2], [sflag:$0x5] =	stream.linear.gather [hbm4b:s26+s2], $0x10, $0x38;
	[tilespmem:$0x10200] =	vst v63  }
0x2b: {  	_ =	swait.ge [sflag:s8], $0x10  }
0x2c: {  	[sflag:s8] =	ssyncset.done $0x0  }
0x2d: {  	s0 =	simm.s32 $0x100;
	s11 =	rddreg [dreg:$0x3];
	[sflag:s8] =	ssyncadd.s32 $0xFFFFFFF0  }
0x2e: {  	[tilespmem:s0], [sflag:$0x5] =	stream.linear.gather [hbm4b:s11+s2], $0x10, $0x38;
	[tilespmem:$0x10200] =	vst v63  }
0x2f: {  	_ =	swait.ge [sflag:s8], $0x10  }
0x30: {  	[sflag:s8] =	ssyncset.done $0x0  }
0x31: {  	[sflag:s8] =	ssyncadd.s32 $0xFFFFFFF0  }
0x32: {  	v3 =	vld [tilespmem:$0x0];
	_ =	sdelay $0x4  }
0x33: {  	v4 =	vshll.u32 v3, $0x3  }
0x34: {  	v3 =	vand.u32 $0x7, v3;
	v4 =	vand.u32 $0xFFFFFFC0, v4  }
0x35: {  	v3 =	vor.u32 v3, v4  }
0x36: {  	v4 =	vperm.xlane v3, v0;
	_ =	sdelay $0x1  }
0x37: {  	v4 =	vadd.s32 v1, v4;
	_ =	sdelay $0x4  }
0x38: {  	[tilespmem:s15], [sflag:$0x1] =	stream.indirect_vreg.gather [hbm4b:s3+s2], $0x80, v4, vm0, $0xb8;
	[tilespmem:$0x10200] =	vst v63  }
0x39: {  	s12 =	simm.s32 $0xA00;
	v3 =	vperm.xlane v3, v2  }
0x3a: {  	[tilespmem:s12], [sflag:$0x1] =	stream.indirect_vreg.gather [hbm4b:s4+s2], $0x80, v4, vm0, $0xb8;
	[tilespmem:$0x10200] =	vst v63  }
0x3b: {  	s14 =	simm.s32 $0x1200;
	v3 =	vadd.s32 v1, v3  }
0x3c: {  	[tilespmem:s14], [sflag:$0x1] =	stream.indirect_vreg.gather [hbm4b:s5+s2], $0x80, v4, vm0, $0xb8;
	[tilespmem:$0x10200] =	vst v63  }
0x3d: {  	s16 =	simm.s32 $0x1A00  }
0x3e: {  	[tilespmem:s16], [sflag:$0x1] =	stream.indirect_vreg.gather [hbm4b:s6+s2], $0x80, v4, vm0, $0xb8;
	[tilespmem:$0x10200] =	vst v63  }
0x3f: {  	s17 =	simm.s32 $0x2200  }
0x40: {  	[tilespmem:s17], [sflag:$0x1] =	stream.indirect_vreg.gather [hbm4b:s3+s2], $0x80, v3, vm0, $0xb8;
	[tilespmem:$0x10200] =	vst v63  }
0x41: {  	s19 =	simm.s32 $0x2A00  }
0x42: {  	[tilespmem:s19], [sflag:$0x1] =	stream.indirect_vreg.gather [hbm4b:s4+s2], $0x80, v3, vm0, $0xb8;
	[tilespmem:$0x10200] =	vst v63  }
0x43: {  	s20 =	simm.s32 $0x3200  }
0x44: {  	[tilespmem:s20], [sflag:$0x1] =	stream.indirect_vreg.gather [hbm4b:s5+s2], $0x80, v3, vm0, $0xb8;
	[tilespmem:$0x10200] =	vst v63  }
0x45: {  	s21 =	simm.s32 $0x3A00  }
0x46: {  	[tilespmem:s21], [sflag:$0x1] =	stream.indirect_vreg.gather [hbm4b:s6+s2], $0x80, v3, vm0, $0xb8;
	[tilespmem:$0x10200] =	vst v63  }
0x47: {  	v3 =	vld [tilespmem:$0x100];
	_ =	sdelay $0x4  }
0x48: {  	v49 =	vshll.u32 v3, $0x3  }
0x49: {  	v3 =	vand.u32 $0x7, v3;
	v4 =	vand.u32 $0xFFFFFFC0, v49  }
0x4a: {  	v3 =	vor.u32 v3, v4  }
0x4b: {  	v4 =	vperm.xlane v3, v0;
	_ =	sdelay $0x1  }
0x4c: {  	v4 =	vadd.s32 v1, v4;
	_ =	sdelay $0x4  }
0x4d: {  	[tilespmem:s18], [sflag:$0x3] =	stream.indirect_vreg.gather [hbm4b:s3+s2], $0x80, v4, vm0, $0xb8;
	[tilespmem:$0x10200] =	vst v63  }
0x4e: {  	s26 =	simm.s32 $0x8A00;
	v3 =	vperm.xlane v3, v2  }
0x4f: {  	[tilespmem:s26], [sflag:$0x3] =	stream.indirect_vreg.gather [hbm4b:s4+s2], $0x80, v4, vm0, $0xb8;
	[tilespmem:$0x10200] =	vst v63  }
0x50: {  	s28 =	simm.s32 $0x9200;
	v3 =	vadd.s32 v1, v3  }
0x51: {  	[tilespmem:s28], [sflag:$0x3] =	stream.indirect_vreg.gather [hbm4b:s5+s2], $0x80, v4, vm0, $0xb8;
	[tilespmem:$0x10200] =	vst v63  }
0x52: {  	s30 =	simm.s32 $0x9A00  }
0x53: {  	[tilespmem:s30], [sflag:$0x3] =	stream.indirect_vreg.gather [hbm4b:s6+s2], $0x80, v4, vm0, $0xb8;
	[tilespmem:$0x10200] =	vst v63  }
0x54: {  	s31 =	simm.s32 $0xA200  }
0x55: {  	[tilespmem:s31], [sflag:$0x3] =	stream.indirect_vreg.gather [hbm4b:s3+s2], $0x80, v3, vm0, $0xb8;
	[tilespmem:$0x10200] =	vst v63  }
0x56: {  	s10 =	simm.s32 $0xAA00  }
0x57: {  	[tilespmem:s10], [sflag:$0x3] =	stream.indirect_vreg.gather [hbm4b:s4+s2], $0x80, v3, vm0, $0xb8;
	[tilespmem:$0x10200] =	vst v63  }
0x58: {  	s11 =	simm.s32 $0xB200  }
0x59: {  	[tilespmem:s11], [sflag:$0x3] =	stream.indirect_vreg.gather [hbm4b:s5+s2], $0x80, v3, vm0, $0xb8;
	[tilespmem:$0x10200] =	vst v63  }
0x5a: {  	s14 =	simm.s32 $0xBA00  }
0x5b: {  	[tilespmem:s14], [sflag:$0x3] =	stream.indirect_vreg.gather [hbm4b:s6+s2], $0x80, v3, vm0, $0xb8;
	[tilespmem:$0x10200] =	vst v63  }
0x5c: {  	s12 =	rddreg [dreg:$0x4];
	s16 =	simm.s32 $0x80  }
0x5d: {  	[tilespmem:s16], [sflag:$0x5] =	stream.linear.gather [hbm4b:s12+s2], $0x10, $0x38;
	[tilespmem:$0x10200] =	vst v63  }
0x5e: {  	_ =	swait.ge [sflag:s8], $0x10  }
0x5f: {  	[sflag:s8] =	ssyncset.done $0x0  }
0x60: {  	s20 =	simm.s32 $0x180;
	s19 =	rddreg [dreg:$0x5];
	[sflag:s8] =	ssyncadd.s32 $0xFFFFFFF0  }
0x61: {  	[tilespmem:s20], [sflag:$0x5] =	stream.linear.gather [hbm4b:s19+s2], $0x10, $0x38;
	[tilespmem:$0x10200] =	vst v63  }
0x62: {  	_ =	swait.ge [sflag:s8], $0x10  }
0x63: {  	[sflag:s8] =	ssyncset.done $0x0  }
0x64: {  	[sflag:s8] =	ssyncadd.s32 $0xFFFFFFF0  }
0x65: {  	v3 =	vld [tilespmem:$0x80];
	_ =	sdelay $0x4  }
0x66: {  	v50 =	vshll.u32 v3, $0x3  }
0x67: {  	v3 =	vand.u32 $0x7, v3;
	v4 =	vand.u32 $0xFFFFFFC0, v50  }
0x68: {  	v3 =	vor.u32 v3, v4  }
0x69: {  	v4 =	vperm.xlane v3, v0;
	_ =	sdelay $0x1  }
0x6a: {  	v4 =	vadd.s32 v1, v4;
	_ =	sdelay $0x4  }
0x6b: {  	[tilespmem:s29], [sflag:$0x2] =	stream.indirect_vreg.gather [hbm4b:s3+s2], $0x80, v4, vm0, $0xb8;
	[tilespmem:$0x10200] =	vst v63  }
0x6c: {  	s28 =	simm.s32 $0x4A00;
	v3 =	vperm.xlane v3, v2  }
0x6d: {  	[tilespmem:s28], [sflag:$0x2] =	stream.indirect_vreg.gather [hbm4b:s4+s2], $0x80, v4, vm0, $0xb8;
	[tilespmem:$0x10200] =	vst v63  }
0x6e: {  	s30 =	simm.s32 $0x5200;
	v3 =	vadd.s32 v1, v3  }
0x6f: {  	[tilespmem:s30], [sflag:$0x2] =	stream.indirect_vreg.gather [hbm4b:s5+s2], $0x80, v4, vm0, $0xb8;
	[tilespmem:$0x10200] =	vst v63  }
0x70: {  	s31 =	simm.s32 $0x5A00  }
0x71: {  	[tilespmem:s31], [sflag:$0x2] =	stream.indirect_vreg.gather [hbm4b:s6+s2], $0x80, v4, vm0, $0xb8;
	[tilespmem:$0x10200] =	vst v63  }
0x72: {  	s0 =	simm.s32 $0x6200  }
0x73: {  	[tilespmem:s0], [sflag:$0x2] =	stream.indirect_vreg.gather [hbm4b:s3+s2], $0x80, v3, vm0, $0xb8;
	[tilespmem:$0x10200] =	vst v63  }
0x74: {  	s10 =	simm.s32 $0x6A00  }
0x75: {  	[tilespmem:s10], [sflag:$0x2] =	stream.indirect_vreg.gather [hbm4b:s4+s2], $0x80, v3, vm0, $0xb8;
	[tilespmem:$0x10200] =	vst v63  }
0x76: {  	s11 =	simm.s32 $0x7200  }
0x77: {  	[tilespmem:s11], [sflag:$0x2] =	stream.indirect_vreg.gather [hbm4b:s5+s2], $0x80, v3, vm0, $0xb8;
	[tilespmem:$0x10200] =	vst v63  }
0x78: {  	s12 =	simm.s32 $0x7A00  }
0x79: {  	[tilespmem:s12], [sflag:$0x2] =	stream.indirect_vreg.gather [hbm4b:s6+s2], $0x80, v3, vm0, $0xb8;
	[tilespmem:$0x10200] =	vst v63  }
0x7a: {  	v3 =	vld [tilespmem:$0x180];
	_ =	sdelay $0x4  }
0x7b: {  	v51 =	vshll.u32 v3, $0x3  }
0x7c: {  	v3 =	vand.u32 $0x7, v3;
	v4 =	vand.u32 $0xFFFFFFC0, v51  }
0x7d: {  	v3 =	vor.u32 v3, v4  }
0x7e: {  	v4 =	vperm.xlane v3, v0;
	_ =	sdelay $0x1  }
0x7f: {  	v4 =	vadd.s32 v1, v4;
	_ =	sdelay $0x4  }
0x80: {  	[tilespmem:s13], [sflag:$0x4] =	stream.indirect_vreg.gather [hbm4b:s3+s2], $0x80, v4, vm0, $0xb8;
	[tilespmem:$0x10200] =	vst v63  }
0x81: {  	s14 =	simm.s32 $0xCA00;
	v3 =	vperm.xlane v3, v2  }
0x82: {  	[tilespmem:s14], [sflag:$0x4] =	stream.indirect_vreg.gather [hbm4b:s4+s2], $0x80, v4, vm0, $0xb8;
	[tilespmem:$0x10200] =	vst v63  }
0x83: {  	s16 =	simm.s32 $0xD200;
	v3 =	vadd.s32 v1, v3  }
0x84: {  	[tilespmem:s16], [sflag:$0x4] =	stream.indirect_vreg.gather [hbm4b:s5+s2], $0x80, v4, vm0, $0xb8;
	[tilespmem:$0x10200] =	vst v63  }
0x85: {  	s20 =	simm.s32 $0xDA00  }
0x86: {  	[tilespmem:s20], [sflag:$0x4] =	stream.indirect_vreg.gather [hbm4b:s6+s2], $0x80, v4, vm0, $0xb8;
	[tilespmem:$0x10200] =	vst v63  }
0x87: {  	s28 =	simm.s32 $0xE200  }
0x88: {  	[tilespmem:s28], [sflag:$0x4] =	stream.indirect_vreg.gather [hbm4b:s3+s2], $0x80, v3, vm0, $0xb8;
	[tilespmem:$0x10200] =	vst v63  }
0x89: {  	s30 =	simm.s32 $0xEA00  }
0x8a: {  	[tilespmem:s30], [sflag:$0x4] =	stream.indirect_vreg.gather [hbm4b:s4+s2], $0x80, v3, vm0, $0xb8;
	[tilespmem:$0x10200] =	vst v63  }
0x8b: {  	s31 =	simm.s32 $0xF200  }
0x8c: {  	[tilespmem:s31], [sflag:$0x4] =	stream.indirect_vreg.gather [hbm4b:s5+s2], $0x80, v3, vm0, $0xb8;
	[tilespmem:$0x10200] =	vst v63  }
0x8d: {  	s0 =	simm.s32 $0xFA00  }
0x8e: {  	[tilespmem:s0], [sflag:$0x4] =	stream.indirect_vreg.gather [hbm4b:s6+s2], $0x80, v3, vm0, $0xb8;
	[tilespmem:$0x10200] =	vst v63  }
0x8f: {  	_ =	swait.ge [sflag:s22], $0x4000  }
0x90: {  	[sflag:s22] =	ssyncset.done $0x0  }
0x91: {  	[sflag:s22] =	ssyncadd.s32 $0xFFFFC000  }
0x92: {  	_ =	swait.ge [sflag:s23], $0x4000  }
0x93: {  	[sflag:s23] =	ssyncset.done $0x0  }
0x94: {  	s10 =	rddreg [dreg:$0x6];
	[sflag:s23] =	ssyncadd.s32 $0xFFFFC000  }
0x95: {  	[hbm4b:s10+s2] =	stream.linear.scatter [tilespmem:s15], [sflag:$0x5], $0x4000, $0x38;
	[tilespmem:$0x10200] =	vst v63  }
0x96: {  	_ =	swait.ge [sflag:s8], $0x4000  }
0x97: {  	[sflag:s8] =	ssyncset.done $0x0  }
0x98: {  	s11 =	rddreg [dreg:$0x7];
	[sflag:s8] =	ssyncadd.s32 $0xFFFFC000  }
0x99: {  	[hbm4b:s11+s2] =	stream.linear.scatter [tilespmem:s18], [sflag:$0x5], $0x4000, $0x38;
	[tilespmem:$0x10200] =	vst v63  }
0x9a: {  	_ =	swait.ge [sflag:s8], $0x4000  }
0x9b: {  	[sflag:s8] =	ssyncset.done $0x0  }
0x9c: {  	s12 =	rddreg [dreg:$0x8];
	[sflag:s8] =	ssyncadd.s32 $0xFFFFC000  }
0x9d: {  	[tilespmem:s2], [sflag:$0x5] =	stream.linear.gather [hbm4b:s12+s2], $0x10, $0x38;
	[tilespmem:$0x10200] =	vst v63  }
0x9e: {  	_ =	swait.ge [sflag:s8], $0x10  }
0x9f: {  	[sflag:s8] =	ssyncset.done $0x0  }
0xa0: {  	s1 =	simm.s32 $0x100;
	s14 =	rddreg [dreg:$0x9];
	[sflag:s8] =	ssyncadd.s32 $0xFFFFFFF0  }
0xa1: {  	[tilespmem:s1], [sflag:$0x5] =	stream.linear.gather [hbm4b:s14+s2], $0x10, $0x38;
	[tilespmem:$0x10200] =	vst v63  }
0xa2: {  	_ =	swait.ge [sflag:s8], $0x10  }
0xa3: {  	[sflag:s8] =	ssyncset.done $0x0  }
0xa4: {  	[sflag:s8] =	ssyncadd.s32 $0xFFFFFFF0  }
0xa5: {  	v3 =	vld [tilespmem:$0x0];
	_ =	sdelay $0x4  }
0xa6: {  	v52 =	vshll.u32 v3, $0x3  }
0xa7: {  	v3 =	vand.u32 $0x7, v3;
	v4 =	vand.u32 $0xFFFFFFC0, v52  }
0xa8: {  	v3 =	vor.u32 v3, v4  }
0xa9: {  	v4 =	vperm.xlane v3, v0;
	_ =	sdelay $0x1  }
0xaa: {  	v4 =	vadd.s32 v1, v4;
	_ =	sdelay $0x4  }
0xab: {  	[tilespmem:s15], [sflag:$0x1] =	stream.indirect_vreg.gather [hbm4b:s3+s2], $0x80, v4, vm0, $0xb8;
	[tilespmem:$0x10200] =	vst v63  }
0xac: {  	s9 =	simm.s32 $0xA00;
	v3 =	vperm.xlane v3, v2  }
0xad: {  	[tilespmem:s9], [sflag:$0x1] =	stream.indirect_vreg.gather [hbm4b:s4+s2], $0x80, v4, vm0, $0xb8;
	[tilespmem:$0x10200] =	vst v63  }
0xae: {  	s1 =	simm.s32 $0x1200;
	v3 =	vadd.s32 v1, v3  }
0xaf: {  	[tilespmem:s1], [sflag:$0x1] =	stream.indirect_vreg.gather [hbm4b:s5+s2], $0x80, v4, vm0, $0xb8;
	[tilespmem:$0x10200] =	vst v63  }
0xb0: {  	s9 =	simm.s32 $0x1A00  }
0xb1: {  	[tilespmem:s9], [sflag:$0x1] =	stream.indirect_vreg.gather [hbm4b:s6+s2], $0x80, v4, vm0, $0xb8;
	[tilespmem:$0x10200] =	vst v63  }
0xb2: {  	s10 =	simm.s32 $0x2200  }
0xb3: {  	[tilespmem:s10], [sflag:$0x1] =	stream.indirect_vreg.gather [hbm4b:s3+s2], $0x80, v3, vm0, $0xb8;
	[tilespmem:$0x10200] =	vst v63  }
0xb4: {  	s11 =	simm.s32 $0x2A00  }
0xb5: {  	[tilespmem:s11], [sflag:$0x1] =	stream.indirect_vreg.gather [hbm4b:s4+s2], $0x80, v3, vm0, $0xb8;
	[tilespmem:$0x10200] =	vst v63  }
0xb6: {  	s12 =	simm.s32 $0x3200  }
0xb7: {  	[tilespmem:s12], [sflag:$0x1] =	stream.indirect_vreg.gather [hbm4b:s5+s2], $0x80, v3, vm0, $0xb8;
	[tilespmem:$0x10200] =	vst v63  }
0xb8: {  	s17 =	simm.s32 $0x3A00  }
0xb9: {  	[tilespmem:s17], [sflag:$0x1] =	stream.indirect_vreg.gather [hbm4b:s6+s2], $0x80, v3, vm0, $0xb8;
	[tilespmem:$0x10200] =	vst v63  }
0xba: {  	v3 =	vld [tilespmem:$0x100];
	_ =	sdelay $0x4  }
0xbb: {  	v53 =	vshll.u32 v3, $0x3  }
0xbc: {  	v3 =	vand.u32 $0x7, v3;
	v4 =	vand.u32 $0xFFFFFFC0, v53  }
0xbd: {  	v3 =	vor.u32 v3, v4  }
0xbe: {  	v4 =	vperm.xlane v3, v0;
	_ =	sdelay $0x1  }
0xbf: {  	v4 =	vadd.s32 v1, v4;
	_ =	sdelay $0x4  }
0xc0: {  	[tilespmem:s18], [sflag:$0x3] =	stream.indirect_vreg.gather [hbm4b:s3+s2], $0x80, v4, vm0, $0xb8;
	[tilespmem:$0x10200] =	vst v63  }
0xc1: {  	s21 =	simm.s32 $0x8A00;
	v3 =	vperm.xlane v3, v2  }
0xc2: {  	[tilespmem:s21], [sflag:$0x3] =	stream.indirect_vreg.gather [hbm4b:s4+s2], $0x80, v4, vm0, $0xb8;
	[tilespmem:$0x10200] =	vst v63  }
0xc3: {  	s17 =	simm.s32 $0x9200;
	v3 =	vadd.s32 v1, v3  }
0xc4: {  	[tilespmem:s17], [sflag:$0x3] =	stream.indirect_vreg.gather [hbm4b:s5+s2], $0x80, v4, vm0, $0xb8;
	[tilespmem:$0x10200] =	vst v63  }
0xc5: {  	s21 =	simm.s32 $0x9A00  }
0xc6: {  	[tilespmem:s21], [sflag:$0x3] =	stream.indirect_vreg.gather [hbm4b:s6+s2], $0x80, v4, vm0, $0xb8;
	[tilespmem:$0x10200] =	vst v63  }
0xc7: {  	s28 =	simm.s32 $0xA200  }
0xc8: {  	[tilespmem:s28], [sflag:$0x3] =	stream.indirect_vreg.gather [hbm4b:s3+s2], $0x80, v3, vm0, $0xb8;
	[tilespmem:$0x10200] =	vst v63  }
0xc9: {  	s30 =	simm.s32 $0xAA00  }
0xca: {  	[tilespmem:s30], [sflag:$0x3] =	stream.indirect_vreg.gather [hbm4b:s4+s2], $0x80, v3, vm0, $0xb8;
	[tilespmem:$0x10200] =	vst v63  }
0xcb: {  	s31 =	simm.s32 $0xB200  }
0xcc: {  	[tilespmem:s31], [sflag:$0x3] =	stream.indirect_vreg.gather [hbm4b:s5+s2], $0x80, v3, vm0, $0xb8;
	[tilespmem:$0x10200] =	vst v63  }
0xcd: {  	s14 =	simm.s32 $0xBA00  }
0xce: {  	[tilespmem:s14], [sflag:$0x3] =	stream.indirect_vreg.gather [hbm4b:s6+s2], $0x80, v3, vm0, $0xb8;
	[tilespmem:$0x10200] =	vst v63  }
0xcf: {  	_ =	swait.ge [sflag:s24], $0x4000  }
0xd0: {  	[sflag:s24] =	ssyncset.done $0x0  }
0xd1: {  	[sflag:s24] =	ssyncadd.s32 $0xFFFFC000  }
0xd2: {  	_ =	swait.ge [sflag:s25], $0x4000  }
0xd3: {  	[sflag:s25] =	ssyncset.done $0x0  }
0xd4: {  	s16 =	rddreg [dreg:$0xa];
	[sflag:s25] =	ssyncadd.s32 $0xFFFFC000  }
0xd5: {  	[hbm4b:s16+s2] =	stream.linear.scatter [tilespmem:s29], [sflag:$0x5], $0x4000, $0x38;
	[tilespmem:$0x10200] =	vst v63  }
0xd6: {  	_ =	swait.ge [sflag:s8], $0x4000  }
0xd7: {  	[sflag:s8] =	ssyncset.done $0x0  }
0xd8: {  	s0 =	rddreg [dreg:$0xb];
	[sflag:s8] =	ssyncadd.s32 $0xFFFFC000  }
0xd9: {  	[hbm4b:s0+s2] =	stream.linear.scatter [tilespmem:s13], [sflag:$0x5], $0x4000, $0x38;
	[tilespmem:$0x10200] =	vst v63  }
0xda: {  	_ =	swait.ge [sflag:s8], $0x4000  }
0xdb: {  	[sflag:s8] =	ssyncset.done $0x0  }
0xdc: {  	s0 =	simm.s32 $0x80;
	s16 =	rddreg [dreg:$0xc];
	[sflag:s8] =	ssyncadd.s32 $0xFFFFC000  }
0xdd: {  	[tilespmem:s0], [sflag:$0x5] =	stream.linear.gather [hbm4b:s16+s2], $0x10, $0x38;
	[tilespmem:$0x10200] =	vst v63  }
0xde: {  	_ =	swait.ge [sflag:s8], $0x10  }
0xdf: {  	[sflag:s8] =	ssyncset.done $0x0  }
0xe0: {  	s16 =	simm.s32 $0x180;
	s26 =	rddreg [dreg:$0xd];
	[sflag:s8] =	ssyncadd.s32 $0xFFFFFFF0  }
0xe1: {  	[tilespmem:s16], [sflag:$0x5] =	stream.linear.gather [hbm4b:s26+s2], $0x10, $0x38;
	[tilespmem:$0x10200] =	vst v63  }
0xe2: {  	_ =	swait.ge [sflag:s8], $0x10  }
0xe3: {  	[sflag:s8] =	ssyncset.done $0x0  }
0xe4: {  	[sflag:s8] =	ssyncadd.s32 $0xFFFFFFF0  }
0xe5: {  	v3 =	vld [tilespmem:$0x80];
	_ =	sdelay $0x4  }
0xe6: {  	v54 =	vshll.u32 v3, $0x3  }
0xe7: {  	v3 =	vand.u32 $0x7, v3;
	v4 =	vand.u32 $0xFFFFFFC0, v54  }
0xe8: {  	v3 =	vor.u32 v3, v4  }
0xe9: {  	v4 =	vperm.xlane v3, v0;
	_ =	sdelay $0x1  }
0xea: {  	v4 =	vadd.s32 v1, v4;
	_ =	sdelay $0x4  }
0xeb: {  	[tilespmem:s29], [sflag:$0x2] =	stream.indirect_vreg.gather [hbm4b:s3+s2], $0x80, v4, vm0, $0xb8;
	[tilespmem:$0x10200] =	vst v63  }
0xec: {  	s16 =	simm.s32 $0x4A00;
	v3 =	vperm.xlane v3, v2  }
0xed: {  	[tilespmem:s16], [sflag:$0x2] =	stream.indirect_vreg.gather [hbm4b:s4+s2], $0x80, v4, vm0, $0xb8;
	[tilespmem:$0x10200] =	vst v63  }
0xee: {  	v3 =	vadd.s32 v1, v3;
	s16 =	simm.s32 $0x5200  }
0xef: {  	[tilespmem:s16], [sflag:$0x2] =	stream.indirect_vreg.gather [hbm4b:s5+s2], $0x80, v4, vm0, $0xb8;
	[tilespmem:$0x10200] =	vst v63  }
0xf0: {  	s16 =	simm.s32 $0x5A00  }
0xf1: {  	[tilespmem:s16], [sflag:$0x2] =	stream.indirect_vreg.gather [hbm4b:s6+s2], $0x80, v4, vm0, $0xb8;
	[tilespmem:$0x10200] =	vst v63  }
0xf2: {  	s16 =	simm.s32 $0x6200  }
0xf3: {  	[tilespmem:s16], [sflag:$0x2] =	stream.indirect_vreg.gather [hbm4b:s3+s2], $0x80, v3, vm0, $0xb8;
	[tilespmem:$0x10200] =	vst v63  }
0xf4: {  	s16 =	simm.s32 $0x6A00  }
0xf5: {  	[tilespmem:s16], [sflag:$0x2] =	stream.indirect_vreg.gather [hbm4b:s4+s2], $0x80, v3, vm0, $0xb8;
	[tilespmem:$0x10200] =	vst v63  }
0xf6: {  	s16 =	simm.s32 $0x7200  }
0xf7: {  	[tilespmem:s16], [sflag:$0x2] =	stream.indirect_vreg.gather [hbm4b:s5+s2], $0x80, v3, vm0, $0xb8;
	[tilespmem:$0x10200] =	vst v63  }
0xf8: {  	s26 =	simm.s32 $0x7A00  }
0xf9: {  	[tilespmem:s26], [sflag:$0x2] =	stream.indirect_vreg.gather [hbm4b:s6+s2], $0x80, v3, vm0, $0xb8;
	[tilespmem:$0x10200] =	vst v63  }
0xfa: {  	v3 =	vld [tilespmem:$0x180];
	_ =	sdelay $0x4  }
0xfb: {  	v55 =	vshll.u32 v3, $0x3  }
0xfc: {  	v3 =	vand.u32 $0x7, v3;
	v4 =	vand.u32 $0xFFFFFFC0, v55  }
0xfd: {  	v3 =	vor.u32 v3, v4  }
0xfe: {  	v4 =	vperm.xlane v3, v0;
	_ =	sdelay $0x1  }
0xff: {  	v4 =	vadd.s32 v1, v4;
	_ =	sdelay $0x4  }
0x100: {  	[tilespmem:s13], [sflag:$0x4] =	stream.indirect_vreg.gather [hbm4b:s3+s2], $0x80, v4, vm0, $0xb8;
	[tilespmem:$0x10200] =	vst v63  }
0x101: {  	s19 =	simm.s32 $0xCA00;
	v3 =	vperm.xlane v3, v2  }
0x102: {  	[tilespmem:s19], [sflag:$0x4] =	stream.indirect_vreg.gather [hbm4b:s4+s2], $0x80, v4, vm0, $0xb8;
	[tilespmem:$0x10200] =	vst v63  }
0x103: {  	s26 =	simm.s32 $0xD200;
	v3 =	vadd.s32 v1, v3  }
0x104: {  	[tilespmem:s26], [sflag:$0x4] =	stream.indirect_vreg.gather [hbm4b:s5+s2], $0x80, v4, vm0, $0xb8;
	[tilespmem:$0x10200] =	vst v63  }
0x105: {  	s19 =	simm.s32 $0xDA00  }
0x106: {  	[tilespmem:s19], [sflag:$0x4] =	stream.indirect_vreg.gather [hbm4b:s6+s2], $0x80, v4, vm0, $0xb8;
	[tilespmem:$0x10200] =	vst v63  }
0x107: {  	s26 =	simm.s32 $0xE200  }
0x108: {  	[tilespmem:s26], [sflag:$0x4] =	stream.indirect_vreg.gather [hbm4b:s3+s2], $0x80, v3, vm0, $0xb8;
	[tilespmem:$0x10200] =	vst v63  }
0x109: {  	s19 =	simm.s32 $0xEA00  }
0x10a: {  	[tilespmem:s19], [sflag:$0x4] =	stream.indirect_vreg.gather [hbm4b:s4+s2], $0x80, v3, vm0, $0xb8;
	[tilespmem:$0x10200] =	vst v63  }
0x10b: {  	s26 =	simm.s32 $0xF200  }
0x10c: {  	[tilespmem:s26], [sflag:$0x4] =	stream.indirect_vreg.gather [hbm4b:s5+s2], $0x80, v3, vm0, $0xb8;
	[tilespmem:$0x10200] =	vst v63  }
0x10d: {  	s20 =	simm.s32 $0xFA00  }
0x10e: {  	[tilespmem:s20], [sflag:$0x4] =	stream.indirect_vreg.gather [hbm4b:s6+s2], $0x80, v3, vm0, $0xb8;
	[tilespmem:$0x10200] =	vst v63  }
0x10f: {  	_ =	swait.ge [sflag:s22], $0x4000  }
0x110: {  	[sflag:s22] =	ssyncset.done $0x0  }
0x111: {  	[sflag:s22] =	ssyncadd.s32 $0xFFFFC000  }
0x112: {  	_ =	swait.ge [sflag:s23], $0x4000  }
0x113: {  	[sflag:s23] =	ssyncset.done $0x0  }
0x114: {  	s19 =	rddreg [dreg:$0xe];
	[sflag:s23] =	ssyncadd.s32 $0xFFFFC000  }
0x115: {  	[hbm4b:s19+s2] =	stream.linear.scatter [tilespmem:s15], [sflag:$0x5], $0x4000, $0x38;
	[tilespmem:$0x10200] =	vst v63  }
0x116: {  	_ =	swait.ge [sflag:s8], $0x4000  }
0x117: {  	[sflag:s8] =	ssyncset.done $0x0  }
0x118: {  	s20 =	rddreg [dreg:$0xf];
	[sflag:s8] =	ssyncadd.s32 $0xFFFFC000  }
0x119: {  	[hbm4b:s20+s2] =	stream.linear.scatter [tilespmem:s18], [sflag:$0x5], $0x4000, $0x38;
	[tilespmem:$0x10200] =	vst v63  }
0x11a: {  	_ =	swait.ge [sflag:s8], $0x4000  }
0x11b: {  	[sflag:s8] =	ssyncset.done $0x0  }
0x11c: {  	s16 =	rddreg [dreg:$0x10];
	[sflag:s8] =	ssyncadd.s32 $0xFFFFC000  }
0x11d: {  	[tilespmem:s2], [sflag:$0x5] =	stream.linear.gather [hbm4b:s16+s2], $0x10, $0x38;
	[tilespmem:$0x10200] =	vst v63  }
0x11e: {  	_ =	swait.ge [sflag:s8], $0x10  }
0x11f: {  	[sflag:s8] =	ssyncset.done $0x0  }
0x120: {  	s20 =	simm.s32 $0x100;
	s19 =	rddreg [dreg:$0x11];
	[sflag:s8] =	ssyncadd.s32 $0xFFFFFFF0  }
0x121: {  	[tilespmem:s20], [sflag:$0x5] =	stream.linear.gather [hbm4b:s19+s2], $0x10, $0x38;
	[tilespmem:$0x10200] =	vst v63  }
0x122: {  	_ =	swait.ge [sflag:s8], $0x10  }
0x123: {  	[sflag:s8] =	ssyncset.done $0x0  }
0x124: {  	[sflag:s8] =	ssyncadd.s32 $0xFFFFFFF0  }
0x125: {  	v3 =	vld [tilespmem:$0x0];
	_ =	sdelay $0x4  }
0x126: {  	v56 =	vshll.u32 v3, $0x3  }
0x127: {  	v3 =	vand.u32 $0x7, v3;
	v4 =	vand.u32 $0xFFFFFFC0, v56  }
0x128: {  	v3 =	vor.u32 v3, v4  }
0x129: {  	v4 =	vperm.xlane v3, v0;
	_ =	sdelay $0x1  }
0x12a: {  	v4 =	vadd.s32 v1, v4;
	_ =	sdelay $0x4  }
0x12b: {  	[tilespmem:s15], [sflag:$0x1] =	stream.indirect_vreg.gather [hbm4b:s3+s2], $0x80, v4, vm0, $0xb8;
	[tilespmem:$0x10200] =	vst v63  }
0x12c: {  	s19 =	simm.s32 $0xA00;
	v3 =	vperm.xlane v3, v2  }
0x12d: {  	[tilespmem:s19], [sflag:$0x1] =	stream.indirect_vreg.gather [hbm4b:s4+s2], $0x80, v4, vm0, $0xb8;
	[tilespmem:$0x10200] =	vst v63  }
0x12e: {  	v3 =	vadd.s32 v1, v3  }
0x12f: {  	[tilespmem:s1], [sflag:$0x1] =	stream.indirect_vreg.gather [hbm4b:s5+s2], $0x80, v4, vm0, $0xb8;
	[tilespmem:$0x10200] =	vst v63  }
0x130: {  	_ = 	snop  }
0x131: {  	[tilespmem:s9], [sflag:$0x1] =	stream.indirect_vreg.gather [hbm4b:s6+s2], $0x80, v4, vm0, $0xb8;
	[tilespmem:$0x10200] =	vst v63  }
0x132: {  	_ = 	snop  }
0x133: {  	[tilespmem:s10], [sflag:$0x1] =	stream.indirect_vreg.gather [hbm4b:s3+s2], $0x80, v3, vm0, $0xb8;
	[tilespmem:$0x10200] =	vst v63  }
0x134: {  	_ = 	snop  }
0x135: {  	[tilespmem:s11], [sflag:$0x1] =	stream.indirect_vreg.gather [hbm4b:s4+s2], $0x80, v3, vm0, $0xb8;
	[tilespmem:$0x10200] =	vst v63  }
0x136: {  	_ = 	snop  }
0x137: {  	[tilespmem:s12], [sflag:$0x1] =	stream.indirect_vreg.gather [hbm4b:s5+s2], $0x80, v3, vm0, $0xb8;
	[tilespmem:$0x10200] =	vst v63  }
0x138: {  	s20 =	simm.s32 $0x3A00  }
0x139: {  	[tilespmem:s20], [sflag:$0x1] =	stream.indirect_vreg.gather [hbm4b:s6+s2], $0x80, v3, vm0, $0xb8;
	[tilespmem:$0x10200] =	vst v63  }
0x13a: {  	v3 =	vld [tilespmem:$0x100];
	_ =	sdelay $0x4  }
0x13b: {  	v57 =	vshll.u32 v3, $0x3  }
0x13c: {  	v3 =	vand.u32 $0x7, v3;
	v4 =	vand.u32 $0xFFFFFFC0, v57  }
0x13d: {  	v3 =	vor.u32 v3, v4  }
0x13e: {  	v4 =	vperm.xlane v3, v0;
	_ =	sdelay $0x1  }
0x13f: {  	v4 =	vadd.s32 v1, v4;
	_ =	sdelay $0x4  }
0x140: {  	[tilespmem:s18], [sflag:$0x3] =	stream.indirect_vreg.gather [hbm4b:s3+s2], $0x80, v4, vm0, $0xb8;
	[tilespmem:$0x10200] =	vst v63  }
0x141: {  	s26 =	simm.s32 $0x8A00;
	v3 =	vperm.xlane v3, v2  }
0x142: {  	[tilespmem:s26], [sflag:$0x3] =	stream.indirect_vreg.gather [hbm4b:s4+s2], $0x80, v4, vm0, $0xb8;
	[tilespmem:$0x10200] =	vst v63  }
0x143: {  	v3 =	vadd.s32 v1, v3  }
0x144: {  	[tilespmem:s17], [sflag:$0x3] =	stream.indirect_vreg.gather [hbm4b:s5+s2], $0x80, v4, vm0, $0xb8;
	[tilespmem:$0x10200] =	vst v63  }
0x145: {  	_ = 	snop  }
0x146: {  	[tilespmem:s21], [sflag:$0x3] =	stream.indirect_vreg.gather [hbm4b:s6+s2], $0x80, v4, vm0, $0xb8;
	[tilespmem:$0x10200] =	vst v63  }
0x147: {  	_ = 	snop  }
0x148: {  	[tilespmem:s28], [sflag:$0x3] =	stream.indirect_vreg.gather [hbm4b:s3+s2], $0x80, v3, vm0, $0xb8;
	[tilespmem:$0x10200] =	vst v63  }
0x149: {  	_ = 	snop  }
0x14a: {  	[tilespmem:s30], [sflag:$0x3] =	stream.indirect_vreg.gather [hbm4b:s4+s2], $0x80, v3, vm0, $0xb8;
	[tilespmem:$0x10200] =	vst v63  }
0x14b: {  	_ = 	snop  }
0x14c: {  	[tilespmem:s31], [sflag:$0x3] =	stream.indirect_vreg.gather [hbm4b:s5+s2], $0x80, v3, vm0, $0xb8;
	[tilespmem:$0x10200] =	vst v63  }
0x14d: {  	_ = 	snop  }
0x14e: {  	[tilespmem:s14], [sflag:$0x3] =	stream.indirect_vreg.gather [hbm4b:s6+s2], $0x80, v3, vm0, $0xb8;
	[tilespmem:$0x10200] =	vst v63  }
0x14f: {  	_ =	swait.ge [sflag:s24], $0x4000  }
0x150: {  	[sflag:s24] =	ssyncset.done $0x0  }
0x151: {  	[sflag:s24] =	ssyncadd.s32 $0xFFFFC000  }
0x152: {  	_ =	swait.ge [sflag:s25], $0x4000  }
0x153: {  	[sflag:s25] =	ssyncset.done $0x0  }
0x154: {  	s19 =	rddreg [dreg:$0x12];
	[sflag:s25] =	ssyncadd.s32 $0xFFFFC000  }
0x155: {  	[hbm4b:s19+s2] =	stream.linear.scatter [tilespmem:s29], [sflag:$0x5], $0x4000, $0x38;
	[tilespmem:$0x10200] =	vst v63  }
0x156: {  	_ =	swait.ge [sflag:s8], $0x4000  }
0x157: {  	[sflag:s8] =	ssyncset.done $0x0  }
0x158: {  	s31 =	rddreg [dreg:$0x13];
	[sflag:s8] =	ssyncadd.s32 $0xFFFFC000  }
0x159: {  	[hbm4b:s31+s2] =	stream.linear.scatter [tilespmem:s13], [sflag:$0x5], $0x4000, $0x38;
	[tilespmem:$0x10200] =	vst v63  }
0x15a: {  	_ =	swait.ge [sflag:s8], $0x4000  }
0x15b: {  	[sflag:s8] =	ssyncset.done $0x0  }
0x15c: {  	s16 =	rddreg [dreg:$0x14];
	[sflag:s8] =	ssyncadd.s32 $0xFFFFC000  }
0x15d: {  	[tilespmem:s0], [sflag:$0x5] =	stream.linear.gather [hbm4b:s16+s2], $0x10, $0x38;
	[tilespmem:$0x10200] =	vst v63  }
0x15e: {  	_ =	swait.ge [sflag:s8], $0x10  }
0x15f: {  	[sflag:s8] =	ssyncset.done $0x0  }
0x160: {  	s31 =	simm.s32 $0x180;
	s19 =	rddreg [dreg:$0x15];
	[sflag:s8] =	ssyncadd.s32 $0xFFFFFFF0  }
0x161: {  	[tilespmem:s31], [sflag:$0x5] =	stream.linear.gather [hbm4b:s19+s2], $0x10, $0x38;
	[tilespmem:$0x10200] =	vst v63  }
0x162: {  	_ =	swait.ge [sflag:s8], $0x10  }
0x163: {  	[sflag:s8] =	ssyncset.done $0x0  }
0x164: {  	[sflag:s8] =	ssyncadd.s32 $0xFFFFFFF0  }
0x165: {  	v3 =	vld [tilespmem:$0x80];
	_ =	sdelay $0x4  }
0x166: {  	v58 =	vshll.u32 v3, $0x3  }
0x167: {  	v3 =	vand.u32 $0x7, v3;
	v4 =	vand.u32 $0xFFFFFFC0, v58  }
0x168: {  	v3 =	vor.u32 v3, v4  }
0x169: {  	v4 =	vperm.xlane v3, v0;
	_ =	sdelay $0x1  }
0x16a: {  	v4 =	vadd.s32 v1, v4;
	_ =	sdelay $0x4  }
0x16b: {  	[tilespmem:s29], [sflag:$0x2] =	stream.indirect_vreg.gather [hbm4b:s3+s2], $0x80, v4, vm0, $0xb8;
	[tilespmem:$0x10200] =	vst v63  }
0x16c: {  	s0 =	simm.s32 $0x4A00;
	v3 =	vperm.xlane v3, v2  }
0x16d: {  	[tilespmem:s0], [sflag:$0x2] =	stream.indirect_vreg.gather [hbm4b:s4+s2], $0x80, v4, vm0, $0xb8;
	[tilespmem:$0x10200] =	vst v63  }
0x16e: {  	s16 =	simm.s32 $0x5200;
	v3 =	vadd.s32 v1, v3  }
0x16f: {  	[tilespmem:s16], [sflag:$0x2] =	stream.indirect_vreg.gather [hbm4b:s5+s2], $0x80, v4, vm0, $0xb8;
	[tilespmem:$0x10200] =	vst v63  }
0x170: {  	s19 =	simm.s32 $0x5A00  }
0x171: {  	[tilespmem:s19], [sflag:$0x2] =	stream.indirect_vreg.gather [hbm4b:s6+s2], $0x80, v4, vm0, $0xb8;
	[tilespmem:$0x10200] =	vst v63  }
0x172: {  	s26 =	simm.s32 $0x6200  }
0x173: {  	[tilespmem:s26], [sflag:$0x2] =	stream.indirect_vreg.gather [hbm4b:s3+s2], $0x80, v3, vm0, $0xb8;
	[tilespmem:$0x10200] =	vst v63  }
0x174: {  	s0 =	simm.s32 $0x6A00  }
0x175: {  	[tilespmem:s0], [sflag:$0x2] =	stream.indirect_vreg.gather [hbm4b:s4+s2], $0x80, v3, vm0, $0xb8;
	[tilespmem:$0x10200] =	vst v63  }
0x176: {  	s0 =	simm.s32 $0x7200  }
0x177: {  	[tilespmem:s0], [sflag:$0x2] =	stream.indirect_vreg.gather [hbm4b:s5+s2], $0x80, v3, vm0, $0xb8;
	[tilespmem:$0x10200] =	vst v63  }
0x178: {  	s0 =	simm.s32 $0x7A00  }
0x179: {  	[tilespmem:s0], [sflag:$0x2] =	stream.indirect_vreg.gather [hbm4b:s6+s2], $0x80, v3, vm0, $0xb8;
	[tilespmem:$0x10200] =	vst v63  }
0x17a: {  	v3 =	vld [tilespmem:$0x180];
	_ =	sdelay $0x4  }
0x17b: {  	v59 =	vshll.u32 v3, $0x3  }
0x17c: {  	v3 =	vand.u32 $0x7, v3;
	v4 =	vand.u32 $0xFFFFFFC0, v59  }
0x17d: {  	v3 =	vor.u32 v3, v4  }
0x17e: {  	v4 =	vperm.xlane v3, v0;
	_ =	sdelay $0x1  }
0x17f: {  	v4 =	vadd.s32 v1, v4;
	_ =	sdelay $0x4  }
0x180: {  	[tilespmem:s13], [sflag:$0x4] =	stream.indirect_vreg.gather [hbm4b:s3+s2], $0x80, v4, vm0, $0xb8;
	[tilespmem:$0x10200] =	vst v63  }
0x181: {  	s0 =	simm.s32 $0xCA00;
	v3 =	vperm.xlane v3, v2  }
0x182: {  	[tilespmem:s0], [sflag:$0x4] =	stream.indirect_vreg.gather [hbm4b:s4+s2], $0x80, v4, vm0, $0xb8;
	[tilespmem:$0x10200] =	vst v63  }
0x183: {  	v3 =	vadd.s32 v1, v3;
	s0 =	simm.s32 $0xD200  }
0x184: {  	[tilespmem:s0], [sflag:$0x4] =	stream.indirect_vreg.gather [hbm4b:s5+s2], $0x80, v4, vm0, $0xb8;
	[tilespmem:$0x10200] =	vst v63  }
0x185: {  	s0 =	simm.s32 $0xDA00  }
0x186: {  	[tilespmem:s0], [sflag:$0x4] =	stream.indirect_vreg.gather [hbm4b:s6+s2], $0x80, v4, vm0, $0xb8;
	[tilespmem:$0x10200] =	vst v63  }
0x187: {  	s0 =	simm.s32 $0xE200  }
0x188: {  	[tilespmem:s0], [sflag:$0x4] =	stream.indirect_vreg.gather [hbm4b:s3+s2], $0x80, v3, vm0, $0xb8;
	[tilespmem:$0x10200] =	vst v63  }
0x189: {  	s0 =	simm.s32 $0xEA00  }
0x18a: {  	[tilespmem:s0], [sflag:$0x4] =	stream.indirect_vreg.gather [hbm4b:s4+s2], $0x80, v3, vm0, $0xb8;
	[tilespmem:$0x10200] =	vst v63  }
0x18b: {  	s0 =	simm.s32 $0xF200  }
0x18c: {  	[tilespmem:s0], [sflag:$0x4] =	stream.indirect_vreg.gather [hbm4b:s5+s2], $0x80, v3, vm0, $0xb8;
	[tilespmem:$0x10200] =	vst v63  }
0x18d: {  	s0 =	simm.s32 $0xFA00  }
0x18e: {  	[tilespmem:s0], [sflag:$0x4] =	stream.indirect_vreg.gather [hbm4b:s6+s2], $0x80, v3, vm0, $0xb8;
	[tilespmem:$0x10200] =	vst v63  }
0x18f: {  	_ =	swait.ge [sflag:s22], $0x4000  }
0x190: {  	[sflag:s22] =	ssyncset.done $0x0  }
0x191: {  	[sflag:s22] =	ssyncadd.s32 $0xFFFFC000  }
0x192: {  	_ =	swait.ge [sflag:s23], $0x4000  }
0x193: {  	[sflag:s23] =	ssyncset.done $0x0  }
0x194: {  	s0 =	rddreg [dreg:$0x16];
	[sflag:s23] =	ssyncadd.s32 $0xFFFFC000  }
0x195: {  	[hbm4b:s0+s2] =	stream.linear.scatter [tilespmem:s15], [sflag:$0x5], $0x4000, $0x38;
	[tilespmem:$0x10200] =	vst v63  }
0x196: {  	_ =	swait.ge [sflag:s8], $0x4000  }
0x197: {  	[sflag:s8] =	ssyncset.done $0x0  }
0x198: {  	s0 =	rddreg [dreg:$0x17];
	[sflag:s8] =	ssyncadd.s32 $0xFFFFC000  }
0x199: {  	[hbm4b:s0+s2] =	stream.linear.scatter [tilespmem:s18], [sflag:$0x5], $0x4000, $0x38;
	[tilespmem:$0x10200] =	vst v63  }
0x19a: {  	_ =	swait.ge [sflag:s8], $0x4000  }
0x19b: {  	[sflag:s8] =	ssyncset.done $0x0  }
0x19c: {  	s0 =	rddreg [dreg:$0x18];
	[sflag:s8] =	ssyncadd.s32 $0xFFFFC000  }
0x19d: {  	[tilespmem:s2], [sflag:$0x5] =	stream.linear.gather [hbm4b:s0+s2], $0x10, $0x38;
	[tilespmem:$0x10200] =	vst v63  }
0x19e: {  	_ =	swait.ge [sflag:s8], $0x10  }
0x19f: {  	[sflag:s8] =	ssyncset.done $0x0  }
0x1a0: {  	s0 =	simm.s32 $0x100;
	s26 =	rddreg [dreg:$0x19];
	[sflag:s8] =	ssyncadd.s32 $0xFFFFFFF0  }
0x1a1: {  	[tilespmem:s0], [sflag:$0x5] =	stream.linear.gather [hbm4b:s26+s2], $0x10, $0x38;
	[tilespmem:$0x10200] =	vst v63  }
0x1a2: {  	_ =	swait.ge [sflag:s8], $0x10  }
0x1a3: {  	[sflag:s8] =	ssyncset.done $0x0  }
0x1a4: {  	[sflag:s8] =	ssyncadd.s32 $0xFFFFFFF0  }
0x1a5: {  	v3 =	vld [tilespmem:$0x0];
	_ =	sdelay $0x4  }
0x1a6: {  	v60 =	vshll.u32 v3, $0x3  }
0x1a7: {  	v3 =	vand.u32 $0x7, v3;
	v4 =	vand.u32 $0xFFFFFFC0, v60  }
0x1a8: {  	v3 =	vor.u32 v3, v4  }
0x1a9: {  	v4 =	vperm.xlane v3, v0;
	_ =	sdelay $0x1  }
0x1aa: {  	v4 =	vadd.s32 v1, v4;
	_ =	sdelay $0x4  }
0x1ab: {  	[tilespmem:s15], [sflag:$0x1] =	stream.indirect_vreg.gather [hbm4b:s3+s2], $0x80, v4, vm0, $0xb8;
	[tilespmem:$0x10200] =	vst v63  }
0x1ac: {  	s26 =	simm.s32 $0xA00;
	v3 =	vperm.xlane v3, v2  }
0x1ad: {  	[tilespmem:s26], [sflag:$0x1] =	stream.indirect_vreg.gather [hbm4b:s4+s2], $0x80, v4, vm0, $0xb8;
	[tilespmem:$0x10200] =	vst v63  }
0x1ae: {  	s1 =	simm.s32 $0x1200;
	v3 =	vadd.s32 v1, v3  }
0x1af: {  	[tilespmem:s1], [sflag:$0x1] =	stream.indirect_vreg.gather [hbm4b:s5+s2], $0x80, v4, vm0, $0xb8;
	[tilespmem:$0x10200] =	vst v63  }
0x1b0: {  	s9 =	simm.s32 $0x1A00  }
0x1b1: {  	[tilespmem:s9], [sflag:$0x1] =	stream.indirect_vreg.gather [hbm4b:s6+s2], $0x80, v4, vm0, $0xb8;
	[tilespmem:$0x10200] =	vst v63  }
0x1b2: {  	s10 =	simm.s32 $0x2200  }
0x1b3: {  	[tilespmem:s10], [sflag:$0x1] =	stream.indirect_vreg.gather [hbm4b:s3+s2], $0x80, v3, vm0, $0xb8;
	[tilespmem:$0x10200] =	vst v63  }
0x1b4: {  	s11 =	simm.s32 $0x2A00  }
0x1b5: {  	[tilespmem:s11], [sflag:$0x1] =	stream.indirect_vreg.gather [hbm4b:s4+s2], $0x80, v3, vm0, $0xb8;
	[tilespmem:$0x10200] =	vst v63  }
0x1b6: {  	s12 =	simm.s32 $0x3200  }
0x1b7: {  	[tilespmem:s12], [sflag:$0x1] =	stream.indirect_vreg.gather [hbm4b:s5+s2], $0x80, v3, vm0, $0xb8;
	[tilespmem:$0x10200] =	vst v63  }
0x1b8: {  	s10 =	simm.s32 $0x3A00  }
0x1b9: {  	[tilespmem:s10], [sflag:$0x1] =	stream.indirect_vreg.gather [hbm4b:s6+s2], $0x80, v3, vm0, $0xb8;
	[tilespmem:$0x10200] =	vst v63  }
0x1ba: {  	v3 =	vld [tilespmem:$0x100];
	_ =	sdelay $0x4  }
0x1bb: {  	v61 =	vshll.u32 v3, $0x3  }
0x1bc: {  	v3 =	vand.u32 $0x7, v3;
	v4 =	vand.u32 $0xFFFFFFC0, v61  }
0x1bd: {  	v3 =	vor.u32 v3, v4  }
0x1be: {  	v4 =	vperm.xlane v3, v0;
	_ =	sdelay $0x1  }
0x1bf: {  	v4 =	vadd.s32 v1, v4;
	_ =	sdelay $0x4  }
0x1c0: {  	[tilespmem:s18], [sflag:$0x3] =	stream.indirect_vreg.gather [hbm4b:s3+s2], $0x80, v4, vm0, $0xb8;
	[tilespmem:$0x10200] =	vst v63  }
0x1c1: {  	s11 =	simm.s32 $0x8A00;
	v3 =	vperm.xlane v3, v2  }
0x1c2: {  	[tilespmem:s11], [sflag:$0x3] =	stream.indirect_vreg.gather [hbm4b:s4+s2], $0x80, v4, vm0, $0xb8;
	[tilespmem:$0x10200] =	vst v63  }
0x1c3: {  	s17 =	simm.s32 $0x9200;
	v3 =	vadd.s32 v1, v3  }
0x1c4: {  	[tilespmem:s17], [sflag:$0x3] =	stream.indirect_vreg.gather [hbm4b:s5+s2], $0x80, v4, vm0, $0xb8;
	[tilespmem:$0x10200] =	vst v63  }
0x1c5: {  	s20 =	simm.s32 $0x9A00  }
0x1c6: {  	[tilespmem:s20], [sflag:$0x3] =	stream.indirect_vreg.gather [hbm4b:s6+s2], $0x80, v4, vm0, $0xb8;
	[tilespmem:$0x10200] =	vst v63  }
0x1c7: {  	s21 =	simm.s32 $0xA200  }
0x1c8: {  	[tilespmem:s21], [sflag:$0x3] =	stream.indirect_vreg.gather [hbm4b:s3+s2], $0x80, v3, vm0, $0xb8;
	[tilespmem:$0x10200] =	vst v63  }
0x1c9: {  	s28 =	simm.s32 $0xAA00  }
0x1ca: {  	[tilespmem:s28], [sflag:$0x3] =	stream.indirect_vreg.gather [hbm4b:s4+s2], $0x80, v3, vm0, $0xb8;
	[tilespmem:$0x10200] =	vst v63  }
0x1cb: {  	s30 =	simm.s32 $0xB200  }
0x1cc: {  	[tilespmem:s30], [sflag:$0x3] =	stream.indirect_vreg.gather [hbm4b:s5+s2], $0x80, v3, vm0, $0xb8;
	[tilespmem:$0x10200] =	vst v63  }
0x1cd: {  	s14 =	simm.s32 $0xBA00  }
0x1ce: {  	[tilespmem:s14], [sflag:$0x3] =	stream.indirect_vreg.gather [hbm4b:s6+s2], $0x80, v3, vm0, $0xb8;
	[tilespmem:$0x10200] =	vst v63  }
0x1cf: {  	_ =	swait.ge [sflag:s24], $0x4000  }
0x1d0: {  	[sflag:s24] =	ssyncset.done $0x0  }
0x1d1: {  	[sflag:s24] =	ssyncadd.s32 $0xFFFFC000  }
0x1d2: {  	_ =	swait.ge [sflag:s25], $0x4000  }
0x1d3: {  	[sflag:s25] =	ssyncset.done $0x0  }
0x1d4: {  	s12 =	rddreg [dreg:$0x1a];
	[sflag:s25] =	ssyncadd.s32 $0xFFFFC000  }
0x1d5: {  	[hbm4b:s12+s2] =	stream.linear.scatter [tilespmem:s29], [sflag:$0x5], $0x4000, $0x38;
	[tilespmem:$0x10200] =	vst v63  }
0x1d6: {  	_ =	swait.ge [sflag:s8], $0x4000  }
0x1d7: {  	[sflag:s8] =	ssyncset.done $0x0  }
0x1d8: {  	s14 =	rddreg [dreg:$0x1b];
	[sflag:s8] =	ssyncadd.s32 $0xFFFFC000  }
0x1d9: {  	[hbm4b:s14+s2] =	stream.linear.scatter [tilespmem:s13], [sflag:$0x5], $0x4000, $0x38;
	[tilespmem:$0x10200] =	vst v63  }
0x1da: {  	_ =	swait.ge [sflag:s8], $0x4000  }
0x1db: {  	[sflag:s8] =	ssyncset.done $0x0  }
0x1dc: {  	s20 =	simm.s32 $0x80;
	s17 =	rddreg [dreg:$0x1c];
	[sflag:s8] =	ssyncadd.s32 $0xFFFFC000  }
0x1dd: {  	[tilespmem:s20], [sflag:$0x5] =	stream.linear.gather [hbm4b:s17+s2], $0x10, $0x38;
	[tilespmem:$0x10200] =	vst v63  }
0x1de: {  	_ =	swait.ge [sflag:s8], $0x10  }
0x1df: {  	[sflag:s8] =	ssyncset.done $0x0  }
0x1e0: {  	s28 =	simm.s32 $0x180;
	s21 =	rddreg [dreg:$0x1d];
	[sflag:s8] =	ssyncadd.s32 $0xFFFFFFF0  }
0x1e1: {  	[tilespmem:s28], [sflag:$0x5] =	stream.linear.gather [hbm4b:s21+s2], $0x10, $0x38;
	[tilespmem:$0x10200] =	vst v63  }
0x1e2: {  	_ =	swait.ge [sflag:s8], $0x10  }
0x1e3: {  	[sflag:s8] =	ssyncset.done $0x0  }
0x1e4: {  	[sflag:s8] =	ssyncadd.s32 $0xFFFFFFF0  }
0x1e5: {  	v3 =	vld [tilespmem:$0x80];
	_ =	sdelay $0x4  }
0x1e6: {  	v62 =	vshll.u32 v3, $0x3  }
0x1e7: {  	v3 =	vand.u32 $0x7, v3;
	v4 =	vand.u32 $0xFFFFFFC0, v62  }
0x1e8: {  	v3 =	vor.u32 v3, v4  }
0x1e9: {  	v4 =	vperm.xlane v3, v0;
	_ =	sdelay $0x1  }
0x1ea: {  	v4 =	vadd.s32 v1, v4;
	_ =	sdelay $0x4  }
0x1eb: {  	[tilespmem:s29], [sflag:$0x2] =	stream.indirect_vreg.gather [hbm4b:s3+s2], $0x80, v4, vm0, $0xb8;
	[tilespmem:$0x10200] =	vst v63  }
0x1ec: {  	s30 =	simm.s32 $0x4A00;
	v3 =	vperm.xlane v3, v2  }
0x1ed: {  	[tilespmem:s30], [sflag:$0x2] =	stream.indirect_vreg.gather [hbm4b:s4+s2], $0x80, v4, vm0, $0xb8;
	[tilespmem:$0x10200] =	vst v63  }
0x1ee: {  	s31 =	simm.s32 $0x5200;
	v3 =	vadd.s32 v1, v3  }
0x1ef: {  	[tilespmem:s31], [sflag:$0x2] =	stream.indirect_vreg.gather [hbm4b:s5+s2], $0x80, v4, vm0, $0xb8;
	[tilespmem:$0x10200] =	vst v63  }
0x1f0: {  	s16 =	simm.s32 $0x5A00  }
0x1f1: {  	[tilespmem:s16], [sflag:$0x2] =	stream.indirect_vreg.gather [hbm4b:s6+s2], $0x80, v4, vm0, $0xb8;
	[tilespmem:$0x10200] =	vst v63  }
0x1f2: {  	s19 =	simm.s32 $0x6200  }
0x1f3: {  	[tilespmem:s19], [sflag:$0x2] =	stream.indirect_vreg.gather [hbm4b:s3+s2], $0x80, v3, vm0, $0xb8;
	[tilespmem:$0x10200] =	vst v63  }
0x1f4: {  	s1 =	simm.s32 $0x6A00  }
0x1f5: {  	[tilespmem:s1], [sflag:$0x2] =	stream.indirect_vreg.gather [hbm4b:s4+s2], $0x80, v3, vm0, $0xb8;
	[tilespmem:$0x10200] =	vst v63  }
0x1f6: {  	s9 =	simm.s32 $0x7200  }
0x1f7: {  	[tilespmem:s9], [sflag:$0x2] =	stream.indirect_vreg.gather [hbm4b:s5+s2], $0x80, v3, vm0, $0xb8;
	[tilespmem:$0x10200] =	vst v63  }
0x1f8: {  	s10 =	simm.s32 $0x7A00  }
0x1f9: {  	[tilespmem:s10], [sflag:$0x2] =	stream.indirect_vreg.gather [hbm4b:s6+s2], $0x80, v3, vm0, $0xb8;
	[tilespmem:$0x10200] =	vst v63  }
0x1fa: {  	v3 =	vld [tilespmem:$0x180];
	_ =	sdelay $0x4  }
0x1fb: {  	v63 =	vshll.u32 v3, $0x3  }
0x1fc: {  	v3 =	vand.u32 $0x7, v3;
	v4 =	vand.u32 $0xFFFFFFC0, v63  }
0x1fd: {  	v3 =	vor.u32 v3, v4  }
0x1fe: {  	v4 =	vperm.xlane v3, v0;
	_ =	sdelay $0x1  }
0x1ff: {  	v4 =	vadd.s32 v1, v4;
	_ =	sdelay $0x4  }
0x200: {  	[tilespmem:s13], [sflag:$0x4] =	stream.indirect_vreg.gather [hbm4b:s3+s2], $0x80, v4, vm0, $0xb8;
	[tilespmem:$0x10200] =	vst v63  }
0x201: {  	s11 =	simm.s32 $0xCA00;
	v3 =	vperm.xlane v3, v2  }
0x202: {  	[tilespmem:s11], [sflag:$0x4] =	stream.indirect_vreg.gather [hbm4b:s4+s2], $0x80, v4, vm0, $0xb8;
	[tilespmem:$0x10200] =	vst v63  }
0x203: {  	s12 =	simm.s32 $0xD200;
	v3 =	vadd.s32 v1, v3  }
0x204: {  	[tilespmem:s12], [sflag:$0x4] =	stream.indirect_vreg.gather [hbm4b:s5+s2], $0x80, v4, vm0, $0xb8;
	[tilespmem:$0x10200] =	vst v63  }
0x205: {  	s14 =	simm.s32 $0xDA00  }
0x206: {  	[tilespmem:s14], [sflag:$0x4] =	stream.indirect_vreg.gather [hbm4b:s6+s2], $0x80, v4, vm0, $0xb8;
	[tilespmem:$0x10200] =	vst v63  }
0x207: {  	s16 =	simm.s32 $0xE200  }
0x208: {  	[tilespmem:s16], [sflag:$0x4] =	stream.indirect_vreg.gather [hbm4b:s3+s2], $0x80, v3, vm0, $0xb8;
	[tilespmem:$0x10200] =	vst v63  }
0x209: {  	s17 =	simm.s32 $0xEA00  }
0x20a: {  	[tilespmem:s17], [sflag:$0x4] =	stream.indirect_vreg.gather [hbm4b:s4+s2], $0x80, v3, vm0, $0xb8;
	[tilespmem:$0x10200] =	vst v63  }
0x20b: {  	s19 =	simm.s32 $0xF200  }
0x20c: {  	[tilespmem:s19], [sflag:$0x4] =	stream.indirect_vreg.gather [hbm4b:s5+s2], $0x80, v3, vm0, $0xb8;
	[tilespmem:$0x10200] =	vst v63  }
0x20d: {  	s20 =	simm.s32 $0xFA00  }
0x20e: {  	[tilespmem:s20], [sflag:$0x4] =	stream.indirect_vreg.gather [hbm4b:s6+s2], $0x80, v3, vm0, $0xb8;
	[tilespmem:$0x10200] =	vst v63  }
0x20f: {  	_ =	swait.ge [sflag:s22], $0x4000  }
0x210: {  	[sflag:s22] =	ssyncset.done $0x0  }
0x211: {  	[sflag:s22] =	ssyncadd.s32 $0xFFFFC000  }
0x212: {  	_ =	swait.ge [sflag:s23], $0x4000  }
0x213: {  	[sflag:s23] =	ssyncset.done $0x0  }
0x214: {  	s21 =	rddreg [dreg:$0x1e];
	[sflag:s23] =	ssyncadd.s32 $0xFFFFC000  }
0x215: {  	[hbm4b:s21+s2] =	stream.linear.scatter [tilespmem:s15], [sflag:$0x5], $0x4000, $0x38;
	[tilespmem:$0x10200] =	vst v63  }
0x216: {  	_ =	swait.ge [sflag:s8], $0x4000  }
0x217: {  	[sflag:s8] =	ssyncset.done $0x0  }
0x218: {  	s28 =	rddreg [dreg:$0x1f];
	[sflag:s8] =	ssyncadd.s32 $0xFFFFC000  }
0x219: {  	[hbm4b:s28+s2] =	stream.linear.scatter [tilespmem:s18], [sflag:$0x5], $0x4000, $0x38;
	[tilespmem:$0x10200] =	vst v63  }
0x21a: {  	_ =	swait.ge [sflag:s8], $0x4000  }
0x21b: {  	[sflag:s8] =	ssyncset.done $0x0  }
0x21c: {  	[sflag:s8] =	ssyncadd.s32 $0xFFFFC000  }
0x21d: {  	_ =	swait.ge [sflag:s24], $0x4000  }
0x21e: {  	[sflag:s24] =	ssyncset.done $0x0  }
0x21f: {  	[sflag:s24] =	ssyncadd.s32 $0xFFFFC000  }
0x220: {  	_ =	swait.ge [sflag:s25], $0x4000  }
0x221: {  	s30 =	sld [smem:$0x7FC]  }
0x222: {  	[sflag:s25] =	ssyncset.done $0x0  }
0x223: {  	[sflag:s25] =	ssyncadd.s32 $0xFFFFC000  }
0x224: {  	[hbm4b:s30+s2] =	stream.linear.scatter [tilespmem:s29], [sflag:$0x5], $0x4000, $0x38;
	[tilespmem:$0x10200] =	vst v63  }
0x225: {  	_ =	swait.ge [sflag:s8], $0x4000  }
0x226: {  	s31 =	sld [smem:$0x7FD]  }
0x227: {  	p0 =	sne.s32 s7, $0x1;
	[sflag:s8] =	ssyncset.done $0x0  }
.Ltmp0:
0x228: {  	[sflag:s8] =	ssyncadd.s32 $0xFFFFC000;
	(pc) =	sbr.rel @p0 .LBB2_1-.Ltmp0, $4  }
0x229: {  	[hbm4b:s31+s2] =	stream.linear.scatter [tilespmem:s13], [sflag:$0x5], $0x4000, $0x38;
	[tilespmem:$0x10200] =	vst v63  }
0x22a: {  	_ =	swait.ge [sflag:s8], $0x4000  }
0x22b: {  	[sflag:s8] =	ssyncset.done $0x0  }
0x22c: {  	s7 =	sadd.s32 $0xFFFFFFFF, s7;
	[sflag:s8] =	ssyncadd.s32 $0xFFFFC000  }
0x22d: {  	_ =	sfence.sel $0x180000  }
0x22e: {  	[bflag:$0x0] =	sbarrier.arrive $0xFFFF  }
0x22f: {  	_ =	strace $0x90000050  }
0x230: {  	s0 =	stileid.u32;
	[bflag:$0x2] =	sbarrier.arrive $0xFFFF  }
0x231: {  	p0 =	sne.s32 s0, $0x0;
	s0 =	rddreg [dreg:$0x1]  }
0x232: {  	s0 =	sadd.s32 @!p0 $0x100000, s0  }
0x233: {  	[sflag:s0] =	ssyncadd.tile.s32 @!p0 $0x1;
	_ =	shalt  }
.Lfunc_end2:
_tile_overlayer_lowered:
.L_overlay_start_2:
0x234: {  	(tag) =	ssettag $0x2  }
0x235: {  	s0 =	rddreg [dreg:$0x0];
	s2 =	stileid.u32  }
0x236: {  	s1 =	rddreg [dreg:$0x1];
	p0 =	sne.s32 s2, $0x0  }
0x237: {  	s3 =	rddreg [dreg:$0x2];
	[bflag:$0x3] =	sbarrier.arrive $0xFFFF;
	s2 =	simm.s32 @!p0 $0x1C05  }
0x238: {  	[timem:s3], [sflag:s2] =	dma.local @!p0 [hbm:s0], s1  }
0x239: {  	s0 =	simm.s32 @!p0 $0x5  }
0x23a: {  	_ =	swait.ge @!p0 [sflag:s0], s1  }
0x23b: {  	s1 =	ssub.s32 @!p0 $0x0, s1;
	[sflag:s0] =	ssyncset.done @!p0 $0x0  }
0x23c: {  	[sflag:s0] =	ssyncadd.s32 @!p0 s1  }
0x23d: {  	[bflag:$0x3] =	sbarrier.arrive $0xFFFF  }
0x23e: {  	_ =	shalt  }

// kernel: kernel.7.cloned.1.call-start
scs
__scs_entry_jumppad:
0x0: {  	(pc) =	sbr.rel $0x88, $3  }
0x1: {  	(tag) =	ssettag $0x0;
	lr =	simm.s32 $0x1  }
0x2: {  	[smem:$0x3F98] =	sst lr;
	_ =	strace $0xD0000000  }
0x3: {  	_ = 	snop  }
0x4: {  	_ = 	snop  }
0x5: {  	_ = 	snop  }
0x6: {  	_ = 	snop  }
0x7: {  	_ = 	snop  }
__scs_overlays_trampoline_lowered:
0x8: {  	[smem:$0x3FA7] =	sst s0  }
0x9: {  	[smem:$0x3FA8] =	sst s1  }
0xa: {  	[smem:$0x3FA9] =	sst s2  }
0xb: {  	[smem:$0x3FAA] =	sst s3  }
0xc: {  	[smem:$0x3FAB] =	sst s4  }
0xd: {  	[smem:$0x3FAC] =	sst s5  }
0xe: {  	[smem:$0x3FAD] =	sst s6  }
0xf: {  	[smem:$0x3FAE] =	sst s7  }
0x10: {  	[smem:$0x3FAF] =	sst s8  }
0x11: {  	[smem:$0x3FB0] =	sst s9;
	s0 =	simm.s32 @!p0 $0x0  }
0x12: {  	s1 =	sld [smem:$0x3F96];
	s0 =	simm.s32 @p0 $0x1  }
0x13: {  	[smem:$0x3FB1] =	sst s0;
	s0 =	simm.s32 @!p1 $0x0  }
0x14: {  	s2 =	sld [smem:$0x3F95];
	s0 =	simm.s32 @p1 $0x1  }
0x15: {  	[smem:$0x3FB2] =	sst s0;
	s0 =	simm.s32 @!p2 $0x0  }
0x16: {  	s3 =	sld [smem:$0x3FDB];
	s0 =	simm.s32 @p2 $0x1  }
0x17: {  	s4 =	simm.s32 $0x1BF5;
	[smem:$0x3FB4] =	sst s0  }
0x18: {  	s0 =	sld [smem:$0x3F97];
	_ =	swait.ge [sflag:s4], $0x0  }
0x19: {  	s7 =	sld [smem:$0x3F98]  }
0x1a: {  	s8 =	sadd.s32 $0xFFFFE003, lr  }
0x1b: {  	s9 =	sadd.s32 $0xFFFFFEF7, lr;
	s5 =	simm.s32 $0xFFFFFFFF;
	p2 =	slt.u32 s8, $0xFFFFF086  }
0x1c: {  	p1 =	slt.u32 s9, $0xF7A;
	s5 =	simm.s32 @!p2 $0x0  }
0x1d: {  	s5 =	simm.s32 @p1 $0x1;
	p0 =	seq.s32 s7, s2  }
0x1e: {  	s7 =	smul.u32 @!p0 $0xF7A, s2;
	p2 =	seq.s32 @!p0 s5, $0x0  }
0x1f: {  	s9 =	smul.u32 $0xF7A, s1;
	s8 =	simm.s32 @!p0 $0x1BF5;
	p2 =	por !p2, p0  }
0x20: {  	[sflag:s8] =	ssyncset.s32 @!p0 $0xFFFFF086;
	s6 =	sadd.s32 @!p0 s3, s7;
	s7 =	simm.s32 @!p0 $0x108  }
0x21: {  	s3 =	sadd.s32 s3, s9;
	s6 =	sadd.s32 @!p0 $0x88, s6;
	s7 =	simm.s32 @p2 $0x1082  }
0x22: {  	[simem:s7], [sflag:s8] =	dma.local @!p0 [hbm:s6], $0xF7A  }
0x23: {  	s9 =	sor.u32 $0xD0000000, s2;
	s6 =	simm.s32 $0x108;
	_ =	swait.ge @!p0 [sflag:s8], $0x0  }
0x24: {  	s3 =	sadd.s32 $0x88, s3;
	s6 =	simm.s32 @!p1 $0x1082;
	[sflag:s4] =	ssyncset.s32 $0xFFFFF086  }
0x25: {  	[simem:s6], [sflag:s4] =	dma.local [hbm:s3], $0xF7A  }
0x26: {  	[smem:$0x3F98] =	sst s1;
	(tag) =	ssettag s2;
	_ =	strace s9  }
0x27: {  	s1 =	sld [smem:$0x3FA8]  }
0x28: {  	s2 =	sld [smem:$0x3FA9]  }
0x29: {  	s4 =	sld [smem:$0x3FAB]  }
0x2a: {  	p0 =	seq.s32 s5, $0x0;
	s5 =	sld [smem:$0x3FAC]  }
0x2b: {  	s6 =	sld [smem:$0x3FAD]  }
0x2c: {  	s7 =	sld [smem:$0x3FAE]  }
0x2d: {  	s3 =	simm.s32 $0x108;
	s8 =	sld [smem:$0x3FAF]  }
0x2e: {  	s3 =	simm.s32 @!p0 $0x1082;
	s9 =	sld [smem:$0x3FB0]  }
0x2f: {  	lr =	sadd.s32 s0, s3;
	s0 =	sld [smem:$0x3FA7]  }
0x30: {  	s3 =	sld [smem:$0x3FAA]  }
0x31: {  	[smem:$0x3FB3] =	sst s10  }
0x32: {  	s10 =	sld [smem:$0x3FB1];
	_ =	sdelay $0x3  }
0x33: {  	p0 =	seq.s32 s10, $0x1;
	s10 =	sld [smem:$0x3FB3];
	_ =	sdelay $0x3  }
0x34: {  	[smem:$0x3FB3] =	sst s10  }
0x35: {  	s10 =	sld [smem:$0x3FB2];
	_ =	sdelay $0x3  }
0x36: {  	p1 =	seq.s32 s10, $0x1;
	s10 =	sld [smem:$0x3FB3];
	_ =	sdelay $0x3  }
0x37: {  	[smem:$0x3FB3] =	sst s10  }
0x38: {  	s10 =	sld [smem:$0x3FB4]  }
0x39: {  	_ = 	snop;
	(pc) =	sbr.ind lr, $3  }
0x3a: {  	_ = 	snop  }
0x3b: {  	_ = 	snop  }
0x3c: {  	p2 =	seq.s32 s10, $0x1;
	s10 =	sld [smem:$0x3FB3]  }
0x3d: {  	_ =	shalt  }
0x3e: {  	_ =	shalt  }
0x3f: {  	_ =	shalt  }
0x40: {  	_ =	shalt  }
0x41: {  	_ =	shalt  }
0x42: {  	_ =	shalt  }
0x43: {  	_ =	shalt  }
0x44: {  	_ =	shalt  }
0x45: {  	_ =	shalt  }
0x46: {  	_ =	shalt  }
0x47: {  	_ =	shalt  }
0x48: {  	_ =	shalt  }
0x49: {  	_ =	shalt  }
0x4a: {  	_ =	shalt  }
0x4b: {  	_ =	shalt  }
0x4c: {  	_ =	shalt  }
0x4d: {  	_ =	shalt  }
0x4e: {  	_ =	shalt  }
0x4f: {  	_ =	shalt  }
0x50: {  	_ =	shalt  }
0x51: {  	_ =	shalt  }
0x52: {  	_ =	shalt  }
0x53: {  	_ =	shalt  }
0x54: {  	_ =	shalt  }
0x55: {  	_ =	shalt  }
0x56: {  	_ =	shalt  }
0x57: {  	_ =	shalt  }
0x58: {  	_ =	shalt  }
0x59: {  	_ =	shalt  }
0x5a: {  	_ =	shalt  }
0x5b: {  	_ =	shalt  }
0x5c: {  	_ =	shalt  }
0x5d: {  	_ =	shalt  }
0x5e: {  	_ =	shalt  }
0x5f: {  	_ =	shalt  }
0x60: {  	_ =	shalt  }
0x61: {  	_ =	shalt  }
0x62: {  	_ =	shalt  }
0x63: {  	_ =	shalt  }
0x64: {  	_ =	shalt  }
0x65: {  	_ =	shalt  }
0x66: {  	_ =	shalt  }
0x67: {  	_ =	shalt  }
0x68: {  	_ =	shalt  }
0x69: {  	_ =	shalt  }
0x6a: {  	_ =	shalt  }
0x6b: {  	_ =	shalt  }
0x6c: {  	_ =	shalt  }
0x6d: {  	_ =	shalt  }
0x6e: {  	_ =	shalt  }
0x6f: {  	_ =	shalt  }
0x70: {  	_ =	shalt  }
0x71: {  	_ =	shalt  }
0x72: {  	_ =	shalt  }
0x73: {  	_ =	shalt  }
0x74: {  	_ =	shalt  }
0x75: {  	_ =	shalt  }
0x76: {  	_ =	shalt  }
0x77: {  	_ =	shalt  }
0x78: {  	_ =	shalt  }
0x79: {  	_ =	shalt  }
0x7a: {  	_ =	shalt  }
0x7b: {  	_ =	shalt  }
0x7c: {  	_ =	shalt  }
0x7d: {  	_ =	shalt  }
0x7e: {  	_ =	shalt  }
0x7f: {  	_ =	shalt  }
0x80: {  	_ =	shalt  }
0x81: {  	_ =	shalt  }
0x82: {  	_ =	shalt  }
0x83: {  	_ =	shalt  }
0x84: {  	_ =	shalt  }
0x85: {  	_ =	shalt  }
0x86: {  	_ =	shalt  }
0x87: {  	_ =	shalt  }
.Lfunc_end0:
.L_simem_size_0:
called_computation.2_lowered:
.L_overlay_start_0:
0x88: {  	s2 =	sld [smem:$0x3FD9]  }
0x89: {  	s3 =	sld [smem:$0x3FFE];
	_ =	sdelay $0x1  }
0x8a: {  	s1 =	srdreg.scid  }
0x8b: {  	s0 =	sand.u32 $0x1, s1  }
0x8c: {  	s17 =	sshll.u32 s0, $0xA;
	s2 =	sadd.s32 s3, s2  }
0x8d: {  	s2 =	sadd.s32 s2, s17  }
0x8e: {  	[smem:$0x3FBF] =	sst s2  }
0x8f: {  	_ = 	snop  }
0x90: {  	s2 =	sld [smem:$0x3FC9];
	(tm) =	ssettm $0x1  }
0x91: {  	s18 =	sld [smem:$0x3FFB];
	_ =	sdelay $0x3  }
0x92: {  	_ =	strace s18  }
0x93: {  	s3 =	sld [smem:$0x3FFC];
	_ =	sdelay $0x3  }
0x94: {  	_ =	strace s3  }
0x95: {  	s3 =	sld [smem:$0x3FFD];
	_ =	sdelay $0x3  }
0x96: {  	_ =	strace s3  }
0x97: {  	_ =	strace $0x8FFFFFFF  }
0x98: {  	s19 =	sld [smem:$0x3FDB];
	_ =	sdelay $0x1  }
0x99: {  	s4 =	simm.s32 $_scs_section_size  }
0x9a: {  	s5 =	simm.s32 $_size__tile_overlayer_lowered;
	s6 =	simm.s32 $_tile_overlayer_lowered  }
0x9b: {  	s22 =	simm.s32 $0x1BFF;
	s21 =	sshll.u32 s6, $0x1;
	s3 =	sadd.s32 s4, s19  }
0x9c: {  	s7 =	simm.s32 $0x0;
	s20 =	sshll.u32 s5, $0x1;
	s5 =	sadd.s32 s21, s3  }
0x9d: {  	[timem:s7], [sflag:s22] =	dma.local [hbm:s5], s20  }
0x9e: {  	_ =	swait.ge [sflag:s22], s20  }
0x9f: {  	s4 =	ssub.s32 $0x0, s20;
	[sflag:s22] =	ssyncset.done $0x0  }
0xa0: {  	[sflag:s22] =	ssyncadd.s32 s4;
	_ =	sdelay $0x1  }
0xa1: {  	s23 =	simm.s32 $0x1B8B  }
0xa2: {  	_ =	swait.ge [sflag:s23], $0x1  }
0xa3: {  	[sflag:s23] =	ssyncset.done $0x0  }
0xa4: {  	s25 =	simm.s32 $0x1B8E;
	s24 =	sld [smem:$0x3FFE];
	[sflag:s23] =	ssyncadd.s32 $0xFFFFFFFF  }
0xa5: {  	s26 =	simm.s32 $execute0_lowered;
	[smem:$0x3FD2] =	sst s25  }
0xa6: {  	s5 =	sshll.u32 s26, $0x1;
	_ =	strace $0x80000046;
	[dreg:$0x1] =	wrdreg $0xFFFFFFFF  }
0xa7: {  	s28 =	simm.s32 $_size_execute0_lowered;
	s3 =	sadd.s32 s3, s5;
	[dreg:$0x0] =	wrdreg $0x0  }
0xa8: {  	s5 =	sshll.u32 s28, $0x1;
	[dreg:$0x2] =	wrdreg s3  }
0xa9: {  	[dreg:$0x3] =	wrdreg s5  }
0xaa: {  	[dreg:$0x4] =	wrdreg $0xC0  }
0xab: {  	_ =	task [dreg:s7], $0x5FFFF  }
0xac: {  	[dreg:$0x1] =	wrdreg $0xFFFFFFFF  }
0xad: {  	[dreg:$0x0] =	wrdreg $0x60  }
0xae: {  	[dreg:$0x2] =	wrdreg s2  }
0xaf: {  	[dreg:$0x3] =	wrdreg s24  }
0xb0: {  	[dreg:$0x4] =	wrdreg $0x9  }
0xb1: {  	_ =	task.clear_ibuf [dreg:s7], $0x5FFFF;
	_ =	strace $0x90000046  }
0xb2: {  	s29 =	simm.s32 $0x9;
	_ =	strace $0x80000048  }
0xb3: {  	_ =	swait.ge [sflag:s29], $0x1  }
0xb4: {  	[sflag:s29] =	ssyncadd.s32 $0xFFFFFFFF  }
0xb5: {  	_ =	strace $0x90000048  }
0xb6: {  	_ =	sfence  }
0xb7: {  	s30 =	sld [smem:$0x0];
	_ =	sdelay $0x2  }
0xb8: {  	s31 =	sshll.u32 s1, $0xD;
	s1 =	sshrl.u32 s1, $0x2  }
0xb9: {  	s3 =	sand.u32 $0x4000, s31;
	s1 =	sadd.s32 s1, s30  }
0xba: {  	s0 =	sor.u32 s3, s0;
	s1 =	sshll.u32 s1, $0x11  }
0xbb: {  	s0 =	sor.u32 s1, s0  }
0xbc: {  	s0 =	sadd.s32 $0x8F2B, s0  }
0xbd: {  	[sflag:s0] =	ssyncadd.remote.s32 $0x1  }
0xbe: {  	_ =	sfence.sel $0xFFFF  }
0xbf: {  	[dreg:$0x0] =	wrdreg $0xFFFFFFFF;
	(pc) =	sbr.abs _section_cstart, $3  }
0xc0: {  	[dreg:$0x1] =	wrdreg $0xFFFFFFFF  }
0xc1: {  	_ =	task.clear_ibuf [dreg:s7], $0x2FFFF;
	_ =	strace $0x9FFFFFFF  }
0xc2: {  	(tm) =	ssettm $0x7FFFFFFF  }
0xc3: {  	_ =	shalt  }
tec
execute0_lowered:
.L_overlay_start_1:
0x0: {  	(tag) =	ssettag $0x1  }
0x1: {  	s0 =	srdreg.scid;
	s1 =	stileid.u32  }
0x2: {  	s2 =	rddreg [dreg:$0x0];
	s4 =	sand.u32 $0x1, s0;
	s12 =	sshll.u32 s1, $0x1  }
0x3: {  	s3 =	simm.s32 $0x0;
	s0 =	rddreg [dreg:$0x1];
	s1 =	sor.u32 s4, s12  }
0x4: {  	s28 =	simm.s32 $0x8200;
	[smem:$0x7FF] =	sst s3;
	s6 =	smul.u32 $0x140, s1  }
0x5: {  	_ =	strace $0x80000047;
	s4 =	ssub.s32 $0x2, s4;
	s11 =	smul.u32 $0xA000, s1  }
0x6: {  	s1 =	sadd.s32 $0x600, s0;
	s5 =	sshrl.u32 s6, $0x3;
	s7 =	sor.u32 $0x10, s6  }
0x7: {  	s14 =	sor.u32 $0x20, s6;
	s9 =	sor.u32 $0x30, s6;
	s17 =	sadd.s32 s1, s11  }
0x8: {  	s18 =	sadd.s32 $0x40, s6;
	s20 =	sadd.s32 $0x50, s6;
	s26 =	sadd.s32 $0x60, s6  }
0x9: {  	s31 =	sadd.s32 $0x70, s6;
	s5 =	sadd.s32 s0, s5;
	s8 =	sshrl.u32 s7, $0x3  }
0xa: {  	s15 =	sshrl.u32 s14, $0x3;
	s10 =	sshrl.u32 s9, $0x3;
	[dreg:$0x7] =	wrdreg s17  }
0xb: {  	s19 =	sshrl.u32 s18, $0x3;
	s7 =	sshll.u32 s7, $0x7;
	s22 =	sshrl.u32 s20, $0x3  }
0xc: {  	s24 =	sshll.u32 s14, $0x7;
	s29 =	sshrl.u32 s26, $0x3;
	s30 =	sshll.u32 s9, $0x7  }
0xd: {  	s17 =	sadd.s32 $0x80, s6;
	[dreg:$0x3] =	wrdreg s5;
	s13 =	sadd.s32 s0, s8  }
0xe: {  	s9 =	sshll.u32 s31, $0x7;
	s5 =	sadd.s32 s0, s15;
	[dreg:$0x4] =	wrdreg s13  }
0xf: {  	s16 =	sadd.s32 s0, s10;
	s21 =	sadd.s32 s1, s7;
	[dreg:$0x5] =	wrdreg s5  }
0x10: {  	s23 =	sadd.s32 s0, s22;
	s25 =	sadd.s32 s1, s24;
	[dreg:$0x6] =	wrdreg s16  }
0x11: {  	s12 =	sadd.s32 s1, s30;
	s15 =	sshll.u32 s18, $0x7;
	[dreg:$0x9] =	wrdreg s21  }
0x12: {  	s18 =	sshrl.u32 s17, $0x3;
	s7 =	sshll.u32 s26, $0x7;
	[dreg:$0xa] =	wrdreg s23  }
0x13: {  	s30 =	sadd.s32 s1, s9;
	s8 =	sshll.u32 s17, $0x7;
	[dreg:$0xb] =	wrdreg s25  }
0x14: {  	s5 =	sadd.s32 s0, s19;
	s13 =	sshrl.u32 s31, $0x3;
	[dreg:$0xd] =	wrdreg s12  }
0x15: {  	s16 =	sadd.s32 s1, s15;
	s19 =	sshll.u32 s20, $0x7;
	s20 =	sadd.s32 $0x90, s6  }
0x16: {  	s24 =	sadd.s32 s1, s7;
	s25 =	sadd.s32 $0xA0, s6;
	[dreg:$0x15] =	wrdreg s30  }
0x17: {  	s15 =	sshrl.u32 s4, $0x1;
	[dreg:$0x8] =	wrdreg s5;
	s5 =	sadd.s32 s0, s29  }
0x18: {  	s14 =	sadd.s32 s0, s13;
	[dreg:$0xf] =	wrdreg s16;
	s21 =	sadd.s32 s1, s19  }
0x19: {  	s22 =	sshrl.u32 s20, $0x3;
	[dreg:$0x13] =	wrdreg s24;
	s26 =	sshrl.u32 s25, $0x3  }
0x1a: {  	s29 =	sadd.s32 $0xB0, s6;
	s13 =	sadd.s32 s1, s8;
	s11 =	sshll.u32 s20, $0x7  }
0x1b: {  	s7 =	sshll.u32 s25, $0x7;
	s9 =	ssub.s32 s4, s15;
	[dreg:$0xc] =	wrdreg s5  }
0x1c: {  	s24 =	sadd.s32 $0xF0, s6;
	s8 =	simm.s32 $0x5;
	[dreg:$0xe] =	wrdreg s14  }
0x1d: {  	s5 =	sadd.s32 s0, s18;
	[dreg:$0x11] =	wrdreg s21;
	s23 =	sadd.s32 s0, s22  }
0x1e: {  	s31 =	sshrl.u32 s29, $0x3;
	s14 =	sadd.s32 $0xC0, s6;
	[dreg:$0x17] =	wrdreg s13  }
0x1f: {  	s17 =	sadd.s32 s1, s11;
	s20 =	sadd.s32 s1, s7;
	[dreg:$0x10] =	wrdreg s5  }
0x20: {  	s21 =	sadd.s32 $0xE0, s6;
	s10 =	sshll.u32 s24, $0x7;
	[dreg:$0x12] =	wrdreg s23  }
0x21: {  	s5 =	sadd.s32 s0, s26;
	s12 =	sadd.s32 s0, s31;
	[dreg:$0x19] =	wrdreg s17  }
0x22: {  	s16 =	sshrl.u32 s14, $0x3;
	[dreg:$0x1b] =	wrdreg s20;
	s22 =	sshrl.u32 s21, $0x3  }
0x23: {  	s23 =	sshll.u32 s29, $0x7;
	s26 =	sshrl.u32 s24, $0x3;
	s30 =	sshll.u32 s14, $0x7  }
0x24: {  	s31 =	sadd.s32 $0x100, s6;
	s14 =	sadd.s32 $0x110, s6;
	[dreg:$0x14] =	wrdreg s5  }
0x25: {  	s7 =	sshll.u32 s21, $0x7;
	s20 =	sadd.s32 s1, s10;
	[dreg:$0x16] =	wrdreg s12  }
0x26: {  	s5 =	sadd.s32 s0, s16;
	s12 =	sadd.s32 $0xD0, s6;
	s4 =	sadd.s32 s0, s22  }
0x27: {  	s25 =	sadd.s32 s1, s23;
	s29 =	sadd.s32 s0, s26;
	[smem:$0x7F8] =	sst s20  }
0x28: {  	s11 =	sshrl.u32 s31, $0x3;
	s16 =	sshrl.u32 s14, $0x3;
	[dreg:$0x18] =	wrdreg s5  }
0x29: {  	s7 =	sadd.s32 s1, s7;
	s22 =	sshll.u32 s31, $0x7;
	[dreg:$0x1c] =	wrdreg s4  }
0x2a: {  	s24 =	sshll.u32 s14, $0x7;
	s18 =	sshrl.u32 s12, $0x3;
	[dreg:$0x1d] =	wrdreg s25  }
0x2b: {  	[dreg:$0x1e] =	wrdreg s29;
	s5 =	sadd.s32 s1, s30;
	s4 =	sadd.s32 $0x100, s2  }
0x2c: {  	s13 =	sshll.u32 s12, $0x7;
	s17 =	sadd.s32 s0, s16;
	[smem:$0x7F6] =	sst s7  }
0x2d: {  	s23 =	sadd.s32 s1, s22;
	s25 =	sadd.s32 s1, s24;
	[dreg:$0x1f] =	wrdreg s5  }
0x2e: {  	s16 =	simm.s32 $0x200;
	s22 =	simm.s32 $0x1;
	[smem:$0x7F5] =	sst s17  }
0x2f: {  	s24 =	simm.s32 $0x3;
	s19 =	sadd.s32 s0, s18;
	[smem:$0x7FA] =	sst s23  }
0x30: {  	s5 =	sadd.s32 s0, s11;
	s15 =	sadd.s32 s1, s13;
	[smem:$0x7FB] =	sst s25  }
0x31: {  	s18 =	sadd.s32 $0x120, s6;
	s6 =	sadd.s32 $0x130, s6;
	[dreg:$0x1a] =	wrdreg s19  }
0x32: {  	s13 =	simm.s32 $0xC200;
	s23 =	simm.s32 $0x2;
	[smem:$0x7F3] =	sst s5  }
0x33: {  	s25 =	simm.s32 $0x4;
	[smem:$0x7F4] =	sst s15;
	s19 =	sshrl.u32 s18, $0x3  }
0x34: {  	s5 =	sadd.s32 $0x200, s2;
	s21 =	sshrl.u32 s6, $0x3;
	s7 =	sadd.s32 s0, s19  }
0x35: {  	s26 =	sshll.u32 s18, $0x7;
	s0 =	sadd.s32 s0, s21;
	[smem:$0x7F7] =	sst s7  }
0x36: {  	v2 =	vlaneseq.u32;
	s30 =	sshll.u32 s6, $0x7;
	s29 =	sadd.s32 s1, s26;
	[smem:$0x7F9] =	sst s0  }
0x37: {  	vm0 =	vmmov $0xffff;
	v1 =	vshrl.u32 v2, $0x3;
	s6 =	sadd.s32 $0x300, s2;
	s31 =	sadd.s32 s1, s30;
	[smem:$0x7FC] =	sst s29  }
0x38: {  	v0 =	vand.u32 $0x7, v2;
	v2 =	vor.u32 $0x8, v2;
	v1 =	vmul.u32 $0x8, v1;
	s18 =	simm.s32 $0x4200;
	[smem:$0x7FD] =	sst s31;
	s7 =	smax.u32 s9, $0x1  }
.LBB2_1:
0x39: {  	s26 =	rddreg [dreg:$0x3]  }
0x3a: {  	[tilespmem:s3], [sflag:$0x5] =	stream.linear.gather [hbm4b:s26+s3], $0x10, $0x38;
	[tilespmem:$0x10200] =	vst v63  }
0x3b: {  	_ =	swait.ge [sflag:s8], $0x10  }
0x3c: {  	[sflag:s8] =	ssyncset.done $0x0  }
0x3d: {  	[sflag:s8] =	ssyncadd.s32 $0xFFFFFFF0  }
0x3e: {  	v3 =	vld [tilespmem:$0x0];
	_ =	sdelay $0x4  }
0x3f: {  	v4 =	vshll.u32 v3, $0x3  }
0x40: {  	v3 =	vand.u32 $0x7, v3;
	v4 =	vand.u32 $0xFFFFFFC0, v4  }
0x41: {  	v3 =	vor.u32 v3, v4  }
0x42: {  	v4 =	vperm.xlane v3, v0;
	_ =	sdelay $0x1  }
0x43: {  	v4 =	vadd.s32 v1, v4;
	_ =	sdelay $0x4  }
0x44: {  	[tilespmem:s16], [sflag:$0x1] =	stream.indirect_vreg.gather [hbm4b:s2+s3], $0x80, v4, vm0, $0xb8;
	[tilespmem:$0x10200] =	vst v63  }
0x45: {  	s0 =	simm.s32 $0xA00;
	v3 =	vperm.xlane v3, v2  }
0x46: {  	[tilespmem:s0], [sflag:$0x1] =	stream.indirect_vreg.gather [hbm4b:s4+s3], $0x80, v4, vm0, $0xb8;
	[tilespmem:$0x10200] =	vst v63  }
0x47: {  	s21 =	simm.s32 $0x1200;
	v3 =	vadd.s32 v1, v3  }
0x48: {  	[tilespmem:s21], [sflag:$0x1] =	stream.indirect_vreg.gather [hbm4b:s5+s3], $0x80, v4, vm0, $0xb8;
	[tilespmem:$0x10200] =	vst v63  }
0x49: {  	s26 =	simm.s32 $0x1A00  }
0x4a: {  	[tilespmem:s26], [sflag:$0x1] =	stream.indirect_vreg.gather [hbm4b:s6+s3], $0x80, v4, vm0, $0xb8;
	[tilespmem:$0x10200] =	vst v63  }
0x4b: {  	s30 =	simm.s32 $0x2200  }
0x4c: {  	[tilespmem:s30], [sflag:$0x1] =	stream.indirect_vreg.gather [hbm4b:s2+s3], $0x80, v3, vm0, $0xb8;
	[tilespmem:$0x10200] =	vst v63  }
0x4d: {  	s31 =	simm.s32 $0x2A00  }
0x4e: {  	[tilespmem:s31], [sflag:$0x1] =	stream.indirect_vreg.gather [hbm4b:s4+s3], $0x80, v3, vm0, $0xb8;
	[tilespmem:$0x10200] =	vst v63  }
0x4f: {  	s1 =	simm.s32 $0x3200  }
0x50: {  	[tilespmem:s1], [sflag:$0x1] =	stream.indirect_vreg.gather [hbm4b:s5+s3], $0x80, v3, vm0, $0xb8;
	[tilespmem:$0x10200] =	vst v63  }
0x51: {  	s10 =	simm.s32 $0x3A00  }
0x52: {  	[tilespmem:s10], [sflag:$0x1] =	stream.indirect_vreg.gather [hbm4b:s6+s3], $0x80, v3, vm0, $0xb8;
	[tilespmem:$0x10200] =	vst v63  }
0x53: {  	s11 =	simm.s32 $0x80;
	s9 =	rddreg [dreg:$0x4]  }
0x54: {  	[tilespmem:s11], [sflag:$0x5] =	stream.linear.gather [hbm4b:s9+s3], $0x10, $0x38;
	[tilespmem:$0x10200] =	vst v63  }
0x55: {  	_ =	swait.ge [sflag:s8], $0x10  }
0x56: {  	[sflag:s8] =	ssyncset.done $0x0  }
0x57: {  	[sflag:s8] =	ssyncadd.s32 $0xFFFFFFF0  }
0x58: {  	v3 =	vld [tilespmem:$0x80];
	_ =	sdelay $0x4  }
0x59: {  	v45 =	vshll.u32 v3, $0x3  }
0x5a: {  	v3 =	vand.u32 $0x7, v3;
	v4 =	vand.u32 $0xFFFFFFC0, v45  }
0x5b: {  	v3 =	vor.u32 v3, v4  }
0x5c: {  	v4 =	vperm.xlane v3, v0;
	_ =	sdelay $0x1  }
0x5d: {  	v4 =	vadd.s32 v1, v4;
	_ =	sdelay $0x4  }
0x5e: {  	[tilespmem:s18], [sflag:$0x2] =	stream.indirect_vreg.gather [hbm4b:s2+s3], $0x80, v4, vm0, $0xb8;
	[tilespmem:$0x10200] =	vst v63  }
0x5f: {  	s12 =	simm.s32 $0x4A00;
	v3 =	vperm.xlane v3, v2  }
0x60: {  	[tilespmem:s12], [sflag:$0x2] =	stream.indirect_vreg.gather [hbm4b:s4+s3], $0x80, v4, vm0, $0xb8;
	[tilespmem:$0x10200] =	vst v63  }
0x61: {  	s14 =	simm.s32 $0x5200;
	v3 =	vadd.s32 v1, v3  }
0x62: {  	[tilespmem:s14], [sflag:$0x2] =	stream.indirect_vreg.gather [hbm4b:s5+s3], $0x80, v4, vm0, $0xb8;
	[tilespmem:$0x10200] =	vst v63  }
0x63: {  	s20 =	simm.s32 $0x5A00  }
0x64: {  	[tilespmem:s20], [sflag:$0x2] =	stream.indirect_vreg.gather [hbm4b:s6+s3], $0x80, v4, vm0, $0xb8;
	[tilespmem:$0x10200] =	vst v63  }
0x65: {  	s26 =	simm.s32 $0x6200  }
0x66: {  	[tilespmem:s26], [sflag:$0x2] =	stream.indirect_vreg.gather [hbm4b:s2+s3], $0x80, v3, vm0, $0xb8;
	[tilespmem:$0x10200] =	vst v63  }
0x67: {  	s1 =	simm.s32 $0x6A00  }
0x68: {  	[tilespmem:s1], [sflag:$0x2] =	stream.indirect_vreg.gather [hbm4b:s4+s3], $0x80, v3, vm0, $0xb8;
	[tilespmem:$0x10200] =	vst v63  }
0x69: {  	s9 =	simm.s32 $0x7200  }
0x6a: {  	[tilespmem:s9], [sflag:$0x2] =	stream.indirect_vreg.gather [hbm4b:s5+s3], $0x80, v3, vm0, $0xb8;
	[tilespmem:$0x10200] =	vst v63  }
0x6b: {  	s14 =	simm.s32 $0x7A00  }
0x6c: {  	[tilespmem:s14], [sflag:$0x2] =	stream.indirect_vreg.gather [hbm4b:s6+s3], $0x80, v3, vm0, $0xb8;
	[tilespmem:$0x10200] =	vst v63  }
0x6d: {  	s12 =	rddreg [dreg:$0x5];
	s9 =	simm.s32 $0x100  }
0x6e: {  	[tilespmem:s9], [sflag:$0x5] =	stream.linear.gather [hbm4b:s12+s3], $0x10, $0x38;
	[tilespmem:$0x10200] =	vst v63  }
0x6f: {  	_ =	swait.ge [sflag:s8], $0x10  }
0x70: {  	[sflag:s8] =	ssyncset.done $0x0  }
0x71: {  	[sflag:s8] =	ssyncadd.s32 $0xFFFFFFF0  }
0x72: {  	v3 =	vld [tilespmem:$0x100];
	_ =	sdelay $0x4  }
0x73: {  	v46 =	vshll.u32 v3, $0x3  }
0x74: {  	v3 =	vand.u32 $0x7, v3;
	v4 =	vand.u32 $0xFFFFFFC0, v46  }
0x75: {  	v3 =	vor.u32 v3, v4  }
0x76: {  	v4 =	vperm.xlane v3, v0;
	_ =	sdelay $0x1  }
0x77: {  	v4 =	vadd.s32 v1, v4;
	_ =	sdelay $0x4  }
0x78: {  	[tilespmem:s28], [sflag:$0x3] =	stream.indirect_vreg.gather [hbm4b:s2+s3], $0x80, v4, vm0, $0xb8;
	[tilespmem:$0x10200] =	vst v63  }
0x79: {  	s12 =	simm.s32 $0x8A00;
	v3 =	vperm.xlane v3, v2  }
0x7a: {  	[tilespmem:s12], [sflag:$0x3] =	stream.indirect_vreg.gather [hbm4b:s4+s3], $0x80, v4, vm0, $0xb8;
	[tilespmem:$0x10200] =	vst v63  }
0x7b: {  	s26 =	simm.s32 $0x9200;
	v3 =	vadd.s32 v1, v3  }
0x7c: {  	[tilespmem:s26], [sflag:$0x3] =	stream.indirect_vreg.gather [hbm4b:s5+s3], $0x80, v4, vm0, $0xb8;
	[tilespmem:$0x10200] =	vst v63  }
0x7d: {  	s12 =	simm.s32 $0x9A00  }
0x7e: {  	[tilespmem:s12], [sflag:$0x3] =	stream.indirect_vreg.gather [hbm4b:s6+s3], $0x80, v4, vm0, $0xb8;
	[tilespmem:$0x10200] =	vst v63  }
0x7f: {  	s26 =	simm.s32 $0xA200  }
0x80: {  	[tilespmem:s26], [sflag:$0x3] =	stream.indirect_vreg.gather [hbm4b:s2+s3], $0x80, v3, vm0, $0xb8;
	[tilespmem:$0x10200] =	vst v63  }
0x81: {  	s12 =	simm.s32 $0xAA00  }
0x82: {  	[tilespmem:s12], [sflag:$0x3] =	stream.indirect_vreg.gather [hbm4b:s4+s3], $0x80, v3, vm0, $0xb8;
	[tilespmem:$0x10200] =	vst v63  }
0x83: {  	s26 =	simm.s32 $0xB200  }
0x84: {  	[tilespmem:s26], [sflag:$0x3] =	stream.indirect_vreg.gather [hbm4b:s5+s3], $0x80, v3, vm0, $0xb8;
	[tilespmem:$0x10200] =	vst v63  }
0x85: {  	s12 =	simm.s32 $0xBA00  }
0x86: {  	[tilespmem:s12], [sflag:$0x3] =	stream.indirect_vreg.gather [hbm4b:s6+s3], $0x80, v3, vm0, $0xb8;
	[tilespmem:$0x10200] =	vst v63  }
0x87: {  	s26 =	rddreg [dreg:$0x6];
	s12 =	simm.s32 $0x180  }
0x88: {  	[tilespmem:s12], [sflag:$0x5] =	stream.linear.gather [hbm4b:s26+s3], $0x10, $0x38;
	[tilespmem:$0x10200] =	vst v63  }
0x89: {  	_ =	swait.ge [sflag:s8], $0x10  }
0x8a: {  	[sflag:s8] =	ssyncset.done $0x0  }
0x8b: {  	[sflag:s8] =	ssyncadd.s32 $0xFFFFFFF0  }
0x8c: {  	v3 =	vld [tilespmem:$0x180];
	_ =	sdelay $0x4  }
0x8d: {  	v47 =	vshll.u32 v3, $0x3  }
0x8e: {  	v3 =	vand.u32 $0x7, v3;
	v4 =	vand.u32 $0xFFFFFFC0, v47  }
0x8f: {  	v3 =	vor.u32 v3, v4  }
0x90: {  	v4 =	vperm.xlane v3, v0;
	_ =	sdelay $0x1  }
0x91: {  	v4 =	vadd.s32 v1, v4;
	_ =	sdelay $0x4  }
0x92: {  	[tilespmem:s13], [sflag:$0x4] =	stream.indirect_vreg.gather [hbm4b:s2+s3], $0x80, v4, vm0, $0xb8;
	[tilespmem:$0x10200] =	vst v63  }
0x93: {  	s26 =	simm.s32 $0xCA00;
	v3 =	vperm.xlane v3, v2  }
0x94: {  	[tilespmem:s26], [sflag:$0x4] =	stream.indirect_vreg.gather [hbm4b:s4+s3], $0x80, v4, vm0, $0xb8;
	[tilespmem:$0x10200] =	vst v63  }
0x95: {  	s0 =	simm.s32 $0xD200;
	v3 =	vadd.s32 v1, v3  }
0x96: {  	[tilespmem:s0], [sflag:$0x4] =	stream.indirect_vreg.gather [hbm4b:s5+s3], $0x80, v4, vm0, $0xb8;
	[tilespmem:$0x10200] =	vst v63  }
0x97: {  	s12 =	simm.s32 $0xDA00  }
0x98: {  	[tilespmem:s12], [sflag:$0x4] =	stream.indirect_vreg.gather [hbm4b:s6+s3], $0x80, v4, vm0, $0xb8;
	[tilespmem:$0x10200] =	vst v63  }
0x99: {  	s0 =	simm.s32 $0xE200  }
0x9a: {  	[tilespmem:s0], [sflag:$0x4] =	stream.indirect_vreg.gather [hbm4b:s2+s3], $0x80, v3, vm0, $0xb8;
	[tilespmem:$0x10200] =	vst v63  }
0x9b: {  	s12 =	simm.s32 $0xEA00  }
0x9c: {  	[tilespmem:s12], [sflag:$0x4] =	stream.indirect_vreg.gather [hbm4b:s4+s3], $0x80, v3, vm0, $0xb8;
	[tilespmem:$0x10200] =	vst v63  }
0x9d: {  	s0 =	simm.s32 $0xF200  }
0x9e: {  	[tilespmem:s0], [sflag:$0x4] =	stream.indirect_vreg.gather [hbm4b:s5+s3], $0x80, v3, vm0, $0xb8;
	[tilespmem:$0x10200] =	vst v63  }
0x9f: {  	s12 =	simm.s32 $0xFA00  }
0xa0: {  	[tilespmem:s12], [sflag:$0x4] =	stream.indirect_vreg.gather [hbm4b:s6+s3], $0x80, v3, vm0, $0xb8;
	[tilespmem:$0x10200] =	vst v63  }
0xa1: {  	_ =	swait.ge [sflag:s22], $0x4000  }
0xa2: {  	[sflag:s22] =	ssyncset.done $0x0  }
0xa3: {  	s0 =	rddreg [dreg:$0x7];
	[sflag:s22] =	ssyncadd.s32 $0xFFFFC000  }
0xa4: {  	[hbm4b:s0+s3] =	stream.linear.scatter [tilespmem:s16], [sflag:$0x5], $0x4000, $0x38;
	[tilespmem:$0x10200] =	vst v63  }
0xa5: {  	_ =	swait.ge [sflag:s8], $0x4000  }
0xa6: {  	[sflag:s8] =	ssyncset.done $0x0  }
0xa7: {  	s12 =	rddreg [dreg:$0x8];
	[sflag:s8] =	ssyncadd.s32 $0xFFFFC000  }
0xa8: {  	[tilespmem:s3], [sflag:$0x5] =	stream.linear.gather [hbm4b:s12+s3], $0x10, $0x38;
	[tilespmem:$0x10200] =	vst v63  }
0xa9: {  	_ =	swait.ge [sflag:s8], $0x10  }
0xaa: {  	[sflag:s8] =	ssyncset.done $0x0  }
0xab: {  	[sflag:s8] =	ssyncadd.s32 $0xFFFFFFF0  }
0xac: {  	v3 =	vld [tilespmem:$0x0];
	_ =	sdelay $0x4  }
0xad: {  	v48 =	vshll.u32 v3, $0x3  }
0xae: {  	v3 =	vand.u32 $0x7, v3;
	v4 =	vand.u32 $0xFFFFFFC0, v48  }
0xaf: {  	v3 =	vor.u32 v3, v4  }
0xb0: {  	v4 =	vperm.xlane v3, v0;
	_ =	sdelay $0x1  }
0xb1: {  	v4 =	vadd.s32 v1, v4;
	_ =	sdelay $0x4  }
0xb2: {  	[tilespmem:s16], [sflag:$0x1] =	stream.indirect_vreg.gather [hbm4b:s2+s3], $0x80, v4, vm0, $0xb8;
	[tilespmem:$0x10200] =	vst v63  }
0xb3: {  	s29 =	simm.s32 $0xA00;
	v3 =	vperm.xlane v3, v2  }
0xb4: {  	[tilespmem:s29], [sflag:$0x1] =	stream.indirect_vreg.gather [hbm4b:s4+s3], $0x80, v4, vm0, $0xb8;
	[tilespmem:$0x10200] =	vst v63  }
0xb5: {  	s17 =	simm.s32 $0x1200;
	v3 =	vadd.s32 v1, v3  }
0xb6: {  	[tilespmem:s17], [sflag:$0x1] =	stream.indirect_vreg.gather [hbm4b:s5+s3], $0x80, v4, vm0, $0xb8;
	[tilespmem:$0x10200] =	vst v63  }
0xb7: {  	s19 =	simm.s32 $0x1A00  }
0xb8: {  	[tilespmem:s19], [sflag:$0x1] =	stream.indirect_vreg.gather [hbm4b:s6+s3], $0x80, v4, vm0, $0xb8;
	[tilespmem:$0x10200] =	vst v63  }
0xb9: {  	s21 =	simm.s32 $0x2200  }
0xba: {  	[tilespmem:s21], [sflag:$0x1] =	stream.indirect_vreg.gather [hbm4b:s2+s3], $0x80, v3, vm0, $0xb8;
	[tilespmem:$0x10200] =	vst v63  }
0xbb: {  	s31 =	simm.s32 $0x2A00  }
0xbc: {  	[tilespmem:s31], [sflag:$0x1] =	stream.indirect_vreg.gather [hbm4b:s4+s3], $0x80, v3, vm0, $0xb8;
	[tilespmem:$0x10200] =	vst v63  }
0xbd: {  	s30 =	simm.s32 $0x3200  }
0xbe: {  	[tilespmem:s30], [sflag:$0x1] =	stream.indirect_vreg.gather [hbm4b:s5+s3], $0x80, v3, vm0, $0xb8;
	[tilespmem:$0x10200] =	vst v63  }
0xbf: {  	s15 =	simm.s32 $0x3A00  }
0xc0: {  	[tilespmem:s15], [sflag:$0x1] =	stream.indirect_vreg.gather [hbm4b:s6+s3], $0x80, v3, vm0, $0xb8;
	[tilespmem:$0x10200] =	vst v63  }
0xc1: {  	_ =	swait.ge [sflag:s23], $0x4000  }
0xc2: {  	[sflag:s23] =	ssyncset.done $0x0  }
0xc3: {  	s31 =	rddreg [dreg:$0x9];
	[sflag:s23] =	ssyncadd.s32 $0xFFFFC000  }
0xc4: {  	[hbm4b:s31+s3] =	stream.linear.scatter [tilespmem:s18], [sflag:$0x5], $0x4000, $0x38;
	[tilespmem:$0x10200] =	vst v63  }
0xc5: {  	_ =	swait.ge [sflag:s8], $0x4000  }
0xc6: {  	[sflag:s8] =	ssyncset.done $0x0  }
0xc7: {  	s31 =	simm.s32 $0x80;
	s0 =	rddreg [dreg:$0xa];
	[sflag:s8] =	ssyncadd.s32 $0xFFFFC000  }
0xc8: {  	[tilespmem:s31], [sflag:$0x5] =	stream.linear.gather [hbm4b:s0+s3], $0x10, $0x38;
	[tilespmem:$0x10200] =	vst v63  }
0xc9: {  	_ =	swait.ge [sflag:s8], $0x10  }
0xca: {  	[sflag:s8] =	ssyncset.done $0x0  }
0xcb: {  	[sflag:s8] =	ssyncadd.s32 $0xFFFFFFF0  }
0xcc: {  	v3 =	vld [tilespmem:$0x80];
	_ =	sdelay $0x4  }
0xcd: {  	v49 =	vshll.u32 v3, $0x3  }
0xce: {  	v3 =	vand.u32 $0x7, v3;
	v4 =	vand.u32 $0xFFFFFFC0, v49  }
0xcf: {  	v3 =	vor.u32 v3, v4  }
0xd0: {  	v4 =	vperm.xlane v3, v0;
	_ =	sdelay $0x1  }
0xd1: {  	v4 =	vadd.s32 v1, v4;
	_ =	sdelay $0x4  }
0xd2: {  	[tilespmem:s18], [sflag:$0x2] =	stream.indirect_vreg.gather [hbm4b:s2+s3], $0x80, v4, vm0, $0xb8;
	[tilespmem:$0x10200] =	vst v63  }
0xd3: {  	s17 =	simm.s32 $0x4A00;
	v3 =	vperm.xlane v3, v2  }
0xd4: {  	[tilespmem:s17], [sflag:$0x2] =	stream.indirect_vreg.gather [hbm4b:s4+s3], $0x80, v4, vm0, $0xb8;
	[tilespmem:$0x10200] =	vst v63  }
0xd5: {  	s10 =	simm.s32 $0x5200;
	v3 =	vadd.s32 v1, v3  }
0xd6: {  	[tilespmem:s10], [sflag:$0x2] =	stream.indirect_vreg.gather [hbm4b:s5+s3], $0x80, v4, vm0, $0xb8;
	[tilespmem:$0x10200] =	vst v63  }
0xd7: {  	s11 =	simm.s32 $0x5A00  }
0xd8: {  	[tilespmem:s11], [sflag:$0x2] =	stream.indirect_vreg.gather [hbm4b:s6+s3], $0x80, v4, vm0, $0xb8;
	[tilespmem:$0x10200] =	vst v63  }
0xd9: {  	s20 =	simm.s32 $0x6200  }
0xda: {  	[tilespmem:s20], [sflag:$0x2] =	stream.indirect_vreg.gather [hbm4b:s2+s3], $0x80, v3, vm0, $0xb8;
	[tilespmem:$0x10200] =	vst v63  }
0xdb: {  	s1 =	simm.s32 $0x6A00  }
0xdc: {  	[tilespmem:s1], [sflag:$0x2] =	stream.indirect_vreg.gather [hbm4b:s4+s3], $0x80, v3, vm0, $0xb8;
	[tilespmem:$0x10200] =	vst v63  }
0xdd: {  	s19 =	simm.s32 $0x7200  }
0xde: {  	[tilespmem:s19], [sflag:$0x2] =	stream.indirect_vreg.gather [hbm4b:s5+s3], $0x80, v3, vm0, $0xb8;
	[tilespmem:$0x10200] =	vst v63  }
0xdf: {  	s21 =	simm.s32 $0x7A00  }
0xe0: {  	[tilespmem:s21], [sflag:$0x2] =	stream.indirect_vreg.gather [hbm4b:s6+s3], $0x80, v3, vm0, $0xb8;
	[tilespmem:$0x10200] =	vst v63  }
0xe1: {  	_ =	swait.ge [sflag:s24], $0x4000  }
0xe2: {  	[sflag:s24] =	ssyncset.done $0x0  }
0xe3: {  	s11 =	rddreg [dreg:$0xb];
	[sflag:s24] =	ssyncadd.s32 $0xFFFFC000  }
0xe4: {  	[hbm4b:s11+s3] =	stream.linear.scatter [tilespmem:s28], [sflag:$0x5], $0x4000, $0x38;
	[tilespmem:$0x10200] =	vst v63  }
0xe5: {  	_ =	swait.ge [sflag:s8], $0x4000  }
0xe6: {  	[sflag:s8] =	ssyncset.done $0x0  }
0xe7: {  	s14 =	simm.s32 $0x100;
	s12 =	rddreg [dreg:$0xc];
	[sflag:s8] =	ssyncadd.s32 $0xFFFFC000  }
0xe8: {  	[tilespmem:s14], [sflag:$0x5] =	stream.linear.gather [hbm4b:s12+s3], $0x10, $0x38;
	[tilespmem:$0x10200] =	vst v63  }
0xe9: {  	_ =	swait.ge [sflag:s8], $0x10  }
0xea: {  	[sflag:s8] =	ssyncset.done $0x0  }
0xeb: {  	[sflag:s8] =	ssyncadd.s32 $0xFFFFFFF0  }
0xec: {  	v3 =	vld [tilespmem:$0x100];
	_ =	sdelay $0x4  }
0xed: {  	v50 =	vshll.u32 v3, $0x3  }
0xee: {  	v3 =	vand.u32 $0x7, v3;
	v4 =	vand.u32 $0xFFFFFFC0, v50  }
0xef: {  	v3 =	vor.u32 v3, v4  }
0xf0: {  	v4 =	vperm.xlane v3, v0;
	_ =	sdelay $0x1  }
0xf1: {  	v4 =	vadd.s32 v1, v4;
	_ =	sdelay $0x4  }
0xf2: {  	[tilespmem:s28], [sflag:$0x3] =	stream.indirect_vreg.gather [hbm4b:s2+s3], $0x80, v4, vm0, $0xb8;
	[tilespmem:$0x10200] =	vst v63  }
0xf3: {  	s9 =	simm.s32 $0x8A00;
	v3 =	vperm.xlane v3, v2  }
0xf4: {  	[tilespmem:s9], [sflag:$0x3] =	stream.indirect_vreg.gather [hbm4b:s4+s3], $0x80, v4, vm0, $0xb8;
	[tilespmem:$0x10200] =	vst v63  }
0xf5: {  	s1 =	simm.s32 $0x9200;
	v3 =	vadd.s32 v1, v3  }
0xf6: {  	[tilespmem:s1], [sflag:$0x3] =	stream.indirect_vreg.gather [hbm4b:s5+s3], $0x80, v4, vm0, $0xb8;
	[tilespmem:$0x10200] =	vst v63  }
0xf7: {  	s9 =	simm.s32 $0x9A00  }
0xf8: {  	[tilespmem:s9], [sflag:$0x3] =	stream.indirect_vreg.gather [hbm4b:s6+s3], $0x80, v4, vm0, $0xb8;
	[tilespmem:$0x10200] =	vst v63  }
0xf9: {  	s10 =	simm.s32 $0xA200  }
0xfa: {  	[tilespmem:s10], [sflag:$0x3] =	stream.indirect_vreg.gather [hbm4b:s2+s3], $0x80, v3, vm0, $0xb8;
	[tilespmem:$0x10200] =	vst v63  }
0xfb: {  	s11 =	simm.s32 $0xAA00  }
0xfc: {  	[tilespmem:s11], [sflag:$0x3] =	stream.indirect_vreg.gather [hbm4b:s4+s3], $0x80, v3, vm0, $0xb8;
	[tilespmem:$0x10200] =	vst v63  }
0xfd: {  	s12 =	simm.s32 $0xB200  }
0xfe: {  	[tilespmem:s12], [sflag:$0x3] =	stream.indirect_vreg.gather [hbm4b:s5+s3], $0x80, v3, vm0, $0xb8;
	[tilespmem:$0x10200] =	vst v63  }
0xff: {  	s20 =	simm.s32 $0xBA00  }
0x100: {  	[tilespmem:s20], [sflag:$0x3] =	stream.indirect_vreg.gather [hbm4b:s6+s3], $0x80, v3, vm0, $0xb8;
	[tilespmem:$0x10200] =	vst v63  }
0x101: {  	_ =	swait.ge [sflag:s25], $0x4000  }
0x102: {  	[sflag:s25] =	ssyncset.done $0x0  }
0x103: {  	s15 =	rddreg [dreg:$0xd];
	[sflag:s25] =	ssyncadd.s32 $0xFFFFC000  }
0x104: {  	[hbm4b:s15+s3] =	stream.linear.scatter [tilespmem:s13], [sflag:$0x5], $0x4000, $0x38;
	[tilespmem:$0x10200] =	vst v63  }
0x105: {  	_ =	swait.ge [sflag:s8], $0x4000  }
0x106: {  	[sflag:s8] =	ssyncset.done $0x0  }
0x107: {  	s0 =	simm.s32 $0x180;
	s29 =	rddreg [dreg:$0xe];
	[sflag:s8] =	ssyncadd.s32 $0xFFFFC000  }
0x108: {  	[tilespmem:s0], [sflag:$0x5] =	stream.linear.gather [hbm4b:s29+s3], $0x10, $0x38;
	[tilespmem:$0x10200] =	vst v63  }
0x109: {  	_ =	swait.ge [sflag:s8], $0x10  }
0x10a: {  	[sflag:s8] =	ssyncset.done $0x0  }
0x10b: {  	[sflag:s8] =	ssyncadd.s32 $0xFFFFFFF0  }
0x10c: {  	v3 =	vld [tilespmem:$0x180];
	_ =	sdelay $0x4  }
0x10d: {  	v51 =	vshll.u32 v3, $0x3  }
0x10e: {  	v3 =	vand.u32 $0x7, v3;
	v4 =	vand.u32 $0xFFFFFFC0, v51  }
0x10f: {  	v3 =	vor.u32 v3, v4  }
0x110: {  	v4 =	vperm.xlane v3, v0;
	_ =	sdelay $0x1  }
0x111: {  	v4 =	vadd.s32 v1, v4;
	_ =	sdelay $0x4  }
0x112: {  	[tilespmem:s13], [sflag:$0x4] =	stream.indirect_vreg.gather [hbm4b:s2+s3], $0x80, v4, vm0, $0xb8;
	[tilespmem:$0x10200] =	vst v63  }
0x113: {  	s30 =	simm.s32 $0xCA00;
	v3 =	vperm.xlane v3, v2  }
0x114: {  	[tilespmem:s30], [sflag:$0x4] =	stream.indirect_vreg.gather [hbm4b:s4+s3], $0x80, v4, vm0, $0xb8;
	[tilespmem:$0x10200] =	vst v63  }
0x115: {  	s15 =	simm.s32 $0xD200;
	v3 =	vadd.s32 v1, v3  }
0x116: {  	[tilespmem:s15], [sflag:$0x4] =	stream.indirect_vreg.gather [hbm4b:s5+s3], $0x80, v4, vm0, $0xb8;
	[tilespmem:$0x10200] =	vst v63  }
0x117: {  	s26 =	simm.s32 $0xDA00  }
0x118: {  	[tilespmem:s26], [sflag:$0x4] =	stream.indirect_vreg.gather [hbm4b:s6+s3], $0x80, v4, vm0, $0xb8;
	[tilespmem:$0x10200] =	vst v63  }
0x119: {  	s29 =	simm.s32 $0xE200  }
0x11a: {  	[tilespmem:s29], [sflag:$0x4] =	stream.indirect_vreg.gather [hbm4b:s2+s3], $0x80, v3, vm0, $0xb8;
	[tilespmem:$0x10200] =	vst v63  }
0x11b: {  	s30 =	simm.s32 $0xEA00  }
0x11c: {  	[tilespmem:s30], [sflag:$0x4] =	stream.indirect_vreg.gather [hbm4b:s4+s3], $0x80, v3, vm0, $0xb8;
	[tilespmem:$0x10200] =	vst v63  }
0x11d: {  	s26 =	simm.s32 $0xF200  }
0x11e: {  	[tilespmem:s26], [sflag:$0x4] =	stream.indirect_vreg.gather [hbm4b:s5+s3], $0x80, v3, vm0, $0xb8;
	[tilespmem:$0x10200] =	vst v63  }
0x11f: {  	s26 =	simm.s32 $0xFA00  }
0x120: {  	[tilespmem:s26], [sflag:$0x4] =	stream.indirect_vreg.gather [hbm4b:s6+s3], $0x80, v3, vm0, $0xb8;
	[tilespmem:$0x10200] =	vst v63  }
0x121: {  	_ =	swait.ge [sflag:s22], $0x4000  }
0x122: {  	[sflag:s22] =	ssyncset.done $0x0  }
0x123: {  	s26 =	rddreg [dreg:$0xf];
	[sflag:s22] =	ssyncadd.s32 $0xFFFFC000  }
0x124: {  	[hbm4b:s26+s3] =	stream.linear.scatter [tilespmem:s16], [sflag:$0x5], $0x4000, $0x38;
	[tilespmem:$0x10200] =	vst v63  }
0x125: {  	_ =	swait.ge [sflag:s8], $0x4000  }
0x126: {  	[sflag:s8] =	ssyncset.done $0x0  }
0x127: {  	s26 =	rddreg [dreg:$0x10];
	[sflag:s8] =	ssyncadd.s32 $0xFFFFC000  }
0x128: {  	[tilespmem:s3], [sflag:$0x5] =	stream.linear.gather [hbm4b:s26+s3], $0x10, $0x38;
	[tilespmem:$0x10200] =	vst v63  }
0x129: {  	_ =	swait.ge [sflag:s8], $0x10  }
0x12a: {  	[sflag:s8] =	ssyncset.done $0x0  }
0x12b: {  	[sflag:s8] =	ssyncadd.s32 $0xFFFFFFF0  }
0x12c: {  	v3 =	vld [tilespmem:$0x0];
	_ =	sdelay $0x4  }
0x12d: {  	v52 =	vshll.u32 v3, $0x3  }
0x12e: {  	v3 =	vand.u32 $0x7, v3;
	v4 =	vand.u32 $0xFFFFFFC0, v52  }
0x12f: {  	v3 =	vor.u32 v3, v4  }
0x130: {  	v4 =	vperm.xlane v3, v0;
	_ =	sdelay $0x1  }
0x131: {  	v4 =	vadd.s32 v1, v4;
	_ =	sdelay $0x4  }
0x132: {  	[tilespmem:s16], [sflag:$0x1] =	stream.indirect_vreg.gather [hbm4b:s2+s3], $0x80, v4, vm0, $0xb8;
	[tilespmem:$0x10200] =	vst v63  }
0x133: {  	s26 =	simm.s32 $0xA00;
	v3 =	vperm.xlane v3, v2  }
0x134: {  	[tilespmem:s26], [sflag:$0x1] =	stream.indirect_vreg.gather [hbm4b:s4+s3], $0x80, v4, vm0, $0xb8;
	[tilespmem:$0x10200] =	vst v63  }
0x135: {  	v3 =	vadd.s32 v1, v3;
	s26 =	simm.s32 $0x1200  }
0x136: {  	[tilespmem:s26], [sflag:$0x1] =	stream.indirect_vreg.gather [hbm4b:s5+s3], $0x80, v4, vm0, $0xb8;
	[tilespmem:$0x10200] =	vst v63  }
0x137: {  	s26 =	simm.s32 $0x1A00  }
0x138: {  	[tilespmem:s26], [sflag:$0x1] =	stream.indirect_vreg.gather [hbm4b:s6+s3], $0x80, v4, vm0, $0xb8;
	[tilespmem:$0x10200] =	vst v63  }
0x139: {  	s26 =	simm.s32 $0x2200  }
0x13a: {  	[tilespmem:s26], [sflag:$0x1] =	stream.indirect_vreg.gather [hbm4b:s2+s3], $0x80, v3, vm0, $0xb8;
	[tilespmem:$0x10200] =	vst v63  }
0x13b: {  	s26 =	simm.s32 $0x2A00  }
0x13c: {  	[tilespmem:s26], [sflag:$0x1] =	stream.indirect_vreg.gather [hbm4b:s4+s3], $0x80, v3, vm0, $0xb8;
	[tilespmem:$0x10200] =	vst v63  }
0x13d: {  	s26 =	simm.s32 $0x3200  }
0x13e: {  	[tilespmem:s26], [sflag:$0x1] =	stream.indirect_vreg.gather [hbm4b:s5+s3], $0x80, v3, vm0, $0xb8;
	[tilespmem:$0x10200] =	vst v63  }
0x13f: {  	s26 =	simm.s32 $0x3A00  }
0x140: {  	[tilespmem:s26], [sflag:$0x1] =	stream.indirect_vreg.gather [hbm4b:s6+s3], $0x80, v3, vm0, $0xb8;
	[tilespmem:$0x10200] =	vst v63  }
0x141: {  	_ =	swait.ge [sflag:s23], $0x4000  }
0x142: {  	[sflag:s23] =	ssyncset.done $0x0  }
0x143: {  	s26 =	rddreg [dreg:$0x11];
	[sflag:s23] =	ssyncadd.s32 $0xFFFFC000  }
0x144: {  	[hbm4b:s26+s3] =	stream.linear.scatter [tilespmem:s18], [sflag:$0x5], $0x4000, $0x38;
	[tilespmem:$0x10200] =	vst v63  }
0x145: {  	_ =	swait.ge [sflag:s8], $0x4000  }
0x146: {  	[sflag:s8] =	ssyncset.done $0x0  }
0x147: {  	s26 =	rddreg [dreg:$0x12];
	[sflag:s8] =	ssyncadd.s32 $0xFFFFC000  }
0x148: {  	[tilespmem:s31], [sflag:$0x5] =	stream.linear.gather [hbm4b:s26+s3], $0x10, $0x38;
	[tilespmem:$0x10200] =	vst v63  }
0x149: {  	_ =	swait.ge [sflag:s8], $0x10  }
0x14a: {  	[sflag:s8] =	ssyncset.done $0x0  }
0x14b: {  	[sflag:s8] =	ssyncadd.s32 $0xFFFFFFF0  }
0x14c: {  	v3 =	vld [tilespmem:$0x80];
	_ =	sdelay $0x4  }
0x14d: {  	v53 =	vshll.u32 v3, $0x3  }
0x14e: {  	v3 =	vand.u32 $0x7, v3;
	v4 =	vand.u32 $0xFFFFFFC0, v53  }
0x14f: {  	v3 =	vor.u32 v3, v4  }
0x150: {  	v4 =	vperm.xlane v3, v0;
	_ =	sdelay $0x1  }
0x151: {  	v4 =	vadd.s32 v1, v4;
	_ =	sdelay $0x4  }
0x152: {  	[tilespmem:s18], [sflag:$0x2] =	stream.indirect_vreg.gather [hbm4b:s2+s3], $0x80, v4, vm0, $0xb8;
	[tilespmem:$0x10200] =	vst v63  }
0x153: {  	v3 =	vperm.xlane v3, v2  }
0x154: {  	[tilespmem:s17], [sflag:$0x2] =	stream.indirect_vreg.gather [hbm4b:s4+s3], $0x80, v4, vm0, $0xb8;
	[tilespmem:$0x10200] =	vst v63  }
0x155: {  	s26 =	simm.s32 $0x5200;
	v3 =	vadd.s32 v1, v3  }
0x156: {  	[tilespmem:s26], [sflag:$0x2] =	stream.indirect_vreg.gather [hbm4b:s5+s3], $0x80, v4, vm0, $0xb8;
	[tilespmem:$0x10200] =	vst v63  }
0x157: {  	s26 =	simm.s32 $0x5A00  }
0x158: {  	[tilespmem:s26], [sflag:$0x2] =	stream.indirect_vreg.gather [hbm4b:s6+s3], $0x80, v4, vm0, $0xb8;
	[tilespmem:$0x10200] =	vst v63  }
0x159: {  	s26 =	simm.s32 $0x6200  }
0x15a: {  	[tilespmem:s26], [sflag:$0x2] =	stream.indirect_vreg.gather [hbm4b:s2+s3], $0x80, v3, vm0, $0xb8;
	[tilespmem:$0x10200] =	vst v63  }
0x15b: {  	s26 =	simm.s32 $0x6A00  }
0x15c: {  	[tilespmem:s26], [sflag:$0x2] =	stream.indirect_vreg.gather [hbm4b:s4+s3], $0x80, v3, vm0, $0xb8;
	[tilespmem:$0x10200] =	vst v63  }
0x15d: {  	_ = 	snop  }
0x15e: {  	[tilespmem:s19], [sflag:$0x2] =	stream.indirect_vreg.gather [hbm4b:s5+s3], $0x80, v3, vm0, $0xb8;
	[tilespmem:$0x10200] =	vst v63  }
0x15f: {  	_ = 	snop  }
0x160: {  	[tilespmem:s21], [sflag:$0x2] =	stream.indirect_vreg.gather [hbm4b:s6+s3], $0x80, v3, vm0, $0xb8;
	[tilespmem:$0x10200] =	vst v63  }
0x161: {  	_ =	swait.ge [sflag:s24], $0x4000  }
0x162: {  	[sflag:s24] =	ssyncset.done $0x0  }
0x163: {  	s19 =	rddreg [dreg:$0x13];
	[sflag:s24] =	ssyncadd.s32 $0xFFFFC000  }
0x164: {  	[hbm4b:s19+s3] =	stream.linear.scatter [tilespmem:s28], [sflag:$0x5], $0x4000, $0x38;
	[tilespmem:$0x10200] =	vst v63  }
0x165: {  	_ =	swait.ge [sflag:s8], $0x4000  }
0x166: {  	[sflag:s8] =	ssyncset.done $0x0  }
0x167: {  	s19 =	simm.s32 $0x100;
	s26 =	rddreg [dreg:$0x14];
	[sflag:s8] =	ssyncadd.s32 $0xFFFFC000  }
0x168: {  	[tilespmem:s19], [sflag:$0x5] =	stream.linear.gather [hbm4b:s26+s3], $0x10, $0x38;
	[tilespmem:$0x10200] =	vst v63  }
0x169: {  	_ =	swait.ge [sflag:s8], $0x10  }
0x16a: {  	[sflag:s8] =	ssyncset.done $0x0  }
0x16b: {  	[sflag:s8] =	ssyncadd.s32 $0xFFFFFFF0  }
0x16c: {  	v3 =	vld [tilespmem:$0x100];
	_ =	sdelay $0x4  }
0x16d: {  	v54 =	vshll.u32 v3, $0x3  }
0x16e: {  	v3 =	vand.u32 $0x7, v3;
	v4 =	vand.u32 $0xFFFFFFC0, v54  }
0x16f: {  	v3 =	vor.u32 v3, v4  }
0x170: {  	v4 =	vperm.xlane v3, v0;
	_ =	sdelay $0x1  }
0x171: {  	v4 =	vadd.s32 v1, v4;
	_ =	sdelay $0x4  }
0x172: {  	[tilespmem:s28], [sflag:$0x3] =	stream.indirect_vreg.gather [hbm4b:s2+s3], $0x80, v4, vm0, $0xb8;
	[tilespmem:$0x10200] =	vst v63  }
0x173: {  	s26 =	simm.s32 $0x8A00;
	v3 =	vperm.xlane v3, v2  }
0x174: {  	[tilespmem:s26], [sflag:$0x3] =	stream.indirect_vreg.gather [hbm4b:s4+s3], $0x80, v4, vm0, $0xb8;
	[tilespmem:$0x10200] =	vst v63  }
0x175: {  	v3 =	vadd.s32 v1, v3  }
0x176: {  	[tilespmem:s1], [sflag:$0x3] =	stream.indirect_vreg.gather [hbm4b:s5+s3], $0x80, v4, vm0, $0xb8;
	[tilespmem:$0x10200] =	vst v63  }
0x177: {  	_ = 	snop  }
0x178: {  	[tilespmem:s9], [sflag:$0x3] =	stream.indirect_vreg.gather [hbm4b:s6+s3], $0x80, v4, vm0, $0xb8;
	[tilespmem:$0x10200] =	vst v63  }
0x179: {  	_ = 	snop  }
0x17a: {  	[tilespmem:s10], [sflag:$0x3] =	stream.indirect_vreg.gather [hbm4b:s2+s3], $0x80, v3, vm0, $0xb8;
	[tilespmem:$0x10200] =	vst v63  }
0x17b: {  	_ = 	snop  }
0x17c: {  	[tilespmem:s11], [sflag:$0x3] =	stream.indirect_vreg.gather [hbm4b:s4+s3], $0x80, v3, vm0, $0xb8;
	[tilespmem:$0x10200] =	vst v63  }
0x17d: {  	_ = 	snop  }
0x17e: {  	[tilespmem:s12], [sflag:$0x3] =	stream.indirect_vreg.gather [hbm4b:s5+s3], $0x80, v3, vm0, $0xb8;
	[tilespmem:$0x10200] =	vst v63  }
0x17f: {  	_ = 	snop  }
0x180: {  	[tilespmem:s20], [sflag:$0x3] =	stream.indirect_vreg.gather [hbm4b:s6+s3], $0x80, v3, vm0, $0xb8;
	[tilespmem:$0x10200] =	vst v63  }
0x181: {  	_ =	swait.ge [sflag:s25], $0x4000  }
0x182: {  	[sflag:s25] =	ssyncset.done $0x0  }
0x183: {  	s9 =	rddreg [dreg:$0x15];
	[sflag:s25] =	ssyncadd.s32 $0xFFFFC000  }
0x184: {  	[hbm4b:s9+s3] =	stream.linear.scatter [tilespmem:s13], [sflag:$0x5], $0x4000, $0x38;
	[tilespmem:$0x10200] =	vst v63  }
0x185: {  	_ =	swait.ge [sflag:s8], $0x4000  }
0x186: {  	[sflag:s8] =	ssyncset.done $0x0  }
0x187: {  	s20 =	rddreg [dreg:$0x16];
	[sflag:s8] =	ssyncadd.s32 $0xFFFFC000  }
0x188: {  	[tilespmem:s0], [sflag:$0x5] =	stream.linear.gather [hbm4b:s20+s3], $0x10, $0x38;
	[tilespmem:$0x10200] =	vst v63  }
0x189: {  	_ =	swait.ge [sflag:s8], $0x10  }
0x18a: {  	[sflag:s8] =	ssyncset.done $0x0  }
0x18b: {  	[sflag:s8] =	ssyncadd.s32 $0xFFFFFFF0  }
0x18c: {  	v3 =	vld [tilespmem:$0x180];
	_ =	sdelay $0x4  }
0x18d: {  	v55 =	vshll.u32 v3, $0x3  }
0x18e: {  	v3 =	vand.u32 $0x7, v3;
	v4 =	vand.u32 $0xFFFFFFC0, v55  }
0x18f: {  	v3 =	vor.u32 v3, v4  }
0x190: {  	v4 =	vperm.xlane v3, v0;
	_ =	sdelay $0x1  }
0x191: {  	v4 =	vadd.s32 v1, v4;
	_ =	sdelay $0x4  }
0x192: {  	[tilespmem:s13], [sflag:$0x4] =	stream.indirect_vreg.gather [hbm4b:s2+s3], $0x80, v4, vm0, $0xb8;
	[tilespmem:$0x10200] =	vst v63  }
0x193: {  	s9 =	simm.s32 $0xCA00;
	v3 =	vperm.xlane v3, v2  }
0x194: {  	[tilespmem:s9], [sflag:$0x4] =	stream.indirect_vreg.gather [hbm4b:s4+s3], $0x80, v4, vm0, $0xb8;
	[tilespmem:$0x10200] =	vst v63  }
0x195: {  	s14 =	simm.s32 $0xD200;
	v3 =	vadd.s32 v1, v3  }
0x196: {  	[tilespmem:s14], [sflag:$0x4] =	stream.indirect_vreg.gather [hbm4b:s5+s3], $0x80, v4, vm0, $0xb8;
	[tilespmem:$0x10200] =	vst v63  }
0x197: {  	s15 =	simm.s32 $0xDA00  }
0x198: {  	[tilespmem:s15], [sflag:$0x4] =	stream.indirect_vreg.gather [hbm4b:s6+s3], $0x80, v4, vm0, $0xb8;
	[tilespmem:$0x10200] =	vst v63  }
0x199: {  	s29 =	simm.s32 $0xE200  }
0x19a: {  	[tilespmem:s29], [sflag:$0x4] =	stream.indirect_vreg.gather [hbm4b:s2+s3], $0x80, v3, vm0, $0xb8;
	[tilespmem:$0x10200] =	vst v63  }
0x19b: {  	s30 =	simm.s32 $0xEA00  }
0x19c: {  	[tilespmem:s30], [sflag:$0x4] =	stream.indirect_vreg.gather [hbm4b:s4+s3], $0x80, v3, vm0, $0xb8;
	[tilespmem:$0x10200] =	vst v63  }
0x19d: {  	s15 =	simm.s32 $0xF200  }
0x19e: {  	[tilespmem:s15], [sflag:$0x4] =	stream.indirect_vreg.gather [hbm4b:s5+s3], $0x80, v3, vm0, $0xb8;
	[tilespmem:$0x10200] =	vst v63  }
0x19f: {  	s26 =	simm.s32 $0xFA00  }
0x1a0: {  	[tilespmem:s26], [sflag:$0x4] =	stream.indirect_vreg.gather [hbm4b:s6+s3], $0x80, v3, vm0, $0xb8;
	[tilespmem:$0x10200] =	vst v63  }
0x1a1: {  	_ =	swait.ge [sflag:s22], $0x4000  }
0x1a2: {  	[sflag:s22] =	ssyncset.done $0x0  }
0x1a3: {  	s9 =	rddreg [dreg:$0x17];
	[sflag:s22] =	ssyncadd.s32 $0xFFFFC000  }
0x1a4: {  	[hbm4b:s9+s3] =	stream.linear.scatter [tilespmem:s16], [sflag:$0x5], $0x4000, $0x38;
	[tilespmem:$0x10200] =	vst v63  }
0x1a5: {  	_ =	swait.ge [sflag:s8], $0x4000  }
0x1a6: {  	[sflag:s8] =	ssyncset.done $0x0  }
0x1a7: {  	s14 =	rddreg [dreg:$0x18];
	[sflag:s8] =	ssyncadd.s32 $0xFFFFC000  }
0x1a8: {  	[tilespmem:s3], [sflag:$0x5] =	stream.linear.gather [hbm4b:s14+s3], $0x10, $0x38;
	[tilespmem:$0x10200] =	vst v63  }
0x1a9: {  	_ =	swait.ge [sflag:s8], $0x10  }
0x1aa: {  	[sflag:s8] =	ssyncset.done $0x0  }
0x1ab: {  	[sflag:s8] =	ssyncadd.s32 $0xFFFFFFF0  }
0x1ac: {  	v3 =	vld [tilespmem:$0x0];
	_ =	sdelay $0x4  }
0x1ad: {  	v56 =	vshll.u32 v3, $0x3  }
0x1ae: {  	v3 =	vand.u32 $0x7, v3;
	v4 =	vand.u32 $0xFFFFFFC0, v56  }
0x1af: {  	v3 =	vor.u32 v3, v4  }
0x1b0: {  	v4 =	vperm.xlane v3, v0;
	_ =	sdelay $0x1  }
0x1b1: {  	v4 =	vadd.s32 v1, v4;
	_ =	sdelay $0x4  }
0x1b2: {  	[tilespmem:s16], [sflag:$0x1] =	stream.indirect_vreg.gather [hbm4b:s2+s3], $0x80, v4, vm0, $0xb8;
	[tilespmem:$0x10200] =	vst v63  }
0x1b3: {  	s15 =	simm.s32 $0xA00;
	v3 =	vperm.xlane v3, v2  }
0x1b4: {  	[tilespmem:s15], [sflag:$0x1] =	stream.indirect_vreg.gather [hbm4b:s4+s3], $0x80, v4, vm0, $0xb8;
	[tilespmem:$0x10200] =	vst v63  }
0x1b5: {  	s26 =	simm.s32 $0x1200;
	v3 =	vadd.s32 v1, v3  }
0x1b6: {  	[tilespmem:s26], [sflag:$0x1] =	stream.indirect_vreg.gather [hbm4b:s5+s3], $0x80, v4, vm0, $0xb8;
	[tilespmem:$0x10200] =	vst v63  }
0x1b7: {  	s9 =	simm.s32 $0x1A00  }
0x1b8: {  	[tilespmem:s9], [sflag:$0x1] =	stream.indirect_vreg.gather [hbm4b:s6+s3], $0x80, v4, vm0, $0xb8;
	[tilespmem:$0x10200] =	vst v63  }
0x1b9: {  	s14 =	simm.s32 $0x2200  }
0x1ba: {  	[tilespmem:s14], [sflag:$0x1] =	stream.indirect_vreg.gather [hbm4b:s2+s3], $0x80, v3, vm0, $0xb8;
	[tilespmem:$0x10200] =	vst v63  }
0x1bb: {  	s15 =	simm.s32 $0x2A00  }
0x1bc: {  	[tilespmem:s15], [sflag:$0x1] =	stream.indirect_vreg.gather [hbm4b:s4+s3], $0x80, v3, vm0, $0xb8;
	[tilespmem:$0x10200] =	vst v63  }
0x1bd: {  	s26 =	simm.s32 $0x3200  }
0x1be: {  	[tilespmem:s26], [sflag:$0x1] =	stream.indirect_vreg.gather [hbm4b:s5+s3], $0x80, v3, vm0, $0xb8;
	[tilespmem:$0x10200] =	vst v63  }
0x1bf: {  	s9 =	simm.s32 $0x3A00  }
0x1c0: {  	[tilespmem:s9], [sflag:$0x1] =	stream.indirect_vreg.gather [hbm4b:s6+s3], $0x80, v3, vm0, $0xb8;
	[tilespmem:$0x10200] =	vst v63  }
0x1c1: {  	_ =	swait.ge [sflag:s23], $0x4000  }
0x1c2: {  	[sflag:s23] =	ssyncset.done $0x0  }
0x1c3: {  	s14 =	rddreg [dreg:$0x19];
	[sflag:s23] =	ssyncadd.s32 $0xFFFFC000  }
0x1c4: {  	[hbm4b:s14+s3] =	stream.linear.scatter [tilespmem:s18], [sflag:$0x5], $0x4000, $0x38;
	[tilespmem:$0x10200] =	vst v63  }
0x1c5: {  	_ =	swait.ge [sflag:s8], $0x4000  }
0x1c6: {  	[sflag:s8] =	ssyncset.done $0x0  }
0x1c7: {  	s31 =	simm.s32 $0x80;
	s15 =	rddreg [dreg:$0x1a];
	[sflag:s8] =	ssyncadd.s32 $0xFFFFC000  }
0x1c8: {  	[tilespmem:s31], [sflag:$0x5] =	stream.linear.gather [hbm4b:s15+s3], $0x10, $0x38;
	[tilespmem:$0x10200] =	vst v63  }
0x1c9: {  	_ =	swait.ge [sflag:s8], $0x10  }
0x1ca: {  	[sflag:s8] =	ssyncset.done $0x0  }
0x1cb: {  	[sflag:s8] =	ssyncadd.s32 $0xFFFFFFF0  }
0x1cc: {  	v3 =	vld [tilespmem:$0x80];
	_ =	sdelay $0x4  }
0x1cd: {  	v57 =	vshll.u32 v3, $0x3  }
0x1ce: {  	v3 =	vand.u32 $0x7, v3;
	v4 =	vand.u32 $0xFFFFFFC0, v57  }
0x1cf: {  	v3 =	vor.u32 v3, v4  }
0x1d0: {  	v4 =	vperm.xlane v3, v0;
	_ =	sdelay $0x1  }
0x1d1: {  	v4 =	vadd.s32 v1, v4;
	_ =	sdelay $0x4  }
0x1d2: {  	[tilespmem:s18], [sflag:$0x2] =	stream.indirect_vreg.gather [hbm4b:s2+s3], $0x80, v4, vm0, $0xb8;
	[tilespmem:$0x10200] =	vst v63  }
0x1d3: {  	s17 =	simm.s32 $0x4A00;
	v3 =	vperm.xlane v3, v2  }
0x1d4: {  	[tilespmem:s17], [sflag:$0x2] =	stream.indirect_vreg.gather [hbm4b:s4+s3], $0x80, v4, vm0, $0xb8;
	[tilespmem:$0x10200] =	vst v63  }
0x1d5: {  	v3 =	vadd.s32 v1, v3;
	s17 =	simm.s32 $0x5200  }
0x1d6: {  	[tilespmem:s17], [sflag:$0x2] =	stream.indirect_vreg.gather [hbm4b:s5+s3], $0x80, v4, vm0, $0xb8;
	[tilespmem:$0x10200] =	vst v63  }
0x1d7: {  	s26 =	simm.s32 $0x5A00  }
0x1d8: {  	[tilespmem:s26], [sflag:$0x2] =	stream.indirect_vreg.gather [hbm4b:s6+s3], $0x80, v4, vm0, $0xb8;
	[tilespmem:$0x10200] =	vst v63  }
0x1d9: {  	s14 =	simm.s32 $0x6200  }
0x1da: {  	[tilespmem:s14], [sflag:$0x2] =	stream.indirect_vreg.gather [hbm4b:s2+s3], $0x80, v3, vm0, $0xb8;
	[tilespmem:$0x10200] =	vst v63  }
0x1db: {  	s15 =	simm.s32 $0x6A00  }
0x1dc: {  	[tilespmem:s15], [sflag:$0x2] =	stream.indirect_vreg.gather [hbm4b:s4+s3], $0x80, v3, vm0, $0xb8;
	[tilespmem:$0x10200] =	vst v63  }
0x1dd: {  	s17 =	simm.s32 $0x7200  }
0x1de: {  	[tilespmem:s17], [sflag:$0x2] =	stream.indirect_vreg.gather [hbm4b:s5+s3], $0x80, v3, vm0, $0xb8;
	[tilespmem:$0x10200] =	vst v63  }
0x1df: {  	s21 =	simm.s32 $0x7A00  }
0x1e0: {  	[tilespmem:s21], [sflag:$0x2] =	stream.indirect_vreg.gather [hbm4b:s6+s3], $0x80, v3, vm0, $0xb8;
	[tilespmem:$0x10200] =	vst v63  }
0x1e1: {  	_ =	swait.ge [sflag:s24], $0x4000  }
0x1e2: {  	[sflag:s24] =	ssyncset.done $0x0  }
0x1e3: {  	s21 =	rddreg [dreg:$0x1b];
	[sflag:s24] =	ssyncadd.s32 $0xFFFFC000  }
0x1e4: {  	[hbm4b:s21+s3] =	stream.linear.scatter [tilespmem:s28], [sflag:$0x5], $0x4000, $0x38;
	[tilespmem:$0x10200] =	vst v63  }
0x1e5: {  	_ =	swait.ge [sflag:s8], $0x4000  }
0x1e6: {  	[sflag:s8] =	ssyncset.done $0x0  }
0x1e7: {  	s17 =	simm.s32 $0x100;
	s9 =	rddreg [dreg:$0x1c];
	[sflag:s8] =	ssyncadd.s32 $0xFFFFC000  }
0x1e8: {  	[tilespmem:s17], [sflag:$0x5] =	stream.linear.gather [hbm4b:s9+s3], $0x10, $0x38;
	[tilespmem:$0x10200] =	vst v63  }
0x1e9: {  	_ =	swait.ge [sflag:s8], $0x10  }
0x1ea: {  	[sflag:s8] =	ssyncset.done $0x0  }
0x1eb: {  	[sflag:s8] =	ssyncadd.s32 $0xFFFFFFF0  }
0x1ec: {  	v3 =	vld [tilespmem:$0x100];
	_ =	sdelay $0x4  }
0x1ed: {  	v58 =	vshll.u32 v3, $0x3  }
0x1ee: {  	v3 =	vand.u32 $0x7, v3;
	v4 =	vand.u32 $0xFFFFFFC0, v58  }
0x1ef: {  	v3 =	vor.u32 v3, v4  }
0x1f0: {  	v4 =	vperm.xlane v3, v0;
	_ =	sdelay $0x1  }
0x1f1: {  	v4 =	vadd.s32 v1, v4;
	_ =	sdelay $0x4  }
0x1f2: {  	[tilespmem:s28], [sflag:$0x3] =	stream.indirect_vreg.gather [hbm4b:s2+s3], $0x80, v4, vm0, $0xb8;
	[tilespmem:$0x10200] =	vst v63  }
0x1f3: {  	s21 =	simm.s32 $0x8A00;
	v3 =	vperm.xlane v3, v2  }
0x1f4: {  	[tilespmem:s21], [sflag:$0x3] =	stream.indirect_vreg.gather [hbm4b:s4+s3], $0x80, v4, vm0, $0xb8;
	[tilespmem:$0x10200] =	vst v63  }
0x1f5: {  	s19 =	simm.s32 $0x9200;
	v3 =	vadd.s32 v1, v3  }
0x1f6: {  	[tilespmem:s19], [sflag:$0x3] =	stream.indirect_vreg.gather [hbm4b:s5+s3], $0x80, v4, vm0, $0xb8;
	[tilespmem:$0x10200] =	vst v63  }
0x1f7: {  	s26 =	simm.s32 $0x9A00  }
0x1f8: {  	[tilespmem:s26], [sflag:$0x3] =	stream.indirect_vreg.gather [hbm4b:s6+s3], $0x80, v4, vm0, $0xb8;
	[tilespmem:$0x10200] =	vst v63  }
0x1f9: {  	s10 =	simm.s32 $0xA200  }
0x1fa: {  	[tilespmem:s10], [sflag:$0x3] =	stream.indirect_vreg.gather [hbm4b:s2+s3], $0x80, v3, vm0, $0xb8;
	[tilespmem:$0x10200] =	vst v63  }
0x1fb: {  	s11 =	simm.s32 $0xAA00  }
0x1fc: {  	[tilespmem:s11], [sflag:$0x3] =	stream.indirect_vreg.gather [hbm4b:s4+s3], $0x80, v3, vm0, $0xb8;
	[tilespmem:$0x10200] =	vst v63  }
0x1fd: {  	s12 =	simm.s32 $0xB200  }
0x1fe: {  	[tilespmem:s12], [sflag:$0x3] =	stream.indirect_vreg.gather [hbm4b:s5+s3], $0x80, v3, vm0, $0xb8;
	[tilespmem:$0x10200] =	vst v63  }
0x1ff: {  	s1 =	simm.s32 $0xBA00  }
0x200: {  	[tilespmem:s1], [sflag:$0x3] =	stream.indirect_vreg.gather [hbm4b:s6+s3], $0x80, v3, vm0, $0xb8;
	[tilespmem:$0x10200] =	vst v63  }
0x201: {  	_ =	swait.ge [sflag:s25], $0x4000  }
0x202: {  	[sflag:s25] =	ssyncset.done $0x0  }
0x203: {  	s1 =	rddreg [dreg:$0x1d];
	[sflag:s25] =	ssyncadd.s32 $0xFFFFC000  }
0x204: {  	[hbm4b:s1+s3] =	stream.linear.scatter [tilespmem:s13], [sflag:$0x5], $0x4000, $0x38;
	[tilespmem:$0x10200] =	vst v63  }
0x205: {  	_ =	swait.ge [sflag:s8], $0x4000  }
0x206: {  	[sflag:s8] =	ssyncset.done $0x0  }
0x207: {  	s20 =	simm.s32 $0x180;
	s12 =	rddreg [dreg:$0x1e];
	[sflag:s8] =	ssyncadd.s32 $0xFFFFC000  }
0x208: {  	[tilespmem:s20], [sflag:$0x5] =	stream.linear.gather [hbm4b:s12+s3], $0x10, $0x38;
	[tilespmem:$0x10200] =	vst v63  }
0x209: {  	_ =	swait.ge [sflag:s8], $0x10  }
0x20a: {  	[sflag:s8] =	ssyncset.done $0x0  }
0x20b: {  	[sflag:s8] =	ssyncadd.s32 $0xFFFFFFF0  }
0x20c: {  	v3 =	vld [tilespmem:$0x180];
	_ =	sdelay $0x4  }
0x20d: {  	v59 =	vshll.u32 v3, $0x3  }
0x20e: {  	v3 =	vand.u32 $0x7, v3;
	v4 =	vand.u32 $0xFFFFFFC0, v59  }
0x20f: {  	v3 =	vor.u32 v3, v4  }
0x210: {  	v4 =	vperm.xlane v3, v0;
	_ =	sdelay $0x1  }
0x211: {  	v4 =	vadd.s32 v1, v4;
	_ =	sdelay $0x4  }
0x212: {  	[tilespmem:s13], [sflag:$0x4] =	stream.indirect_vreg.gather [hbm4b:s2+s3], $0x80, v4, vm0, $0xb8;
	[tilespmem:$0x10200] =	vst v63  }
0x213: {  	s26 =	simm.s32 $0xCA00;
	v3 =	vperm.xlane v3, v2  }
0x214: {  	[tilespmem:s26], [sflag:$0x4] =	stream.indirect_vreg.gather [hbm4b:s4+s3], $0x80, v4, vm0, $0xb8;
	[tilespmem:$0x10200] =	vst v63  }
0x215: {  	s20 =	simm.s32 $0xD200;
	v3 =	vadd.s32 v1, v3  }
0x216: {  	[tilespmem:s20], [sflag:$0x4] =	stream.indirect_vreg.gather [hbm4b:s5+s3], $0x80, v4, vm0, $0xb8;
	[tilespmem:$0x10200] =	vst v63  }
0x217: {  	s26 =	simm.s32 $0xDA00  }
0x218: {  	[tilespmem:s26], [sflag:$0x4] =	stream.indirect_vreg.gather [hbm4b:s6+s3], $0x80, v4, vm0, $0xb8;
	[tilespmem:$0x10200] =	vst v63  }
0x219: {  	s29 =	simm.s32 $0xE200  }
0x21a: {  	[tilespmem:s29], [sflag:$0x4] =	stream.indirect_vreg.gather [hbm4b:s2+s3], $0x80, v3, vm0, $0xb8;
	[tilespmem:$0x10200] =	vst v63  }
0x21b: {  	s30 =	simm.s32 $0xEA00  }
0x21c: {  	[tilespmem:s30], [sflag:$0x4] =	stream.indirect_vreg.gather [hbm4b:s4+s3], $0x80, v3, vm0, $0xb8;
	[tilespmem:$0x10200] =	vst v63  }
0x21d: {  	s26 =	simm.s32 $0xF200  }
0x21e: {  	[tilespmem:s26], [sflag:$0x4] =	stream.indirect_vreg.gather [hbm4b:s5+s3], $0x80, v3, vm0, $0xb8;
	[tilespmem:$0x10200] =	vst v63  }
0x21f: {  	s26 =	simm.s32 $0xFA00  }
0x220: {  	[tilespmem:s26], [sflag:$0x4] =	stream.indirect_vreg.gather [hbm4b:s6+s3], $0x80, v3, vm0, $0xb8;
	[tilespmem:$0x10200] =	vst v63  }
0x221: {  	_ =	swait.ge [sflag:s22], $0x4000  }
0x222: {  	[sflag:s22] =	ssyncset.done $0x0  }
0x223: {  	s26 =	rddreg [dreg:$0x1f];
	[sflag:s22] =	ssyncadd.s32 $0xFFFFC000  }
0x224: {  	[hbm4b:s26+s3] =	stream.linear.scatter [tilespmem:s16], [sflag:$0x5], $0x4000, $0x38;
	[tilespmem:$0x10200] =	vst v63  }
0x225: {  	_ =	swait.ge [sflag:s8], $0x4000  }
0x226: {  	s26 =	sld [smem:$0x7F3]  }
0x227: {  	[sflag:s8] =	ssyncset.done $0x0  }
0x228: {  	[sflag:s8] =	ssyncadd.s32 $0xFFFFC000  }
0x229: {  	[tilespmem:s3], [sflag:$0x5] =	stream.linear.gather [hbm4b:s26+s3], $0x10, $0x38;
	[tilespmem:$0x10200] =	vst v63  }
0x22a: {  	_ =	swait.ge [sflag:s8], $0x10  }
0x22b: {  	[sflag:s8] =	ssyncset.done $0x0  }
0x22c: {  	[sflag:s8] =	ssyncadd.s32 $0xFFFFFFF0  }
0x22d: {  	v3 =	vld [tilespmem:$0x0];
	_ =	sdelay $0x4  }
0x22e: {  	v60 =	vshll.u32 v3, $0x3  }
0x22f: {  	v3 =	vand.u32 $0x7, v3;
	v4 =	vand.u32 $0xFFFFFFC0, v60  }
0x230: {  	v3 =	vor.u32 v3, v4  }
0x231: {  	v4 =	vperm.xlane v3, v0;
	_ =	sdelay $0x1  }
0x232: {  	v4 =	vadd.s32 v1, v4;
	_ =	sdelay $0x4  }
0x233: {  	[tilespmem:s16], [sflag:$0x1] =	stream.indirect_vreg.gather [hbm4b:s2+s3], $0x80, v4, vm0, $0xb8;
	[tilespmem:$0x10200] =	vst v63  }
0x234: {  	s26 =	simm.s32 $0xA00;
	v3 =	vperm.xlane v3, v2  }
0x235: {  	[tilespmem:s26], [sflag:$0x1] =	stream.indirect_vreg.gather [hbm4b:s4+s3], $0x80, v4, vm0, $0xb8;
	[tilespmem:$0x10200] =	vst v63  }
0x236: {  	v3 =	vadd.s32 v1, v3;
	s26 =	simm.s32 $0x1200  }
0x237: {  	[tilespmem:s26], [sflag:$0x1] =	stream.indirect_vreg.gather [hbm4b:s5+s3], $0x80, v4, vm0, $0xb8;
	[tilespmem:$0x10200] =	vst v63  }
0x238: {  	s26 =	simm.s32 $0x1A00  }
0x239: {  	[tilespmem:s26], [sflag:$0x1] =	stream.indirect_vreg.gather [hbm4b:s6+s3], $0x80, v4, vm0, $0xb8;
	[tilespmem:$0x10200] =	vst v63  }
0x23a: {  	s26 =	simm.s32 $0x2200  }
0x23b: {  	[tilespmem:s26], [sflag:$0x1] =	stream.indirect_vreg.gather [hbm4b:s2+s3], $0x80, v3, vm0, $0xb8;
	[tilespmem:$0x10200] =	vst v63  }
0x23c: {  	s26 =	simm.s32 $0x2A00  }
0x23d: {  	[tilespmem:s26], [sflag:$0x1] =	stream.indirect_vreg.gather [hbm4b:s4+s3], $0x80, v3, vm0, $0xb8;
	[tilespmem:$0x10200] =	vst v63  }
0x23e: {  	s26 =	simm.s32 $0x3200  }
0x23f: {  	[tilespmem:s26], [sflag:$0x1] =	stream.indirect_vreg.gather [hbm4b:s5+s3], $0x80, v3, vm0, $0xb8;
	[tilespmem:$0x10200] =	vst v63  }
0x240: {  	s26 =	simm.s32 $0x3A00  }
0x241: {  	[tilespmem:s26], [sflag:$0x1] =	stream.indirect_vreg.gather [hbm4b:s6+s3], $0x80, v3, vm0, $0xb8;
	[tilespmem:$0x10200] =	vst v63  }
0x242: {  	_ =	swait.ge [sflag:s23], $0x4000  }
0x243: {  	s26 =	sld [smem:$0x7F4]  }
0x244: {  	[sflag:s23] =	ssyncset.done $0x0  }
0x245: {  	[sflag:s23] =	ssyncadd.s32 $0xFFFFC000  }
0x246: {  	[hbm4b:s26+s3] =	stream.linear.scatter [tilespmem:s18], [sflag:$0x5], $0x4000, $0x38;
	[tilespmem:$0x10200] =	vst v63  }
0x247: {  	_ =	swait.ge [sflag:s8], $0x4000  }
0x248: {  	s26 =	sld [smem:$0x7F5]  }
0x249: {  	[sflag:s8] =	ssyncset.done $0x0  }
0x24a: {  	s0 =	simm.s32 $0x80;
	[sflag:s8] =	ssyncadd.s32 $0xFFFFC000  }
0x24b: {  	[tilespmem:s0], [sflag:$0x5] =	stream.linear.gather [hbm4b:s26+s3], $0x10, $0x38;
	[tilespmem:$0x10200] =	vst v63  }
0x24c: {  	_ =	swait.ge [sflag:s8], $0x10  }
0x24d: {  	[sflag:s8] =	ssyncset.done $0x0  }
0x24e: {  	[sflag:s8] =	ssyncadd.s32 $0xFFFFFFF0  }
0x24f: {  	v3 =	vld [tilespmem:$0x80];
	_ =	sdelay $0x4  }
0x250: {  	v61 =	vshll.u32 v3, $0x3  }
0x251: {  	v3 =	vand.u32 $0x7, v3;
	v4 =	vand.u32 $0xFFFFFFC0, v61  }
0x252: {  	v3 =	vor.u32 v3, v4  }
0x253: {  	v4 =	vperm.xlane v3, v0;
	_ =	sdelay $0x1  }
0x254: {  	v4 =	vadd.s32 v1, v4;
	_ =	sdelay $0x4  }
0x255: {  	[tilespmem:s18], [sflag:$0x2] =	stream.indirect_vreg.gather [hbm4b:s2+s3], $0x80, v4, vm0, $0xb8;
	[tilespmem:$0x10200] =	vst v63  }
0x256: {  	s31 =	simm.s32 $0x4A00;
	v3 =	vperm.xlane v3, v2  }
0x257: {  	[tilespmem:s31], [sflag:$0x2] =	stream.indirect_vreg.gather [hbm4b:s4+s3], $0x80, v4, vm0, $0xb8;
	[tilespmem:$0x10200] =	vst v63  }
0x258: {  	s26 =	simm.s32 $0x5200;
	v3 =	vadd.s32 v1, v3  }
0x259: {  	[tilespmem:s26], [sflag:$0x2] =	stream.indirect_vreg.gather [hbm4b:s5+s3], $0x80, v4, vm0, $0xb8;
	[tilespmem:$0x10200] =	vst v63  }
0x25a: {  	s31 =	simm.s32 $0x5A00  }
0x25b: {  	[tilespmem:s31], [sflag:$0x2] =	stream.indirect_vreg.gather [hbm4b:s6+s3], $0x80, v4, vm0, $0xb8;
	[tilespmem:$0x10200] =	vst v63  }
0x25c: {  	s26 =	simm.s32 $0x6200  }
0x25d: {  	[tilespmem:s26], [sflag:$0x2] =	stream.indirect_vreg.gather [hbm4b:s2+s3], $0x80, v3, vm0, $0xb8;
	[tilespmem:$0x10200] =	vst v63  }
0x25e: {  	s31 =	simm.s32 $0x6A00  }
0x25f: {  	[tilespmem:s31], [sflag:$0x2] =	stream.indirect_vreg.gather [hbm4b:s4+s3], $0x80, v3, vm0, $0xb8;
	[tilespmem:$0x10200] =	vst v63  }
0x260: {  	s14 =	simm.s32 $0x7200  }
0x261: {  	[tilespmem:s14], [sflag:$0x2] =	stream.indirect_vreg.gather [hbm4b:s5+s3], $0x80, v3, vm0, $0xb8;
	[tilespmem:$0x10200] =	vst v63  }
0x262: {  	s15 =	simm.s32 $0x7A00  }
0x263: {  	[tilespmem:s15], [sflag:$0x2] =	stream.indirect_vreg.gather [hbm4b:s6+s3], $0x80, v3, vm0, $0xb8;
	[tilespmem:$0x10200] =	vst v63  }
0x264: {  	_ =	swait.ge [sflag:s24], $0x4000  }
0x265: {  	s0 =	sld [smem:$0x7F6]  }
0x266: {  	[sflag:s24] =	ssyncset.done $0x0  }
0x267: {  	[sflag:s24] =	ssyncadd.s32 $0xFFFFC000  }
0x268: {  	[hbm4b:s0+s3] =	stream.linear.scatter [tilespmem:s28], [sflag:$0x5], $0x4000, $0x38;
	[tilespmem:$0x10200] =	vst v63  }
0x269: {  	_ =	swait.ge [sflag:s8], $0x4000  }
0x26a: {  	s14 =	sld [smem:$0x7F7]  }
0x26b: {  	[sflag:s8] =	ssyncset.done $0x0  }
0x26c: {  	s15 =	simm.s32 $0x100;
	[sflag:s8] =	ssyncadd.s32 $0xFFFFC000  }
0x26d: {  	[tilespmem:s15], [sflag:$0x5] =	stream.linear.gather [hbm4b:s14+s3], $0x10, $0x38;
	[tilespmem:$0x10200] =	vst v63  }
0x26e: {  	_ =	swait.ge [sflag:s8], $0x10  }
0x26f: {  	[sflag:s8] =	ssyncset.done $0x0  }
0x270: {  	[sflag:s8] =	ssyncadd.s32 $0xFFFFFFF0  }
0x271: {  	v3 =	vld [tilespmem:$0x100];
	_ =	sdelay $0x4  }
0x272: {  	v62 =	vshll.u32 v3, $0x3  }
0x273: {  	v3 =	vand.u32 $0x7, v3;
	v4 =	vand.u32 $0xFFFFFFC0, v62  }
0x274: {  	v3 =	vor.u32 v3, v4  }
0x275: {  	v4 =	vperm.xlane v3, v0;
	_ =	sdelay $0x1  }
0x276: {  	v4 =	vadd.s32 v1, v4;
	_ =	sdelay $0x4  }
0x277: {  	[tilespmem:s28], [sflag:$0x3] =	stream.indirect_vreg.gather [hbm4b:s2+s3], $0x80, v4, vm0, $0xb8;
	[tilespmem:$0x10200] =	vst v63  }
0x278: {  	s31 =	simm.s32 $0x8A00;
	v3 =	vperm.xlane v3, v2  }
0x279: {  	[tilespmem:s31], [sflag:$0x3] =	stream.indirect_vreg.gather [hbm4b:s4+s3], $0x80, v4, vm0, $0xb8;
	[tilespmem:$0x10200] =	vst v63  }
0x27a: {  	s9 =	simm.s32 $0x9200;
	v3 =	vadd.s32 v1, v3  }
0x27b: {  	[tilespmem:s9], [sflag:$0x3] =	stream.indirect_vreg.gather [hbm4b:s5+s3], $0x80, v4, vm0, $0xb8;
	[tilespmem:$0x10200] =	vst v63  }
0x27c: {  	s21 =	simm.s32 $0x9A00  }
0x27d: {  	[tilespmem:s21], [sflag:$0x3] =	stream.indirect_vreg.gather [hbm4b:s6+s3], $0x80, v4, vm0, $0xb8;
	[tilespmem:$0x10200] =	vst v63  }
0x27e: {  	s19 =	simm.s32 $0xA200  }
0x27f: {  	[tilespmem:s19], [sflag:$0x3] =	stream.indirect_vreg.gather [hbm4b:s2+s3], $0x80, v3, vm0, $0xb8;
	[tilespmem:$0x10200] =	vst v63  }
0x280: {  	s10 =	simm.s32 $0xAA00  }
0x281: {  	[tilespmem:s10], [sflag:$0x3] =	stream.indirect_vreg.gather [hbm4b:s4+s3], $0x80, v3, vm0, $0xb8;
	[tilespmem:$0x10200] =	vst v63  }
0x282: {  	s11 =	simm.s32 $0xB200  }
0x283: {  	[tilespmem:s11], [sflag:$0x3] =	stream.indirect_vreg.gather [hbm4b:s5+s3], $0x80, v3, vm0, $0xb8;
	[tilespmem:$0x10200] =	vst v63  }
0x284: {  	s17 =	simm.s32 $0xBA00  }
0x285: {  	[tilespmem:s17], [sflag:$0x3] =	stream.indirect_vreg.gather [hbm4b:s6+s3], $0x80, v3, vm0, $0xb8;
	[tilespmem:$0x10200] =	vst v63  }
0x286: {  	_ =	swait.ge [sflag:s25], $0x4000  }
0x287: {  	s14 =	sld [smem:$0x7F8]  }
0x288: {  	[sflag:s25] =	ssyncset.done $0x0  }
0x289: {  	[sflag:s25] =	ssyncadd.s32 $0xFFFFC000  }
0x28a: {  	[hbm4b:s14+s3] =	stream.linear.scatter [tilespmem:s13], [sflag:$0x5], $0x4000, $0x38;
	[tilespmem:$0x10200] =	vst v63  }
0x28b: {  	_ =	swait.ge [sflag:s8], $0x4000  }
0x28c: {  	s15 =	sld [smem:$0x7F9]  }
0x28d: {  	[sflag:s8] =	ssyncset.done $0x0  }
0x28e: {  	s1 =	simm.s32 $0x180;
	[sflag:s8] =	ssyncadd.s32 $0xFFFFC000  }
0x28f: {  	[tilespmem:s1], [sflag:$0x5] =	stream.linear.gather [hbm4b:s15+s3], $0x10, $0x38;
	[tilespmem:$0x10200] =	vst v63  }
0x290: {  	_ =	swait.ge [sflag:s8], $0x10  }
0x291: {  	[sflag:s8] =	ssyncset.done $0x0  }
0x292: {  	[sflag:s8] =	ssyncadd.s32 $0xFFFFFFF0  }
0x293: {  	v3 =	vld [tilespmem:$0x180];
	_ =	sdelay $0x4  }
0x294: {  	v63 =	vshll.u32 v3, $0x3  }
0x295: {  	v3 =	vand.u32 $0x7, v3;
	v4 =	vand.u32 $0xFFFFFFC0, v63  }
0x296: {  	v3 =	vor.u32 v3, v4  }
0x297: {  	v4 =	vperm.xlane v3, v0;
	_ =	sdelay $0x1  }
0x298: {  	v4 =	vadd.s32 v1, v4;
	_ =	sdelay $0x4  }
0x299: {  	[tilespmem:s13], [sflag:$0x4] =	stream.indirect_vreg.gather [hbm4b:s2+s3], $0x80, v4, vm0, $0xb8;
	[tilespmem:$0x10200] =	vst v63  }
0x29a: {  	s17 =	simm.s32 $0xCA00;
	v3 =	vperm.xlane v3, v2  }
0x29b: {  	[tilespmem:s17], [sflag:$0x4] =	stream.indirect_vreg.gather [hbm4b:s4+s3], $0x80, v4, vm0, $0xb8;
	[tilespmem:$0x10200] =	vst v63  }
0x29c: {  	s12 =	simm.s32 $0xD200;
	v3 =	vadd.s32 v1, v3  }
0x29d: {  	[tilespmem:s12], [sflag:$0x4] =	stream.indirect_vreg.gather [hbm4b:s5+s3], $0x80, v4, vm0, $0xb8;
	[tilespmem:$0x10200] =	vst v63  }
0x29e: {  	s20 =	simm.s32 $0xDA00  }
0x29f: {  	[tilespmem:s20], [sflag:$0x4] =	stream.indirect_vreg.gather [hbm4b:s6+s3], $0x80, v4, vm0, $0xb8;
	[tilespmem:$0x10200] =	vst v63  }
0x2a0: {  	s29 =	simm.s32 $0xE200  }
0x2a1: {  	[tilespmem:s29], [sflag:$0x4] =	stream.indirect_vreg.gather [hbm4b:s2+s3], $0x80, v3, vm0, $0xb8;
	[tilespmem:$0x10200] =	vst v63  }
0x2a2: {  	s30 =	simm.s32 $0xEA00  }
0x2a3: {  	[tilespmem:s30], [sflag:$0x4] =	stream.indirect_vreg.gather [hbm4b:s4+s3], $0x80, v3, vm0, $0xb8;
	[tilespmem:$0x10200] =	vst v63  }
0x2a4: {  	s19 =	simm.s32 $0xF200  }
0x2a5: {  	[tilespmem:s19], [sflag:$0x4] =	stream.indirect_vreg.gather [hbm4b:s5+s3], $0x80, v3, vm0, $0xb8;
	[tilespmem:$0x10200] =	vst v63  }
0x2a6: {  	s20 =	simm.s32 $0xFA00  }
0x2a7: {  	[tilespmem:s20], [sflag:$0x4] =	stream.indirect_vreg.gather [hbm4b:s6+s3], $0x80, v3, vm0, $0xb8;
	[tilespmem:$0x10200] =	vst v63  }
0x2a8: {  	_ =	swait.ge [sflag:s22], $0x4000  }
0x2a9: {  	s21 =	sld [smem:$0x7FA]  }
0x2aa: {  	[sflag:s22] =	ssyncset.done $0x0  }
0x2ab: {  	[sflag:s22] =	ssyncadd.s32 $0xFFFFC000  }
0x2ac: {  	[hbm4b:s21+s3] =	stream.linear.scatter [tilespmem:s16], [sflag:$0x5], $0x4000, $0x38;
	[tilespmem:$0x10200] =	vst v63  }
0x2ad: {  	_ =	swait.ge [sflag:s8], $0x4000  }
0x2ae: {  	[sflag:s8] =	ssyncset.done $0x0  }
0x2af: {  	[sflag:s8] =	ssyncadd.s32 $0xFFFFC000  }
0x2b0: {  	_ =	swait.ge [sflag:s23], $0x4000  }
0x2b1: {  	s29 =	sld [smem:$0x7FB]  }
0x2b2: {  	[sflag:s23] =	ssyncset.done $0x0  }
0x2b3: {  	[sflag:s23] =	ssyncadd.s32 $0xFFFFC000  }
0x2b4: {  	[hbm4b:s29+s3] =	stream.linear.scatter [tilespmem:s18], [sflag:$0x5], $0x4000, $0x38;
	[tilespmem:$0x10200] =	vst v63  }
0x2b5: {  	_ =	swait.ge [sflag:s8], $0x4000  }
0x2b6: {  	[sflag:s8] =	ssyncset.done $0x0  }
0x2b7: {  	[sflag:s8] =	ssyncadd.s32 $0xFFFFC000  }
0x2b8: {  	_ =	swait.ge [sflag:s24], $0x4000  }
0x2b9: {  	s30 =	sld [smem:$0x7FC]  }
0x2ba: {  	[sflag:s24] =	ssyncset.done $0x0  }
0x2bb: {  	[sflag:s24] =	ssyncadd.s32 $0xFFFFC000  }
0x2bc: {  	[hbm4b:s30+s3] =	stream.linear.scatter [tilespmem:s28], [sflag:$0x5], $0x4000, $0x38;
	[tilespmem:$0x10200] =	vst v63  }
0x2bd: {  	_ =	swait.ge [sflag:s8], $0x4000  }
0x2be: {  	[sflag:s8] =	ssyncset.done $0x0  }
0x2bf: {  	[sflag:s8] =	ssyncadd.s32 $0xFFFFC000  }
0x2c0: {  	_ =	swait.ge [sflag:s25], $0x4000  }
0x2c1: {  	s31 =	sld [smem:$0x7FD]  }
0x2c2: {  	p0 =	sne.s32 s7, $0x1;
	[sflag:s25] =	ssyncset.done $0x0  }
.Ltmp0:
0x2c3: {  	[sflag:s25] =	ssyncadd.s32 $0xFFFFC000;
	(pc) =	sbr.rel @p0 .LBB2_1-.Ltmp0, $4  }
0x2c4: {  	[hbm4b:s31+s3] =	stream.linear.scatter [tilespmem:s13], [sflag:$0x5], $0x4000, $0x38;
	[tilespmem:$0x10200] =	vst v63  }
0x2c5: {  	_ =	swait.ge [sflag:s8], $0x4000  }
0x2c6: {  	[sflag:s8] =	ssyncset.done $0x0  }
0x2c7: {  	s7 =	sadd.s32 $0xFFFFFFFF, s7;
	[sflag:s8] =	ssyncadd.s32 $0xFFFFC000  }
0x2c8: {  	_ =	sfence.sel $0x180000  }
0x2c9: {  	[bflag:$0x0] =	sbarrier.arrive $0xFFFF  }
0x2ca: {  	_ =	strace $0x90000047  }
0x2cb: {  	s0 =	stileid.u32;
	[bflag:$0x2] =	sbarrier.arrive $0xFFFF  }
0x2cc: {  	p0 =	sne.s32 s0, $0x0;
	s0 =	rddreg [dreg:$0x2]  }
0x2cd: {  	s0 =	sadd.s32 @!p0 $0x100000, s0  }
0x2ce: {  	[sflag:s0] =	ssyncadd.tile.s32 @!p0 $0x1;
	_ =	shalt  }
.Lfunc_end2:
_tile_overlayer_lowered:
.L_overlay_start_2:
0x2cf: {  	(tag) =	ssettag $0x2  }
0x2d0: {  	s0 =	rddreg [dreg:$0x0];
	s2 =	stileid.u32  }
0x2d1: {  	s1 =	rddreg [dreg:$0x1];
	p0 =	sne.s32 s2, $0x0  }
0x2d2: {  	s3 =	rddreg [dreg:$0x2];
	[bflag:$0x3] =	sbarrier.arrive $0xFFFF;
	s2 =	simm.s32 @!p0 $0x1C05  }
0x2d3: {  	[timem:s3], [sflag:s2] =	dma.local @!p0 [hbm:s0], s1  }
0x2d4: {  	s0 =	simm.s32 @!p0 $0x5  }
0x2d5: {  	_ =	swait.ge @!p0 [sflag:s0], s1  }
0x2d6: {  	s1 =	ssub.s32 @!p0 $0x0, s1;
	[sflag:s0] =	ssyncset.done @!p0 $0x0  }
0x2d7: {  	[sflag:s0] =	ssyncadd.s32 @!p0 s1  }
0x2d8: {  	[bflag:$0x3] =	sbarrier.arrive $0xFFFF  }
0x2d9: {  	_ =	shalt  }

</sc_bundles>
